<compile_context>
chip_gen: v7x
topology: tpu7x:2x2x1
jax: 0.10.2.dev20260603
libtpu: 0.0.44.dev20260713+nightly
codegen_flags: <defaults>
</compile_context>

<pallas_src>
import jax
import jax.numpy as jnp
from jax import lax
from jax.experimental import pallas as pl
from jax.experimental.pallas import tpu as pltpu
from jax.experimental.pallas import tpu_sc as plsc

N_HID = 256
E = 160000
TCR = 73728
BLK = 1024
SCR = E - TCR
NC = 2
NS = 16
NW = NC * NS
BPW = SCR // NW
CH = 104
NCH = -(-BPW // CH)
TS = BPW - (NCH - 1) * CH
NBUF = 4
PF = 2


def _fuse_body(emb_ref, w_ref, b_ref, out_ref):
    out_ref[...] = lax.dot_general(
        emb_ref[...], w_ref[...],
        (((1,), (1,)), ((), ())),
        preferred_element_type=jnp.float32,
        precision=lax.Precision.HIGHEST,
    ) + b_ref[...]


def _fuse_table(emb_table, W, b):
    m, n = emb_table.shape
    return pl.pallas_call(
        _fuse_body,
        out_shape=jax.ShapeDtypeStruct((m, n), jnp.float32),
    )(emb_table, W, b.reshape(1, n))


def _gather_body(table_hbm, idx_hbm, out_hbm, idx_v, rows_v, gs, ws):
    wid = lax.axis_index("s") * NC + lax.axis_index("c")
    base = pl.multiple_of(TCR + wid * BPW, 8)
    pltpu.sync_copy(idx_hbm.at[wid], idx_v)

    def gather(c):
        b = c % NBUF
        return pltpu.make_async_copy(
            table_hbm.at[idx_v.at[c]], rows_v.at[b], gs[b])

    def write(c):
        b = c % NBUF
        n = TS if c == NCH - 1 else CH
        return pltpu.make_async_copy(
            rows_v.at[b, pl.ds(0, n)],
            out_hbm.at[pl.ds(pl.multiple_of(base + c * CH, 8), n)], ws[b])

    for c in range(min(PF, NCH)):
        gather(c).start()
    for c in range(NCH):
        pc = c + PF
        if pc < NCH:
            if pc - NBUF >= 0:
                write(pc - NBUF).wait()
            gather(pc).start()
        gather(c).wait()
        write(c).start()
    for c in range(max(0, NCH - NBUF), NCH):
        write(c).wait()


def _sc_gather(table, idx):
    mesh = plsc.VectorSubcoreMesh(
        core_axis_name="c", subcore_axis_name="s",
        num_cores=NC, num_subcores=NS)
    return pl.kernel(
        _gather_body,
        out_type=jax.ShapeDtypeStruct((E, N_HID), jnp.float32),
        mesh=mesh,
        scratch_types=[
            pltpu.VMEM((NCH, CH), jnp.int32),
            pltpu.VMEM((NBUF, CH, N_HID), jnp.float32),
            [pltpu.SemaphoreType.DMA] * NBUF,
            [pltpu.SemaphoreType.DMA] * NBUF,
        ],
    )(table, idx)


def _tc_gather_body(idx_ref, table_ref, partial_ref, out_ref):
    del partial_ref
    onehot = (idx_ref[...] ==
              lax.broadcasted_iota(jnp.int32, (BLK, 256), 1)
              ).astype(jnp.float32)
    out_ref[...] = lax.dot_general(
        onehot, table_ref[...],
        (((1,), (0,)), ((), ())),
        preferred_element_type=jnp.float32,
        precision=lax.Precision.HIGHEST,
    )


def _tc_gather(table256, idx, partial):
    return pl.pallas_call(
        _tc_gather_body,
        grid=(TCR // BLK,),
        in_specs=[
            pl.BlockSpec((BLK, 1), lambda i: (i, 0)),
            pl.BlockSpec((256, N_HID), lambda i: (0, 0)),
            pl.BlockSpec(memory_space=pl.ANY),
        ],
        out_specs=pl.BlockSpec((BLK, N_HID), lambda i: (i, 0)),
        out_shape=jax.ShapeDtypeStruct((E, N_HID), jnp.float32),
        input_output_aliases={2: 0},
    )(idx.reshape(TCR, 1), table256, partial)


def kernel(t, emb_table, W, b):
    fused = _fuse_table(emb_table, W, b)
    sc_idx = jnp.pad(t[TCR:].reshape(NW, BPW),
                     ((0, 0), (0, NCH * CH - BPW)))
    partial = _sc_gather(fused, sc_idx.reshape(NW, NCH, CH))
    table256 = jnp.pad(fused, ((0, 256 - fused.shape[0]), (0, 0)))
    return _tc_gather(table256, t[:TCR], partial)

# --- scband reference (transcript-rebuilt; emitter-appended) ---
"""Pipeline reference for scband-rel-temporal-encoding-22247930593808 (READ-ONLY COPY).

The authoritative reference and input builder live on the scoring server;
editing this copy changes nothing except your own understanding.
"""

import jax, jax.numpy as jnp
import numpy as np
import math

N_HID = 256
MAX_LEN = 240
E = 160000

def _sinusoid_table(max_len, n_hid):
    position = np.arange(0.0, max_len)[:, None]
    div_term = np.exp(np.arange(0, n_hid, 2) * -(math.log(10000.0) / n_hid))
    table = np.zeros((max_len, n_hid), dtype=np.float32)
    table[:, 0::2] = np.sin(position * div_term) / math.sqrt(n_hid)
    table[:, 1::2] = np.cos(position * div_term) / math.sqrt(n_hid)
    return jnp.asarray(table)

def setup_inputs(seed: int = 0) -> dict:
    key = jax.random.key(seed)
    k1, k2, k3 = jax.random.split(key, 3)
    emb_table = _sinusoid_table(MAX_LEN, N_HID)
    # nn.Linear(n_hid, n_hid) params: W [out, in], b [out]
    W = jax.random.normal(k1, (N_HID, N_HID), dtype=jnp.float32) * (1.0 / math.sqrt(N_HID))
    b = jax.random.normal(k2, (N_HID,), dtype=jnp.float32) * 0.01
    t = jax.random.randint(k3, (E,), 0, MAX_LEN, dtype=jnp.int32)
    return {"t": t, "emb_table": emb_table, "W": W, "b": b}

def reference(t, emb_table, W, b):
    # self.emb(t) -> gather rows of sinusoidal table
    x = jnp.take(emb_table, t, axis=0)
    # self.lin(x) -> x @ W.T + b
    return x @ W.T + b

if __name__ == "__main__":
    import jax
    _d = setup_inputs()
    print(jax.jit(kernel)(*tuple(_d.values())))

</pallas_src>

<mosaic_0001>
#map = affine_map<(d0, d1) -> (0, 0)>
#map1 = affine_map<(d0, d1) -> (0, 0, 0)>
module attributes {stable_mosaic.version = 14 : i64} {
  func.func @_gather_body(%arg0: i32, %arg1: i32, %arg2: memref<240x256xf32, #tpu.memory_space<hbm>>, %arg3: memref<32x26x104xi32, #tpu.memory_space<hbm>>, %arg4: memref<160000x256xf32, #tpu.memory_space<hbm>>, %arg5: memref<26x104xi32, #tpu.memory_space<vmem>>, %arg6: memref<4x104x256xf32, #tpu.memory_space<vmem>>, %arg7: memref<!tpu.dma_semaphore, #tpu.memory_space<semaphore_mem>>, %arg8: memref<!tpu.dma_semaphore, #tpu.memory_space<semaphore_mem>>, %arg9: memref<!tpu.dma_semaphore, #tpu.memory_space<semaphore_mem>>, %arg10: memref<!tpu.dma_semaphore, #tpu.memory_space<semaphore_mem>>, %arg11: memref<!tpu.dma_semaphore, #tpu.memory_space<semaphore_mem>>, %arg12: memref<!tpu.dma_semaphore, #tpu.memory_space<semaphore_mem>>, %arg13: memref<!tpu.dma_semaphore, #tpu.memory_space<semaphore_mem>>, %arg14: memref<!tpu.dma_semaphore, #tpu.memory_space<semaphore_mem>>) attributes {dimension_semantics = [#tpu.dimension_semantics<core_parallel>, #tpu.dimension_semantics<subcore_parallel>], iteration_bounds = array<i64: 2, 16>, scalar_prefetch = 0 : i64, scratch_operands = 10 : i64, tpu.core_type = #tpu.core_type<sc_vector_subcore>, window_params = [{transform_indices = #map}, {transform_indices = #map1}, {transform_indices = #map}]} {
    %mul3A = arith.constant 2 : i32
    %mul3A_0 = arith.muli %arg1, %mul3A : i32
    %add3A = arith.addi %mul3A_0, %arg0 : i32
    %mul3A_1 = arith.constant 2696 : i32
    %mul3A_2 = arith.muli %add3A, %mul3A_1 : i32
    %add3A_3 = arith.constant 73728 : i32
    %add3A_4 = arith.addi %add3A_3, %mul3A_2 : i32
    %multiple_of3A = tpu.assume_multiple %add3A_4, 8 : i32
    "tpu.region"() ({
      %run_scoped3A = tpu.sem_alloc : memref<!tpu.dma_semaphore, #tpu.memory_space<semaphore_mem>>
      %dma_start3A_1459 = arith.constant 0 : i32
      %dma_start3A_1460 = arith.constant 0 : i32
      %dma_start3A_1461 = tpu.memref_slice %arg3[%add3A, %dma_start3A_1459, %dma_start3A_1460] : memref<32x26x104xi32, #tpu.memory_space<hbm>> -> memref<1x26x104xi32, #tpu.memory_space<hbm>>
      %dma_start3A_1462 = tpu.memref_squeeze %dma_start3A_1461 : memref<1x26x104xi32, #tpu.memory_space<hbm>> -> memref<26x104xi32, #tpu.memory_space<hbm>>
      %dma_start3A_1463 = arith.constant 0 : i32
      %dma_start3A_1464 = arith.constant 0 : i32
      %dma_start3A_1465 = tpu.memref_slice %arg3[%add3A, %dma_start3A_1463, %dma_start3A_1464] : memref<32x26x104xi32, #tpu.memory_space<hbm>> -> memref<1x26x104xi32, #tpu.memory_space<hbm>>
      %dma_start3A_1466 = tpu.memref_squeeze %dma_start3A_1465 : memref<1x26x104xi32, #tpu.memory_space<hbm>> -> memref<26x104xi32, #tpu.memory_space<hbm>>
      tpu.enqueue_dma source(%dma_start3A_1466 : memref<26x104xi32, #tpu.memory_space<hbm>>) target(%arg5 : memref<26x104xi32, #tpu.memory_space<vmem>>) target_semaphore(%run_scoped3A : memref<!tpu.dma_semaphore, #tpu.memory_space<semaphore_mem>>)
      %dma_wait3A_1467 = arith.constant 0 : i32
      %dma_wait3A_1468 = arith.constant 0 : i32
      %dma_wait3A_1469 = tpu.memref_slice %arg3[%add3A, %dma_wait3A_1467, %dma_wait3A_1468] : memref<32x26x104xi32, #tpu.memory_space<hbm>> -> memref<1x26x104xi32, #tpu.memory_space<hbm>>
      %dma_wait3A_1470 = tpu.memref_squeeze %dma_wait3A_1469 : memref<1x26x104xi32, #tpu.memory_space<hbm>> -> memref<26x104xi32, #tpu.memory_space<hbm>>
      %dma_wait3A_1471 = arith.constant 0 : i32
      %dma_wait3A_1472 = arith.constant 0 : i32
      %dma_wait3A_1473 = tpu.memref_slice %arg3[%add3A, %dma_wait3A_1471, %dma_wait3A_1472] : memref<32x26x104xi32, #tpu.memory_space<hbm>> -> memref<1x26x104xi32, #tpu.memory_space<hbm>>
      %dma_wait3A_1474 = tpu.memref_squeeze %dma_wait3A_1473 : memref<1x26x104xi32, #tpu.memory_space<hbm>> -> memref<26x104xi32, #tpu.memory_space<hbm>>
      tpu.wait_dma2 semaphore(%run_scoped3A : memref<!tpu.dma_semaphore, #tpu.memory_space<semaphore_mem>>) src(%dma_wait3A_1474 : memref<26x104xi32, #tpu.memory_space<hbm>>) dst(%arg5 : memref<26x104xi32, #tpu.memory_space<vmem>>)
      tpu.yield
    }) : () -> ()
    %dma_start3A = arith.constant 0 : i32
    %dma_start3A_5 = arith.constant 0 : i32
    %dma_start3A_6 = arith.constant 0 : i32
    %dma_start3A_7 = arith.constant 0 : i32
    %dma_start3A_8 = tpu.memref_slice %arg6[%dma_start3A_5, %dma_start3A_6, %dma_start3A_7] : memref<4x104x256xf32, #tpu.memory_space<vmem>> -> memref<1x104x256xf32, #tpu.memory_space<vmem>>
    %dma_start3A_9 = tpu.memref_squeeze %dma_start3A_8 : memref<1x104x256xf32, #tpu.memory_space<vmem>> -> memref<104x256xf32, #tpu.memory_space<vmem>>
    %dma_start3A_10 = arith.constant 0 : i32
    %dma_start3A_11 = tpu.memref_slice %arg5[%dma_start3A, %dma_start3A_10] : memref<26x104xi32, #tpu.memory_space<vmem>> -> memref<1x104xi32, #tpu.memory_space<vmem>>
    %dma_start3A_12 = tpu.memref_squeeze %dma_start3A_11 : memref<1x104xi32, #tpu.memory_space<vmem>> -> memref<104xi32, #tpu.memory_space<vmem>>
    %dma_start3A_13 = arith.constant 0 : i32
    %dma_start3A_14 = arith.constant 0 : i32
    %dma_start3A_15 = tpu.memref_slice %arg2[%dma_start3A_13, %dma_start3A_14] : memref<240x256xf32, #tpu.memory_space<hbm>> -> memref<240x256xf32, #tpu.memory_space<hbm>>
    tpu.enqueue_indirect_dma source(%dma_start3A_15 : memref<240x256xf32, #tpu.memory_space<hbm>>) target(%dma_start3A_9 : memref<104x256xf32, #tpu.memory_space<vmem>>) offsets(%dma_start3A_12 : memref<104xi32, #tpu.memory_space<vmem>>) semaphore(%arg7 : memref<!tpu.dma_semaphore, #tpu.memory_space<semaphore_mem>>)
    %dma_start3A_16 = arith.constant 1 : i32
    %dma_start3A_17 = arith.constant 1 : i32
    %dma_start3A_18 = arith.constant 0 : i32
    %dma_start3A_19 = arith.constant 0 : i32
    %dma_start3A_20 = tpu.memref_slice %arg6[%dma_start3A_17, %dma_start3A_18, %dma_start3A_19] : memref<4x104x256xf32, #tpu.memory_space<vmem>> -> memref<1x104x256xf32, #tpu.memory_space<vmem>>
    %dma_start3A_21 = tpu.memref_squeeze %dma_start3A_20 : memref<1x104x256xf32, #tpu.memory_space<vmem>> -> memref<104x256xf32, #tpu.memory_space<vmem>>
    %dma_start3A_22 = arith.constant 0 : i32
    %dma_start3A_23 = tpu.memref_slice %arg5[%dma_start3A_16, %dma_start3A_22] : memref<26x104xi32, #tpu.memory_space<vmem>> -> memref<1x104xi32, #tpu.memory_space<vmem>>
    %dma_start3A_24 = tpu.memref_squeeze %dma_start3A_23 : memref<1x104xi32, #tpu.memory_space<vmem>> -> memref<104xi32, #tpu.memory_space<vmem>>
    %dma_start3A_25 = arith.constant 0 : i32
    %dma_start3A_26 = arith.constant 0 : i32
    %dma_start3A_27 = tpu.memref_slice %arg2[%dma_start3A_25, %dma_start3A_26] : memref<240x256xf32, #tpu.memory_space<hbm>> -> memref<240x256xf32, #tpu.memory_space<hbm>>
    tpu.enqueue_indirect_dma source(%dma_start3A_27 : memref<240x256xf32, #tpu.memory_space<hbm>>) target(%dma_start3A_21 : memref<104x256xf32, #tpu.memory_space<vmem>>) offsets(%dma_start3A_24 : memref<104xi32, #tpu.memory_space<vmem>>) semaphore(%arg8 : memref<!tpu.dma_semaphore, #tpu.memory_space<semaphore_mem>>)
    %dma_start3A_28 = arith.constant 2 : i32
    %dma_start3A_29 = arith.constant 2 : i32
    %dma_start3A_30 = arith.constant 0 : i32
    %dma_start3A_31 = arith.constant 0 : i32
    %dma_start3A_32 = tpu.memref_slice %arg6[%dma_start3A_29, %dma_start3A_30, %dma_start3A_31] : memref<4x104x256xf32, #tpu.memory_space<vmem>> -> memref<1x104x256xf32, #tpu.memory_space<vmem>>
    %dma_start3A_33 = tpu.memref_squeeze %dma_start3A_32 : memref<1x104x256xf32, #tpu.memory_space<vmem>> -> memref<104x256xf32, #tpu.memory_space<vmem>>
    %dma_start3A_34 = arith.constant 0 : i32
    %dma_start3A_35 = tpu.memref_slice %arg5[%dma_start3A_28, %dma_start3A_34] : memref<26x104xi32, #tpu.memory_space<vmem>> -> memref<1x104xi32, #tpu.memory_space<vmem>>
    %dma_start3A_36 = tpu.memref_squeeze %dma_start3A_35 : memref<1x104xi32, #tpu.memory_space<vmem>> -> memref<104xi32, #tpu.memory_space<vmem>>
    %dma_start3A_37 = arith.constant 0 : i32
    %dma_start3A_38 = arith.constant 0 : i32
    %dma_start3A_39 = tpu.memref_slice %arg2[%dma_start3A_37, %dma_start3A_38] : memref<240x256xf32, #tpu.memory_space<hbm>> -> memref<240x256xf32, #tpu.memory_space<hbm>>
    tpu.enqueue_indirect_dma source(%dma_start3A_39 : memref<240x256xf32, #tpu.memory_space<hbm>>) target(%dma_start3A_33 : memref<104x256xf32, #tpu.memory_space<vmem>>) offsets(%dma_start3A_36 : memref<104xi32, #tpu.memory_space<vmem>>) semaphore(%arg9 : memref<!tpu.dma_semaphore, #tpu.memory_space<semaphore_mem>>)
    %dma_wait3A = arith.constant 0 : i32
    %dma_wait3A_40 = arith.constant 0 : i32
    %dma_wait3A_41 = arith.constant 0 : i32
    %dma_wait3A_42 = arith.constant 0 : i32
    %dma_wait3A_43 = tpu.memref_slice %arg6[%dma_wait3A_40, %dma_wait3A_41, %dma_wait3A_42] : memref<4x104x256xf32, #tpu.memory_space<vmem>> -> memref<1x104x256xf32, #tpu.memory_space<vmem>>
    %dma_wait3A_44 = tpu.memref_squeeze %dma_wait3A_43 : memref<1x104x256xf32, #tpu.memory_space<vmem>> -> memref<104x256xf32, #tpu.memory_space<vmem>>
    %dma_wait3A_45 = arith.constant 0 : i32
    %dma_wait3A_46 = tpu.memref_slice %arg5[%dma_wait3A, %dma_wait3A_45] : memref<26x104xi32, #tpu.memory_space<vmem>> -> memref<1x104xi32, #tpu.memory_space<vmem>>
    %dma_wait3A_47 = tpu.memref_squeeze %dma_wait3A_46 : memref<1x104xi32, #tpu.memory_space<vmem>> -> memref<104xi32, #tpu.memory_space<vmem>>
    %dma_wait3A_48 = arith.constant 0 : i32
    %dma_wait3A_49 = arith.constant 0 : i32
    %dma_wait3A_50 = tpu.memref_slice %arg2[%dma_wait3A_48, %dma_wait3A_49] : memref<240x256xf32, #tpu.memory_space<hbm>> -> memref<240x256xf32, #tpu.memory_space<hbm>>
    tpu.wait_indirect_dma semaphore(%arg7 : memref<!tpu.dma_semaphore, #tpu.memory_space<semaphore_mem>>) src(%dma_wait3A_50 : memref<240x256xf32, #tpu.memory_space<hbm>>) dst(%dma_wait3A_44 : memref<104x256xf32, #tpu.memory_space<vmem>>)
    %add3A_51 = arith.constant 0 : i32
    %add3A_52 = arith.addi %multiple_of3A, %add3A_51 : i32
    %multiple_of3A_53 = tpu.assume_multiple %add3A_52, 8 : i32
    %dma_start3A_54 = arith.constant 0 : i32
    %dma_start3A_55 = arith.constant 0 : i32
    %dma_start3A_56 = arith.constant 0 : i32
    %dma_start3A_57 = tpu.memref_slice %arg6[%dma_start3A_54, %dma_start3A_55, %dma_start3A_56] : memref<4x104x256xf32, #tpu.memory_space<vmem>> -> memref<1x104x256xf32, #tpu.memory_space<vmem>>
    %dma_start3A_58 = tpu.memref_squeeze %dma_start3A_57 : memref<1x104x256xf32, #tpu.memory_space<vmem>> -> memref<104x256xf32, #tpu.memory_space<vmem>>
    %dma_start3A_59 = arith.constant 0 : i32
    %dma_start3A_60 = tpu.memref_slice %arg4[%multiple_of3A_53, %dma_start3A_59] : memref<160000x256xf32, #tpu.memory_space<hbm>> -> memref<104x256xf32, #tpu.memory_space<hbm>>
    %dma_start3A_61 = arith.constant 0 : i32
    %dma_start3A_62 = tpu.memref_slice %arg4[%multiple_of3A_53, %dma_start3A_61] : memref<160000x256xf32, #tpu.memory_space<hbm>> -> memref<104x256xf32, #tpu.memory_space<hbm>>
    %dma_start3A_63 = arith.constant 0 : i32
    %dma_start3A_64 = arith.constant 0 : i32
    %dma_start3A_65 = tpu.memref_slice %arg6[%dma_start3A_54, %dma_start3A_63, %dma_start3A_64] : memref<4x104x256xf32, #tpu.memory_space<vmem>> -> memref<1x104x256xf32, #tpu.memory_space<vmem>>
    %dma_start3A_66 = tpu.memref_squeeze %dma_start3A_65 : memref<1x104x256xf32, #tpu.memory_space<vmem>> -> memref<104x256xf32, #tpu.memory_space<vmem>>
    tpu.enqueue_dma source(%dma_start3A_66 : memref<104x256xf32, #tpu.memory_space<vmem>>) target(%dma_start3A_62 : memref<104x256xf32, #tpu.memory_space<hbm>>) target_semaphore(%arg11 : memref<!tpu.dma_semaphore, #tpu.memory_space<semaphore_mem>>)
    %dma_start3A_67 = arith.constant 3 : i32
    %dma_start3A_68 = arith.constant 3 : i32
    %dma_start3A_69 = arith.constant 0 : i32
    %dma_start3A_70 = arith.constant 0 : i32
    %dma_start3A_71 = tpu.memref_slice %arg6[%dma_start3A_68, %dma_start3A_69, %dma_start3A_70] : memref<4x104x256xf32, #tpu.memory_space<vmem>> -> memref<1x104x256xf32, #tpu.memory_space<vmem>>
    %dma_start3A_72 = tpu.memref_squeeze %dma_start3A_71 : memref<1x104x256xf32, #tpu.memory_space<vmem>> -> memref<104x256xf32, #tpu.memory_space<vmem>>
    %dma_start3A_73 = arith.constant 0 : i32
    %dma_start3A_74 = tpu.memref_slice %arg5[%dma_start3A_67, %dma_start3A_73] : memref<26x104xi32, #tpu.memory_space<vmem>> -> memref<1x104xi32, #tpu.memory_space<vmem>>
    %dma_start3A_75 = tpu.memref_squeeze %dma_start3A_74 : memref<1x104xi32, #tpu.memory_space<vmem>> -> memref<104xi32, #tpu.memory_space<vmem>>
    %dma_start3A_76 = arith.constant 0 : i32
    %dma_start3A_77 = arith.constant 0 : i32
    %dma_start3A_78 = tpu.memref_slice %arg2[%dma_start3A_76, %dma_start3A_77] : memref<240x256xf32, #tpu.memory_space<hbm>> -> memref<240x256xf32, #tpu.memory_space<hbm>>
    tpu.enqueue_indirect_dma source(%dma_start3A_78 : memref<240x256xf32, #tpu.memory_space<hbm>>) target(%dma_start3A_72 : memref<104x256xf32, #tpu.memory_space<vmem>>) offsets(%dma_start3A_75 : memref<104xi32, #tpu.memory_space<vmem>>) semaphore(%arg10 : memref<!tpu.dma_semaphore, #tpu.memory_space<semaphore_mem>>)
    %dma_wait3A_79 = arith.constant 1 : i32
    %dma_wait3A_80 = arith.constant 1 : i32
    %dma_wait3A_81 = arith.constant 0 : i32
    %dma_wait3A_82 = arith.constant 0 : i32
    %dma_wait3A_83 = tpu.memref_slice %arg6[%dma_wait3A_80, %dma_wait3A_81, %dma_wait3A_82] : memref<4x104x256xf32, #tpu.memory_space<vmem>> -> memref<1x104x256xf32, #tpu.memory_space<vmem>>
    %dma_wait3A_84 = tpu.memref_squeeze %dma_wait3A_83 : memref<1x104x256xf32, #tpu.memory_space<vmem>> -> memref<104x256xf32, #tpu.memory_space<vmem>>
    %dma_wait3A_85 = arith.constant 0 : i32
    %dma_wait3A_86 = tpu.memref_slice %arg5[%dma_wait3A_79, %dma_wait3A_85] : memref<26x104xi32, #tpu.memory_space<vmem>> -> memref<1x104xi32, #tpu.memory_space<vmem>>
    %dma_wait3A_87 = tpu.memref_squeeze %dma_wait3A_86 : memref<1x104xi32, #tpu.memory_space<vmem>> -> memref<104xi32, #tpu.memory_space<vmem>>
    %dma_wait3A_88 = arith.constant 0 : i32
    %dma_wait3A_89 = arith.constant 0 : i32
    %dma_wait3A_90 = tpu.memref_slice %arg2[%dma_wait3A_88, %dma_wait3A_89] : memref<240x256xf32, #tpu.memory_space<hbm>> -> memref<240x256xf32, #tpu.memory_space<hbm>>
    tpu.wait_indirect_dma semaphore(%arg8 : memref<!tpu.dma_semaphore, #tpu.memory_space<semaphore_mem>>) src(%dma_wait3A_90 : memref<240x256xf32, #tpu.memory_space<hbm>>) dst(%dma_wait3A_84 : memref<104x256xf32, #tpu.memory_space<vmem>>)
    %add3A_91 = arith.constant 104 : i32
    %add3A_92 = arith.addi %multiple_of3A, %add3A_91 : i32
    %multiple_of3A_93 = tpu.assume_multiple %add3A_92, 8 : i32
    %dma_start3A_94 = arith.constant 1 : i32
    %dma_start3A_95 = arith.constant 0 : i32
    %dma_start3A_96 = arith.constant 0 : i32
    %dma_start3A_97 = tpu.memref_slice %arg6[%dma_start3A_94, %dma_start3A_95, %dma_start3A_96] : memref<4x104x256xf32, #tpu.memory_space<vmem>> -> memref<1x104x256xf32, #tpu.memory_space<vmem>>
    %dma_start3A_98 = tpu.memref_squeeze %dma_start3A_97 : memref<1x104x256xf32, #tpu.memory_space<vmem>> -> memref<104x256xf32, #tpu.memory_space<vmem>>
    %dma_start3A_99 = arith.constant 0 : i32
    %dma_start3A_100 = tpu.memref_slice %arg4[%multiple_of3A_93, %dma_start3A_99] : memref<160000x256xf32, #tpu.memory_space<hbm>> -> memref<104x256xf32, #tpu.memory_space<hbm>>
    %dma_start3A_101 = arith.constant 0 : i32
    %dma_start3A_102 = tpu.memref_slice %arg4[%multiple_of3A_93, %dma_start3A_101] : memref<160000x256xf32, #tpu.memory_space<hbm>> -> memref<104x256xf32, #tpu.memory_space<hbm>>
    %dma_start3A_103 = arith.constant 0 : i32
    %dma_start3A_104 = arith.constant 0 : i32
    %dma_start3A_105 = tpu.memref_slice %arg6[%dma_start3A_94, %dma_start3A_103, %dma_start3A_104] : memref<4x104x256xf32, #tpu.memory_space<vmem>> -> memref<1x104x256xf32, #tpu.memory_space<vmem>>
    %dma_start3A_106 = tpu.memref_squeeze %dma_start3A_105 : memref<1x104x256xf32, #tpu.memory_space<vmem>> -> memref<104x256xf32, #tpu.memory_space<vmem>>
    tpu.enqueue_dma source(%dma_start3A_106 : memref<104x256xf32, #tpu.memory_space<vmem>>) target(%dma_start3A_102 : memref<104x256xf32, #tpu.memory_space<hbm>>) target_semaphore(%arg12 : memref<!tpu.dma_semaphore, #tpu.memory_space<semaphore_mem>>)
    %add3A_107 = arith.constant 0 : i32
    %add3A_108 = arith.addi %multiple_of3A, %add3A_107 : i32
    %multiple_of3A_109 = tpu.assume_multiple %add3A_108, 8 : i32
    %dma_wait3A_110 = arith.constant 0 : i32
    %dma_wait3A_111 = arith.constant 0 : i32
    %dma_wait3A_112 = arith.constant 0 : i32
    %dma_wait3A_113 = tpu.memref_slice %arg6[%dma_wait3A_110, %dma_wait3A_111, %dma_wait3A_112] : memref<4x104x256xf32, #tpu.memory_space<vmem>> -> memref<1x104x256xf32, #tpu.memory_space<vmem>>
    %dma_wait3A_114 = tpu.memref_squeeze %dma_wait3A_113 : memref<1x104x256xf32, #tpu.memory_space<vmem>> -> memref<104x256xf32, #tpu.memory_space<vmem>>
    %dma_wait3A_115 = arith.constant 0 : i32
    %dma_wait3A_116 = tpu.memref_slice %arg4[%multiple_of3A_109, %dma_wait3A_115] : memref<160000x256xf32, #tpu.memory_space<hbm>> -> memref<104x256xf32, #tpu.memory_space<hbm>>
    %dma_wait3A_117 = arith.constant 0 : i32
    %dma_wait3A_118 = tpu.memref_slice %arg4[%multiple_of3A_109, %dma_wait3A_117] : memref<160000x256xf32, #tpu.memory_space<hbm>> -> memref<104x256xf32, #tpu.memory_space<hbm>>
    %dma_wait3A_119 = arith.constant 0 : i32
    %dma_wait3A_120 = arith.constant 0 : i32
    %dma_wait3A_121 = tpu.memref_slice %arg6[%dma_wait3A_110, %dma_wait3A_119, %dma_wait3A_120] : memref<4x104x256xf32, #tpu.memory_space<vmem>> -> memref<1x104x256xf32, #tpu.memory_space<vmem>>
    %dma_wait3A_122 = tpu.memref_squeeze %dma_wait3A_121 : memref<1x104x256xf32, #tpu.memory_space<vmem>> -> memref<104x256xf32, #tpu.memory_space<vmem>>
    tpu.wait_dma2 semaphore(%arg11 : memref<!tpu.dma_semaphore, #tpu.memory_space<semaphore_mem>>) src(%dma_wait3A_122 : memref<104x256xf32, #tpu.memory_space<vmem>>) dst(%dma_wait3A_118 : memref<104x256xf32, #tpu.memory_space<hbm>>)
    %dma_start3A_123 = arith.constant 4 : i32
    %dma_start3A_124 = arith.constant 0 : i32
    %dma_start3A_125 = arith.constant 0 : i32
    %dma_start3A_126 = arith.constant 0 : i32
    %dma_start3A_127 = tpu.memref_slice %arg6[%dma_start3A_124, %dma_start3A_125, %dma_start3A_126] : memref<4x104x256xf32, #tpu.memory_space<vmem>> -> memref<1x104x256xf32, #tpu.memory_space<vmem>>
    %dma_start3A_128 = tpu.memref_squeeze %dma_start3A_127 : memref<1x104x256xf32, #tpu.memory_space<vmem>> -> memref<104x256xf32, #tpu.memory_space<vmem>>
    %dma_start3A_129 = arith.constant 0 : i32
    %dma_start3A_130 = tpu.memref_slice %arg5[%dma_start3A_123, %dma_start3A_129] : memref<26x104xi32, #tpu.memory_space<vmem>> -> memref<1x104xi32, #tpu.memory_space<vmem>>
    %dma_start3A_131 = tpu.memref_squeeze %dma_start3A_130 : memref<1x104xi32, #tpu.memory_space<vmem>> -> memref<104xi32, #tpu.memory_space<vmem>>
    %dma_start3A_132 = arith.constant 0 : i32
    %dma_start3A_133 = arith.constant 0 : i32
    %dma_start3A_134 = tpu.memref_slice %arg2[%dma_start3A_132, %dma_start3A_133] : memref<240x256xf32, #tpu.memory_space<hbm>> -> memref<240x256xf32, #tpu.memory_space<hbm>>
    tpu.enqueue_indirect_dma source(%dma_start3A_134 : memref<240x256xf32, #tpu.memory_space<hbm>>) target(%dma_start3A_128 : memref<104x256xf32, #tpu.memory_space<vmem>>) offsets(%dma_start3A_131 : memref<104xi32, #tpu.memory_space<vmem>>) semaphore(%arg7 : memref<!tpu.dma_semaphore, #tpu.memory_space<semaphore_mem>>)
    %dma_wait3A_135 = arith.constant 2 : i32
    %dma_wait3A_136 = arith.constant 2 : i32
    %dma_wait3A_137 = arith.constant 0 : i32
    %dma_wait3A_138 = arith.constant 0 : i32
    %dma_wait3A_139 = tpu.memref_slice %arg6[%dma_wait3A_136, %dma_wait3A_137, %dma_wait3A_138] : memref<4x104x256xf32, #tpu.memory_space<vmem>> -> memref<1x104x256xf32, #tpu.memory_space<vmem>>
    %dma_wait3A_140 = tpu.memref_squeeze %dma_wait3A_139 : memref<1x104x256xf32, #tpu.memory_space<vmem>> -> memref<104x256xf32, #tpu.memory_space<vmem>>
    %dma_wait3A_141 = arith.constant 0 : i32
    %dma_wait3A_142 = tpu.memref_slice %arg5[%dma_wait3A_135, %dma_wait3A_141] : memref<26x104xi32, #tpu.memory_space<vmem>> -> memref<1x104xi32, #tpu.memory_space<vmem>>
    %dma_wait3A_143 = tpu.memref_squeeze %dma_wait3A_142 : memref<1x104xi32, #tpu.memory_space<vmem>> -> memref<104xi32, #tpu.memory_space<vmem>>
    %dma_wait3A_144 = arith.constant 0 : i32
    %dma_wait3A_145 = arith.constant 0 : i32
    %dma_wait3A_146 = tpu.memref_slice %arg2[%dma_wait3A_144, %dma_wait3A_145] : memref<240x256xf32, #tpu.memory_space<hbm>> -> memref<240x256xf32, #tpu.memory_space<hbm>>
    tpu.wait_indirect_dma semaphore(%arg9 : memref<!tpu.dma_semaphore, #tpu.memory_space<semaphore_mem>>) src(%dma_wait3A_146 : memref<240x256xf32, #tpu.memory_space<hbm>>) dst(%dma_wait3A_140 : memref<104x256xf32, #tpu.memory_space<vmem>>)
    %add3A_147 = arith.constant 208 : i32
    %add3A_148 = arith.addi %multiple_of3A, %add3A_147 : i32
    %multiple_of3A_149 = tpu.assume_multiple %add3A_148, 8 : i32
    %dma_start3A_150 = arith.constant 2 : i32
    %dma_start3A_151 = arith.constant 0 : i32
    %dma_start3A_152 = arith.constant 0 : i32
    %dma_start3A_153 = tpu.memref_slice %arg6[%dma_start3A_150, %dma_start3A_151, %dma_start3A_152] : memref<4x104x256xf32, #tpu.memory_space<vmem>> -> memref<1x104x256xf32, #tpu.memory_space<vmem>>
    %dma_start3A_154 = tpu.memref_squeeze %dma_start3A_153 : memref<1x104x256xf32, #tpu.memory_space<vmem>> -> memref<104x256xf32, #tpu.memory_space<vmem>>
    %dma_start3A_155 = arith.constant 0 : i32
    %dma_start3A_156 = tpu.memref_slice %arg4[%multiple_of3A_149, %dma_start3A_155] : memref<160000x256xf32, #tpu.memory_space<hbm>> -> memref<104x256xf32, #tpu.memory_space<hbm>>
    %dma_start3A_157 = arith.constant 0 : i32
    %dma_start3A_158 = tpu.memref_slice %arg4[%multiple_of3A_149, %dma_start3A_157] : memref<160000x256xf32, #tpu.memory_space<hbm>> -> memref<104x256xf32, #tpu.memory_space<hbm>>
    %dma_start3A_159 = arith.constant 0 : i32
    %dma_start3A_160 = arith.constant 0 : i32
    %dma_start3A_161 = tpu.memref_slice %arg6[%dma_start3A_150, %dma_start3A_159, %dma_start3A_160] : memref<4x104x256xf32, #tpu.memory_space<vmem>> -> memref<1x104x256xf32, #tpu.memory_space<vmem>>
    %dma_start3A_162 = tpu.memref_squeeze %dma_start3A_161 : memref<1x104x256xf32, #tpu.memory_space<vmem>> -> memref<104x256xf32, #tpu.memory_space<vmem>>
    tpu.enqueue_dma source(%dma_start3A_162 : memref<104x256xf32, #tpu.memory_space<vmem>>) target(%dma_start3A_158 : memref<104x256xf32, #tpu.memory_space<hbm>>) target_semaphore(%arg13 : memref<!tpu.dma_semaphore, #tpu.memory_space<semaphore_mem>>)
    %add3A_163 = arith.constant 104 : i32
    %add3A_164 = arith.addi %multiple_of3A, %add3A_163 : i32
    %multiple_of3A_165 = tpu.assume_multiple %add3A_164, 8 : i32
    %dma_wait3A_166 = arith.constant 1 : i32
    %dma_wait3A_167 = arith.constant 0 : i32
    %dma_wait3A_168 = arith.constant 0 : i32
    %dma_wait3A_169 = tpu.memref_slice %arg6[%dma_wait3A_166, %dma_wait3A_167, %dma_wait3A_168] : memref<4x104x256xf32, #tpu.memory_space<vmem>> -> memref<1x104x256xf32, #tpu.memory_space<vmem>>
    %dma_wait3A_170 = tpu.memref_squeeze %dma_wait3A_169 : memref<1x104x256xf32, #tpu.memory_space<vmem>> -> memref<104x256xf32, #tpu.memory_space<vmem>>
    %dma_wait3A_171 = arith.constant 0 : i32
    %dma_wait3A_172 = tpu.memref_slice %arg4[%multiple_of3A_165, %dma_wait3A_171] : memref<160000x256xf32, #tpu.memory_space<hbm>> -> memref<104x256xf32, #tpu.memory_space<hbm>>
    %dma_wait3A_173 = arith.constant 0 : i32
    %dma_wait3A_174 = tpu.memref_slice %arg4[%multiple_of3A_165, %dma_wait3A_173] : memref<160000x256xf32, #tpu.memory_space<hbm>> -> memref<104x256xf32, #tpu.memory_space<hbm>>
    %dma_wait3A_175 = arith.constant 0 : i32
    %dma_wait3A_176 = arith.constant 0 : i32
    %dma_wait3A_177 = tpu.memref_slice %arg6[%dma_wait3A_166, %dma_wait3A_175, %dma_wait3A_176] : memref<4x104x256xf32, #tpu.memory_space<vmem>> -> memref<1x104x256xf32, #tpu.memory_space<vmem>>
    %dma_wait3A_178 = tpu.memref_squeeze %dma_wait3A_177 : memref<1x104x256xf32, #tpu.memory_space<vmem>> -> memref<104x256xf32, #tpu.memory_space<vmem>>
    tpu.wait_dma2 semaphore(%arg12 : memref<!tpu.dma_semaphore, #tpu.memory_space<semaphore_mem>>) src(%dma_wait3A_178 : memref<104x256xf32, #tpu.memory_space<vmem>>) dst(%dma_wait3A_174 : memref<104x256xf32, #tpu.memory_space<hbm>>)
    %dma_start3A_179 = arith.constant 5 : i32
    %dma_start3A_180 = arith.constant 1 : i32
    %dma_start3A_181 = arith.constant 0 : i32
    %dma_start3A_182 = arith.constant 0 : i32
    %dma_start3A_183 = tpu.memref_slice %arg6[%dma_start3A_180, %dma_start3A_181, %dma_start3A_182] : memref<4x104x256xf32, #tpu.memory_space<vmem>> -> memref<1x104x256xf32, #tpu.memory_space<vmem>>
    %dma_start3A_184 = tpu.memref_squeeze %dma_start3A_183 : memref<1x104x256xf32, #tpu.memory_space<vmem>> -> memref<104x256xf32, #tpu.memory_space<vmem>>
    %dma_start3A_185 = arith.constant 0 : i32
    %dma_start3A_186 = tpu.memref_slice %arg5[%dma_start3A_179, %dma_start3A_185] : memref<26x104xi32, #tpu.memory_space<vmem>> -> memref<1x104xi32, #tpu.memory_space<vmem>>
    %dma_start3A_187 = tpu.memref_squeeze %dma_start3A_186 : memref<1x104xi32, #tpu.memory_space<vmem>> -> memref<104xi32, #tpu.memory_space<vmem>>
    %dma_start3A_188 = arith.constant 0 : i32
    %dma_start3A_189 = arith.constant 0 : i32
    %dma_start3A_190 = tpu.memref_slice %arg2[%dma_start3A_188, %dma_start3A_189] : memref<240x256xf32, #tpu.memory_space<hbm>> -> memref<240x256xf32, #tpu.memory_space<hbm>>
    tpu.enqueue_indirect_dma source(%dma_start3A_190 : memref<240x256xf32, #tpu.memory_space<hbm>>) target(%dma_start3A_184 : memref<104x256xf32, #tpu.memory_space<vmem>>) offsets(%dma_start3A_187 : memref<104xi32, #tpu.memory_space<vmem>>) semaphore(%arg8 : memref<!tpu.dma_semaphore, #tpu.memory_space<semaphore_mem>>)
    %dma_wait3A_191 = arith.constant 3 : i32
    %dma_wait3A_192 = arith.constant 3 : i32
    %dma_wait3A_193 = arith.constant 0 : i32
    %dma_wait3A_194 = arith.constant 0 : i32
    %dma_wait3A_195 = tpu.memref_slice %arg6[%dma_wait3A_192, %dma_wait3A_193, %dma_wait3A_194] : memref<4x104x256xf32, #tpu.memory_space<vmem>> -> memref<1x104x256xf32, #tpu.memory_space<vmem>>
    %dma_wait3A_196 = tpu.memref_squeeze %dma_wait3A_195 : memref<1x104x256xf32, #tpu.memory_space<vmem>> -> memref<104x256xf32, #tpu.memory_space<vmem>>
    %dma_wait3A_197 = arith.constant 0 : i32
    %dma_wait3A_198 = tpu.memref_slice %arg5[%dma_wait3A_191, %dma_wait3A_197] : memref<26x104xi32, #tpu.memory_space<vmem>> -> memref<1x104xi32, #tpu.memory_space<vmem>>
    %dma_wait3A_199 = tpu.memref_squeeze %dma_wait3A_198 : memref<1x104xi32, #tpu.memory_space<vmem>> -> memref<104xi32, #tpu.memory_space<vmem>>
    %dma_wait3A_200 = arith.constant 0 : i32
    %dma_wait3A_201 = arith.constant 0 : i32
    %dma_wait3A_202 = tpu.memref_slice %arg2[%dma_wait3A_200, %dma_wait3A_201] : memref<240x256xf32, #tpu.memory_space<hbm>> -> memref<240x256xf32, #tpu.memory_space<hbm>>
    tpu.wait_indirect_dma semaphore(%arg10 : memref<!tpu.dma_semaphore, #tpu.memory_space<semaphore_mem>>) src(%dma_wait3A_202 : memref<240x256xf32, #tpu.memory_space<hbm>>) dst(%dma_wait3A_196 : memref<104x256xf32, #tpu.memory_space<vmem>>)
    %add3A_203 = arith.constant 312 : i32
    %add3A_204 = arith.addi %multiple_of3A, %add3A_203 : i32
    %multiple_of3A_205 = tpu.assume_multiple %add3A_204, 8 : i32
    %dma_start3A_206 = arith.constant 3 : i32
    %dma_start3A_207 = arith.constant 0 : i32
    %dma_start3A_208 = arith.constant 0 : i32
    %dma_start3A_209 = tpu.memref_slice %arg6[%dma_start3A_206, %dma_start3A_207, %dma_start3A_208] : memref<4x104x256xf32, #tpu.memory_space<vmem>> -> memref<1x104x256xf32, #tpu.memory_space<vmem>>
    %dma_start3A_210 = tpu.memref_squeeze %dma_start3A_209 : memref<1x104x256xf32, #tpu.memory_space<vmem>> -> memref<104x256xf32, #tpu.memory_space<vmem>>
    %dma_start3A_211 = arith.constant 0 : i32
    %dma_start3A_212 = tpu.memref_slice %arg4[%multiple_of3A_205, %dma_start3A_211] : memref<160000x256xf32, #tpu.memory_space<hbm>> -> memref<104x256xf32, #tpu.memory_space<hbm>>
    %dma_start3A_213 = arith.constant 0 : i32
    %dma_start3A_214 = tpu.memref_slice %arg4[%multiple_of3A_205, %dma_start3A_213] : memref<160000x256xf32, #tpu.memory_space<hbm>> -> memref<104x256xf32, #tpu.memory_space<hbm>>
    %dma_start3A_215 = arith.constant 0 : i32
    %dma_start3A_216 = arith.constant 0 : i32
    %dma_start3A_217 = tpu.memref_slice %arg6[%dma_start3A_206, %dma_start3A_215, %dma_start3A_216] : memref<4x104x256xf32, #tpu.memory_space<vmem>> -> memref<1x104x256xf32, #tpu.memory_space<vmem>>
    %dma_start3A_218 = tpu.memref_squeeze %dma_start3A_217 : memref<1x104x256xf32, #tpu.memory_space<vmem>> -> memref<104x256xf32, #tpu.memory_space<vmem>>
    tpu.enqueue_dma source(%dma_start3A_218 : memref<104x256xf32, #tpu.memory_space<vmem>>) target(%dma_start3A_214 : memref<104x256xf32, #tpu.memory_space<hbm>>) target_semaphore(%arg14 : memref<!tpu.dma_semaphore, #tpu.memory_space<semaphore_mem>>)
    %add3A_219 = arith.constant 208 : i32
    %add3A_220 = arith.addi %multiple_of3A, %add3A_219 : i32
    %multiple_of3A_221 = tpu.assume_multiple %add3A_220, 8 : i32
    %dma_wait3A_222 = arith.constant 2 : i32
    %dma_wait3A_223 = arith.constant 0 : i32
    %dma_wait3A_224 = arith.constant 0 : i32
    %dma_wait3A_225 = tpu.memref_slice %arg6[%dma_wait3A_222, %dma_wait3A_223, %dma_wait3A_224] : memref<4x104x256xf32, #tpu.memory_space<vmem>> -> memref<1x104x256xf32, #tpu.memory_space<vmem>>
    %dma_wait3A_226 = tpu.memref_squeeze %dma_wait3A_225 : memref<1x104x256xf32, #tpu.memory_space<vmem>> -> memref<104x256xf32, #tpu.memory_space<vmem>>
    %dma_wait3A_227 = arith.constant 0 : i32
    %dma_wait3A_228 = tpu.memref_slice %arg4[%multiple_of3A_221, %dma_wait3A_227] : memref<160000x256xf32, #tpu.memory_space<hbm>> -> memref<104x256xf32, #tpu.memory_space<hbm>>
    %dma_wait3A_229 = arith.constant 0 : i32
    %dma_wait3A_230 = tpu.memref_slice %arg4[%multiple_of3A_221, %dma_wait3A_229] : memref<160000x256xf32, #tpu.memory_space<hbm>> -> memref<104x256xf32, #tpu.memory_space<hbm>>
    %dma_wait3A_231 = arith.constant 0 : i32
    %dma_wait3A_232 = arith.constant 0 : i32
    %dma_wait3A_233 = tpu.memref_slice %arg6[%dma_wait3A_222, %dma_wait3A_231, %dma_wait3A_232] : memref<4x104x256xf32, #tpu.memory_space<vmem>> -> memref<1x104x256xf32, #tpu.memory_space<vmem>>
    %dma_wait3A_234 = tpu.memref_squeeze %dma_wait3A_233 : memref<1x104x256xf32, #tpu.memory_space<vmem>> -> memref<104x256xf32, #tpu.memory_space<vmem>>
    tpu.wait_dma2 semaphore(%arg13 : memref<!tpu.dma_semaphore, #tpu.memory_space<semaphore_mem>>) src(%dma_wait3A_234 : memref<104x256xf32, #tpu.memory_space<vmem>>) dst(%dma_wait3A_230 : memref<104x256xf32, #tpu.memory_space<hbm>>)
    %dma_start3A_235 = arith.constant 6 : i32
    %dma_start3A_236 = arith.constant 2 : i32
    %dma_start3A_237 = arith.constant 0 : i32
    %dma_start3A_238 = arith.constant 0 : i32
    %dma_start3A_239 = tpu.memref_slice %arg6[%dma_start3A_236, %dma_start3A_237, %dma_start3A_238] : memref<4x104x256xf32, #tpu.memory_space<vmem>> -> memref<1x104x256xf32, #tpu.memory_space<vmem>>
    %dma_start3A_240 = tpu.memref_squeeze %dma_start3A_239 : memref<1x104x256xf32, #tpu.memory_space<vmem>> -> memref<104x256xf32, #tpu.memory_space<vmem>>
    %dma_start3A_241 = arith.constant 0 : i32
    %dma_start3A_242 = tpu.memref_slice %arg5[%dma_start3A_235, %dma_start3A_241] : memref<26x104xi32, #tpu.memory_space<vmem>> -> memref<1x104xi32, #tpu.memory_space<vmem>>
    %dma_start3A_243 = tpu.memref_squeeze %dma_start3A_242 : memref<1x104xi32, #tpu.memory_space<vmem>> -> memref<104xi32, #tpu.memory_space<vmem>>
    %dma_start3A_244 = arith.constant 0 : i32
    %dma_start3A_245 = arith.constant 0 : i32
    %dma_start3A_246 = tpu.memref_slice %arg2[%dma_start3A_244, %dma_start3A_245] : memref<240x256xf32, #tpu.memory_space<hbm>> -> memref<240x256xf32, #tpu.memory_space<hbm>>
    tpu.enqueue_indirect_dma source(%dma_start3A_246 : memref<240x256xf32, #tpu.memory_space<hbm>>) target(%dma_start3A_240 : memref<104x256xf32, #tpu.memory_space<vmem>>) offsets(%dma_start3A_243 : memref<104xi32, #tpu.memory_space<vmem>>) semaphore(%arg9 : memref<!tpu.dma_semaphore, #tpu.memory_space<semaphore_mem>>)
    %dma_wait3A_247 = arith.constant 4 : i32
    %dma_wait3A_248 = arith.constant 0 : i32
    %dma_wait3A_249 = arith.constant 0 : i32
    %dma_wait3A_250 = arith.constant 0 : i32
    %dma_wait3A_251 = tpu.memref_slice %arg6[%dma_wait3A_248, %dma_wait3A_249, %dma_wait3A_250] : memref<4x104x256xf32, #tpu.memory_space<vmem>> -> memref<1x104x256xf32, #tpu.memory_space<vmem>>
    %dma_wait3A_252 = tpu.memref_squeeze %dma_wait3A_251 : memref<1x104x256xf32, #tpu.memory_space<vmem>> -> memref<104x256xf32, #tpu.memory_space<vmem>>
    %dma_wait3A_253 = arith.constant 0 : i32
    %dma_wait3A_254 = tpu.memref_slice %arg5[%dma_wait3A_247, %dma_wait3A_253] : memref<26x104xi32, #tpu.memory_space<vmem>> -> memref<1x104xi32, #tpu.memory_space<vmem>>
    %dma_wait3A_255 = tpu.memref_squeeze %dma_wait3A_254 : memref<1x104xi32, #tpu.memory_space<vmem>> -> memref<104xi32, #tpu.memory_space<vmem>>
    %dma_wait3A_256 = arith.constant 0 : i32
    %dma_wait3A_257 = arith.constant 0 : i32
    %dma_wait3A_258 = tpu.memref_slice %arg2[%dma_wait3A_256, %dma_wait3A_257] : memref<240x256xf32, #tpu.memory_space<hbm>> -> memref<240x256xf32, #tpu.memory_space<hbm>>
    tpu.wait_indirect_dma semaphore(%arg7 : memref<!tpu.dma_semaphore, #tpu.memory_space<semaphore_mem>>) src(%dma_wait3A_258 : memref<240x256xf32, #tpu.memory_space<hbm>>) dst(%dma_wait3A_252 : memref<104x256xf32, #tpu.memory_space<vmem>>)
    %add3A_259 = arith.constant 416 : i32
    %add3A_260 = arith.addi %multiple_of3A, %add3A_259 : i32
    %multiple_of3A_261 = tpu.assume_multiple %add3A_260, 8 : i32
    %dma_start3A_262 = arith.constant 0 : i32
    %dma_start3A_263 = arith.constant 0 : i32
    %dma_start3A_264 = arith.constant 0 : i32
    %dma_start3A_265 = tpu.memref_slice %arg6[%dma_start3A_262, %dma_start3A_263, %dma_start3A_264] : memref<4x104x256xf32, #tpu.memory_space<vmem>> -> memref<1x104x256xf32, #tpu.memory_space<vmem>>
    %dma_start3A_266 = tpu.memref_squeeze %dma_start3A_265 : memref<1x104x256xf32, #tpu.memory_space<vmem>> -> memref<104x256xf32, #tpu.memory_space<vmem>>
    %dma_start3A_267 = arith.constant 0 : i32
    %dma_start3A_268 = tpu.memref_slice %arg4[%multiple_of3A_261, %dma_start3A_267] : memref<160000x256xf32, #tpu.memory_space<hbm>> -> memref<104x256xf32, #tpu.memory_space<hbm>>
    %dma_start3A_269 = arith.constant 0 : i32
    %dma_start3A_270 = tpu.memref_slice %arg4[%multiple_of3A_261, %dma_start3A_269] : memref<160000x256xf32, #tpu.memory_space<hbm>> -> memref<104x256xf32, #tpu.memory_space<hbm>>
    %dma_start3A_271 = arith.constant 0 : i32
    %dma_start3A_272 = arith.constant 0 : i32
    %dma_start3A_273 = tpu.memref_slice %arg6[%dma_start3A_262, %dma_start3A_271, %dma_start3A_272] : memref<4x104x256xf32, #tpu.memory_space<vmem>> -> memref<1x104x256xf32, #tpu.memory_space<vmem>>
    %dma_start3A_274 = tpu.memref_squeeze %dma_start3A_273 : memref<1x104x256xf32, #tpu.memory_space<vmem>> -> memref<104x256xf32, #tpu.memory_space<vmem>>
    tpu.enqueue_dma source(%dma_start3A_274 : memref<104x256xf32, #tpu.memory_space<vmem>>) target(%dma_start3A_270 : memref<104x256xf32, #tpu.memory_space<hbm>>) target_semaphore(%arg11 : memref<!tpu.dma_semaphore, #tpu.memory_space<semaphore_mem>>)
    %add3A_275 = arith.constant 312 : i32
    %add3A_276 = arith.addi %multiple_of3A, %add3A_275 : i32
    %multiple_of3A_277 = tpu.assume_multiple %add3A_276, 8 : i32
    %dma_wait3A_278 = arith.constant 3 : i32
    %dma_wait3A_279 = arith.constant 0 : i32
    %dma_wait3A_280 = arith.constant 0 : i32
    %dma_wait3A_281 = tpu.memref_slice %arg6[%dma_wait3A_278, %dma_wait3A_279, %dma_wait3A_280] : memref<4x104x256xf32, #tpu.memory_space<vmem>> -> memref<1x104x256xf32, #tpu.memory_space<vmem>>
    %dma_wait3A_282 = tpu.memref_squeeze %dma_wait3A_281 : memref<1x104x256xf32, #tpu.memory_space<vmem>> -> memref<104x256xf32, #tpu.memory_space<vmem>>
    %dma_wait3A_283 = arith.constant 0 : i32
    %dma_wait3A_284 = tpu.memref_slice %arg4[%multiple_of3A_277, %dma_wait3A_283] : memref<160000x256xf32, #tpu.memory_space<hbm>> -> memref<104x256xf32, #tpu.memory_space<hbm>>
    %dma_wait3A_285 = arith.constant 0 : i32
    %dma_wait3A_286 = tpu.memref_slice %arg4[%multiple_of3A_277, %dma_wait3A_285] : memref<160000x256xf32, #tpu.memory_space<hbm>> -> memref<104x256xf32, #tpu.memory_space<hbm>>
    %dma_wait3A_287 = arith.constant 0 : i32
    %dma_wait3A_288 = arith.constant 0 : i32
    %dma_wait3A_289 = tpu.memref_slice %arg6[%dma_wait3A_278, %dma_wait3A_287, %dma_wait3A_288] : memref<4x104x256xf32, #tpu.memory_space<vmem>> -> memref<1x104x256xf32, #tpu.memory_space<vmem>>
    %dma_wait3A_290 = tpu.memref_squeeze %dma_wait3A_289 : memref<1x104x256xf32, #tpu.memory_space<vmem>> -> memref<104x256xf32, #tpu.memory_space<vmem>>
    tpu.wait_dma2 semaphore(%arg14 : memref<!tpu.dma_semaphore, #tpu.memory_space<semaphore_mem>>) src(%dma_wait3A_290 : memref<104x256xf32, #tpu.memory_space<vmem>>) dst(%dma_wait3A_286 : memref<104x256xf32, #tpu.memory_space<hbm>>)
    %dma_start3A_291 = arith.constant 7 : i32
    %dma_start3A_292 = arith.constant 3 : i32
    %dma_start3A_293 = arith.constant 0 : i32
    %dma_start3A_294 = arith.constant 0 : i32
    %dma_start3A_295 = tpu.memref_slice %arg6[%dma_start3A_292, %dma_start3A_293, %dma_start3A_294] : memref<4x104x256xf32, #tpu.memory_space<vmem>> -> memref<1x104x256xf32, #tpu.memory_space<vmem>>
    %dma_start3A_296 = tpu.memref_squeeze %dma_start3A_295 : memref<1x104x256xf32, #tpu.memory_space<vmem>> -> memref<104x256xf32, #tpu.memory_space<vmem>>
    %dma_start3A_297 = arith.constant 0 : i32
    %dma_start3A_298 = tpu.memref_slice %arg5[%dma_start3A_291, %dma_start3A_297] : memref<26x104xi32, #tpu.memory_space<vmem>> -> memref<1x104xi32, #tpu.memory_space<vmem>>
    %dma_start3A_299 = tpu.memref_squeeze %dma_start3A_298 : memref<1x104xi32, #tpu.memory_space<vmem>> -> memref<104xi32, #tpu.memory_space<vmem>>
    %dma_start3A_300 = arith.constant 0 : i32
    %dma_start3A_301 = arith.constant 0 : i32
    %dma_start3A_302 = tpu.memref_slice %arg2[%dma_start3A_300, %dma_start3A_301] : memref<240x256xf32, #tpu.memory_space<hbm>> -> memref<240x256xf32, #tpu.memory_space<hbm>>
    tpu.enqueue_indirect_dma source(%dma_start3A_302 : memref<240x256xf32, #tpu.memory_space<hbm>>) target(%dma_start3A_296 : memref<104x256xf32, #tpu.memory_space<vmem>>) offsets(%dma_start3A_299 : memref<104xi32, #tpu.memory_space<vmem>>) semaphore(%arg10 : memref<!tpu.dma_semaphore, #tpu.memory_space<semaphore_mem>>)
    %dma_wait3A_303 = arith.constant 5 : i32
    %dma_wait3A_304 = arith.constant 1 : i32
    %dma_wait3A_305 = arith.constant 0 : i32
    %dma_wait3A_306 = arith.constant 0 : i32
    %dma_wait3A_307 = tpu.memref_slice %arg6[%dma_wait3A_304, %dma_wait3A_305, %dma_wait3A_306] : memref<4x104x256xf32, #tpu.memory_space<vmem>> -> memref<1x104x256xf32, #tpu.memory_space<vmem>>
    %dma_wait3A_308 = tpu.memref_squeeze %dma_wait3A_307 : memref<1x104x256xf32, #tpu.memory_space<vmem>> -> memref<104x256xf32, #tpu.memory_space<vmem>>
    %dma_wait3A_309 = arith.constant 0 : i32
    %dma_wait3A_310 = tpu.memref_slice %arg5[%dma_wait3A_303, %dma_wait3A_309] : memref<26x104xi32, #tpu.memory_space<vmem>> -> memref<1x104xi32, #tpu.memory_space<vmem>>
    %dma_wait3A_311 = tpu.memref_squeeze %dma_wait3A_310 : memref<1x104xi32, #tpu.memory_space<vmem>> -> memref<104xi32, #tpu.memory_space<vmem>>
    %dma_wait3A_312 = arith.constant 0 : i32
    %dma_wait3A_313 = arith.constant 0 : i32
    %dma_wait3A_314 = tpu.memref_slice %arg2[%dma_wait3A_312, %dma_wait3A_313] : memref<240x256xf32, #tpu.memory_space<hbm>> -> memref<240x256xf32, #tpu.memory_space<hbm>>
    tpu.wait_indirect_dma semaphore(%arg8 : memref<!tpu.dma_semaphore, #tpu.memory_space<semaphore_mem>>) src(%dma_wait3A_314 : memref<240x256xf32, #tpu.memory_space<hbm>>) dst(%dma_wait3A_308 : memref<104x256xf32, #tpu.memory_space<vmem>>)
    %add3A_315 = arith.constant 520 : i32
    %add3A_316 = arith.addi %multiple_of3A, %add3A_315 : i32
    %multiple_of3A_317 = tpu.assume_multiple %add3A_316, 8 : i32
    %dma_start3A_318 = arith.constant 1 : i32
    %dma_start3A_319 = arith.constant 0 : i32
    %dma_start3A_320 = arith.constant 0 : i32
    %dma_start3A_321 = tpu.memref_slice %arg6[%dma_start3A_318, %dma_start3A_319, %dma_start3A_320] : memref<4x104x256xf32, #tpu.memory_space<vmem>> -> memref<1x104x256xf32, #tpu.memory_space<vmem>>
    %dma_start3A_322 = tpu.memref_squeeze %dma_start3A_321 : memref<1x104x256xf32, #tpu.memory_space<vmem>> -> memref<104x256xf32, #tpu.memory_space<vmem>>
    %dma_start3A_323 = arith.constant 0 : i32
    %dma_start3A_324 = tpu.memref_slice %arg4[%multiple_of3A_317, %dma_start3A_323] : memref<160000x256xf32, #tpu.memory_space<hbm>> -> memref<104x256xf32, #tpu.memory_space<hbm>>
    %dma_start3A_325 = arith.constant 0 : i32
    %dma_start3A_326 = tpu.memref_slice %arg4[%multiple_of3A_317, %dma_start3A_325] : memref<160000x256xf32, #tpu.memory_space<hbm>> -> memref<104x256xf32, #tpu.memory_space<hbm>>
    %dma_start3A_327 = arith.constant 0 : i32
    %dma_start3A_328 = arith.constant 0 : i32
    %dma_start3A_329 = tpu.memref_slice %arg6[%dma_start3A_318, %dma_start3A_327, %dma_start3A_328] : memref<4x104x256xf32, #tpu.memory_space<vmem>> -> memref<1x104x256xf32, #tpu.memory_space<vmem>>
    %dma_start3A_330 = tpu.memref_squeeze %dma_start3A_329 : memref<1x104x256xf32, #tpu.memory_space<vmem>> -> memref<104x256xf32, #tpu.memory_space<vmem>>
    tpu.enqueue_dma source(%dma_start3A_330 : memref<104x256xf32, #tpu.memory_space<vmem>>) target(%dma_start3A_326 : memref<104x256xf32, #tpu.memory_space<hbm>>) target_semaphore(%arg12 : memref<!tpu.dma_semaphore, #tpu.memory_space<semaphore_mem>>)
    %add3A_331 = arith.constant 416 : i32
    %add3A_332 = arith.addi %multiple_of3A, %add3A_331 : i32
    %multiple_of3A_333 = tpu.assume_multiple %add3A_332, 8 : i32
    %dma_wait3A_334 = arith.constant 0 : i32
    %dma_wait3A_335 = arith.constant 0 : i32
    %dma_wait3A_336 = arith.constant 0 : i32
    %dma_wait3A_337 = tpu.memref_slice %arg6[%dma_wait3A_334, %dma_wait3A_335, %dma_wait3A_336] : memref<4x104x256xf32, #tpu.memory_space<vmem>> -> memref<1x104x256xf32, #tpu.memory_space<vmem>>
    %dma_wait3A_338 = tpu.memref_squeeze %dma_wait3A_337 : memref<1x104x256xf32, #tpu.memory_space<vmem>> -> memref<104x256xf32, #tpu.memory_space<vmem>>
    %dma_wait3A_339 = arith.constant 0 : i32
    %dma_wait3A_340 = tpu.memref_slice %arg4[%multiple_of3A_333, %dma_wait3A_339] : memref<160000x256xf32, #tpu.memory_space<hbm>> -> memref<104x256xf32, #tpu.memory_space<hbm>>
    %dma_wait3A_341 = arith.constant 0 : i32
    %dma_wait3A_342 = tpu.memref_slice %arg4[%multiple_of3A_333, %dma_wait3A_341] : memref<160000x256xf32, #tpu.memory_space<hbm>> -> memref<104x256xf32, #tpu.memory_space<hbm>>
    %dma_wait3A_343 = arith.constant 0 : i32
    %dma_wait3A_344 = arith.constant 0 : i32
    %dma_wait3A_345 = tpu.memref_slice %arg6[%dma_wait3A_334, %dma_wait3A_343, %dma_wait3A_344] : memref<4x104x256xf32, #tpu.memory_space<vmem>> -> memref<1x104x256xf32, #tpu.memory_space<vmem>>
    %dma_wait3A_346 = tpu.memref_squeeze %dma_wait3A_345 : memref<1x104x256xf32, #tpu.memory_space<vmem>> -> memref<104x256xf32, #tpu.memory_space<vmem>>
    tpu.wait_dma2 semaphore(%arg11 : memref<!tpu.dma_semaphore, #tpu.memory_space<semaphore_mem>>) src(%dma_wait3A_346 : memref<104x256xf32, #tpu.memory_space<vmem>>) dst(%dma_wait3A_342 : memref<104x256xf32, #tpu.memory_space<hbm>>)
    %dma_start3A_347 = arith.constant 8 : i32
    %dma_start3A_348 = arith.constant 0 : i32
    %dma_start3A_349 = arith.constant 0 : i32
    %dma_start3A_350 = arith.constant 0 : i32
    %dma_start3A_351 = tpu.memref_slice %arg6[%dma_start3A_348, %dma_start3A_349, %dma_start3A_350] : memref<4x104x256xf32, #tpu.memory_space<vmem>> -> memref<1x104x256xf32, #tpu.memory_space<vmem>>
    %dma_start3A_352 = tpu.memref_squeeze %dma_start3A_351 : memref<1x104x256xf32, #tpu.memory_space<vmem>> -> memref<104x256xf32, #tpu.memory_space<vmem>>
    %dma_start3A_353 = arith.constant 0 : i32
    %dma_start3A_354 = tpu.memref_slice %arg5[%dma_start3A_347, %dma_start3A_353] : memref<26x104xi32, #tpu.memory_space<vmem>> -> memref<1x104xi32, #tpu.memory_space<vmem>>
    %dma_start3A_355 = tpu.memref_squeeze %dma_start3A_354 : memref<1x104xi32, #tpu.memory_space<vmem>> -> memref<104xi32, #tpu.memory_space<vmem>>
    %dma_start3A_356 = arith.constant 0 : i32
    %dma_start3A_357 = arith.constant 0 : i32
    %dma_start3A_358 = tpu.memref_slice %arg2[%dma_start3A_356, %dma_start3A_357] : memref<240x256xf32, #tpu.memory_space<hbm>> -> memref<240x256xf32, #tpu.memory_space<hbm>>
    tpu.enqueue_indirect_dma source(%dma_start3A_358 : memref<240x256xf32, #tpu.memory_space<hbm>>) target(%dma_start3A_352 : memref<104x256xf32, #tpu.memory_space<vmem>>) offsets(%dma_start3A_355 : memref<104xi32, #tpu.memory_space<vmem>>) semaphore(%arg7 : memref<!tpu.dma_semaphore, #tpu.memory_space<semaphore_mem>>)
    %dma_wait3A_359 = arith.constant 6 : i32
    %dma_wait3A_360 = arith.constant 2 : i32
    %dma_wait3A_361 = arith.constant 0 : i32
    %dma_wait3A_362 = arith.constant 0 : i32
    %dma_wait3A_363 = tpu.memref_slice %arg6[%dma_wait3A_360, %dma_wait3A_361, %dma_wait3A_362] : memref<4x104x256xf32, #tpu.memory_space<vmem>> -> memref<1x104x256xf32, #tpu.memory_space<vmem>>
    %dma_wait3A_364 = tpu.memref_squeeze %dma_wait3A_363 : memref<1x104x256xf32, #tpu.memory_space<vmem>> -> memref<104x256xf32, #tpu.memory_space<vmem>>
    %dma_wait3A_365 = arith.constant 0 : i32
    %dma_wait3A_366 = tpu.memref_slice %arg5[%dma_wait3A_359, %dma_wait3A_365] : memref<26x104xi32, #tpu.memory_space<vmem>> -> memref<1x104xi32, #tpu.memory_space<vmem>>
    %dma_wait3A_367 = tpu.memref_squeeze %dma_wait3A_366 : memref<1x104xi32, #tpu.memory_space<vmem>> -> memref<104xi32, #tpu.memory_space<vmem>>
    %dma_wait3A_368 = arith.constant 0 : i32
    %dma_wait3A_369 = arith.constant 0 : i32
    %dma_wait3A_370 = tpu.memref_slice %arg2[%dma_wait3A_368, %dma_wait3A_369] : memref<240x256xf32, #tpu.memory_space<hbm>> -> memref<240x256xf32, #tpu.memory_space<hbm>>
    tpu.wait_indirect_dma semaphore(%arg9 : memref<!tpu.dma_semaphore, #tpu.memory_space<semaphore_mem>>) src(%dma_wait3A_370 : memref<240x256xf32, #tpu.memory_space<hbm>>) dst(%dma_wait3A_364 : memref<104x256xf32, #tpu.memory_space<vmem>>)
    %add3A_371 = arith.constant 624 : i32
    %add3A_372 = arith.addi %multiple_of3A, %add3A_371 : i32
    %multiple_of3A_373 = tpu.assume_multiple %add3A_372, 8 : i32
    %dma_start3A_374 = arith.constant 2 : i32
    %dma_start3A_375 = arith.constant 0 : i32
    %dma_start3A_376 = arith.constant 0 : i32
    %dma_start3A_377 = tpu.memref_slice %arg6[%dma_start3A_374, %dma_start3A_375, %dma_start3A_376] : memref<4x104x256xf32, #tpu.memory_space<vmem>> -> memref<1x104x256xf32, #tpu.memory_space<vmem>>
    %dma_start3A_378 = tpu.memref_squeeze %dma_start3A_377 : memref<1x104x256xf32, #tpu.memory_space<vmem>> -> memref<104x256xf32, #tpu.memory_space<vmem>>
    %dma_start3A_379 = arith.constant 0 : i32
    %dma_start3A_380 = tpu.memref_slice %arg4[%multiple_of3A_373, %dma_start3A_379] : memref<160000x256xf32, #tpu.memory_space<hbm>> -> memref<104x256xf32, #tpu.memory_space<hbm>>
    %dma_start3A_381 = arith.constant 0 : i32
    %dma_start3A_382 = tpu.memref_slice %arg4[%multiple_of3A_373, %dma_start3A_381] : memref<160000x256xf32, #tpu.memory_space<hbm>> -> memref<104x256xf32, #tpu.memory_space<hbm>>
    %dma_start3A_383 = arith.constant 0 : i32
    %dma_start3A_384 = arith.constant 0 : i32
    %dma_start3A_385 = tpu.memref_slice %arg6[%dma_start3A_374, %dma_start3A_383, %dma_start3A_384] : memref<4x104x256xf32, #tpu.memory_space<vmem>> -> memref<1x104x256xf32, #tpu.memory_space<vmem>>
    %dma_start3A_386 = tpu.memref_squeeze %dma_start3A_385 : memref<1x104x256xf32, #tpu.memory_space<vmem>> -> memref<104x256xf32, #tpu.memory_space<vmem>>
    tpu.enqueue_dma source(%dma_start3A_386 : memref<104x256xf32, #tpu.memory_space<vmem>>) target(%dma_start3A_382 : memref<104x256xf32, #tpu.memory_space<hbm>>) target_semaphore(%arg13 : memref<!tpu.dma_semaphore, #tpu.memory_space<semaphore_mem>>)
    %add3A_387 = arith.constant 520 : i32
    %add3A_388 = arith.addi %multiple_of3A, %add3A_387 : i32
    %multiple_of3A_389 = tpu.assume_multiple %add3A_388, 8 : i32
    %dma_wait3A_390 = arith.constant 1 : i32
    %dma_wait3A_391 = arith.constant 0 : i32
    %dma_wait3A_392 = arith.constant 0 : i32
    %dma_wait3A_393 = tpu.memref_slice %arg6[%dma_wait3A_390, %dma_wait3A_391, %dma_wait3A_392] : memref<4x104x256xf32, #tpu.memory_space<vmem>> -> memref<1x104x256xf32, #tpu.memory_space<vmem>>
    %dma_wait3A_394 = tpu.memref_squeeze %dma_wait3A_393 : memref<1x104x256xf32, #tpu.memory_space<vmem>> -> memref<104x256xf32, #tpu.memory_space<vmem>>
    %dma_wait3A_395 = arith.constant 0 : i32
    %dma_wait3A_396 = tpu.memref_slice %arg4[%multiple_of3A_389, %dma_wait3A_395] : memref<160000x256xf32, #tpu.memory_space<hbm>> -> memref<104x256xf32, #tpu.memory_space<hbm>>
    %dma_wait3A_397 = arith.constant 0 : i32
    %dma_wait3A_398 = tpu.memref_slice %arg4[%multiple_of3A_389, %dma_wait3A_397] : memref<160000x256xf32, #tpu.memory_space<hbm>> -> memref<104x256xf32, #tpu.memory_space<hbm>>
    %dma_wait3A_399 = arith.constant 0 : i32
    %dma_wait3A_400 = arith.constant 0 : i32
    %dma_wait3A_401 = tpu.memref_slice %arg6[%dma_wait3A_390, %dma_wait3A_399, %dma_wait3A_400] : memref<4x104x256xf32, #tpu.memory_space<vmem>> -> memref<1x104x256xf32, #tpu.memory_space<vmem>>
    %dma_wait3A_402 = tpu.memref_squeeze %dma_wait3A_401 : memref<1x104x256xf32, #tpu.memory_space<vmem>> -> memref<104x256xf32, #tpu.memory_space<vmem>>
    tpu.wait_dma2 semaphore(%arg12 : memref<!tpu.dma_semaphore, #tpu.memory_space<semaphore_mem>>) src(%dma_wait3A_402 : memref<104x256xf32, #tpu.memory_space<vmem>>) dst(%dma_wait3A_398 : memref<104x256xf32, #tpu.memory_space<hbm>>)
    %dma_start3A_403 = arith.constant 9 : i32
    %dma_start3A_404 = arith.constant 1 : i32
    %dma_start3A_405 = arith.constant 0 : i32
    %dma_start3A_406 = arith.constant 0 : i32
    %dma_start3A_407 = tpu.memref_slice %arg6[%dma_start3A_404, %dma_start3A_405, %dma_start3A_406] : memref<4x104x256xf32, #tpu.memory_space<vmem>> -> memref<1x104x256xf32, #tpu.memory_space<vmem>>
    %dma_start3A_408 = tpu.memref_squeeze %dma_start3A_407 : memref<1x104x256xf32, #tpu.memory_space<vmem>> -> memref<104x256xf32, #tpu.memory_space<vmem>>
    %dma_start3A_409 = arith.constant 0 : i32
    %dma_start3A_410 = tpu.memref_slice %arg5[%dma_start3A_403, %dma_start3A_409] : memref<26x104xi32, #tpu.memory_space<vmem>> -> memref<1x104xi32, #tpu.memory_space<vmem>>
    %dma_start3A_411 = tpu.memref_squeeze %dma_start3A_410 : memref<1x104xi32, #tpu.memory_space<vmem>> -> memref<104xi32, #tpu.memory_space<vmem>>
    %dma_start3A_412 = arith.constant 0 : i32
    %dma_start3A_413 = arith.constant 0 : i32
    %dma_start3A_414 = tpu.memref_slice %arg2[%dma_start3A_412, %dma_start3A_413] : memref<240x256xf32, #tpu.memory_space<hbm>> -> memref<240x256xf32, #tpu.memory_space<hbm>>
    tpu.enqueue_indirect_dma source(%dma_start3A_414 : memref<240x256xf32, #tpu.memory_space<hbm>>) target(%dma_start3A_408 : memref<104x256xf32, #tpu.memory_space<vmem>>) offsets(%dma_start3A_411 : memref<104xi32, #tpu.memory_space<vmem>>) semaphore(%arg8 : memref<!tpu.dma_semaphore, #tpu.memory_space<semaphore_mem>>)
    %dma_wait3A_415 = arith.constant 7 : i32
    %dma_wait3A_416 = arith.constant 3 : i32
    %dma_wait3A_417 = arith.constant 0 : i32
    %dma_wait3A_418 = arith.constant 0 : i32
    %dma_wait3A_419 = tpu.memref_slice %arg6[%dma_wait3A_416, %dma_wait3A_417, %dma_wait3A_418] : memref<4x104x256xf32, #tpu.memory_space<vmem>> -> memref<1x104x256xf32, #tpu.memory_space<vmem>>
    %dma_wait3A_420 = tpu.memref_squeeze %dma_wait3A_419 : memref<1x104x256xf32, #tpu.memory_space<vmem>> -> memref<104x256xf32, #tpu.memory_space<vmem>>
    %dma_wait3A_421 = arith.constant 0 : i32
    %dma_wait3A_422 = tpu.memref_slice %arg5[%dma_wait3A_415, %dma_wait3A_421] : memref<26x104xi32, #tpu.memory_space<vmem>> -> memref<1x104xi32, #tpu.memory_space<vmem>>
    %dma_wait3A_423 = tpu.memref_squeeze %dma_wait3A_422 : memref<1x104xi32, #tpu.memory_space<vmem>> -> memref<104xi32, #tpu.memory_space<vmem>>
    %dma_wait3A_424 = arith.constant 0 : i32
    %dma_wait3A_425 = arith.constant 0 : i32
    %dma_wait3A_426 = tpu.memref_slice %arg2[%dma_wait3A_424, %dma_wait3A_425] : memref<240x256xf32, #tpu.memory_space<hbm>> -> memref<240x256xf32, #tpu.memory_space<hbm>>
    tpu.wait_indirect_dma semaphore(%arg10 : memref<!tpu.dma_semaphore, #tpu.memory_space<semaphore_mem>>) src(%dma_wait3A_426 : memref<240x256xf32, #tpu.memory_space<hbm>>) dst(%dma_wait3A_420 : memref<104x256xf32, #tpu.memory_space<vmem>>)
    %add3A_427 = arith.constant 728 : i32
    %add3A_428 = arith.addi %multiple_of3A, %add3A_427 : i32
    %multiple_of3A_429 = tpu.assume_multiple %add3A_428, 8 : i32
    %dma_start3A_430 = arith.constant 3 : i32
    %dma_start3A_431 = arith.constant 0 : i32
    %dma_start3A_432 = arith.constant 0 : i32
    %dma_start3A_433 = tpu.memref_slice %arg6[%dma_start3A_430, %dma_start3A_431, %dma_start3A_432] : memref<4x104x256xf32, #tpu.memory_space<vmem>> -> memref<1x104x256xf32, #tpu.memory_space<vmem>>
    %dma_start3A_434 = tpu.memref_squeeze %dma_start3A_433 : memref<1x104x256xf32, #tpu.memory_space<vmem>> -> memref<104x256xf32, #tpu.memory_space<vmem>>
    %dma_start3A_435 = arith.constant 0 : i32
    %dma_start3A_436 = tpu.memref_slice %arg4[%multiple_of3A_429, %dma_start3A_435] : memref<160000x256xf32, #tpu.memory_space<hbm>> -> memref<104x256xf32, #tpu.memory_space<hbm>>
    %dma_start3A_437 = arith.constant 0 : i32
    %dma_start3A_438 = tpu.memref_slice %arg4[%multiple_of3A_429, %dma_start3A_437] : memref<160000x256xf32, #tpu.memory_space<hbm>> -> memref<104x256xf32, #tpu.memory_space<hbm>>
    %dma_start3A_439 = arith.constant 0 : i32
    %dma_start3A_440 = arith.constant 0 : i32
    %dma_start3A_441 = tpu.memref_slice %arg6[%dma_start3A_430, %dma_start3A_439, %dma_start3A_440] : memref<4x104x256xf32, #tpu.memory_space<vmem>> -> memref<1x104x256xf32, #tpu.memory_space<vmem>>
    %dma_start3A_442 = tpu.memref_squeeze %dma_start3A_441 : memref<1x104x256xf32, #tpu.memory_space<vmem>> -> memref<104x256xf32, #tpu.memory_space<vmem>>
    tpu.enqueue_dma source(%dma_start3A_442 : memref<104x256xf32, #tpu.memory_space<vmem>>) target(%dma_start3A_438 : memref<104x256xf32, #tpu.memory_space<hbm>>) target_semaphore(%arg14 : memref<!tpu.dma_semaphore, #tpu.memory_space<semaphore_mem>>)
    %add3A_443 = arith.constant 624 : i32
    %add3A_444 = arith.addi %multiple_of3A, %add3A_443 : i32
    %multiple_of3A_445 = tpu.assume_multiple %add3A_444, 8 : i32
    %dma_wait3A_446 = arith.constant 2 : i32
    %dma_wait3A_447 = arith.constant 0 : i32
    %dma_wait3A_448 = arith.constant 0 : i32
    %dma_wait3A_449 = tpu.memref_slice %arg6[%dma_wait3A_446, %dma_wait3A_447, %dma_wait3A_448] : memref<4x104x256xf32, #tpu.memory_space<vmem>> -> memref<1x104x256xf32, #tpu.memory_space<vmem>>
    %dma_wait3A_450 = tpu.memref_squeeze %dma_wait3A_449 : memref<1x104x256xf32, #tpu.memory_space<vmem>> -> memref<104x256xf32, #tpu.memory_space<vmem>>
    %dma_wait3A_451 = arith.constant 0 : i32
    %dma_wait3A_452 = tpu.memref_slice %arg4[%multiple_of3A_445, %dma_wait3A_451] : memref<160000x256xf32, #tpu.memory_space<hbm>> -> memref<104x256xf32, #tpu.memory_space<hbm>>
    %dma_wait3A_453 = arith.constant 0 : i32
    %dma_wait3A_454 = tpu.memref_slice %arg4[%multiple_of3A_445, %dma_wait3A_453] : memref<160000x256xf32, #tpu.memory_space<hbm>> -> memref<104x256xf32, #tpu.memory_space<hbm>>
    %dma_wait3A_455 = arith.constant 0 : i32
    %dma_wait3A_456 = arith.constant 0 : i32
    %dma_wait3A_457 = tpu.memref_slice %arg6[%dma_wait3A_446, %dma_wait3A_455, %dma_wait3A_456] : memref<4x104x256xf32, #tpu.memory_space<vmem>> -> memref<1x104x256xf32, #tpu.memory_space<vmem>>
    %dma_wait3A_458 = tpu.memref_squeeze %dma_wait3A_457 : memref<1x104x256xf32, #tpu.memory_space<vmem>> -> memref<104x256xf32, #tpu.memory_space<vmem>>
    tpu.wait_dma2 semaphore(%arg13 : memref<!tpu.dma_semaphore, #tpu.memory_space<semaphore_mem>>) src(%dma_wait3A_458 : memref<104x256xf32, #tpu.memory_space<vmem>>) dst(%dma_wait3A_454 : memref<104x256xf32, #tpu.memory_space<hbm>>)
    %dma_start3A_459 = arith.constant 10 : i32
    %dma_start3A_460 = arith.constant 2 : i32
    %dma_start3A_461 = arith.constant 0 : i32
    %dma_start3A_462 = arith.constant 0 : i32
    %dma_start3A_463 = tpu.memref_slice %arg6[%dma_start3A_460, %dma_start3A_461, %dma_start3A_462] : memref<4x104x256xf32, #tpu.memory_space<vmem>> -> memref<1x104x256xf32, #tpu.memory_space<vmem>>
    %dma_start3A_464 = tpu.memref_squeeze %dma_start3A_463 : memref<1x104x256xf32, #tpu.memory_space<vmem>> -> memref<104x256xf32, #tpu.memory_space<vmem>>
    %dma_start3A_465 = arith.constant 0 : i32
    %dma_start3A_466 = tpu.memref_slice %arg5[%dma_start3A_459, %dma_start3A_465] : memref<26x104xi32, #tpu.memory_space<vmem>> -> memref<1x104xi32, #tpu.memory_space<vmem>>
    %dma_start3A_467 = tpu.memref_squeeze %dma_start3A_466 : memref<1x104xi32, #tpu.memory_space<vmem>> -> memref<104xi32, #tpu.memory_space<vmem>>
    %dma_start3A_468 = arith.constant 0 : i32
    %dma_start3A_469 = arith.constant 0 : i32
    %dma_start3A_470 = tpu.memref_slice %arg2[%dma_start3A_468, %dma_start3A_469] : memref<240x256xf32, #tpu.memory_space<hbm>> -> memref<240x256xf32, #tpu.memory_space<hbm>>
    tpu.enqueue_indirect_dma source(%dma_start3A_470 : memref<240x256xf32, #tpu.memory_space<hbm>>) target(%dma_start3A_464 : memref<104x256xf32, #tpu.memory_space<vmem>>) offsets(%dma_start3A_467 : memref<104xi32, #tpu.memory_space<vmem>>) semaphore(%arg9 : memref<!tpu.dma_semaphore, #tpu.memory_space<semaphore_mem>>)
    %dma_wait3A_471 = arith.constant 8 : i32
    %dma_wait3A_472 = arith.constant 0 : i32
    %dma_wait3A_473 = arith.constant 0 : i32
    %dma_wait3A_474 = arith.constant 0 : i32
    %dma_wait3A_475 = tpu.memref_slice %arg6[%dma_wait3A_472, %dma_wait3A_473, %dma_wait3A_474] : memref<4x104x256xf32, #tpu.memory_space<vmem>> -> memref<1x104x256xf32, #tpu.memory_space<vmem>>
    %dma_wait3A_476 = tpu.memref_squeeze %dma_wait3A_475 : memref<1x104x256xf32, #tpu.memory_space<vmem>> -> memref<104x256xf32, #tpu.memory_space<vmem>>
    %dma_wait3A_477 = arith.constant 0 : i32
    %dma_wait3A_478 = tpu.memref_slice %arg5[%dma_wait3A_471, %dma_wait3A_477] : memref<26x104xi32, #tpu.memory_space<vmem>> -> memref<1x104xi32, #tpu.memory_space<vmem>>
    %dma_wait3A_479 = tpu.memref_squeeze %dma_wait3A_478 : memref<1x104xi32, #tpu.memory_space<vmem>> -> memref<104xi32, #tpu.memory_space<vmem>>
    %dma_wait3A_480 = arith.constant 0 : i32
    %dma_wait3A_481 = arith.constant 0 : i32
    %dma_wait3A_482 = tpu.memref_slice %arg2[%dma_wait3A_480, %dma_wait3A_481] : memref<240x256xf32, #tpu.memory_space<hbm>> -> memref<240x256xf32, #tpu.memory_space<hbm>>
    tpu.wait_indirect_dma semaphore(%arg7 : memref<!tpu.dma_semaphore, #tpu.memory_space<semaphore_mem>>) src(%dma_wait3A_482 : memref<240x256xf32, #tpu.memory_space<hbm>>) dst(%dma_wait3A_476 : memref<104x256xf32, #tpu.memory_space<vmem>>)
    %add3A_483 = arith.constant 832 : i32
    %add3A_484 = arith.addi %multiple_of3A, %add3A_483 : i32
    %multiple_of3A_485 = tpu.assume_multiple %add3A_484, 8 : i32
    %dma_start3A_486 = arith.constant 0 : i32
    %dma_start3A_487 = arith.constant 0 : i32
    %dma_start3A_488 = arith.constant 0 : i32
    %dma_start3A_489 = tpu.memref_slice %arg6[%dma_start3A_486, %dma_start3A_487, %dma_start3A_488] : memref<4x104x256xf32, #tpu.memory_space<vmem>> -> memref<1x104x256xf32, #tpu.memory_space<vmem>>
    %dma_start3A_490 = tpu.memref_squeeze %dma_start3A_489 : memref<1x104x256xf32, #tpu.memory_space<vmem>> -> memref<104x256xf32, #tpu.memory_space<vmem>>
    %dma_start3A_491 = arith.constant 0 : i32
    %dma_start3A_492 = tpu.memref_slice %arg4[%multiple_of3A_485, %dma_start3A_491] : memref<160000x256xf32, #tpu.memory_space<hbm>> -> memref<104x256xf32, #tpu.memory_space<hbm>>
    %dma_start3A_493 = arith.constant 0 : i32
    %dma_start3A_494 = tpu.memref_slice %arg4[%multiple_of3A_485, %dma_start3A_493] : memref<160000x256xf32, #tpu.memory_space<hbm>> -> memref<104x256xf32, #tpu.memory_space<hbm>>
    %dma_start3A_495 = arith.constant 0 : i32
    %dma_start3A_496 = arith.constant 0 : i32
    %dma_start3A_497 = tpu.memref_slice %arg6[%dma_start3A_486, %dma_start3A_495, %dma_start3A_496] : memref<4x104x256xf32, #tpu.memory_space<vmem>> -> memref<1x104x256xf32, #tpu.memory_space<vmem>>
    %dma_start3A_498 = tpu.memref_squeeze %dma_start3A_497 : memref<1x104x256xf32, #tpu.memory_space<vmem>> -> memref<104x256xf32, #tpu.memory_space<vmem>>
    tpu.enqueue_dma source(%dma_start3A_498 : memref<104x256xf32, #tpu.memory_space<vmem>>) target(%dma_start3A_494 : memref<104x256xf32, #tpu.memory_space<hbm>>) target_semaphore(%arg11 : memref<!tpu.dma_semaphore, #tpu.memory_space<semaphore_mem>>)
    %add3A_499 = arith.constant 728 : i32
    %add3A_500 = arith.addi %multiple_of3A, %add3A_499 : i32
    %multiple_of3A_501 = tpu.assume_multiple %add3A_500, 8 : i32
    %dma_wait3A_502 = arith.constant 3 : i32
    %dma_wait3A_503 = arith.constant 0 : i32
    %dma_wait3A_504 = arith.constant 0 : i32
    %dma_wait3A_505 = tpu.memref_slice %arg6[%dma_wait3A_502, %dma_wait3A_503, %dma_wait3A_504] : memref<4x104x256xf32, #tpu.memory_space<vmem>> -> memref<1x104x256xf32, #tpu.memory_space<vmem>>
    %dma_wait3A_506 = tpu.memref_squeeze %dma_wait3A_505 : memref<1x104x256xf32, #tpu.memory_space<vmem>> -> memref<104x256xf32, #tpu.memory_space<vmem>>
    %dma_wait3A_507 = arith.constant 0 : i32
    %dma_wait3A_508 = tpu.memref_slice %arg4[%multiple_of3A_501, %dma_wait3A_507] : memref<160000x256xf32, #tpu.memory_space<hbm>> -> memref<104x256xf32, #tpu.memory_space<hbm>>
    %dma_wait3A_509 = arith.constant 0 : i32
    %dma_wait3A_510 = tpu.memref_slice %arg4[%multiple_of3A_501, %dma_wait3A_509] : memref<160000x256xf32, #tpu.memory_space<hbm>> -> memref<104x256xf32, #tpu.memory_space<hbm>>
    %dma_wait3A_511 = arith.constant 0 : i32
    %dma_wait3A_512 = arith.constant 0 : i32
    %dma_wait3A_513 = tpu.memref_slice %arg6[%dma_wait3A_502, %dma_wait3A_511, %dma_wait3A_512] : memref<4x104x256xf32, #tpu.memory_space<vmem>> -> memref<1x104x256xf32, #tpu.memory_space<vmem>>
    %dma_wait3A_514 = tpu.memref_squeeze %dma_wait3A_513 : memref<1x104x256xf32, #tpu.memory_space<vmem>> -> memref<104x256xf32, #tpu.memory_space<vmem>>
    tpu.wait_dma2 semaphore(%arg14 : memref<!tpu.dma_semaphore, #tpu.memory_space<semaphore_mem>>) src(%dma_wait3A_514 : memref<104x256xf32, #tpu.memory_space<vmem>>) dst(%dma_wait3A_510 : memref<104x256xf32, #tpu.memory_space<hbm>>)
    %dma_start3A_515 = arith.constant 11 : i32
    %dma_start3A_516 = arith.constant 3 : i32
    %dma_start3A_517 = arith.constant 0 : i32
    %dma_start3A_518 = arith.constant 0 : i32
    %dma_start3A_519 = tpu.memref_slice %arg6[%dma_start3A_516, %dma_start3A_517, %dma_start3A_518] : memref<4x104x256xf32, #tpu.memory_space<vmem>> -> memref<1x104x256xf32, #tpu.memory_space<vmem>>
    %dma_start3A_520 = tpu.memref_squeeze %dma_start3A_519 : memref<1x104x256xf32, #tpu.memory_space<vmem>> -> memref<104x256xf32, #tpu.memory_space<vmem>>
    %dma_start3A_521 = arith.constant 0 : i32
    %dma_start3A_522 = tpu.memref_slice %arg5[%dma_start3A_515, %dma_start3A_521] : memref<26x104xi32, #tpu.memory_space<vmem>> -> memref<1x104xi32, #tpu.memory_space<vmem>>
    %dma_start3A_523 = tpu.memref_squeeze %dma_start3A_522 : memref<1x104xi32, #tpu.memory_space<vmem>> -> memref<104xi32, #tpu.memory_space<vmem>>
    %dma_start3A_524 = arith.constant 0 : i32
    %dma_start3A_525 = arith.constant 0 : i32
    %dma_start3A_526 = tpu.memref_slice %arg2[%dma_start3A_524, %dma_start3A_525] : memref<240x256xf32, #tpu.memory_space<hbm>> -> memref<240x256xf32, #tpu.memory_space<hbm>>
    tpu.enqueue_indirect_dma source(%dma_start3A_526 : memref<240x256xf32, #tpu.memory_space<hbm>>) target(%dma_start3A_520 : memref<104x256xf32, #tpu.memory_space<vmem>>) offsets(%dma_start3A_523 : memref<104xi32, #tpu.memory_space<vmem>>) semaphore(%arg10 : memref<!tpu.dma_semaphore, #tpu.memory_space<semaphore_mem>>)
    %dma_wait3A_527 = arith.constant 9 : i32
    %dma_wait3A_528 = arith.constant 1 : i32
    %dma_wait3A_529 = arith.constant 0 : i32
    %dma_wait3A_530 = arith.constant 0 : i32
    %dma_wait3A_531 = tpu.memref_slice %arg6[%dma_wait3A_528, %dma_wait3A_529, %dma_wait3A_530] : memref<4x104x256xf32, #tpu.memory_space<vmem>> -> memref<1x104x256xf32, #tpu.memory_space<vmem>>
    %dma_wait3A_532 = tpu.memref_squeeze %dma_wait3A_531 : memref<1x104x256xf32, #tpu.memory_space<vmem>> -> memref<104x256xf32, #tpu.memory_space<vmem>>
    %dma_wait3A_533 = arith.constant 0 : i32
    %dma_wait3A_534 = tpu.memref_slice %arg5[%dma_wait3A_527, %dma_wait3A_533] : memref<26x104xi32, #tpu.memory_space<vmem>> -> memref<1x104xi32, #tpu.memory_space<vmem>>
    %dma_wait3A_535 = tpu.memref_squeeze %dma_wait3A_534 : memref<1x104xi32, #tpu.memory_space<vmem>> -> memref<104xi32, #tpu.memory_space<vmem>>
    %dma_wait3A_536 = arith.constant 0 : i32
    %dma_wait3A_537 = arith.constant 0 : i32
    %dma_wait3A_538 = tpu.memref_slice %arg2[%dma_wait3A_536, %dma_wait3A_537] : memref<240x256xf32, #tpu.memory_space<hbm>> -> memref<240x256xf32, #tpu.memory_space<hbm>>
    tpu.wait_indirect_dma semaphore(%arg8 : memref<!tpu.dma_semaphore, #tpu.memory_space<semaphore_mem>>) src(%dma_wait3A_538 : memref<240x256xf32, #tpu.memory_space<hbm>>) dst(%dma_wait3A_532 : memref<104x256xf32, #tpu.memory_space<vmem>>)
    %add3A_539 = arith.constant 936 : i32
    %add3A_540 = arith.addi %multiple_of3A, %add3A_539 : i32
    %multiple_of3A_541 = tpu.assume_multiple %add3A_540, 8 : i32
    %dma_start3A_542 = arith.constant 1 : i32
    %dma_start3A_543 = arith.constant 0 : i32
    %dma_start3A_544 = arith.constant 0 : i32
    %dma_start3A_545 = tpu.memref_slice %arg6[%dma_start3A_542, %dma_start3A_543, %dma_start3A_544] : memref<4x104x256xf32, #tpu.memory_space<vmem>> -> memref<1x104x256xf32, #tpu.memory_space<vmem>>
    %dma_start3A_546 = tpu.memref_squeeze %dma_start3A_545 : memref<1x104x256xf32, #tpu.memory_space<vmem>> -> memref<104x256xf32, #tpu.memory_space<vmem>>
    %dma_start3A_547 = arith.constant 0 : i32
    %dma_start3A_548 = tpu.memref_slice %arg4[%multiple_of3A_541, %dma_start3A_547] : memref<160000x256xf32, #tpu.memory_space<hbm>> -> memref<104x256xf32, #tpu.memory_space<hbm>>
    %dma_start3A_549 = arith.constant 0 : i32
    %dma_start3A_550 = tpu.memref_slice %arg4[%multiple_of3A_541, %dma_start3A_549] : memref<160000x256xf32, #tpu.memory_space<hbm>> -> memref<104x256xf32, #tpu.memory_space<hbm>>
    %dma_start3A_551 = arith.constant 0 : i32
    %dma_start3A_552 = arith.constant 0 : i32
    %dma_start3A_553 = tpu.memref_slice %arg6[%dma_start3A_542, %dma_start3A_551, %dma_start3A_552] : memref<4x104x256xf32, #tpu.memory_space<vmem>> -> memref<1x104x256xf32, #tpu.memory_space<vmem>>
    %dma_start3A_554 = tpu.memref_squeeze %dma_start3A_553 : memref<1x104x256xf32, #tpu.memory_space<vmem>> -> memref<104x256xf32, #tpu.memory_space<vmem>>
    tpu.enqueue_dma source(%dma_start3A_554 : memref<104x256xf32, #tpu.memory_space<vmem>>) target(%dma_start3A_550 : memref<104x256xf32, #tpu.memory_space<hbm>>) target_semaphore(%arg12 : memref<!tpu.dma_semaphore, #tpu.memory_space<semaphore_mem>>)
    %add3A_555 = arith.constant 832 : i32
    %add3A_556 = arith.addi %multiple_of3A, %add3A_555 : i32
    %multiple_of3A_557 = tpu.assume_multiple %add3A_556, 8 : i32
    %dma_wait3A_558 = arith.constant 0 : i32
    %dma_wait3A_559 = arith.constant 0 : i32
    %dma_wait3A_560 = arith.constant 0 : i32
    %dma_wait3A_561 = tpu.memref_slice %arg6[%dma_wait3A_558, %dma_wait3A_559, %dma_wait3A_560] : memref<4x104x256xf32, #tpu.memory_space<vmem>> -> memref<1x104x256xf32, #tpu.memory_space<vmem>>
    %dma_wait3A_562 = tpu.memref_squeeze %dma_wait3A_561 : memref<1x104x256xf32, #tpu.memory_space<vmem>> -> memref<104x256xf32, #tpu.memory_space<vmem>>
    %dma_wait3A_563 = arith.constant 0 : i32
    %dma_wait3A_564 = tpu.memref_slice %arg4[%multiple_of3A_557, %dma_wait3A_563] : memref<160000x256xf32, #tpu.memory_space<hbm>> -> memref<104x256xf32, #tpu.memory_space<hbm>>
    %dma_wait3A_565 = arith.constant 0 : i32
    %dma_wait3A_566 = tpu.memref_slice %arg4[%multiple_of3A_557, %dma_wait3A_565] : memref<160000x256xf32, #tpu.memory_space<hbm>> -> memref<104x256xf32, #tpu.memory_space<hbm>>
    %dma_wait3A_567 = arith.constant 0 : i32
    %dma_wait3A_568 = arith.constant 0 : i32
    %dma_wait3A_569 = tpu.memref_slice %arg6[%dma_wait3A_558, %dma_wait3A_567, %dma_wait3A_568] : memref<4x104x256xf32, #tpu.memory_space<vmem>> -> memref<1x104x256xf32, #tpu.memory_space<vmem>>
    %dma_wait3A_570 = tpu.memref_squeeze %dma_wait3A_569 : memref<1x104x256xf32, #tpu.memory_space<vmem>> -> memref<104x256xf32, #tpu.memory_space<vmem>>
    tpu.wait_dma2 semaphore(%arg11 : memref<!tpu.dma_semaphore, #tpu.memory_space<semaphore_mem>>) src(%dma_wait3A_570 : memref<104x256xf32, #tpu.memory_space<vmem>>) dst(%dma_wait3A_566 : memref<104x256xf32, #tpu.memory_space<hbm>>)
    %dma_start3A_571 = arith.constant 12 : i32
    %dma_start3A_572 = arith.constant 0 : i32
    %dma_start3A_573 = arith.constant 0 : i32
    %dma_start3A_574 = arith.constant 0 : i32
    %dma_start3A_575 = tpu.memref_slice %arg6[%dma_start3A_572, %dma_start3A_573, %dma_start3A_574] : memref<4x104x256xf32, #tpu.memory_space<vmem>> -> memref<1x104x256xf32, #tpu.memory_space<vmem>>
    %dma_start3A_576 = tpu.memref_squeeze %dma_start3A_575 : memref<1x104x256xf32, #tpu.memory_space<vmem>> -> memref<104x256xf32, #tpu.memory_space<vmem>>
    %dma_start3A_577 = arith.constant 0 : i32
    %dma_start3A_578 = tpu.memref_slice %arg5[%dma_start3A_571, %dma_start3A_577] : memref<26x104xi32, #tpu.memory_space<vmem>> -> memref<1x104xi32, #tpu.memory_space<vmem>>
    %dma_start3A_579 = tpu.memref_squeeze %dma_start3A_578 : memref<1x104xi32, #tpu.memory_space<vmem>> -> memref<104xi32, #tpu.memory_space<vmem>>
    %dma_start3A_580 = arith.constant 0 : i32
    %dma_start3A_581 = arith.constant 0 : i32
    %dma_start3A_582 = tpu.memref_slice %arg2[%dma_start3A_580, %dma_start3A_581] : memref<240x256xf32, #tpu.memory_space<hbm>> -> memref<240x256xf32, #tpu.memory_space<hbm>>
    tpu.enqueue_indirect_dma source(%dma_start3A_582 : memref<240x256xf32, #tpu.memory_space<hbm>>) target(%dma_start3A_576 : memref<104x256xf32, #tpu.memory_space<vmem>>) offsets(%dma_start3A_579 : memref<104xi32, #tpu.memory_space<vmem>>) semaphore(%arg7 : memref<!tpu.dma_semaphore, #tpu.memory_space<semaphore_mem>>)
    %dma_wait3A_583 = arith.constant 10 : i32
    %dma_wait3A_584 = arith.constant 2 : i32
    %dma_wait3A_585 = arith.constant 0 : i32
    %dma_wait3A_586 = arith.constant 0 : i32
    %dma_wait3A_587 = tpu.memref_slice %arg6[%dma_wait3A_584, %dma_wait3A_585, %dma_wait3A_586] : memref<4x104x256xf32, #tpu.memory_space<vmem>> -> memref<1x104x256xf32, #tpu.memory_space<vmem>>
    %dma_wait3A_588 = tpu.memref_squeeze %dma_wait3A_587 : memref<1x104x256xf32, #tpu.memory_space<vmem>> -> memref<104x256xf32, #tpu.memory_space<vmem>>
    %dma_wait3A_589 = arith.constant 0 : i32
    %dma_wait3A_590 = tpu.memref_slice %arg5[%dma_wait3A_583, %dma_wait3A_589] : memref<26x104xi32, #tpu.memory_space<vmem>> -> memref<1x104xi32, #tpu.memory_space<vmem>>
    %dma_wait3A_591 = tpu.memref_squeeze %dma_wait3A_590 : memref<1x104xi32, #tpu.memory_space<vmem>> -> memref<104xi32, #tpu.memory_space<vmem>>
    %dma_wait3A_592 = arith.constant 0 : i32
    %dma_wait3A_593 = arith.constant 0 : i32
    %dma_wait3A_594 = tpu.memref_slice %arg2[%dma_wait3A_592, %dma_wait3A_593] : memref<240x256xf32, #tpu.memory_space<hbm>> -> memref<240x256xf32, #tpu.memory_space<hbm>>
    tpu.wait_indirect_dma semaphore(%arg9 : memref<!tpu.dma_semaphore, #tpu.memory_space<semaphore_mem>>) src(%dma_wait3A_594 : memref<240x256xf32, #tpu.memory_space<hbm>>) dst(%dma_wait3A_588 : memref<104x256xf32, #tpu.memory_space<vmem>>)
    %add3A_595 = arith.constant 1040 : i32
    %add3A_596 = arith.addi %multiple_of3A, %add3A_595 : i32
    %multiple_of3A_597 = tpu.assume_multiple %add3A_596, 8 : i32
    %dma_start3A_598 = arith.constant 2 : i32
    %dma_start3A_599 = arith.constant 0 : i32
    %dma_start3A_600 = arith.constant 0 : i32
    %dma_start3A_601 = tpu.memref_slice %arg6[%dma_start3A_598, %dma_start3A_599, %dma_start3A_600] : memref<4x104x256xf32, #tpu.memory_space<vmem>> -> memref<1x104x256xf32, #tpu.memory_space<vmem>>
    %dma_start3A_602 = tpu.memref_squeeze %dma_start3A_601 : memref<1x104x256xf32, #tpu.memory_space<vmem>> -> memref<104x256xf32, #tpu.memory_space<vmem>>
    %dma_start3A_603 = arith.constant 0 : i32
    %dma_start3A_604 = tpu.memref_slice %arg4[%multiple_of3A_597, %dma_start3A_603] : memref<160000x256xf32, #tpu.memory_space<hbm>> -> memref<104x256xf32, #tpu.memory_space<hbm>>
    %dma_start3A_605 = arith.constant 0 : i32
    %dma_start3A_606 = tpu.memref_slice %arg4[%multiple_of3A_597, %dma_start3A_605] : memref<160000x256xf32, #tpu.memory_space<hbm>> -> memref<104x256xf32, #tpu.memory_space<hbm>>
    %dma_start3A_607 = arith.constant 0 : i32
    %dma_start3A_608 = arith.constant 0 : i32
    %dma_start3A_609 = tpu.memref_slice %arg6[%dma_start3A_598, %dma_start3A_607, %dma_start3A_608] : memref<4x104x256xf32, #tpu.memory_space<vmem>> -> memref<1x104x256xf32, #tpu.memory_space<vmem>>
    %dma_start3A_610 = tpu.memref_squeeze %dma_start3A_609 : memref<1x104x256xf32, #tpu.memory_space<vmem>> -> memref<104x256xf32, #tpu.memory_space<vmem>>
    tpu.enqueue_dma source(%dma_start3A_610 : memref<104x256xf32, #tpu.memory_space<vmem>>) target(%dma_start3A_606 : memref<104x256xf32, #tpu.memory_space<hbm>>) target_semaphore(%arg13 : memref<!tpu.dma_semaphore, #tpu.memory_space<semaphore_mem>>)
    %add3A_611 = arith.constant 936 : i32
    %add3A_612 = arith.addi %multiple_of3A, %add3A_611 : i32
    %multiple_of3A_613 = tpu.assume_multiple %add3A_612, 8 : i32
    %dma_wait3A_614 = arith.constant 1 : i32
    %dma_wait3A_615 = arith.constant 0 : i32
    %dma_wait3A_616 = arith.constant 0 : i32
    %dma_wait3A_617 = tpu.memref_slice %arg6[%dma_wait3A_614, %dma_wait3A_615, %dma_wait3A_616] : memref<4x104x256xf32, #tpu.memory_space<vmem>> -> memref<1x104x256xf32, #tpu.memory_space<vmem>>
    %dma_wait3A_618 = tpu.memref_squeeze %dma_wait3A_617 : memref<1x104x256xf32, #tpu.memory_space<vmem>> -> memref<104x256xf32, #tpu.memory_space<vmem>>
    %dma_wait3A_619 = arith.constant 0 : i32
    %dma_wait3A_620 = tpu.memref_slice %arg4[%multiple_of3A_613, %dma_wait3A_619] : memref<160000x256xf32, #tpu.memory_space<hbm>> -> memref<104x256xf32, #tpu.memory_space<hbm>>
    %dma_wait3A_621 = arith.constant 0 : i32
    %dma_wait3A_622 = tpu.memref_slice %arg4[%multiple_of3A_613, %dma_wait3A_621] : memref<160000x256xf32, #tpu.memory_space<hbm>> -> memref<104x256xf32, #tpu.memory_space<hbm>>
    %dma_wait3A_623 = arith.constant 0 : i32
    %dma_wait3A_624 = arith.constant 0 : i32
    %dma_wait3A_625 = tpu.memref_slice %arg6[%dma_wait3A_614, %dma_wait3A_623, %dma_wait3A_624] : memref<4x104x256xf32, #tpu.memory_space<vmem>> -> memref<1x104x256xf32, #tpu.memory_space<vmem>>
    %dma_wait3A_626 = tpu.memref_squeeze %dma_wait3A_625 : memref<1x104x256xf32, #tpu.memory_space<vmem>> -> memref<104x256xf32, #tpu.memory_space<vmem>>
    tpu.wait_dma2 semaphore(%arg12 : memref<!tpu.dma_semaphore, #tpu.memory_space<semaphore_mem>>) src(%dma_wait3A_626 : memref<104x256xf32, #tpu.memory_space<vmem>>) dst(%dma_wait3A_622 : memref<104x256xf32, #tpu.memory_space<hbm>>)
    %dma_start3A_627 = arith.constant 13 : i32
    %dma_start3A_628 = arith.constant 1 : i32
    %dma_start3A_629 = arith.constant 0 : i32
    %dma_start3A_630 = arith.constant 0 : i32
    %dma_start3A_631 = tpu.memref_slice %arg6[%dma_start3A_628, %dma_start3A_629, %dma_start3A_630] : memref<4x104x256xf32, #tpu.memory_space<vmem>> -> memref<1x104x256xf32, #tpu.memory_space<vmem>>
    %dma_start3A_632 = tpu.memref_squeeze %dma_start3A_631 : memref<1x104x256xf32, #tpu.memory_space<vmem>> -> memref<104x256xf32, #tpu.memory_space<vmem>>
    %dma_start3A_633 = arith.constant 0 : i32
    %dma_start3A_634 = tpu.memref_slice %arg5[%dma_start3A_627, %dma_start3A_633] : memref<26x104xi32, #tpu.memory_space<vmem>> -> memref<1x104xi32, #tpu.memory_space<vmem>>
    %dma_start3A_635 = tpu.memref_squeeze %dma_start3A_634 : memref<1x104xi32, #tpu.memory_space<vmem>> -> memref<104xi32, #tpu.memory_space<vmem>>
    %dma_start3A_636 = arith.constant 0 : i32
    %dma_start3A_637 = arith.constant 0 : i32
    %dma_start3A_638 = tpu.memref_slice %arg2[%dma_start3A_636, %dma_start3A_637] : memref<240x256xf32, #tpu.memory_space<hbm>> -> memref<240x256xf32, #tpu.memory_space<hbm>>
    tpu.enqueue_indirect_dma source(%dma_start3A_638 : memref<240x256xf32, #tpu.memory_space<hbm>>) target(%dma_start3A_632 : memref<104x256xf32, #tpu.memory_space<vmem>>) offsets(%dma_start3A_635 : memref<104xi32, #tpu.memory_space<vmem>>) semaphore(%arg8 : memref<!tpu.dma_semaphore, #tpu.memory_space<semaphore_mem>>)
    %dma_wait3A_639 = arith.constant 11 : i32
    %dma_wait3A_640 = arith.constant 3 : i32
    %dma_wait3A_641 = arith.constant 0 : i32
    %dma_wait3A_642 = arith.constant 0 : i32
    %dma_wait3A_643 = tpu.memref_slice %arg6[%dma_wait3A_640, %dma_wait3A_641, %dma_wait3A_642] : memref<4x104x256xf32, #tpu.memory_space<vmem>> -> memref<1x104x256xf32, #tpu.memory_space<vmem>>
    %dma_wait3A_644 = tpu.memref_squeeze %dma_wait3A_643 : memref<1x104x256xf32, #tpu.memory_space<vmem>> -> memref<104x256xf32, #tpu.memory_space<vmem>>
    %dma_wait3A_645 = arith.constant 0 : i32
    %dma_wait3A_646 = tpu.memref_slice %arg5[%dma_wait3A_639, %dma_wait3A_645] : memref<26x104xi32, #tpu.memory_space<vmem>> -> memref<1x104xi32, #tpu.memory_space<vmem>>
    %dma_wait3A_647 = tpu.memref_squeeze %dma_wait3A_646 : memref<1x104xi32, #tpu.memory_space<vmem>> -> memref<104xi32, #tpu.memory_space<vmem>>
    %dma_wait3A_648 = arith.constant 0 : i32
    %dma_wait3A_649 = arith.constant 0 : i32
    %dma_wait3A_650 = tpu.memref_slice %arg2[%dma_wait3A_648, %dma_wait3A_649] : memref<240x256xf32, #tpu.memory_space<hbm>> -> memref<240x256xf32, #tpu.memory_space<hbm>>
    tpu.wait_indirect_dma semaphore(%arg10 : memref<!tpu.dma_semaphore, #tpu.memory_space<semaphore_mem>>) src(%dma_wait3A_650 : memref<240x256xf32, #tpu.memory_space<hbm>>) dst(%dma_wait3A_644 : memref<104x256xf32, #tpu.memory_space<vmem>>)
    %add3A_651 = arith.constant 1144 : i32
    %add3A_652 = arith.addi %multiple_of3A, %add3A_651 : i32
    %multiple_of3A_653 = tpu.assume_multiple %add3A_652, 8 : i32
    %dma_start3A_654 = arith.constant 3 : i32
    %dma_start3A_655 = arith.constant 0 : i32
    %dma_start3A_656 = arith.constant 0 : i32
    %dma_start3A_657 = tpu.memref_slice %arg6[%dma_start3A_654, %dma_start3A_655, %dma_start3A_656] : memref<4x104x256xf32, #tpu.memory_space<vmem>> -> memref<1x104x256xf32, #tpu.memory_space<vmem>>
    %dma_start3A_658 = tpu.memref_squeeze %dma_start3A_657 : memref<1x104x256xf32, #tpu.memory_space<vmem>> -> memref<104x256xf32, #tpu.memory_space<vmem>>
    %dma_start3A_659 = arith.constant 0 : i32
    %dma_start3A_660 = tpu.memref_slice %arg4[%multiple_of3A_653, %dma_start3A_659] : memref<160000x256xf32, #tpu.memory_space<hbm>> -> memref<104x256xf32, #tpu.memory_space<hbm>>
    %dma_start3A_661 = arith.constant 0 : i32
    %dma_start3A_662 = tpu.memref_slice %arg4[%multiple_of3A_653, %dma_start3A_661] : memref<160000x256xf32, #tpu.memory_space<hbm>> -> memref<104x256xf32, #tpu.memory_space<hbm>>
    %dma_start3A_663 = arith.constant 0 : i32
    %dma_start3A_664 = arith.constant 0 : i32
    %dma_start3A_665 = tpu.memref_slice %arg6[%dma_start3A_654, %dma_start3A_663, %dma_start3A_664] : memref<4x104x256xf32, #tpu.memory_space<vmem>> -> memref<1x104x256xf32, #tpu.memory_space<vmem>>
    %dma_start3A_666 = tpu.memref_squeeze %dma_start3A_665 : memref<1x104x256xf32, #tpu.memory_space<vmem>> -> memref<104x256xf32, #tpu.memory_space<vmem>>
    tpu.enqueue_dma source(%dma_start3A_666 : memref<104x256xf32, #tpu.memory_space<vmem>>) target(%dma_start3A_662 : memref<104x256xf32, #tpu.memory_space<hbm>>) target_semaphore(%arg14 : memref<!tpu.dma_semaphore, #tpu.memory_space<semaphore_mem>>)
    %add3A_667 = arith.constant 1040 : i32
    %add3A_668 = arith.addi %multiple_of3A, %add3A_667 : i32
    %multiple_of3A_669 = tpu.assume_multiple %add3A_668, 8 : i32
    %dma_wait3A_670 = arith.constant 2 : i32
    %dma_wait3A_671 = arith.constant 0 : i32
    %dma_wait3A_672 = arith.constant 0 : i32
    %dma_wait3A_673 = tpu.memref_slice %arg6[%dma_wait3A_670, %dma_wait3A_671, %dma_wait3A_672] : memref<4x104x256xf32, #tpu.memory_space<vmem>> -> memref<1x104x256xf32, #tpu.memory_space<vmem>>
    %dma_wait3A_674 = tpu.memref_squeeze %dma_wait3A_673 : memref<1x104x256xf32, #tpu.memory_space<vmem>> -> memref<104x256xf32, #tpu.memory_space<vmem>>
    %dma_wait3A_675 = arith.constant 0 : i32
    %dma_wait3A_676 = tpu.memref_slice %arg4[%multiple_of3A_669, %dma_wait3A_675] : memref<160000x256xf32, #tpu.memory_space<hbm>> -> memref<104x256xf32, #tpu.memory_space<hbm>>
    %dma_wait3A_677 = arith.constant 0 : i32
    %dma_wait3A_678 = tpu.memref_slice %arg4[%multiple_of3A_669, %dma_wait3A_677] : memref<160000x256xf32, #tpu.memory_space<hbm>> -> memref<104x256xf32, #tpu.memory_space<hbm>>
    %dma_wait3A_679 = arith.constant 0 : i32
    %dma_wait3A_680 = arith.constant 0 : i32
    %dma_wait3A_681 = tpu.memref_slice %arg6[%dma_wait3A_670, %dma_wait3A_679, %dma_wait3A_680] : memref<4x104x256xf32, #tpu.memory_space<vmem>> -> memref<1x104x256xf32, #tpu.memory_space<vmem>>
    %dma_wait3A_682 = tpu.memref_squeeze %dma_wait3A_681 : memref<1x104x256xf32, #tpu.memory_space<vmem>> -> memref<104x256xf32, #tpu.memory_space<vmem>>
    tpu.wait_dma2 semaphore(%arg13 : memref<!tpu.dma_semaphore, #tpu.memory_space<semaphore_mem>>) src(%dma_wait3A_682 : memref<104x256xf32, #tpu.memory_space<vmem>>) dst(%dma_wait3A_678 : memref<104x256xf32, #tpu.memory_space<hbm>>)
    %dma_start3A_683 = arith.constant 14 : i32
    %dma_start3A_684 = arith.constant 2 : i32
    %dma_start3A_685 = arith.constant 0 : i32
    %dma_start3A_686 = arith.constant 0 : i32
    %dma_start3A_687 = tpu.memref_slice %arg6[%dma_start3A_684, %dma_start3A_685, %dma_start3A_686] : memref<4x104x256xf32, #tpu.memory_space<vmem>> -> memref<1x104x256xf32, #tpu.memory_space<vmem>>
    %dma_start3A_688 = tpu.memref_squeeze %dma_start3A_687 : memref<1x104x256xf32, #tpu.memory_space<vmem>> -> memref<104x256xf32, #tpu.memory_space<vmem>>
    %dma_start3A_689 = arith.constant 0 : i32
    %dma_start3A_690 = tpu.memref_slice %arg5[%dma_start3A_683, %dma_start3A_689] : memref<26x104xi32, #tpu.memory_space<vmem>> -> memref<1x104xi32, #tpu.memory_space<vmem>>
    %dma_start3A_691 = tpu.memref_squeeze %dma_start3A_690 : memref<1x104xi32, #tpu.memory_space<vmem>> -> memref<104xi32, #tpu.memory_space<vmem>>
    %dma_start3A_692 = arith.constant 0 : i32
    %dma_start3A_693 = arith.constant 0 : i32
    %dma_start3A_694 = tpu.memref_slice %arg2[%dma_start3A_692, %dma_start3A_693] : memref<240x256xf32, #tpu.memory_space<hbm>> -> memref<240x256xf32, #tpu.memory_space<hbm>>
    tpu.enqueue_indirect_dma source(%dma_start3A_694 : memref<240x256xf32, #tpu.memory_space<hbm>>) target(%dma_start3A_688 : memref<104x256xf32, #tpu.memory_space<vmem>>) offsets(%dma_start3A_691 : memref<104xi32, #tpu.memory_space<vmem>>) semaphore(%arg9 : memref<!tpu.dma_semaphore, #tpu.memory_space<semaphore_mem>>)
    %dma_wait3A_695 = arith.constant 12 : i32
    %dma_wait3A_696 = arith.constant 0 : i32
    %dma_wait3A_697 = arith.constant 0 : i32
    %dma_wait3A_698 = arith.constant 0 : i32
    %dma_wait3A_699 = tpu.memref_slice %arg6[%dma_wait3A_696, %dma_wait3A_697, %dma_wait3A_698] : memref<4x104x256xf32, #tpu.memory_space<vmem>> -> memref<1x104x256xf32, #tpu.memory_space<vmem>>
    %dma_wait3A_700 = tpu.memref_squeeze %dma_wait3A_699 : memref<1x104x256xf32, #tpu.memory_space<vmem>> -> memref<104x256xf32, #tpu.memory_space<vmem>>
    %dma_wait3A_701 = arith.constant 0 : i32
    %dma_wait3A_702 = tpu.memref_slice %arg5[%dma_wait3A_695, %dma_wait3A_701] : memref<26x104xi32, #tpu.memory_space<vmem>> -> memref<1x104xi32, #tpu.memory_space<vmem>>
    %dma_wait3A_703 = tpu.memref_squeeze %dma_wait3A_702 : memref<1x104xi32, #tpu.memory_space<vmem>> -> memref<104xi32, #tpu.memory_space<vmem>>
    %dma_wait3A_704 = arith.constant 0 : i32
    %dma_wait3A_705 = arith.constant 0 : i32
    %dma_wait3A_706 = tpu.memref_slice %arg2[%dma_wait3A_704, %dma_wait3A_705] : memref<240x256xf32, #tpu.memory_space<hbm>> -> memref<240x256xf32, #tpu.memory_space<hbm>>
    tpu.wait_indirect_dma semaphore(%arg7 : memref<!tpu.dma_semaphore, #tpu.memory_space<semaphore_mem>>) src(%dma_wait3A_706 : memref<240x256xf32, #tpu.memory_space<hbm>>) dst(%dma_wait3A_700 : memref<104x256xf32, #tpu.memory_space<vmem>>)
    %add3A_707 = arith.constant 1248 : i32
    %add3A_708 = arith.addi %multiple_of3A, %add3A_707 : i32
    %multiple_of3A_709 = tpu.assume_multiple %add3A_708, 8 : i32
    %dma_start3A_710 = arith.constant 0 : i32
    %dma_start3A_711 = arith.constant 0 : i32
    %dma_start3A_712 = arith.constant 0 : i32
    %dma_start3A_713 = tpu.memref_slice %arg6[%dma_start3A_710, %dma_start3A_711, %dma_start3A_712] : memref<4x104x256xf32, #tpu.memory_space<vmem>> -> memref<1x104x256xf32, #tpu.memory_space<vmem>>
    %dma_start3A_714 = tpu.memref_squeeze %dma_start3A_713 : memref<1x104x256xf32, #tpu.memory_space<vmem>> -> memref<104x256xf32, #tpu.memory_space<vmem>>
    %dma_start3A_715 = arith.constant 0 : i32
    %dma_start3A_716 = tpu.memref_slice %arg4[%multiple_of3A_709, %dma_start3A_715] : memref<160000x256xf32, #tpu.memory_space<hbm>> -> memref<104x256xf32, #tpu.memory_space<hbm>>
    %dma_start3A_717 = arith.constant 0 : i32
    %dma_start3A_718 = tpu.memref_slice %arg4[%multiple_of3A_709, %dma_start3A_717] : memref<160000x256xf32, #tpu.memory_space<hbm>> -> memref<104x256xf32, #tpu.memory_space<hbm>>
    %dma_start3A_719 = arith.constant 0 : i32
    %dma_start3A_720 = arith.constant 0 : i32
    %dma_start3A_721 = tpu.memref_slice %arg6[%dma_start3A_710, %dma_start3A_719, %dma_start3A_720] : memref<4x104x256xf32, #tpu.memory_space<vmem>> -> memref<1x104x256xf32, #tpu.memory_space<vmem>>
    %dma_start3A_722 = tpu.memref_squeeze %dma_start3A_721 : memref<1x104x256xf32, #tpu.memory_space<vmem>> -> memref<104x256xf32, #tpu.memory_space<vmem>>
    tpu.enqueue_dma source(%dma_start3A_722 : memref<104x256xf32, #tpu.memory_space<vmem>>) target(%dma_start3A_718 : memref<104x256xf32, #tpu.memory_space<hbm>>) target_semaphore(%arg11 : memref<!tpu.dma_semaphore, #tpu.memory_space<semaphore_mem>>)
    %add3A_723 = arith.constant 1144 : i32
    %add3A_724 = arith.addi %multiple_of3A, %add3A_723 : i32
    %multiple_of3A_725 = tpu.assume_multiple %add3A_724, 8 : i32
    %dma_wait3A_726 = arith.constant 3 : i32
    %dma_wait3A_727 = arith.constant 0 : i32
    %dma_wait3A_728 = arith.constant 0 : i32
    %dma_wait3A_729 = tpu.memref_slice %arg6[%dma_wait3A_726, %dma_wait3A_727, %dma_wait3A_728] : memref<4x104x256xf32, #tpu.memory_space<vmem>> -> memref<1x104x256xf32, #tpu.memory_space<vmem>>
    %dma_wait3A_730 = tpu.memref_squeeze %dma_wait3A_729 : memref<1x104x256xf32, #tpu.memory_space<vmem>> -> memref<104x256xf32, #tpu.memory_space<vmem>>
    %dma_wait3A_731 = arith.constant 0 : i32
    %dma_wait3A_732 = tpu.memref_slice %arg4[%multiple_of3A_725, %dma_wait3A_731] : memref<160000x256xf32, #tpu.memory_space<hbm>> -> memref<104x256xf32, #tpu.memory_space<hbm>>
    %dma_wait3A_733 = arith.constant 0 : i32
    %dma_wait3A_734 = tpu.memref_slice %arg4[%multiple_of3A_725, %dma_wait3A_733] : memref<160000x256xf32, #tpu.memory_space<hbm>> -> memref<104x256xf32, #tpu.memory_space<hbm>>
    %dma_wait3A_735 = arith.constant 0 : i32
    %dma_wait3A_736 = arith.constant 0 : i32
    %dma_wait3A_737 = tpu.memref_slice %arg6[%dma_wait3A_726, %dma_wait3A_735, %dma_wait3A_736] : memref<4x104x256xf32, #tpu.memory_space<vmem>> -> memref<1x104x256xf32, #tpu.memory_space<vmem>>
    %dma_wait3A_738 = tpu.memref_squeeze %dma_wait3A_737 : memref<1x104x256xf32, #tpu.memory_space<vmem>> -> memref<104x256xf32, #tpu.memory_space<vmem>>
    tpu.wait_dma2 semaphore(%arg14 : memref<!tpu.dma_semaphore, #tpu.memory_space<semaphore_mem>>) src(%dma_wait3A_738 : memref<104x256xf32, #tpu.memory_space<vmem>>) dst(%dma_wait3A_734 : memref<104x256xf32, #tpu.memory_space<hbm>>)
    %dma_start3A_739 = arith.constant 15 : i32
    %dma_start3A_740 = arith.constant 3 : i32
    %dma_start3A_741 = arith.constant 0 : i32
    %dma_start3A_742 = arith.constant 0 : i32
    %dma_start3A_743 = tpu.memref_slice %arg6[%dma_start3A_740, %dma_start3A_741, %dma_start3A_742] : memref<4x104x256xf32, #tpu.memory_space<vmem>> -> memref<1x104x256xf32, #tpu.memory_space<vmem>>
    %dma_start3A_744 = tpu.memref_squeeze %dma_start3A_743 : memref<1x104x256xf32, #tpu.memory_space<vmem>> -> memref<104x256xf32, #tpu.memory_space<vmem>>
    %dma_start3A_745 = arith.constant 0 : i32
    %dma_start3A_746 = tpu.memref_slice %arg5[%dma_start3A_739, %dma_start3A_745] : memref<26x104xi32, #tpu.memory_space<vmem>> -> memref<1x104xi32, #tpu.memory_space<vmem>>
    %dma_start3A_747 = tpu.memref_squeeze %dma_start3A_746 : memref<1x104xi32, #tpu.memory_space<vmem>> -> memref<104xi32, #tpu.memory_space<vmem>>
    %dma_start3A_748 = arith.constant 0 : i32
    %dma_start3A_749 = arith.constant 0 : i32
    %dma_start3A_750 = tpu.memref_slice %arg2[%dma_start3A_748, %dma_start3A_749] : memref<240x256xf32, #tpu.memory_space<hbm>> -> memref<240x256xf32, #tpu.memory_space<hbm>>
    tpu.enqueue_indirect_dma source(%dma_start3A_750 : memref<240x256xf32, #tpu.memory_space<hbm>>) target(%dma_start3A_744 : memref<104x256xf32, #tpu.memory_space<vmem>>) offsets(%dma_start3A_747 : memref<104xi32, #tpu.memory_space<vmem>>) semaphore(%arg10 : memref<!tpu.dma_semaphore, #tpu.memory_space<semaphore_mem>>)
    %dma_wait3A_751 = arith.constant 13 : i32
    %dma_wait3A_752 = arith.constant 1 : i32
    %dma_wait3A_753 = arith.constant 0 : i32
    %dma_wait3A_754 = arith.constant 0 : i32
    %dma_wait3A_755 = tpu.memref_slice %arg6[%dma_wait3A_752, %dma_wait3A_753, %dma_wait3A_754] : memref<4x104x256xf32, #tpu.memory_space<vmem>> -> memref<1x104x256xf32, #tpu.memory_space<vmem>>
    %dma_wait3A_756 = tpu.memref_squeeze %dma_wait3A_755 : memref<1x104x256xf32, #tpu.memory_space<vmem>> -> memref<104x256xf32, #tpu.memory_space<vmem>>
    %dma_wait3A_757 = arith.constant 0 : i32
    %dma_wait3A_758 = tpu.memref_slice %arg5[%dma_wait3A_751, %dma_wait3A_757] : memref<26x104xi32, #tpu.memory_space<vmem>> -> memref<1x104xi32, #tpu.memory_space<vmem>>
    %dma_wait3A_759 = tpu.memref_squeeze %dma_wait3A_758 : memref<1x104xi32, #tpu.memory_space<vmem>> -> memref<104xi32, #tpu.memory_space<vmem>>
    %dma_wait3A_760 = arith.constant 0 : i32
    %dma_wait3A_761 = arith.constant 0 : i32
    %dma_wait3A_762 = tpu.memref_slice %arg2[%dma_wait3A_760, %dma_wait3A_761] : memref<240x256xf32, #tpu.memory_space<hbm>> -> memref<240x256xf32, #tpu.memory_space<hbm>>
    tpu.wait_indirect_dma semaphore(%arg8 : memref<!tpu.dma_semaphore, #tpu.memory_space<semaphore_mem>>) src(%dma_wait3A_762 : memref<240x256xf32, #tpu.memory_space<hbm>>) dst(%dma_wait3A_756 : memref<104x256xf32, #tpu.memory_space<vmem>>)
    %add3A_763 = arith.constant 1352 : i32
    %add3A_764 = arith.addi %multiple_of3A, %add3A_763 : i32
    %multiple_of3A_765 = tpu.assume_multiple %add3A_764, 8 : i32
    %dma_start3A_766 = arith.constant 1 : i32
    %dma_start3A_767 = arith.constant 0 : i32
    %dma_start3A_768 = arith.constant 0 : i32
    %dma_start3A_769 = tpu.memref_slice %arg6[%dma_start3A_766, %dma_start3A_767, %dma_start3A_768] : memref<4x104x256xf32, #tpu.memory_space<vmem>> -> memref<1x104x256xf32, #tpu.memory_space<vmem>>
    %dma_start3A_770 = tpu.memref_squeeze %dma_start3A_769 : memref<1x104x256xf32, #tpu.memory_space<vmem>> -> memref<104x256xf32, #tpu.memory_space<vmem>>
    %dma_start3A_771 = arith.constant 0 : i32
    %dma_start3A_772 = tpu.memref_slice %arg4[%multiple_of3A_765, %dma_start3A_771] : memref<160000x256xf32, #tpu.memory_space<hbm>> -> memref<104x256xf32, #tpu.memory_space<hbm>>
    %dma_start3A_773 = arith.constant 0 : i32
    %dma_start3A_774 = tpu.memref_slice %arg4[%multiple_of3A_765, %dma_start3A_773] : memref<160000x256xf32, #tpu.memory_space<hbm>> -> memref<104x256xf32, #tpu.memory_space<hbm>>
    %dma_start3A_775 = arith.constant 0 : i32
    %dma_start3A_776 = arith.constant 0 : i32
    %dma_start3A_777 = tpu.memref_slice %arg6[%dma_start3A_766, %dma_start3A_775, %dma_start3A_776] : memref<4x104x256xf32, #tpu.memory_space<vmem>> -> memref<1x104x256xf32, #tpu.memory_space<vmem>>
    %dma_start3A_778 = tpu.memref_squeeze %dma_start3A_777 : memref<1x104x256xf32, #tpu.memory_space<vmem>> -> memref<104x256xf32, #tpu.memory_space<vmem>>
    tpu.enqueue_dma source(%dma_start3A_778 : memref<104x256xf32, #tpu.memory_space<vmem>>) target(%dma_start3A_774 : memref<104x256xf32, #tpu.memory_space<hbm>>) target_semaphore(%arg12 : memref<!tpu.dma_semaphore, #tpu.memory_space<semaphore_mem>>)
    %add3A_779 = arith.constant 1248 : i32
    %add3A_780 = arith.addi %multiple_of3A, %add3A_779 : i32
    %multiple_of3A_781 = tpu.assume_multiple %add3A_780, 8 : i32
    %dma_wait3A_782 = arith.constant 0 : i32
    %dma_wait3A_783 = arith.constant 0 : i32
    %dma_wait3A_784 = arith.constant 0 : i32
    %dma_wait3A_785 = tpu.memref_slice %arg6[%dma_wait3A_782, %dma_wait3A_783, %dma_wait3A_784] : memref<4x104x256xf32, #tpu.memory_space<vmem>> -> memref<1x104x256xf32, #tpu.memory_space<vmem>>
    %dma_wait3A_786 = tpu.memref_squeeze %dma_wait3A_785 : memref<1x104x256xf32, #tpu.memory_space<vmem>> -> memref<104x256xf32, #tpu.memory_space<vmem>>
    %dma_wait3A_787 = arith.constant 0 : i32
    %dma_wait3A_788 = tpu.memref_slice %arg4[%multiple_of3A_781, %dma_wait3A_787] : memref<160000x256xf32, #tpu.memory_space<hbm>> -> memref<104x256xf32, #tpu.memory_space<hbm>>
    %dma_wait3A_789 = arith.constant 0 : i32
    %dma_wait3A_790 = tpu.memref_slice %arg4[%multiple_of3A_781, %dma_wait3A_789] : memref<160000x256xf32, #tpu.memory_space<hbm>> -> memref<104x256xf32, #tpu.memory_space<hbm>>
    %dma_wait3A_791 = arith.constant 0 : i32
    %dma_wait3A_792 = arith.constant 0 : i32
    %dma_wait3A_793 = tpu.memref_slice %arg6[%dma_wait3A_782, %dma_wait3A_791, %dma_wait3A_792] : memref<4x104x256xf32, #tpu.memory_space<vmem>> -> memref<1x104x256xf32, #tpu.memory_space<vmem>>
    %dma_wait3A_794 = tpu.memref_squeeze %dma_wait3A_793 : memref<1x104x256xf32, #tpu.memory_space<vmem>> -> memref<104x256xf32, #tpu.memory_space<vmem>>
    tpu.wait_dma2 semaphore(%arg11 : memref<!tpu.dma_semaphore, #tpu.memory_space<semaphore_mem>>) src(%dma_wait3A_794 : memref<104x256xf32, #tpu.memory_space<vmem>>) dst(%dma_wait3A_790 : memref<104x256xf32, #tpu.memory_space<hbm>>)
    %dma_start3A_795 = arith.constant 16 : i32
    %dma_start3A_796 = arith.constant 0 : i32
    %dma_start3A_797 = arith.constant 0 : i32
    %dma_start3A_798 = arith.constant 0 : i32
    %dma_start3A_799 = tpu.memref_slice %arg6[%dma_start3A_796, %dma_start3A_797, %dma_start3A_798] : memref<4x104x256xf32, #tpu.memory_space<vmem>> -> memref<1x104x256xf32, #tpu.memory_space<vmem>>
    %dma_start3A_800 = tpu.memref_squeeze %dma_start3A_799 : memref<1x104x256xf32, #tpu.memory_space<vmem>> -> memref<104x256xf32, #tpu.memory_space<vmem>>
    %dma_start3A_801 = arith.constant 0 : i32
    %dma_start3A_802 = tpu.memref_slice %arg5[%dma_start3A_795, %dma_start3A_801] : memref<26x104xi32, #tpu.memory_space<vmem>> -> memref<1x104xi32, #tpu.memory_space<vmem>>
    %dma_start3A_803 = tpu.memref_squeeze %dma_start3A_802 : memref<1x104xi32, #tpu.memory_space<vmem>> -> memref<104xi32, #tpu.memory_space<vmem>>
    %dma_start3A_804 = arith.constant 0 : i32
    %dma_start3A_805 = arith.constant 0 : i32
    %dma_start3A_806 = tpu.memref_slice %arg2[%dma_start3A_804, %dma_start3A_805] : memref<240x256xf32, #tpu.memory_space<hbm>> -> memref<240x256xf32, #tpu.memory_space<hbm>>
    tpu.enqueue_indirect_dma source(%dma_start3A_806 : memref<240x256xf32, #tpu.memory_space<hbm>>) target(%dma_start3A_800 : memref<104x256xf32, #tpu.memory_space<vmem>>) offsets(%dma_start3A_803 : memref<104xi32, #tpu.memory_space<vmem>>) semaphore(%arg7 : memref<!tpu.dma_semaphore, #tpu.memory_space<semaphore_mem>>)
    %dma_wait3A_807 = arith.constant 14 : i32
    %dma_wait3A_808 = arith.constant 2 : i32
    %dma_wait3A_809 = arith.constant 0 : i32
    %dma_wait3A_810 = arith.constant 0 : i32
    %dma_wait3A_811 = tpu.memref_slice %arg6[%dma_wait3A_808, %dma_wait3A_809, %dma_wait3A_810] : memref<4x104x256xf32, #tpu.memory_space<vmem>> -> memref<1x104x256xf32, #tpu.memory_space<vmem>>
    %dma_wait3A_812 = tpu.memref_squeeze %dma_wait3A_811 : memref<1x104x256xf32, #tpu.memory_space<vmem>> -> memref<104x256xf32, #tpu.memory_space<vmem>>
    %dma_wait3A_813 = arith.constant 0 : i32
    %dma_wait3A_814 = tpu.memref_slice %arg5[%dma_wait3A_807, %dma_wait3A_813] : memref<26x104xi32, #tpu.memory_space<vmem>> -> memref<1x104xi32, #tpu.memory_space<vmem>>
    %dma_wait3A_815 = tpu.memref_squeeze %dma_wait3A_814 : memref<1x104xi32, #tpu.memory_space<vmem>> -> memref<104xi32, #tpu.memory_space<vmem>>
    %dma_wait3A_816 = arith.constant 0 : i32
    %dma_wait3A_817 = arith.constant 0 : i32
    %dma_wait3A_818 = tpu.memref_slice %arg2[%dma_wait3A_816, %dma_wait3A_817] : memref<240x256xf32, #tpu.memory_space<hbm>> -> memref<240x256xf32, #tpu.memory_space<hbm>>
    tpu.wait_indirect_dma semaphore(%arg9 : memref<!tpu.dma_semaphore, #tpu.memory_space<semaphore_mem>>) src(%dma_wait3A_818 : memref<240x256xf32, #tpu.memory_space<hbm>>) dst(%dma_wait3A_812 : memref<104x256xf32, #tpu.memory_space<vmem>>)
    %add3A_819 = arith.constant 1456 : i32
    %add3A_820 = arith.addi %multiple_of3A, %add3A_819 : i32
    %multiple_of3A_821 = tpu.assume_multiple %add3A_820, 8 : i32
    %dma_start3A_822 = arith.constant 2 : i32
    %dma_start3A_823 = arith.constant 0 : i32
    %dma_start3A_824 = arith.constant 0 : i32
    %dma_start3A_825 = tpu.memref_slice %arg6[%dma_start3A_822, %dma_start3A_823, %dma_start3A_824] : memref<4x104x256xf32, #tpu.memory_space<vmem>> -> memref<1x104x256xf32, #tpu.memory_space<vmem>>
    %dma_start3A_826 = tpu.memref_squeeze %dma_start3A_825 : memref<1x104x256xf32, #tpu.memory_space<vmem>> -> memref<104x256xf32, #tpu.memory_space<vmem>>
    %dma_start3A_827 = arith.constant 0 : i32
    %dma_start3A_828 = tpu.memref_slice %arg4[%multiple_of3A_821, %dma_start3A_827] : memref<160000x256xf32, #tpu.memory_space<hbm>> -> memref<104x256xf32, #tpu.memory_space<hbm>>
    %dma_start3A_829 = arith.constant 0 : i32
    %dma_start3A_830 = tpu.memref_slice %arg4[%multiple_of3A_821, %dma_start3A_829] : memref<160000x256xf32, #tpu.memory_space<hbm>> -> memref<104x256xf32, #tpu.memory_space<hbm>>
    %dma_start3A_831 = arith.constant 0 : i32
    %dma_start3A_832 = arith.constant 0 : i32
    %dma_start3A_833 = tpu.memref_slice %arg6[%dma_start3A_822, %dma_start3A_831, %dma_start3A_832] : memref<4x104x256xf32, #tpu.memory_space<vmem>> -> memref<1x104x256xf32, #tpu.memory_space<vmem>>
    %dma_start3A_834 = tpu.memref_squeeze %dma_start3A_833 : memref<1x104x256xf32, #tpu.memory_space<vmem>> -> memref<104x256xf32, #tpu.memory_space<vmem>>
    tpu.enqueue_dma source(%dma_start3A_834 : memref<104x256xf32, #tpu.memory_space<vmem>>) target(%dma_start3A_830 : memref<104x256xf32, #tpu.memory_space<hbm>>) target_semaphore(%arg13 : memref<!tpu.dma_semaphore, #tpu.memory_space<semaphore_mem>>)
    %add3A_835 = arith.constant 1352 : i32
    %add3A_836 = arith.addi %multiple_of3A, %add3A_835 : i32
    %multiple_of3A_837 = tpu.assume_multiple %add3A_836, 8 : i32
    %dma_wait3A_838 = arith.constant 1 : i32
    %dma_wait3A_839 = arith.constant 0 : i32
    %dma_wait3A_840 = arith.constant 0 : i32
    %dma_wait3A_841 = tpu.memref_slice %arg6[%dma_wait3A_838, %dma_wait3A_839, %dma_wait3A_840] : memref<4x104x256xf32, #tpu.memory_space<vmem>> -> memref<1x104x256xf32, #tpu.memory_space<vmem>>
    %dma_wait3A_842 = tpu.memref_squeeze %dma_wait3A_841 : memref<1x104x256xf32, #tpu.memory_space<vmem>> -> memref<104x256xf32, #tpu.memory_space<vmem>>
    %dma_wait3A_843 = arith.constant 0 : i32
    %dma_wait3A_844 = tpu.memref_slice %arg4[%multiple_of3A_837, %dma_wait3A_843] : memref<160000x256xf32, #tpu.memory_space<hbm>> -> memref<104x256xf32, #tpu.memory_space<hbm>>
    %dma_wait3A_845 = arith.constant 0 : i32
    %dma_wait3A_846 = tpu.memref_slice %arg4[%multiple_of3A_837, %dma_wait3A_845] : memref<160000x256xf32, #tpu.memory_space<hbm>> -> memref<104x256xf32, #tpu.memory_space<hbm>>
    %dma_wait3A_847 = arith.constant 0 : i32
    %dma_wait3A_848 = arith.constant 0 : i32
    %dma_wait3A_849 = tpu.memref_slice %arg6[%dma_wait3A_838, %dma_wait3A_847, %dma_wait3A_848] : memref<4x104x256xf32, #tpu.memory_space<vmem>> -> memref<1x104x256xf32, #tpu.memory_space<vmem>>
    %dma_wait3A_850 = tpu.memref_squeeze %dma_wait3A_849 : memref<1x104x256xf32, #tpu.memory_space<vmem>> -> memref<104x256xf32, #tpu.memory_space<vmem>>
    tpu.wait_dma2 semaphore(%arg12 : memref<!tpu.dma_semaphore, #tpu.memory_space<semaphore_mem>>) src(%dma_wait3A_850 : memref<104x256xf32, #tpu.memory_space<vmem>>) dst(%dma_wait3A_846 : memref<104x256xf32, #tpu.memory_space<hbm>>)
    %dma_start3A_851 = arith.constant 17 : i32
    %dma_start3A_852 = arith.constant 1 : i32
    %dma_start3A_853 = arith.constant 0 : i32
    %dma_start3A_854 = arith.constant 0 : i32
    %dma_start3A_855 = tpu.memref_slice %arg6[%dma_start3A_852, %dma_start3A_853, %dma_start3A_854] : memref<4x104x256xf32, #tpu.memory_space<vmem>> -> memref<1x104x256xf32, #tpu.memory_space<vmem>>
    %dma_start3A_856 = tpu.memref_squeeze %dma_start3A_855 : memref<1x104x256xf32, #tpu.memory_space<vmem>> -> memref<104x256xf32, #tpu.memory_space<vmem>>
    %dma_start3A_857 = arith.constant 0 : i32
    %dma_start3A_858 = tpu.memref_slice %arg5[%dma_start3A_851, %dma_start3A_857] : memref<26x104xi32, #tpu.memory_space<vmem>> -> memref<1x104xi32, #tpu.memory_space<vmem>>
    %dma_start3A_859 = tpu.memref_squeeze %dma_start3A_858 : memref<1x104xi32, #tpu.memory_space<vmem>> -> memref<104xi32, #tpu.memory_space<vmem>>
    %dma_start3A_860 = arith.constant 0 : i32
    %dma_start3A_861 = arith.constant 0 : i32
    %dma_start3A_862 = tpu.memref_slice %arg2[%dma_start3A_860, %dma_start3A_861] : memref<240x256xf32, #tpu.memory_space<hbm>> -> memref<240x256xf32, #tpu.memory_space<hbm>>
    tpu.enqueue_indirect_dma source(%dma_start3A_862 : memref<240x256xf32, #tpu.memory_space<hbm>>) target(%dma_start3A_856 : memref<104x256xf32, #tpu.memory_space<vmem>>) offsets(%dma_start3A_859 : memref<104xi32, #tpu.memory_space<vmem>>) semaphore(%arg8 : memref<!tpu.dma_semaphore, #tpu.memory_space<semaphore_mem>>)
    %dma_wait3A_863 = arith.constant 15 : i32
    %dma_wait3A_864 = arith.constant 3 : i32
    %dma_wait3A_865 = arith.constant 0 : i32
    %dma_wait3A_866 = arith.constant 0 : i32
    %dma_wait3A_867 = tpu.memref_slice %arg6[%dma_wait3A_864, %dma_wait3A_865, %dma_wait3A_866] : memref<4x104x256xf32, #tpu.memory_space<vmem>> -> memref<1x104x256xf32, #tpu.memory_space<vmem>>
    %dma_wait3A_868 = tpu.memref_squeeze %dma_wait3A_867 : memref<1x104x256xf32, #tpu.memory_space<vmem>> -> memref<104x256xf32, #tpu.memory_space<vmem>>
    %dma_wait3A_869 = arith.constant 0 : i32
    %dma_wait3A_870 = tpu.memref_slice %arg5[%dma_wait3A_863, %dma_wait3A_869] : memref<26x104xi32, #tpu.memory_space<vmem>> -> memref<1x104xi32, #tpu.memory_space<vmem>>
    %dma_wait3A_871 = tpu.memref_squeeze %dma_wait3A_870 : memref<1x104xi32, #tpu.memory_space<vmem>> -> memref<104xi32, #tpu.memory_space<vmem>>
    %dma_wait3A_872 = arith.constant 0 : i32
    %dma_wait3A_873 = arith.constant 0 : i32
    %dma_wait3A_874 = tpu.memref_slice %arg2[%dma_wait3A_872, %dma_wait3A_873] : memref<240x256xf32, #tpu.memory_space<hbm>> -> memref<240x256xf32, #tpu.memory_space<hbm>>
    tpu.wait_indirect_dma semaphore(%arg10 : memref<!tpu.dma_semaphore, #tpu.memory_space<semaphore_mem>>) src(%dma_wait3A_874 : memref<240x256xf32, #tpu.memory_space<hbm>>) dst(%dma_wait3A_868 : memref<104x256xf32, #tpu.memory_space<vmem>>)
    %add3A_875 = arith.constant 1560 : i32
    %add3A_876 = arith.addi %multiple_of3A, %add3A_875 : i32
    %multiple_of3A_877 = tpu.assume_multiple %add3A_876, 8 : i32
    %dma_start3A_878 = arith.constant 3 : i32
    %dma_start3A_879 = arith.constant 0 : i32
    %dma_start3A_880 = arith.constant 0 : i32
    %dma_start3A_881 = tpu.memref_slice %arg6[%dma_start3A_878, %dma_start3A_879, %dma_start3A_880] : memref<4x104x256xf32, #tpu.memory_space<vmem>> -> memref<1x104x256xf32, #tpu.memory_space<vmem>>
    %dma_start3A_882 = tpu.memref_squeeze %dma_start3A_881 : memref<1x104x256xf32, #tpu.memory_space<vmem>> -> memref<104x256xf32, #tpu.memory_space<vmem>>
    %dma_start3A_883 = arith.constant 0 : i32
    %dma_start3A_884 = tpu.memref_slice %arg4[%multiple_of3A_877, %dma_start3A_883] : memref<160000x256xf32, #tpu.memory_space<hbm>> -> memref<104x256xf32, #tpu.memory_space<hbm>>
    %dma_start3A_885 = arith.constant 0 : i32
    %dma_start3A_886 = tpu.memref_slice %arg4[%multiple_of3A_877, %dma_start3A_885] : memref<160000x256xf32, #tpu.memory_space<hbm>> -> memref<104x256xf32, #tpu.memory_space<hbm>>
    %dma_start3A_887 = arith.constant 0 : i32
    %dma_start3A_888 = arith.constant 0 : i32
    %dma_start3A_889 = tpu.memref_slice %arg6[%dma_start3A_878, %dma_start3A_887, %dma_start3A_888] : memref<4x104x256xf32, #tpu.memory_space<vmem>> -> memref<1x104x256xf32, #tpu.memory_space<vmem>>
    %dma_start3A_890 = tpu.memref_squeeze %dma_start3A_889 : memref<1x104x256xf32, #tpu.memory_space<vmem>> -> memref<104x256xf32, #tpu.memory_space<vmem>>
    tpu.enqueue_dma source(%dma_start3A_890 : memref<104x256xf32, #tpu.memory_space<vmem>>) target(%dma_start3A_886 : memref<104x256xf32, #tpu.memory_space<hbm>>) target_semaphore(%arg14 : memref<!tpu.dma_semaphore, #tpu.memory_space<semaphore_mem>>)
    %add3A_891 = arith.constant 1456 : i32
    %add3A_892 = arith.addi %multiple_of3A, %add3A_891 : i32
    %multiple_of3A_893 = tpu.assume_multiple %add3A_892, 8 : i32
    %dma_wait3A_894 = arith.constant 2 : i32
    %dma_wait3A_895 = arith.constant 0 : i32
    %dma_wait3A_896 = arith.constant 0 : i32
    %dma_wait3A_897 = tpu.memref_slice %arg6[%dma_wait3A_894, %dma_wait3A_895, %dma_wait3A_896] : memref<4x104x256xf32, #tpu.memory_space<vmem>> -> memref<1x104x256xf32, #tpu.memory_space<vmem>>
    %dma_wait3A_898 = tpu.memref_squeeze %dma_wait3A_897 : memref<1x104x256xf32, #tpu.memory_space<vmem>> -> memref<104x256xf32, #tpu.memory_space<vmem>>
    %dma_wait3A_899 = arith.constant 0 : i32
    %dma_wait3A_900 = tpu.memref_slice %arg4[%multiple_of3A_893, %dma_wait3A_899] : memref<160000x256xf32, #tpu.memory_space<hbm>> -> memref<104x256xf32, #tpu.memory_space<hbm>>
    %dma_wait3A_901 = arith.constant 0 : i32
    %dma_wait3A_902 = tpu.memref_slice %arg4[%multiple_of3A_893, %dma_wait3A_901] : memref<160000x256xf32, #tpu.memory_space<hbm>> -> memref<104x256xf32, #tpu.memory_space<hbm>>
    %dma_wait3A_903 = arith.constant 0 : i32
    %dma_wait3A_904 = arith.constant 0 : i32
    %dma_wait3A_905 = tpu.memref_slice %arg6[%dma_wait3A_894, %dma_wait3A_903, %dma_wait3A_904] : memref<4x104x256xf32, #tpu.memory_space<vmem>> -> memref<1x104x256xf32, #tpu.memory_space<vmem>>
    %dma_wait3A_906 = tpu.memref_squeeze %dma_wait3A_905 : memref<1x104x256xf32, #tpu.memory_space<vmem>> -> memref<104x256xf32, #tpu.memory_space<vmem>>
    tpu.wait_dma2 semaphore(%arg13 : memref<!tpu.dma_semaphore, #tpu.memory_space<semaphore_mem>>) src(%dma_wait3A_906 : memref<104x256xf32, #tpu.memory_space<vmem>>) dst(%dma_wait3A_902 : memref<104x256xf32, #tpu.memory_space<hbm>>)
    %dma_start3A_907 = arith.constant 18 : i32
    %dma_start3A_908 = arith.constant 2 : i32
    %dma_start3A_909 = arith.constant 0 : i32
    %dma_start3A_910 = arith.constant 0 : i32
    %dma_start3A_911 = tpu.memref_slice %arg6[%dma_start3A_908, %dma_start3A_909, %dma_start3A_910] : memref<4x104x256xf32, #tpu.memory_space<vmem>> -> memref<1x104x256xf32, #tpu.memory_space<vmem>>
    %dma_start3A_912 = tpu.memref_squeeze %dma_start3A_911 : memref<1x104x256xf32, #tpu.memory_space<vmem>> -> memref<104x256xf32, #tpu.memory_space<vmem>>
    %dma_start3A_913 = arith.constant 0 : i32
    %dma_start3A_914 = tpu.memref_slice %arg5[%dma_start3A_907, %dma_start3A_913] : memref<26x104xi32, #tpu.memory_space<vmem>> -> memref<1x104xi32, #tpu.memory_space<vmem>>
    %dma_start3A_915 = tpu.memref_squeeze %dma_start3A_914 : memref<1x104xi32, #tpu.memory_space<vmem>> -> memref<104xi32, #tpu.memory_space<vmem>>
    %dma_start3A_916 = arith.constant 0 : i32
    %dma_start3A_917 = arith.constant 0 : i32
    %dma_start3A_918 = tpu.memref_slice %arg2[%dma_start3A_916, %dma_start3A_917] : memref<240x256xf32, #tpu.memory_space<hbm>> -> memref<240x256xf32, #tpu.memory_space<hbm>>
    tpu.enqueue_indirect_dma source(%dma_start3A_918 : memref<240x256xf32, #tpu.memory_space<hbm>>) target(%dma_start3A_912 : memref<104x256xf32, #tpu.memory_space<vmem>>) offsets(%dma_start3A_915 : memref<104xi32, #tpu.memory_space<vmem>>) semaphore(%arg9 : memref<!tpu.dma_semaphore, #tpu.memory_space<semaphore_mem>>)
    %dma_wait3A_919 = arith.constant 16 : i32
    %dma_wait3A_920 = arith.constant 0 : i32
    %dma_wait3A_921 = arith.constant 0 : i32
    %dma_wait3A_922 = arith.constant 0 : i32
    %dma_wait3A_923 = tpu.memref_slice %arg6[%dma_wait3A_920, %dma_wait3A_921, %dma_wait3A_922] : memref<4x104x256xf32, #tpu.memory_space<vmem>> -> memref<1x104x256xf32, #tpu.memory_space<vmem>>
    %dma_wait3A_924 = tpu.memref_squeeze %dma_wait3A_923 : memref<1x104x256xf32, #tpu.memory_space<vmem>> -> memref<104x256xf32, #tpu.memory_space<vmem>>
    %dma_wait3A_925 = arith.constant 0 : i32
    %dma_wait3A_926 = tpu.memref_slice %arg5[%dma_wait3A_919, %dma_wait3A_925] : memref<26x104xi32, #tpu.memory_space<vmem>> -> memref<1x104xi32, #tpu.memory_space<vmem>>
    %dma_wait3A_927 = tpu.memref_squeeze %dma_wait3A_926 : memref<1x104xi32, #tpu.memory_space<vmem>> -> memref<104xi32, #tpu.memory_space<vmem>>
    %dma_wait3A_928 = arith.constant 0 : i32
    %dma_wait3A_929 = arith.constant 0 : i32
    %dma_wait3A_930 = tpu.memref_slice %arg2[%dma_wait3A_928, %dma_wait3A_929] : memref<240x256xf32, #tpu.memory_space<hbm>> -> memref<240x256xf32, #tpu.memory_space<hbm>>
    tpu.wait_indirect_dma semaphore(%arg7 : memref<!tpu.dma_semaphore, #tpu.memory_space<semaphore_mem>>) src(%dma_wait3A_930 : memref<240x256xf32, #tpu.memory_space<hbm>>) dst(%dma_wait3A_924 : memref<104x256xf32, #tpu.memory_space<vmem>>)
    %add3A_931 = arith.constant 1664 : i32
    %add3A_932 = arith.addi %multiple_of3A, %add3A_931 : i32
    %multiple_of3A_933 = tpu.assume_multiple %add3A_932, 8 : i32
    %dma_start3A_934 = arith.constant 0 : i32
    %dma_start3A_935 = arith.constant 0 : i32
    %dma_start3A_936 = arith.constant 0 : i32
    %dma_start3A_937 = tpu.memref_slice %arg6[%dma_start3A_934, %dma_start3A_935, %dma_start3A_936] : memref<4x104x256xf32, #tpu.memory_space<vmem>> -> memref<1x104x256xf32, #tpu.memory_space<vmem>>
    %dma_start3A_938 = tpu.memref_squeeze %dma_start3A_937 : memref<1x104x256xf32, #tpu.memory_space<vmem>> -> memref<104x256xf32, #tpu.memory_space<vmem>>
    %dma_start3A_939 = arith.constant 0 : i32
    %dma_start3A_940 = tpu.memref_slice %arg4[%multiple_of3A_933, %dma_start3A_939] : memref<160000x256xf32, #tpu.memory_space<hbm>> -> memref<104x256xf32, #tpu.memory_space<hbm>>
    %dma_start3A_941 = arith.constant 0 : i32
    %dma_start3A_942 = tpu.memref_slice %arg4[%multiple_of3A_933, %dma_start3A_941] : memref<160000x256xf32, #tpu.memory_space<hbm>> -> memref<104x256xf32, #tpu.memory_space<hbm>>
    %dma_start3A_943 = arith.constant 0 : i32
    %dma_start3A_944 = arith.constant 0 : i32
    %dma_start3A_945 = tpu.memref_slice %arg6[%dma_start3A_934, %dma_start3A_943, %dma_start3A_944] : memref<4x104x256xf32, #tpu.memory_space<vmem>> -> memref<1x104x256xf32, #tpu.memory_space<vmem>>
    %dma_start3A_946 = tpu.memref_squeeze %dma_start3A_945 : memref<1x104x256xf32, #tpu.memory_space<vmem>> -> memref<104x256xf32, #tpu.memory_space<vmem>>
    tpu.enqueue_dma source(%dma_start3A_946 : memref<104x256xf32, #tpu.memory_space<vmem>>) target(%dma_start3A_942 : memref<104x256xf32, #tpu.memory_space<hbm>>) target_semaphore(%arg11 : memref<!tpu.dma_semaphore, #tpu.memory_space<semaphore_mem>>)
    %add3A_947 = arith.constant 1560 : i32
    %add3A_948 = arith.addi %multiple_of3A, %add3A_947 : i32
    %multiple_of3A_949 = tpu.assume_multiple %add3A_948, 8 : i32
    %dma_wait3A_950 = arith.constant 3 : i32
    %dma_wait3A_951 = arith.constant 0 : i32
    %dma_wait3A_952 = arith.constant 0 : i32
    %dma_wait3A_953 = tpu.memref_slice %arg6[%dma_wait3A_950, %dma_wait3A_951, %dma_wait3A_952] : memref<4x104x256xf32, #tpu.memory_space<vmem>> -> memref<1x104x256xf32, #tpu.memory_space<vmem>>
    %dma_wait3A_954 = tpu.memref_squeeze %dma_wait3A_953 : memref<1x104x256xf32, #tpu.memory_space<vmem>> -> memref<104x256xf32, #tpu.memory_space<vmem>>
    %dma_wait3A_955 = arith.constant 0 : i32
    %dma_wait3A_956 = tpu.memref_slice %arg4[%multiple_of3A_949, %dma_wait3A_955] : memref<160000x256xf32, #tpu.memory_space<hbm>> -> memref<104x256xf32, #tpu.memory_space<hbm>>
    %dma_wait3A_957 = arith.constant 0 : i32
    %dma_wait3A_958 = tpu.memref_slice %arg4[%multiple_of3A_949, %dma_wait3A_957] : memref<160000x256xf32, #tpu.memory_space<hbm>> -> memref<104x256xf32, #tpu.memory_space<hbm>>
    %dma_wait3A_959 = arith.constant 0 : i32
    %dma_wait3A_960 = arith.constant 0 : i32
    %dma_wait3A_961 = tpu.memref_slice %arg6[%dma_wait3A_950, %dma_wait3A_959, %dma_wait3A_960] : memref<4x104x256xf32, #tpu.memory_space<vmem>> -> memref<1x104x256xf32, #tpu.memory_space<vmem>>
    %dma_wait3A_962 = tpu.memref_squeeze %dma_wait3A_961 : memref<1x104x256xf32, #tpu.memory_space<vmem>> -> memref<104x256xf32, #tpu.memory_space<vmem>>
    tpu.wait_dma2 semaphore(%arg14 : memref<!tpu.dma_semaphore, #tpu.memory_space<semaphore_mem>>) src(%dma_wait3A_962 : memref<104x256xf32, #tpu.memory_space<vmem>>) dst(%dma_wait3A_958 : memref<104x256xf32, #tpu.memory_space<hbm>>)
    %dma_start3A_963 = arith.constant 19 : i32
    %dma_start3A_964 = arith.constant 3 : i32
    %dma_start3A_965 = arith.constant 0 : i32
    %dma_start3A_966 = arith.constant 0 : i32
    %dma_start3A_967 = tpu.memref_slice %arg6[%dma_start3A_964, %dma_start3A_965, %dma_start3A_966] : memref<4x104x256xf32, #tpu.memory_space<vmem>> -> memref<1x104x256xf32, #tpu.memory_space<vmem>>
    %dma_start3A_968 = tpu.memref_squeeze %dma_start3A_967 : memref<1x104x256xf32, #tpu.memory_space<vmem>> -> memref<104x256xf32, #tpu.memory_space<vmem>>
    %dma_start3A_969 = arith.constant 0 : i32
    %dma_start3A_970 = tpu.memref_slice %arg5[%dma_start3A_963, %dma_start3A_969] : memref<26x104xi32, #tpu.memory_space<vmem>> -> memref<1x104xi32, #tpu.memory_space<vmem>>
    %dma_start3A_971 = tpu.memref_squeeze %dma_start3A_970 : memref<1x104xi32, #tpu.memory_space<vmem>> -> memref<104xi32, #tpu.memory_space<vmem>>
    %dma_start3A_972 = arith.constant 0 : i32
    %dma_start3A_973 = arith.constant 0 : i32
    %dma_start3A_974 = tpu.memref_slice %arg2[%dma_start3A_972, %dma_start3A_973] : memref<240x256xf32, #tpu.memory_space<hbm>> -> memref<240x256xf32, #tpu.memory_space<hbm>>
    tpu.enqueue_indirect_dma source(%dma_start3A_974 : memref<240x256xf32, #tpu.memory_space<hbm>>) target(%dma_start3A_968 : memref<104x256xf32, #tpu.memory_space<vmem>>) offsets(%dma_start3A_971 : memref<104xi32, #tpu.memory_space<vmem>>) semaphore(%arg10 : memref<!tpu.dma_semaphore, #tpu.memory_space<semaphore_mem>>)
    %dma_wait3A_975 = arith.constant 17 : i32
    %dma_wait3A_976 = arith.constant 1 : i32
    %dma_wait3A_977 = arith.constant 0 : i32
    %dma_wait3A_978 = arith.constant 0 : i32
    %dma_wait3A_979 = tpu.memref_slice %arg6[%dma_wait3A_976, %dma_wait3A_977, %dma_wait3A_978] : memref<4x104x256xf32, #tpu.memory_space<vmem>> -> memref<1x104x256xf32, #tpu.memory_space<vmem>>
    %dma_wait3A_980 = tpu.memref_squeeze %dma_wait3A_979 : memref<1x104x256xf32, #tpu.memory_space<vmem>> -> memref<104x256xf32, #tpu.memory_space<vmem>>
    %dma_wait3A_981 = arith.constant 0 : i32
    %dma_wait3A_982 = tpu.memref_slice %arg5[%dma_wait3A_975, %dma_wait3A_981] : memref<26x104xi32, #tpu.memory_space<vmem>> -> memref<1x104xi32, #tpu.memory_space<vmem>>
    %dma_wait3A_983 = tpu.memref_squeeze %dma_wait3A_982 : memref<1x104xi32, #tpu.memory_space<vmem>> -> memref<104xi32, #tpu.memory_space<vmem>>
    %dma_wait3A_984 = arith.constant 0 : i32
    %dma_wait3A_985 = arith.constant 0 : i32
    %dma_wait3A_986 = tpu.memref_slice %arg2[%dma_wait3A_984, %dma_wait3A_985] : memref<240x256xf32, #tpu.memory_space<hbm>> -> memref<240x256xf32, #tpu.memory_space<hbm>>
    tpu.wait_indirect_dma semaphore(%arg8 : memref<!tpu.dma_semaphore, #tpu.memory_space<semaphore_mem>>) src(%dma_wait3A_986 : memref<240x256xf32, #tpu.memory_space<hbm>>) dst(%dma_wait3A_980 : memref<104x256xf32, #tpu.memory_space<vmem>>)
    %add3A_987 = arith.constant 1768 : i32
    %add3A_988 = arith.addi %multiple_of3A, %add3A_987 : i32
    %multiple_of3A_989 = tpu.assume_multiple %add3A_988, 8 : i32
    %dma_start3A_990 = arith.constant 1 : i32
    %dma_start3A_991 = arith.constant 0 : i32
    %dma_start3A_992 = arith.constant 0 : i32
    %dma_start3A_993 = tpu.memref_slice %arg6[%dma_start3A_990, %dma_start3A_991, %dma_start3A_992] : memref<4x104x256xf32, #tpu.memory_space<vmem>> -> memref<1x104x256xf32, #tpu.memory_space<vmem>>
    %dma_start3A_994 = tpu.memref_squeeze %dma_start3A_993 : memref<1x104x256xf32, #tpu.memory_space<vmem>> -> memref<104x256xf32, #tpu.memory_space<vmem>>
    %dma_start3A_995 = arith.constant 0 : i32
    %dma_start3A_996 = tpu.memref_slice %arg4[%multiple_of3A_989, %dma_start3A_995] : memref<160000x256xf32, #tpu.memory_space<hbm>> -> memref<104x256xf32, #tpu.memory_space<hbm>>
    %dma_start3A_997 = arith.constant 0 : i32
    %dma_start3A_998 = tpu.memref_slice %arg4[%multiple_of3A_989, %dma_start3A_997] : memref<160000x256xf32, #tpu.memory_space<hbm>> -> memref<104x256xf32, #tpu.memory_space<hbm>>
    %dma_start3A_999 = arith.constant 0 : i32
    %dma_start3A_1000 = arith.constant 0 : i32
    %dma_start3A_1001 = tpu.memref_slice %arg6[%dma_start3A_990, %dma_start3A_999, %dma_start3A_1000] : memref<4x104x256xf32, #tpu.memory_space<vmem>> -> memref<1x104x256xf32, #tpu.memory_space<vmem>>
    %dma_start3A_1002 = tpu.memref_squeeze %dma_start3A_1001 : memref<1x104x256xf32, #tpu.memory_space<vmem>> -> memref<104x256xf32, #tpu.memory_space<vmem>>
    tpu.enqueue_dma source(%dma_start3A_1002 : memref<104x256xf32, #tpu.memory_space<vmem>>) target(%dma_start3A_998 : memref<104x256xf32, #tpu.memory_space<hbm>>) target_semaphore(%arg12 : memref<!tpu.dma_semaphore, #tpu.memory_space<semaphore_mem>>)
    %add3A_1003 = arith.constant 1664 : i32
    %add3A_1004 = arith.addi %multiple_of3A, %add3A_1003 : i32
    %multiple_of3A_1005 = tpu.assume_multiple %add3A_1004, 8 : i32
    %dma_wait3A_1006 = arith.constant 0 : i32
    %dma_wait3A_1007 = arith.constant 0 : i32
    %dma_wait3A_1008 = arith.constant 0 : i32
    %dma_wait3A_1009 = tpu.memref_slice %arg6[%dma_wait3A_1006, %dma_wait3A_1007, %dma_wait3A_1008] : memref<4x104x256xf32, #tpu.memory_space<vmem>> -> memref<1x104x256xf32, #tpu.memory_space<vmem>>
    %dma_wait3A_1010 = tpu.memref_squeeze %dma_wait3A_1009 : memref<1x104x256xf32, #tpu.memory_space<vmem>> -> memref<104x256xf32, #tpu.memory_space<vmem>>
    %dma_wait3A_1011 = arith.constant 0 : i32
    %dma_wait3A_1012 = tpu.memref_slice %arg4[%multiple_of3A_1005, %dma_wait3A_1011] : memref<160000x256xf32, #tpu.memory_space<hbm>> -> memref<104x256xf32, #tpu.memory_space<hbm>>
    %dma_wait3A_1013 = arith.constant 0 : i32
    %dma_wait3A_1014 = tpu.memref_slice %arg4[%multiple_of3A_1005, %dma_wait3A_1013] : memref<160000x256xf32, #tpu.memory_space<hbm>> -> memref<104x256xf32, #tpu.memory_space<hbm>>
    %dma_wait3A_1015 = arith.constant 0 : i32
    %dma_wait3A_1016 = arith.constant 0 : i32
    %dma_wait3A_1017 = tpu.memref_slice %arg6[%dma_wait3A_1006, %dma_wait3A_1015, %dma_wait3A_1016] : memref<4x104x256xf32, #tpu.memory_space<vmem>> -> memref<1x104x256xf32, #tpu.memory_space<vmem>>
    %dma_wait3A_1018 = tpu.memref_squeeze %dma_wait3A_1017 : memref<1x104x256xf32, #tpu.memory_space<vmem>> -> memref<104x256xf32, #tpu.memory_space<vmem>>
    tpu.wait_dma2 semaphore(%arg11 : memref<!tpu.dma_semaphore, #tpu.memory_space<semaphore_mem>>) src(%dma_wait3A_1018 : memref<104x256xf32, #tpu.memory_space<vmem>>) dst(%dma_wait3A_1014 : memref<104x256xf32, #tpu.memory_space<hbm>>)
    %dma_start3A_1019 = arith.constant 20 : i32
    %dma_start3A_1020 = arith.constant 0 : i32
    %dma_start3A_1021 = arith.constant 0 : i32
    %dma_start3A_1022 = arith.constant 0 : i32
    %dma_start3A_1023 = tpu.memref_slice %arg6[%dma_start3A_1020, %dma_start3A_1021, %dma_start3A_1022] : memref<4x104x256xf32, #tpu.memory_space<vmem>> -> memref<1x104x256xf32, #tpu.memory_space<vmem>>
    %dma_start3A_1024 = tpu.memref_squeeze %dma_start3A_1023 : memref<1x104x256xf32, #tpu.memory_space<vmem>> -> memref<104x256xf32, #tpu.memory_space<vmem>>
    %dma_start3A_1025 = arith.constant 0 : i32
    %dma_start3A_1026 = tpu.memref_slice %arg5[%dma_start3A_1019, %dma_start3A_1025] : memref<26x104xi32, #tpu.memory_space<vmem>> -> memref<1x104xi32, #tpu.memory_space<vmem>>
    %dma_start3A_1027 = tpu.memref_squeeze %dma_start3A_1026 : memref<1x104xi32, #tpu.memory_space<vmem>> -> memref<104xi32, #tpu.memory_space<vmem>>
    %dma_start3A_1028 = arith.constant 0 : i32
    %dma_start3A_1029 = arith.constant 0 : i32
    %dma_start3A_1030 = tpu.memref_slice %arg2[%dma_start3A_1028, %dma_start3A_1029] : memref<240x256xf32, #tpu.memory_space<hbm>> -> memref<240x256xf32, #tpu.memory_space<hbm>>
    tpu.enqueue_indirect_dma source(%dma_start3A_1030 : memref<240x256xf32, #tpu.memory_space<hbm>>) target(%dma_start3A_1024 : memref<104x256xf32, #tpu.memory_space<vmem>>) offsets(%dma_start3A_1027 : memref<104xi32, #tpu.memory_space<vmem>>) semaphore(%arg7 : memref<!tpu.dma_semaphore, #tpu.memory_space<semaphore_mem>>)
    %dma_wait3A_1031 = arith.constant 18 : i32
    %dma_wait3A_1032 = arith.constant 2 : i32
    %dma_wait3A_1033 = arith.constant 0 : i32
    %dma_wait3A_1034 = arith.constant 0 : i32
    %dma_wait3A_1035 = tpu.memref_slice %arg6[%dma_wait3A_1032, %dma_wait3A_1033, %dma_wait3A_1034] : memref<4x104x256xf32, #tpu.memory_space<vmem>> -> memref<1x104x256xf32, #tpu.memory_space<vmem>>
    %dma_wait3A_1036 = tpu.memref_squeeze %dma_wait3A_1035 : memref<1x104x256xf32, #tpu.memory_space<vmem>> -> memref<104x256xf32, #tpu.memory_space<vmem>>
    %dma_wait3A_1037 = arith.constant 0 : i32
    %dma_wait3A_1038 = tpu.memref_slice %arg5[%dma_wait3A_1031, %dma_wait3A_1037] : memref<26x104xi32, #tpu.memory_space<vmem>> -> memref<1x104xi32, #tpu.memory_space<vmem>>
    %dma_wait3A_1039 = tpu.memref_squeeze %dma_wait3A_1038 : memref<1x104xi32, #tpu.memory_space<vmem>> -> memref<104xi32, #tpu.memory_space<vmem>>
    %dma_wait3A_1040 = arith.constant 0 : i32
    %dma_wait3A_1041 = arith.constant 0 : i32
    %dma_wait3A_1042 = tpu.memref_slice %arg2[%dma_wait3A_1040, %dma_wait3A_1041] : memref<240x256xf32, #tpu.memory_space<hbm>> -> memref<240x256xf32, #tpu.memory_space<hbm>>
    tpu.wait_indirect_dma semaphore(%arg9 : memref<!tpu.dma_semaphore, #tpu.memory_space<semaphore_mem>>) src(%dma_wait3A_1042 : memref<240x256xf32, #tpu.memory_space<hbm>>) dst(%dma_wait3A_1036 : memref<104x256xf32, #tpu.memory_space<vmem>>)
    %add3A_1043 = arith.constant 1872 : i32
    %add3A_1044 = arith.addi %multiple_of3A, %add3A_1043 : i32
    %multiple_of3A_1045 = tpu.assume_multiple %add3A_1044, 8 : i32
    %dma_start3A_1046 = arith.constant 2 : i32
    %dma_start3A_1047 = arith.constant 0 : i32
    %dma_start3A_1048 = arith.constant 0 : i32
    %dma_start3A_1049 = tpu.memref_slice %arg6[%dma_start3A_1046, %dma_start3A_1047, %dma_start3A_1048] : memref<4x104x256xf32, #tpu.memory_space<vmem>> -> memref<1x104x256xf32, #tpu.memory_space<vmem>>
    %dma_start3A_1050 = tpu.memref_squeeze %dma_start3A_1049 : memref<1x104x256xf32, #tpu.memory_space<vmem>> -> memref<104x256xf32, #tpu.memory_space<vmem>>
    %dma_start3A_1051 = arith.constant 0 : i32
    %dma_start3A_1052 = tpu.memref_slice %arg4[%multiple_of3A_1045, %dma_start3A_1051] : memref<160000x256xf32, #tpu.memory_space<hbm>> -> memref<104x256xf32, #tpu.memory_space<hbm>>
    %dma_start3A_1053 = arith.constant 0 : i32
    %dma_start3A_1054 = tpu.memref_slice %arg4[%multiple_of3A_1045, %dma_start3A_1053] : memref<160000x256xf32, #tpu.memory_space<hbm>> -> memref<104x256xf32, #tpu.memory_space<hbm>>
    %dma_start3A_1055 = arith.constant 0 : i32
    %dma_start3A_1056 = arith.constant 0 : i32
    %dma_start3A_1057 = tpu.memref_slice %arg6[%dma_start3A_1046, %dma_start3A_1055, %dma_start3A_1056] : memref<4x104x256xf32, #tpu.memory_space<vmem>> -> memref<1x104x256xf32, #tpu.memory_space<vmem>>
    %dma_start3A_1058 = tpu.memref_squeeze %dma_start3A_1057 : memref<1x104x256xf32, #tpu.memory_space<vmem>> -> memref<104x256xf32, #tpu.memory_space<vmem>>
    tpu.enqueue_dma source(%dma_start3A_1058 : memref<104x256xf32, #tpu.memory_space<vmem>>) target(%dma_start3A_1054 : memref<104x256xf32, #tpu.memory_space<hbm>>) target_semaphore(%arg13 : memref<!tpu.dma_semaphore, #tpu.memory_space<semaphore_mem>>)
    %add3A_1059 = arith.constant 1768 : i32
    %add3A_1060 = arith.addi %multiple_of3A, %add3A_1059 : i32
    %multiple_of3A_1061 = tpu.assume_multiple %add3A_1060, 8 : i32
    %dma_wait3A_1062 = arith.constant 1 : i32
    %dma_wait3A_1063 = arith.constant 0 : i32
    %dma_wait3A_1064 = arith.constant 0 : i32
    %dma_wait3A_1065 = tpu.memref_slice %arg6[%dma_wait3A_1062, %dma_wait3A_1063, %dma_wait3A_1064] : memref<4x104x256xf32, #tpu.memory_space<vmem>> -> memref<1x104x256xf32, #tpu.memory_space<vmem>>
    %dma_wait3A_1066 = tpu.memref_squeeze %dma_wait3A_1065 : memref<1x104x256xf32, #tpu.memory_space<vmem>> -> memref<104x256xf32, #tpu.memory_space<vmem>>
    %dma_wait3A_1067 = arith.constant 0 : i32
    %dma_wait3A_1068 = tpu.memref_slice %arg4[%multiple_of3A_1061, %dma_wait3A_1067] : memref<160000x256xf32, #tpu.memory_space<hbm>> -> memref<104x256xf32, #tpu.memory_space<hbm>>
    %dma_wait3A_1069 = arith.constant 0 : i32
    %dma_wait3A_1070 = tpu.memref_slice %arg4[%multiple_of3A_1061, %dma_wait3A_1069] : memref<160000x256xf32, #tpu.memory_space<hbm>> -> memref<104x256xf32, #tpu.memory_space<hbm>>
    %dma_wait3A_1071 = arith.constant 0 : i32
    %dma_wait3A_1072 = arith.constant 0 : i32
    %dma_wait3A_1073 = tpu.memref_slice %arg6[%dma_wait3A_1062, %dma_wait3A_1071, %dma_wait3A_1072] : memref<4x104x256xf32, #tpu.memory_space<vmem>> -> memref<1x104x256xf32, #tpu.memory_space<vmem>>
    %dma_wait3A_1074 = tpu.memref_squeeze %dma_wait3A_1073 : memref<1x104x256xf32, #tpu.memory_space<vmem>> -> memref<104x256xf32, #tpu.memory_space<vmem>>
    tpu.wait_dma2 semaphore(%arg12 : memref<!tpu.dma_semaphore, #tpu.memory_space<semaphore_mem>>) src(%dma_wait3A_1074 : memref<104x256xf32, #tpu.memory_space<vmem>>) dst(%dma_wait3A_1070 : memref<104x256xf32, #tpu.memory_space<hbm>>)
    %dma_start3A_1075 = arith.constant 21 : i32
    %dma_start3A_1076 = arith.constant 1 : i32
    %dma_start3A_1077 = arith.constant 0 : i32
    %dma_start3A_1078 = arith.constant 0 : i32
    %dma_start3A_1079 = tpu.memref_slice %arg6[%dma_start3A_1076, %dma_start3A_1077, %dma_start3A_1078] : memref<4x104x256xf32, #tpu.memory_space<vmem>> -> memref<1x104x256xf32, #tpu.memory_space<vmem>>
    %dma_start3A_1080 = tpu.memref_squeeze %dma_start3A_1079 : memref<1x104x256xf32, #tpu.memory_space<vmem>> -> memref<104x256xf32, #tpu.memory_space<vmem>>
    %dma_start3A_1081 = arith.constant 0 : i32
    %dma_start3A_1082 = tpu.memref_slice %arg5[%dma_start3A_1075, %dma_start3A_1081] : memref<26x104xi32, #tpu.memory_space<vmem>> -> memref<1x104xi32, #tpu.memory_space<vmem>>
    %dma_start3A_1083 = tpu.memref_squeeze %dma_start3A_1082 : memref<1x104xi32, #tpu.memory_space<vmem>> -> memref<104xi32, #tpu.memory_space<vmem>>
    %dma_start3A_1084 = arith.constant 0 : i32
    %dma_start3A_1085 = arith.constant 0 : i32
    %dma_start3A_1086 = tpu.memref_slice %arg2[%dma_start3A_1084, %dma_start3A_1085] : memref<240x256xf32, #tpu.memory_space<hbm>> -> memref<240x256xf32, #tpu.memory_space<hbm>>
    tpu.enqueue_indirect_dma source(%dma_start3A_1086 : memref<240x256xf32, #tpu.memory_space<hbm>>) target(%dma_start3A_1080 : memref<104x256xf32, #tpu.memory_space<vmem>>) offsets(%dma_start3A_1083 : memref<104xi32, #tpu.memory_space<vmem>>) semaphore(%arg8 : memref<!tpu.dma_semaphore, #tpu.memory_space<semaphore_mem>>)
    %dma_wait3A_1087 = arith.constant 19 : i32
    %dma_wait3A_1088 = arith.constant 3 : i32
    %dma_wait3A_1089 = arith.constant 0 : i32
    %dma_wait3A_1090 = arith.constant 0 : i32
    %dma_wait3A_1091 = tpu.memref_slice %arg6[%dma_wait3A_1088, %dma_wait3A_1089, %dma_wait3A_1090] : memref<4x104x256xf32, #tpu.memory_space<vmem>> -> memref<1x104x256xf32, #tpu.memory_space<vmem>>
    %dma_wait3A_1092 = tpu.memref_squeeze %dma_wait3A_1091 : memref<1x104x256xf32, #tpu.memory_space<vmem>> -> memref<104x256xf32, #tpu.memory_space<vmem>>
    %dma_wait3A_1093 = arith.constant 0 : i32
    %dma_wait3A_1094 = tpu.memref_slice %arg5[%dma_wait3A_1087, %dma_wait3A_1093] : memref<26x104xi32, #tpu.memory_space<vmem>> -> memref<1x104xi32, #tpu.memory_space<vmem>>
    %dma_wait3A_1095 = tpu.memref_squeeze %dma_wait3A_1094 : memref<1x104xi32, #tpu.memory_space<vmem>> -> memref<104xi32, #tpu.memory_space<vmem>>
    %dma_wait3A_1096 = arith.constant 0 : i32
    %dma_wait3A_1097 = arith.constant 0 : i32
    %dma_wait3A_1098 = tpu.memref_slice %arg2[%dma_wait3A_1096, %dma_wait3A_1097] : memref<240x256xf32, #tpu.memory_space<hbm>> -> memref<240x256xf32, #tpu.memory_space<hbm>>
    tpu.wait_indirect_dma semaphore(%arg10 : memref<!tpu.dma_semaphore, #tpu.memory_space<semaphore_mem>>) src(%dma_wait3A_1098 : memref<240x256xf32, #tpu.memory_space<hbm>>) dst(%dma_wait3A_1092 : memref<104x256xf32, #tpu.memory_space<vmem>>)
    %add3A_1099 = arith.constant 1976 : i32
    %add3A_1100 = arith.addi %multiple_of3A, %add3A_1099 : i32
    %multiple_of3A_1101 = tpu.assume_multiple %add3A_1100, 8 : i32
    %dma_start3A_1102 = arith.constant 3 : i32
    %dma_start3A_1103 = arith.constant 0 : i32
    %dma_start3A_1104 = arith.constant 0 : i32
    %dma_start3A_1105 = tpu.memref_slice %arg6[%dma_start3A_1102, %dma_start3A_1103, %dma_start3A_1104] : memref<4x104x256xf32, #tpu.memory_space<vmem>> -> memref<1x104x256xf32, #tpu.memory_space<vmem>>
    %dma_start3A_1106 = tpu.memref_squeeze %dma_start3A_1105 : memref<1x104x256xf32, #tpu.memory_space<vmem>> -> memref<104x256xf32, #tpu.memory_space<vmem>>
    %dma_start3A_1107 = arith.constant 0 : i32
    %dma_start3A_1108 = tpu.memref_slice %arg4[%multiple_of3A_1101, %dma_start3A_1107] : memref<160000x256xf32, #tpu.memory_space<hbm>> -> memref<104x256xf32, #tpu.memory_space<hbm>>
    %dma_start3A_1109 = arith.constant 0 : i32
    %dma_start3A_1110 = tpu.memref_slice %arg4[%multiple_of3A_1101, %dma_start3A_1109] : memref<160000x256xf32, #tpu.memory_space<hbm>> -> memref<104x256xf32, #tpu.memory_space<hbm>>
    %dma_start3A_1111 = arith.constant 0 : i32
    %dma_start3A_1112 = arith.constant 0 : i32
    %dma_start3A_1113 = tpu.memref_slice %arg6[%dma_start3A_1102, %dma_start3A_1111, %dma_start3A_1112] : memref<4x104x256xf32, #tpu.memory_space<vmem>> -> memref<1x104x256xf32, #tpu.memory_space<vmem>>
    %dma_start3A_1114 = tpu.memref_squeeze %dma_start3A_1113 : memref<1x104x256xf32, #tpu.memory_space<vmem>> -> memref<104x256xf32, #tpu.memory_space<vmem>>
    tpu.enqueue_dma source(%dma_start3A_1114 : memref<104x256xf32, #tpu.memory_space<vmem>>) target(%dma_start3A_1110 : memref<104x256xf32, #tpu.memory_space<hbm>>) target_semaphore(%arg14 : memref<!tpu.dma_semaphore, #tpu.memory_space<semaphore_mem>>)
    %add3A_1115 = arith.constant 1872 : i32
    %add3A_1116 = arith.addi %multiple_of3A, %add3A_1115 : i32
    %multiple_of3A_1117 = tpu.assume_multiple %add3A_1116, 8 : i32
    %dma_wait3A_1118 = arith.constant 2 : i32
    %dma_wait3A_1119 = arith.constant 0 : i32
    %dma_wait3A_1120 = arith.constant 0 : i32
    %dma_wait3A_1121 = tpu.memref_slice %arg6[%dma_wait3A_1118, %dma_wait3A_1119, %dma_wait3A_1120] : memref<4x104x256xf32, #tpu.memory_space<vmem>> -> memref<1x104x256xf32, #tpu.memory_space<vmem>>
    %dma_wait3A_1122 = tpu.memref_squeeze %dma_wait3A_1121 : memref<1x104x256xf32, #tpu.memory_space<vmem>> -> memref<104x256xf32, #tpu.memory_space<vmem>>
    %dma_wait3A_1123 = arith.constant 0 : i32
    %dma_wait3A_1124 = tpu.memref_slice %arg4[%multiple_of3A_1117, %dma_wait3A_1123] : memref<160000x256xf32, #tpu.memory_space<hbm>> -> memref<104x256xf32, #tpu.memory_space<hbm>>
    %dma_wait3A_1125 = arith.constant 0 : i32
    %dma_wait3A_1126 = tpu.memref_slice %arg4[%multiple_of3A_1117, %dma_wait3A_1125] : memref<160000x256xf32, #tpu.memory_space<hbm>> -> memref<104x256xf32, #tpu.memory_space<hbm>>
    %dma_wait3A_1127 = arith.constant 0 : i32
    %dma_wait3A_1128 = arith.constant 0 : i32
    %dma_wait3A_1129 = tpu.memref_slice %arg6[%dma_wait3A_1118, %dma_wait3A_1127, %dma_wait3A_1128] : memref<4x104x256xf32, #tpu.memory_space<vmem>> -> memref<1x104x256xf32, #tpu.memory_space<vmem>>
    %dma_wait3A_1130 = tpu.memref_squeeze %dma_wait3A_1129 : memref<1x104x256xf32, #tpu.memory_space<vmem>> -> memref<104x256xf32, #tpu.memory_space<vmem>>
    tpu.wait_dma2 semaphore(%arg13 : memref<!tpu.dma_semaphore, #tpu.memory_space<semaphore_mem>>) src(%dma_wait3A_1130 : memref<104x256xf32, #tpu.memory_space<vmem>>) dst(%dma_wait3A_1126 : memref<104x256xf32, #tpu.memory_space<hbm>>)
    %dma_start3A_1131 = arith.constant 22 : i32
    %dma_start3A_1132 = arith.constant 2 : i32
    %dma_start3A_1133 = arith.constant 0 : i32
    %dma_start3A_1134 = arith.constant 0 : i32
    %dma_start3A_1135 = tpu.memref_slice %arg6[%dma_start3A_1132, %dma_start3A_1133, %dma_start3A_1134] : memref<4x104x256xf32, #tpu.memory_space<vmem>> -> memref<1x104x256xf32, #tpu.memory_space<vmem>>
    %dma_start3A_1136 = tpu.memref_squeeze %dma_start3A_1135 : memref<1x104x256xf32, #tpu.memory_space<vmem>> -> memref<104x256xf32, #tpu.memory_space<vmem>>
    %dma_start3A_1137 = arith.constant 0 : i32
    %dma_start3A_1138 = tpu.memref_slice %arg5[%dma_start3A_1131, %dma_start3A_1137] : memref<26x104xi32, #tpu.memory_space<vmem>> -> memref<1x104xi32, #tpu.memory_space<vmem>>
    %dma_start3A_1139 = tpu.memref_squeeze %dma_start3A_1138 : memref<1x104xi32, #tpu.memory_space<vmem>> -> memref<104xi32, #tpu.memory_space<vmem>>
    %dma_start3A_1140 = arith.constant 0 : i32
    %dma_start3A_1141 = arith.constant 0 : i32
    %dma_start3A_1142 = tpu.memref_slice %arg2[%dma_start3A_1140, %dma_start3A_1141] : memref<240x256xf32, #tpu.memory_space<hbm>> -> memref<240x256xf32, #tpu.memory_space<hbm>>
    tpu.enqueue_indirect_dma source(%dma_start3A_1142 : memref<240x256xf32, #tpu.memory_space<hbm>>) target(%dma_start3A_1136 : memref<104x256xf32, #tpu.memory_space<vmem>>) offsets(%dma_start3A_1139 : memref<104xi32, #tpu.memory_space<vmem>>) semaphore(%arg9 : memref<!tpu.dma_semaphore, #tpu.memory_space<semaphore_mem>>)
    %dma_wait3A_1143 = arith.constant 20 : i32
    %dma_wait3A_1144 = arith.constant 0 : i32
    %dma_wait3A_1145 = arith.constant 0 : i32
    %dma_wait3A_1146 = arith.constant 0 : i32
    %dma_wait3A_1147 = tpu.memref_slice %arg6[%dma_wait3A_1144, %dma_wait3A_1145, %dma_wait3A_1146] : memref<4x104x256xf32, #tpu.memory_space<vmem>> -> memref<1x104x256xf32, #tpu.memory_space<vmem>>
    %dma_wait3A_1148 = tpu.memref_squeeze %dma_wait3A_1147 : memref<1x104x256xf32, #tpu.memory_space<vmem>> -> memref<104x256xf32, #tpu.memory_space<vmem>>
    %dma_wait3A_1149 = arith.constant 0 : i32
    %dma_wait3A_1150 = tpu.memref_slice %arg5[%dma_wait3A_1143, %dma_wait3A_1149] : memref<26x104xi32, #tpu.memory_space<vmem>> -> memref<1x104xi32, #tpu.memory_space<vmem>>
    %dma_wait3A_1151 = tpu.memref_squeeze %dma_wait3A_1150 : memref<1x104xi32, #tpu.memory_space<vmem>> -> memref<104xi32, #tpu.memory_space<vmem>>
    %dma_wait3A_1152 = arith.constant 0 : i32
    %dma_wait3A_1153 = arith.constant 0 : i32
    %dma_wait3A_1154 = tpu.memref_slice %arg2[%dma_wait3A_1152, %dma_wait3A_1153] : memref<240x256xf32, #tpu.memory_space<hbm>> -> memref<240x256xf32, #tpu.memory_space<hbm>>
    tpu.wait_indirect_dma semaphore(%arg7 : memref<!tpu.dma_semaphore, #tpu.memory_space<semaphore_mem>>) src(%dma_wait3A_1154 : memref<240x256xf32, #tpu.memory_space<hbm>>) dst(%dma_wait3A_1148 : memref<104x256xf32, #tpu.memory_space<vmem>>)
    %add3A_1155 = arith.constant 2080 : i32
    %add3A_1156 = arith.addi %multiple_of3A, %add3A_1155 : i32
    %multiple_of3A_1157 = tpu.assume_multiple %add3A_1156, 8 : i32
    %dma_start3A_1158 = arith.constant 0 : i32
    %dma_start3A_1159 = arith.constant 0 : i32
    %dma_start3A_1160 = arith.constant 0 : i32
    %dma_start3A_1161 = tpu.memref_slice %arg6[%dma_start3A_1158, %dma_start3A_1159, %dma_start3A_1160] : memref<4x104x256xf32, #tpu.memory_space<vmem>> -> memref<1x104x256xf32, #tpu.memory_space<vmem>>
    %dma_start3A_1162 = tpu.memref_squeeze %dma_start3A_1161 : memref<1x104x256xf32, #tpu.memory_space<vmem>> -> memref<104x256xf32, #tpu.memory_space<vmem>>
    %dma_start3A_1163 = arith.constant 0 : i32
    %dma_start3A_1164 = tpu.memref_slice %arg4[%multiple_of3A_1157, %dma_start3A_1163] : memref<160000x256xf32, #tpu.memory_space<hbm>> -> memref<104x256xf32, #tpu.memory_space<hbm>>
    %dma_start3A_1165 = arith.constant 0 : i32
    %dma_start3A_1166 = tpu.memref_slice %arg4[%multiple_of3A_1157, %dma_start3A_1165] : memref<160000x256xf32, #tpu.memory_space<hbm>> -> memref<104x256xf32, #tpu.memory_space<hbm>>
    %dma_start3A_1167 = arith.constant 0 : i32
    %dma_start3A_1168 = arith.constant 0 : i32
    %dma_start3A_1169 = tpu.memref_slice %arg6[%dma_start3A_1158, %dma_start3A_1167, %dma_start3A_1168] : memref<4x104x256xf32, #tpu.memory_space<vmem>> -> memref<1x104x256xf32, #tpu.memory_space<vmem>>
    %dma_start3A_1170 = tpu.memref_squeeze %dma_start3A_1169 : memref<1x104x256xf32, #tpu.memory_space<vmem>> -> memref<104x256xf32, #tpu.memory_space<vmem>>
    tpu.enqueue_dma source(%dma_start3A_1170 : memref<104x256xf32, #tpu.memory_space<vmem>>) target(%dma_start3A_1166 : memref<104x256xf32, #tpu.memory_space<hbm>>) target_semaphore(%arg11 : memref<!tpu.dma_semaphore, #tpu.memory_space<semaphore_mem>>)
    %add3A_1171 = arith.constant 1976 : i32
    %add3A_1172 = arith.addi %multiple_of3A, %add3A_1171 : i32
    %multiple_of3A_1173 = tpu.assume_multiple %add3A_1172, 8 : i32
    %dma_wait3A_1174 = arith.constant 3 : i32
    %dma_wait3A_1175 = arith.constant 0 : i32
    %dma_wait3A_1176 = arith.constant 0 : i32
    %dma_wait3A_1177 = tpu.memref_slice %arg6[%dma_wait3A_1174, %dma_wait3A_1175, %dma_wait3A_1176] : memref<4x104x256xf32, #tpu.memory_space<vmem>> -> memref<1x104x256xf32, #tpu.memory_space<vmem>>
    %dma_wait3A_1178 = tpu.memref_squeeze %dma_wait3A_1177 : memref<1x104x256xf32, #tpu.memory_space<vmem>> -> memref<104x256xf32, #tpu.memory_space<vmem>>
    %dma_wait3A_1179 = arith.constant 0 : i32
    %dma_wait3A_1180 = tpu.memref_slice %arg4[%multiple_of3A_1173, %dma_wait3A_1179] : memref<160000x256xf32, #tpu.memory_space<hbm>> -> memref<104x256xf32, #tpu.memory_space<hbm>>
    %dma_wait3A_1181 = arith.constant 0 : i32
    %dma_wait3A_1182 = tpu.memref_slice %arg4[%multiple_of3A_1173, %dma_wait3A_1181] : memref<160000x256xf32, #tpu.memory_space<hbm>> -> memref<104x256xf32, #tpu.memory_space<hbm>>
    %dma_wait3A_1183 = arith.constant 0 : i32
    %dma_wait3A_1184 = arith.constant 0 : i32
    %dma_wait3A_1185 = tpu.memref_slice %arg6[%dma_wait3A_1174, %dma_wait3A_1183, %dma_wait3A_1184] : memref<4x104x256xf32, #tpu.memory_space<vmem>> -> memref<1x104x256xf32, #tpu.memory_space<vmem>>
    %dma_wait3A_1186 = tpu.memref_squeeze %dma_wait3A_1185 : memref<1x104x256xf32, #tpu.memory_space<vmem>> -> memref<104x256xf32, #tpu.memory_space<vmem>>
    tpu.wait_dma2 semaphore(%arg14 : memref<!tpu.dma_semaphore, #tpu.memory_space<semaphore_mem>>) src(%dma_wait3A_1186 : memref<104x256xf32, #tpu.memory_space<vmem>>) dst(%dma_wait3A_1182 : memref<104x256xf32, #tpu.memory_space<hbm>>)
    %dma_start3A_1187 = arith.constant 23 : i32
    %dma_start3A_1188 = arith.constant 3 : i32
    %dma_start3A_1189 = arith.constant 0 : i32
    %dma_start3A_1190 = arith.constant 0 : i32
    %dma_start3A_1191 = tpu.memref_slice %arg6[%dma_start3A_1188, %dma_start3A_1189, %dma_start3A_1190] : memref<4x104x256xf32, #tpu.memory_space<vmem>> -> memref<1x104x256xf32, #tpu.memory_space<vmem>>
    %dma_start3A_1192 = tpu.memref_squeeze %dma_start3A_1191 : memref<1x104x256xf32, #tpu.memory_space<vmem>> -> memref<104x256xf32, #tpu.memory_space<vmem>>
    %dma_start3A_1193 = arith.constant 0 : i32
    %dma_start3A_1194 = tpu.memref_slice %arg5[%dma_start3A_1187, %dma_start3A_1193] : memref<26x104xi32, #tpu.memory_space<vmem>> -> memref<1x104xi32, #tpu.memory_space<vmem>>
    %dma_start3A_1195 = tpu.memref_squeeze %dma_start3A_1194 : memref<1x104xi32, #tpu.memory_space<vmem>> -> memref<104xi32, #tpu.memory_space<vmem>>
    %dma_start3A_1196 = arith.constant 0 : i32
    %dma_start3A_1197 = arith.constant 0 : i32
    %dma_start3A_1198 = tpu.memref_slice %arg2[%dma_start3A_1196, %dma_start3A_1197] : memref<240x256xf32, #tpu.memory_space<hbm>> -> memref<240x256xf32, #tpu.memory_space<hbm>>
    tpu.enqueue_indirect_dma source(%dma_start3A_1198 : memref<240x256xf32, #tpu.memory_space<hbm>>) target(%dma_start3A_1192 : memref<104x256xf32, #tpu.memory_space<vmem>>) offsets(%dma_start3A_1195 : memref<104xi32, #tpu.memory_space<vmem>>) semaphore(%arg10 : memref<!tpu.dma_semaphore, #tpu.memory_space<semaphore_mem>>)
    %dma_wait3A_1199 = arith.constant 21 : i32
    %dma_wait3A_1200 = arith.constant 1 : i32
    %dma_wait3A_1201 = arith.constant 0 : i32
    %dma_wait3A_1202 = arith.constant 0 : i32
    %dma_wait3A_1203 = tpu.memref_slice %arg6[%dma_wait3A_1200, %dma_wait3A_1201, %dma_wait3A_1202] : memref<4x104x256xf32, #tpu.memory_space<vmem>> -> memref<1x104x256xf32, #tpu.memory_space<vmem>>
    %dma_wait3A_1204 = tpu.memref_squeeze %dma_wait3A_1203 : memref<1x104x256xf32, #tpu.memory_space<vmem>> -> memref<104x256xf32, #tpu.memory_space<vmem>>
    %dma_wait3A_1205 = arith.constant 0 : i32
    %dma_wait3A_1206 = tpu.memref_slice %arg5[%dma_wait3A_1199, %dma_wait3A_1205] : memref<26x104xi32, #tpu.memory_space<vmem>> -> memref<1x104xi32, #tpu.memory_space<vmem>>
    %dma_wait3A_1207 = tpu.memref_squeeze %dma_wait3A_1206 : memref<1x104xi32, #tpu.memory_space<vmem>> -> memref<104xi32, #tpu.memory_space<vmem>>
    %dma_wait3A_1208 = arith.constant 0 : i32
    %dma_wait3A_1209 = arith.constant 0 : i32
    %dma_wait3A_1210 = tpu.memref_slice %arg2[%dma_wait3A_1208, %dma_wait3A_1209] : memref<240x256xf32, #tpu.memory_space<hbm>> -> memref<240x256xf32, #tpu.memory_space<hbm>>
    tpu.wait_indirect_dma semaphore(%arg8 : memref<!tpu.dma_semaphore, #tpu.memory_space<semaphore_mem>>) src(%dma_wait3A_1210 : memref<240x256xf32, #tpu.memory_space<hbm>>) dst(%dma_wait3A_1204 : memref<104x256xf32, #tpu.memory_space<vmem>>)
    %add3A_1211 = arith.constant 2184 : i32
    %add3A_1212 = arith.addi %multiple_of3A, %add3A_1211 : i32
    %multiple_of3A_1213 = tpu.assume_multiple %add3A_1212, 8 : i32
    %dma_start3A_1214 = arith.constant 1 : i32
    %dma_start3A_1215 = arith.constant 0 : i32
    %dma_start3A_1216 = arith.constant 0 : i32
    %dma_start3A_1217 = tpu.memref_slice %arg6[%dma_start3A_1214, %dma_start3A_1215, %dma_start3A_1216] : memref<4x104x256xf32, #tpu.memory_space<vmem>> -> memref<1x104x256xf32, #tpu.memory_space<vmem>>
    %dma_start3A_1218 = tpu.memref_squeeze %dma_start3A_1217 : memref<1x104x256xf32, #tpu.memory_space<vmem>> -> memref<104x256xf32, #tpu.memory_space<vmem>>
    %dma_start3A_1219 = arith.constant 0 : i32
    %dma_start3A_1220 = tpu.memref_slice %arg4[%multiple_of3A_1213, %dma_start3A_1219] : memref<160000x256xf32, #tpu.memory_space<hbm>> -> memref<104x256xf32, #tpu.memory_space<hbm>>
    %dma_start3A_1221 = arith.constant 0 : i32
    %dma_start3A_1222 = tpu.memref_slice %arg4[%multiple_of3A_1213, %dma_start3A_1221] : memref<160000x256xf32, #tpu.memory_space<hbm>> -> memref<104x256xf32, #tpu.memory_space<hbm>>
    %dma_start3A_1223 = arith.constant 0 : i32
    %dma_start3A_1224 = arith.constant 0 : i32
    %dma_start3A_1225 = tpu.memref_slice %arg6[%dma_start3A_1214, %dma_start3A_1223, %dma_start3A_1224] : memref<4x104x256xf32, #tpu.memory_space<vmem>> -> memref<1x104x256xf32, #tpu.memory_space<vmem>>
    %dma_start3A_1226 = tpu.memref_squeeze %dma_start3A_1225 : memref<1x104x256xf32, #tpu.memory_space<vmem>> -> memref<104x256xf32, #tpu.memory_space<vmem>>
    tpu.enqueue_dma source(%dma_start3A_1226 : memref<104x256xf32, #tpu.memory_space<vmem>>) target(%dma_start3A_1222 : memref<104x256xf32, #tpu.memory_space<hbm>>) target_semaphore(%arg12 : memref<!tpu.dma_semaphore, #tpu.memory_space<semaphore_mem>>)
    %add3A_1227 = arith.constant 2080 : i32
    %add3A_1228 = arith.addi %multiple_of3A, %add3A_1227 : i32
    %multiple_of3A_1229 = tpu.assume_multiple %add3A_1228, 8 : i32
    %dma_wait3A_1230 = arith.constant 0 : i32
    %dma_wait3A_1231 = arith.constant 0 : i32
    %dma_wait3A_1232 = arith.constant 0 : i32
    %dma_wait3A_1233 = tpu.memref_slice %arg6[%dma_wait3A_1230, %dma_wait3A_1231, %dma_wait3A_1232] : memref<4x104x256xf32, #tpu.memory_space<vmem>> -> memref<1x104x256xf32, #tpu.memory_space<vmem>>
    %dma_wait3A_1234 = tpu.memref_squeeze %dma_wait3A_1233 : memref<1x104x256xf32, #tpu.memory_space<vmem>> -> memref<104x256xf32, #tpu.memory_space<vmem>>
    %dma_wait3A_1235 = arith.constant 0 : i32
    %dma_wait3A_1236 = tpu.memref_slice %arg4[%multiple_of3A_1229, %dma_wait3A_1235] : memref<160000x256xf32, #tpu.memory_space<hbm>> -> memref<104x256xf32, #tpu.memory_space<hbm>>
    %dma_wait3A_1237 = arith.constant 0 : i32
    %dma_wait3A_1238 = tpu.memref_slice %arg4[%multiple_of3A_1229, %dma_wait3A_1237] : memref<160000x256xf32, #tpu.memory_space<hbm>> -> memref<104x256xf32, #tpu.memory_space<hbm>>
    %dma_wait3A_1239 = arith.constant 0 : i32
    %dma_wait3A_1240 = arith.constant 0 : i32
    %dma_wait3A_1241 = tpu.memref_slice %arg6[%dma_wait3A_1230, %dma_wait3A_1239, %dma_wait3A_1240] : memref<4x104x256xf32, #tpu.memory_space<vmem>> -> memref<1x104x256xf32, #tpu.memory_space<vmem>>
    %dma_wait3A_1242 = tpu.memref_squeeze %dma_wait3A_1241 : memref<1x104x256xf32, #tpu.memory_space<vmem>> -> memref<104x256xf32, #tpu.memory_space<vmem>>
    tpu.wait_dma2 semaphore(%arg11 : memref<!tpu.dma_semaphore, #tpu.memory_space<semaphore_mem>>) src(%dma_wait3A_1242 : memref<104x256xf32, #tpu.memory_space<vmem>>) dst(%dma_wait3A_1238 : memref<104x256xf32, #tpu.memory_space<hbm>>)
    %dma_start3A_1243 = arith.constant 24 : i32
    %dma_start3A_1244 = arith.constant 0 : i32
    %dma_start3A_1245 = arith.constant 0 : i32
    %dma_start3A_1246 = arith.constant 0 : i32
    %dma_start3A_1247 = tpu.memref_slice %arg6[%dma_start3A_1244, %dma_start3A_1245, %dma_start3A_1246] : memref<4x104x256xf32, #tpu.memory_space<vmem>> -> memref<1x104x256xf32, #tpu.memory_space<vmem>>
    %dma_start3A_1248 = tpu.memref_squeeze %dma_start3A_1247 : memref<1x104x256xf32, #tpu.memory_space<vmem>> -> memref<104x256xf32, #tpu.memory_space<vmem>>
    %dma_start3A_1249 = arith.constant 0 : i32
    %dma_start3A_1250 = tpu.memref_slice %arg5[%dma_start3A_1243, %dma_start3A_1249] : memref<26x104xi32, #tpu.memory_space<vmem>> -> memref<1x104xi32, #tpu.memory_space<vmem>>
    %dma_start3A_1251 = tpu.memref_squeeze %dma_start3A_1250 : memref<1x104xi32, #tpu.memory_space<vmem>> -> memref<104xi32, #tpu.memory_space<vmem>>
    %dma_start3A_1252 = arith.constant 0 : i32
    %dma_start3A_1253 = arith.constant 0 : i32
    %dma_start3A_1254 = tpu.memref_slice %arg2[%dma_start3A_1252, %dma_start3A_1253] : memref<240x256xf32, #tpu.memory_space<hbm>> -> memref<240x256xf32, #tpu.memory_space<hbm>>
    tpu.enqueue_indirect_dma source(%dma_start3A_1254 : memref<240x256xf32, #tpu.memory_space<hbm>>) target(%dma_start3A_1248 : memref<104x256xf32, #tpu.memory_space<vmem>>) offsets(%dma_start3A_1251 : memref<104xi32, #tpu.memory_space<vmem>>) semaphore(%arg7 : memref<!tpu.dma_semaphore, #tpu.memory_space<semaphore_mem>>)
    %dma_wait3A_1255 = arith.constant 22 : i32
    %dma_wait3A_1256 = arith.constant 2 : i32
    %dma_wait3A_1257 = arith.constant 0 : i32
    %dma_wait3A_1258 = arith.constant 0 : i32
    %dma_wait3A_1259 = tpu.memref_slice %arg6[%dma_wait3A_1256, %dma_wait3A_1257, %dma_wait3A_1258] : memref<4x104x256xf32, #tpu.memory_space<vmem>> -> memref<1x104x256xf32, #tpu.memory_space<vmem>>
    %dma_wait3A_1260 = tpu.memref_squeeze %dma_wait3A_1259 : memref<1x104x256xf32, #tpu.memory_space<vmem>> -> memref<104x256xf32, #tpu.memory_space<vmem>>
    %dma_wait3A_1261 = arith.constant 0 : i32
    %dma_wait3A_1262 = tpu.memref_slice %arg5[%dma_wait3A_1255, %dma_wait3A_1261] : memref<26x104xi32, #tpu.memory_space<vmem>> -> memref<1x104xi32, #tpu.memory_space<vmem>>
    %dma_wait3A_1263 = tpu.memref_squeeze %dma_wait3A_1262 : memref<1x104xi32, #tpu.memory_space<vmem>> -> memref<104xi32, #tpu.memory_space<vmem>>
    %dma_wait3A_1264 = arith.constant 0 : i32
    %dma_wait3A_1265 = arith.constant 0 : i32
    %dma_wait3A_1266 = tpu.memref_slice %arg2[%dma_wait3A_1264, %dma_wait3A_1265] : memref<240x256xf32, #tpu.memory_space<hbm>> -> memref<240x256xf32, #tpu.memory_space<hbm>>
    tpu.wait_indirect_dma semaphore(%arg9 : memref<!tpu.dma_semaphore, #tpu.memory_space<semaphore_mem>>) src(%dma_wait3A_1266 : memref<240x256xf32, #tpu.memory_space<hbm>>) dst(%dma_wait3A_1260 : memref<104x256xf32, #tpu.memory_space<vmem>>)
    %add3A_1267 = arith.constant 2288 : i32
    %add3A_1268 = arith.addi %multiple_of3A, %add3A_1267 : i32
    %multiple_of3A_1269 = tpu.assume_multiple %add3A_1268, 8 : i32
    %dma_start3A_1270 = arith.constant 2 : i32
    %dma_start3A_1271 = arith.constant 0 : i32
    %dma_start3A_1272 = arith.constant 0 : i32
    %dma_start3A_1273 = tpu.memref_slice %arg6[%dma_start3A_1270, %dma_start3A_1271, %dma_start3A_1272] : memref<4x104x256xf32, #tpu.memory_space<vmem>> -> memref<1x104x256xf32, #tpu.memory_space<vmem>>
    %dma_start3A_1274 = tpu.memref_squeeze %dma_start3A_1273 : memref<1x104x256xf32, #tpu.memory_space<vmem>> -> memref<104x256xf32, #tpu.memory_space<vmem>>
    %dma_start3A_1275 = arith.constant 0 : i32
    %dma_start3A_1276 = tpu.memref_slice %arg4[%multiple_of3A_1269, %dma_start3A_1275] : memref<160000x256xf32, #tpu.memory_space<hbm>> -> memref<104x256xf32, #tpu.memory_space<hbm>>
    %dma_start3A_1277 = arith.constant 0 : i32
    %dma_start3A_1278 = tpu.memref_slice %arg4[%multiple_of3A_1269, %dma_start3A_1277] : memref<160000x256xf32, #tpu.memory_space<hbm>> -> memref<104x256xf32, #tpu.memory_space<hbm>>
    %dma_start3A_1279 = arith.constant 0 : i32
    %dma_start3A_1280 = arith.constant 0 : i32
    %dma_start3A_1281 = tpu.memref_slice %arg6[%dma_start3A_1270, %dma_start3A_1279, %dma_start3A_1280] : memref<4x104x256xf32, #tpu.memory_space<vmem>> -> memref<1x104x256xf32, #tpu.memory_space<vmem>>
    %dma_start3A_1282 = tpu.memref_squeeze %dma_start3A_1281 : memref<1x104x256xf32, #tpu.memory_space<vmem>> -> memref<104x256xf32, #tpu.memory_space<vmem>>
    tpu.enqueue_dma source(%dma_start3A_1282 : memref<104x256xf32, #tpu.memory_space<vmem>>) target(%dma_start3A_1278 : memref<104x256xf32, #tpu.memory_space<hbm>>) target_semaphore(%arg13 : memref<!tpu.dma_semaphore, #tpu.memory_space<semaphore_mem>>)
    %add3A_1283 = arith.constant 2184 : i32
    %add3A_1284 = arith.addi %multiple_of3A, %add3A_1283 : i32
    %multiple_of3A_1285 = tpu.assume_multiple %add3A_1284, 8 : i32
    %dma_wait3A_1286 = arith.constant 1 : i32
    %dma_wait3A_1287 = arith.constant 0 : i32
    %dma_wait3A_1288 = arith.constant 0 : i32
    %dma_wait3A_1289 = tpu.memref_slice %arg6[%dma_wait3A_1286, %dma_wait3A_1287, %dma_wait3A_1288] : memref<4x104x256xf32, #tpu.memory_space<vmem>> -> memref<1x104x256xf32, #tpu.memory_space<vmem>>
    %dma_wait3A_1290 = tpu.memref_squeeze %dma_wait3A_1289 : memref<1x104x256xf32, #tpu.memory_space<vmem>> -> memref<104x256xf32, #tpu.memory_space<vmem>>
    %dma_wait3A_1291 = arith.constant 0 : i32
    %dma_wait3A_1292 = tpu.memref_slice %arg4[%multiple_of3A_1285, %dma_wait3A_1291] : memref<160000x256xf32, #tpu.memory_space<hbm>> -> memref<104x256xf32, #tpu.memory_space<hbm>>
    %dma_wait3A_1293 = arith.constant 0 : i32
    %dma_wait3A_1294 = tpu.memref_slice %arg4[%multiple_of3A_1285, %dma_wait3A_1293] : memref<160000x256xf32, #tpu.memory_space<hbm>> -> memref<104x256xf32, #tpu.memory_space<hbm>>
    %dma_wait3A_1295 = arith.constant 0 : i32
    %dma_wait3A_1296 = arith.constant 0 : i32
    %dma_wait3A_1297 = tpu.memref_slice %arg6[%dma_wait3A_1286, %dma_wait3A_1295, %dma_wait3A_1296] : memref<4x104x256xf32, #tpu.memory_space<vmem>> -> memref<1x104x256xf32, #tpu.memory_space<vmem>>
    %dma_wait3A_1298 = tpu.memref_squeeze %dma_wait3A_1297 : memref<1x104x256xf32, #tpu.memory_space<vmem>> -> memref<104x256xf32, #tpu.memory_space<vmem>>
    tpu.wait_dma2 semaphore(%arg12 : memref<!tpu.dma_semaphore, #tpu.memory_space<semaphore_mem>>) src(%dma_wait3A_1298 : memref<104x256xf32, #tpu.memory_space<vmem>>) dst(%dma_wait3A_1294 : memref<104x256xf32, #tpu.memory_space<hbm>>)
    %dma_start3A_1299 = arith.constant 25 : i32
    %dma_start3A_1300 = arith.constant 1 : i32
    %dma_start3A_1301 = arith.constant 0 : i32
    %dma_start3A_1302 = arith.constant 0 : i32
    %dma_start3A_1303 = tpu.memref_slice %arg6[%dma_start3A_1300, %dma_start3A_1301, %dma_start3A_1302] : memref<4x104x256xf32, #tpu.memory_space<vmem>> -> memref<1x104x256xf32, #tpu.memory_space<vmem>>
    %dma_start3A_1304 = tpu.memref_squeeze %dma_start3A_1303 : memref<1x104x256xf32, #tpu.memory_space<vmem>> -> memref<104x256xf32, #tpu.memory_space<vmem>>
    %dma_start3A_1305 = arith.constant 0 : i32
    %dma_start3A_1306 = tpu.memref_slice %arg5[%dma_start3A_1299, %dma_start3A_1305] : memref<26x104xi32, #tpu.memory_space<vmem>> -> memref<1x104xi32, #tpu.memory_space<vmem>>
    %dma_start3A_1307 = tpu.memref_squeeze %dma_start3A_1306 : memref<1x104xi32, #tpu.memory_space<vmem>> -> memref<104xi32, #tpu.memory_space<vmem>>
    %dma_start3A_1308 = arith.constant 0 : i32
    %dma_start3A_1309 = arith.constant 0 : i32
    %dma_start3A_1310 = tpu.memref_slice %arg2[%dma_start3A_1308, %dma_start3A_1309] : memref<240x256xf32, #tpu.memory_space<hbm>> -> memref<240x256xf32, #tpu.memory_space<hbm>>
    tpu.enqueue_indirect_dma source(%dma_start3A_1310 : memref<240x256xf32, #tpu.memory_space<hbm>>) target(%dma_start3A_1304 : memref<104x256xf32, #tpu.memory_space<vmem>>) offsets(%dma_start3A_1307 : memref<104xi32, #tpu.memory_space<vmem>>) semaphore(%arg8 : memref<!tpu.dma_semaphore, #tpu.memory_space<semaphore_mem>>)
    %dma_wait3A_1311 = arith.constant 23 : i32
    %dma_wait3A_1312 = arith.constant 3 : i32
    %dma_wait3A_1313 = arith.constant 0 : i32
    %dma_wait3A_1314 = arith.constant 0 : i32
    %dma_wait3A_1315 = tpu.memref_slice %arg6[%dma_wait3A_1312, %dma_wait3A_1313, %dma_wait3A_1314] : memref<4x104x256xf32, #tpu.memory_space<vmem>> -> memref<1x104x256xf32, #tpu.memory_space<vmem>>
    %dma_wait3A_1316 = tpu.memref_squeeze %dma_wait3A_1315 : memref<1x104x256xf32, #tpu.memory_space<vmem>> -> memref<104x256xf32, #tpu.memory_space<vmem>>
    %dma_wait3A_1317 = arith.constant 0 : i32
    %dma_wait3A_1318 = tpu.memref_slice %arg5[%dma_wait3A_1311, %dma_wait3A_1317] : memref<26x104xi32, #tpu.memory_space<vmem>> -> memref<1x104xi32, #tpu.memory_space<vmem>>
    %dma_wait3A_1319 = tpu.memref_squeeze %dma_wait3A_1318 : memref<1x104xi32, #tpu.memory_space<vmem>> -> memref<104xi32, #tpu.memory_space<vmem>>
    %dma_wait3A_1320 = arith.constant 0 : i32
    %dma_wait3A_1321 = arith.constant 0 : i32
    %dma_wait3A_1322 = tpu.memref_slice %arg2[%dma_wait3A_1320, %dma_wait3A_1321] : memref<240x256xf32, #tpu.memory_space<hbm>> -> memref<240x256xf32, #tpu.memory_space<hbm>>
    tpu.wait_indirect_dma semaphore(%arg10 : memref<!tpu.dma_semaphore, #tpu.memory_space<semaphore_mem>>) src(%dma_wait3A_1322 : memref<240x256xf32, #tpu.memory_space<hbm>>) dst(%dma_wait3A_1316 : memref<104x256xf32, #tpu.memory_space<vmem>>)
    %add3A_1323 = arith.constant 2392 : i32
    %add3A_1324 = arith.addi %multiple_of3A, %add3A_1323 : i32
    %multiple_of3A_1325 = tpu.assume_multiple %add3A_1324, 8 : i32
    %dma_start3A_1326 = arith.constant 3 : i32
    %dma_start3A_1327 = arith.constant 0 : i32
    %dma_start3A_1328 = arith.constant 0 : i32
    %dma_start3A_1329 = tpu.memref_slice %arg6[%dma_start3A_1326, %dma_start3A_1327, %dma_start3A_1328] : memref<4x104x256xf32, #tpu.memory_space<vmem>> -> memref<1x104x256xf32, #tpu.memory_space<vmem>>
    %dma_start3A_1330 = tpu.memref_squeeze %dma_start3A_1329 : memref<1x104x256xf32, #tpu.memory_space<vmem>> -> memref<104x256xf32, #tpu.memory_space<vmem>>
    %dma_start3A_1331 = arith.constant 0 : i32
    %dma_start3A_1332 = tpu.memref_slice %arg4[%multiple_of3A_1325, %dma_start3A_1331] : memref<160000x256xf32, #tpu.memory_space<hbm>> -> memref<104x256xf32, #tpu.memory_space<hbm>>
    %dma_start3A_1333 = arith.constant 0 : i32
    %dma_start3A_1334 = tpu.memref_slice %arg4[%multiple_of3A_1325, %dma_start3A_1333] : memref<160000x256xf32, #tpu.memory_space<hbm>> -> memref<104x256xf32, #tpu.memory_space<hbm>>
    %dma_start3A_1335 = arith.constant 0 : i32
    %dma_start3A_1336 = arith.constant 0 : i32
    %dma_start3A_1337 = tpu.memref_slice %arg6[%dma_start3A_1326, %dma_start3A_1335, %dma_start3A_1336] : memref<4x104x256xf32, #tpu.memory_space<vmem>> -> memref<1x104x256xf32, #tpu.memory_space<vmem>>
    %dma_start3A_1338 = tpu.memref_squeeze %dma_start3A_1337 : memref<1x104x256xf32, #tpu.memory_space<vmem>> -> memref<104x256xf32, #tpu.memory_space<vmem>>
    tpu.enqueue_dma source(%dma_start3A_1338 : memref<104x256xf32, #tpu.memory_space<vmem>>) target(%dma_start3A_1334 : memref<104x256xf32, #tpu.memory_space<hbm>>) target_semaphore(%arg14 : memref<!tpu.dma_semaphore, #tpu.memory_space<semaphore_mem>>)
    %dma_wait3A_1339 = arith.constant 24 : i32
    %dma_wait3A_1340 = arith.constant 0 : i32
    %dma_wait3A_1341 = arith.constant 0 : i32
    %dma_wait3A_1342 = arith.constant 0 : i32
    %dma_wait3A_1343 = tpu.memref_slice %arg6[%dma_wait3A_1340, %dma_wait3A_1341, %dma_wait3A_1342] : memref<4x104x256xf32, #tpu.memory_space<vmem>> -> memref<1x104x256xf32, #tpu.memory_space<vmem>>
    %dma_wait3A_1344 = tpu.memref_squeeze %dma_wait3A_1343 : memref<1x104x256xf32, #tpu.memory_space<vmem>> -> memref<104x256xf32, #tpu.memory_space<vmem>>
    %dma_wait3A_1345 = arith.constant 0 : i32
    %dma_wait3A_1346 = tpu.memref_slice %arg5[%dma_wait3A_1339, %dma_wait3A_1345] : memref<26x104xi32, #tpu.memory_space<vmem>> -> memref<1x104xi32, #tpu.memory_space<vmem>>
    %dma_wait3A_1347 = tpu.memref_squeeze %dma_wait3A_1346 : memref<1x104xi32, #tpu.memory_space<vmem>> -> memref<104xi32, #tpu.memory_space<vmem>>
    %dma_wait3A_1348 = arith.constant 0 : i32
    %dma_wait3A_1349 = arith.constant 0 : i32
    %dma_wait3A_1350 = tpu.memref_slice %arg2[%dma_wait3A_1348, %dma_wait3A_1349] : memref<240x256xf32, #tpu.memory_space<hbm>> -> memref<240x256xf32, #tpu.memory_space<hbm>>
    tpu.wait_indirect_dma semaphore(%arg7 : memref<!tpu.dma_semaphore, #tpu.memory_space<semaphore_mem>>) src(%dma_wait3A_1350 : memref<240x256xf32, #tpu.memory_space<hbm>>) dst(%dma_wait3A_1344 : memref<104x256xf32, #tpu.memory_space<vmem>>)
    %add3A_1351 = arith.constant 2496 : i32
    %add3A_1352 = arith.addi %multiple_of3A, %add3A_1351 : i32
    %multiple_of3A_1353 = tpu.assume_multiple %add3A_1352, 8 : i32
    %dma_start3A_1354 = arith.constant 0 : i32
    %dma_start3A_1355 = arith.constant 0 : i32
    %dma_start3A_1356 = arith.constant 0 : i32
    %dma_start3A_1357 = tpu.memref_slice %arg6[%dma_start3A_1354, %dma_start3A_1355, %dma_start3A_1356] : memref<4x104x256xf32, #tpu.memory_space<vmem>> -> memref<1x104x256xf32, #tpu.memory_space<vmem>>
    %dma_start3A_1358 = tpu.memref_squeeze %dma_start3A_1357 : memref<1x104x256xf32, #tpu.memory_space<vmem>> -> memref<104x256xf32, #tpu.memory_space<vmem>>
    %dma_start3A_1359 = arith.constant 0 : i32
    %dma_start3A_1360 = tpu.memref_slice %arg4[%multiple_of3A_1353, %dma_start3A_1359] : memref<160000x256xf32, #tpu.memory_space<hbm>> -> memref<104x256xf32, #tpu.memory_space<hbm>>
    %dma_start3A_1361 = arith.constant 0 : i32
    %dma_start3A_1362 = tpu.memref_slice %arg4[%multiple_of3A_1353, %dma_start3A_1361] : memref<160000x256xf32, #tpu.memory_space<hbm>> -> memref<104x256xf32, #tpu.memory_space<hbm>>
    %dma_start3A_1363 = arith.constant 0 : i32
    %dma_start3A_1364 = arith.constant 0 : i32
    %dma_start3A_1365 = tpu.memref_slice %arg6[%dma_start3A_1354, %dma_start3A_1363, %dma_start3A_1364] : memref<4x104x256xf32, #tpu.memory_space<vmem>> -> memref<1x104x256xf32, #tpu.memory_space<vmem>>
    %dma_start3A_1366 = tpu.memref_squeeze %dma_start3A_1365 : memref<1x104x256xf32, #tpu.memory_space<vmem>> -> memref<104x256xf32, #tpu.memory_space<vmem>>
    tpu.enqueue_dma source(%dma_start3A_1366 : memref<104x256xf32, #tpu.memory_space<vmem>>) target(%dma_start3A_1362 : memref<104x256xf32, #tpu.memory_space<hbm>>) target_semaphore(%arg11 : memref<!tpu.dma_semaphore, #tpu.memory_space<semaphore_mem>>)
    %dma_wait3A_1367 = arith.constant 25 : i32
    %dma_wait3A_1368 = arith.constant 1 : i32
    %dma_wait3A_1369 = arith.constant 0 : i32
    %dma_wait3A_1370 = arith.constant 0 : i32
    %dma_wait3A_1371 = tpu.memref_slice %arg6[%dma_wait3A_1368, %dma_wait3A_1369, %dma_wait3A_1370] : memref<4x104x256xf32, #tpu.memory_space<vmem>> -> memref<1x104x256xf32, #tpu.memory_space<vmem>>
    %dma_wait3A_1372 = tpu.memref_squeeze %dma_wait3A_1371 : memref<1x104x256xf32, #tpu.memory_space<vmem>> -> memref<104x256xf32, #tpu.memory_space<vmem>>
    %dma_wait3A_1373 = arith.constant 0 : i32
    %dma_wait3A_1374 = tpu.memref_slice %arg5[%dma_wait3A_1367, %dma_wait3A_1373] : memref<26x104xi32, #tpu.memory_space<vmem>> -> memref<1x104xi32, #tpu.memory_space<vmem>>
    %dma_wait3A_1375 = tpu.memref_squeeze %dma_wait3A_1374 : memref<1x104xi32, #tpu.memory_space<vmem>> -> memref<104xi32, #tpu.memory_space<vmem>>
    %dma_wait3A_1376 = arith.constant 0 : i32
    %dma_wait3A_1377 = arith.constant 0 : i32
    %dma_wait3A_1378 = tpu.memref_slice %arg2[%dma_wait3A_1376, %dma_wait3A_1377] : memref<240x256xf32, #tpu.memory_space<hbm>> -> memref<240x256xf32, #tpu.memory_space<hbm>>
    tpu.wait_indirect_dma semaphore(%arg8 : memref<!tpu.dma_semaphore, #tpu.memory_space<semaphore_mem>>) src(%dma_wait3A_1378 : memref<240x256xf32, #tpu.memory_space<hbm>>) dst(%dma_wait3A_1372 : memref<104x256xf32, #tpu.memory_space<vmem>>)
    %add3A_1379 = arith.constant 2600 : i32
    %add3A_1380 = arith.addi %multiple_of3A, %add3A_1379 : i32
    %multiple_of3A_1381 = tpu.assume_multiple %add3A_1380, 8 : i32
    %dma_start3A_1382 = arith.constant 1 : i32
    %dma_start3A_1383 = arith.constant 0 : i32
    %dma_start3A_1384 = arith.constant 0 : i32
    %dma_start3A_1385 = tpu.memref_slice %arg6[%dma_start3A_1382, %dma_start3A_1383, %dma_start3A_1384] : memref<4x104x256xf32, #tpu.memory_space<vmem>> -> memref<1x96x256xf32, #tpu.memory_space<vmem>>
    %dma_start3A_1386 = tpu.memref_squeeze %dma_start3A_1385 : memref<1x96x256xf32, #tpu.memory_space<vmem>> -> memref<96x256xf32, #tpu.memory_space<vmem>>
    %dma_start3A_1387 = arith.constant 0 : i32
    %dma_start3A_1388 = tpu.memref_slice %arg4[%multiple_of3A_1381, %dma_start3A_1387] : memref<160000x256xf32, #tpu.memory_space<hbm>> -> memref<96x256xf32, #tpu.memory_space<hbm>>
    %dma_start3A_1389 = arith.constant 0 : i32
    %dma_start3A_1390 = tpu.memref_slice %arg4[%multiple_of3A_1381, %dma_start3A_1389] : memref<160000x256xf32, #tpu.memory_space<hbm>> -> memref<96x256xf32, #tpu.memory_space<hbm>>
    %dma_start3A_1391 = arith.constant 0 : i32
    %dma_start3A_1392 = arith.constant 0 : i32
    %dma_start3A_1393 = tpu.memref_slice %arg6[%dma_start3A_1382, %dma_start3A_1391, %dma_start3A_1392] : memref<4x104x256xf32, #tpu.memory_space<vmem>> -> memref<1x96x256xf32, #tpu.memory_space<vmem>>
    %dma_start3A_1394 = tpu.memref_squeeze %dma_start3A_1393 : memref<1x96x256xf32, #tpu.memory_space<vmem>> -> memref<96x256xf32, #tpu.memory_space<vmem>>
    tpu.enqueue_dma source(%dma_start3A_1394 : memref<96x256xf32, #tpu.memory_space<vmem>>) target(%dma_start3A_1390 : memref<96x256xf32, #tpu.memory_space<hbm>>) target_semaphore(%arg12 : memref<!tpu.dma_semaphore, #tpu.memory_space<semaphore_mem>>)
    %add3A_1395 = arith.constant 2288 : i32
    %add3A_1396 = arith.addi %multiple_of3A, %add3A_1395 : i32
    %multiple_of3A_1397 = tpu.assume_multiple %add3A_1396, 8 : i32
    %dma_wait3A_1398 = arith.constant 2 : i32
    %dma_wait3A_1399 = arith.constant 0 : i32
    %dma_wait3A_1400 = arith.constant 0 : i32
    %dma_wait3A_1401 = tpu.memref_slice %arg6[%dma_wait3A_1398, %dma_wait3A_1399, %dma_wait3A_1400] : memref<4x104x256xf32, #tpu.memory_space<vmem>> -> memref<1x104x256xf32, #tpu.memory_space<vmem>>
    %dma_wait3A_1402 = tpu.memref_squeeze %dma_wait3A_1401 : memref<1x104x256xf32, #tpu.memory_space<vmem>> -> memref<104x256xf32, #tpu.memory_space<vmem>>
    %dma_wait3A_1403 = arith.constant 0 : i32
    %dma_wait3A_1404 = tpu.memref_slice %arg4[%multiple_of3A_1397, %dma_wait3A_1403] : memref<160000x256xf32, #tpu.memory_space<hbm>> -> memref<104x256xf32, #tpu.memory_space<hbm>>
    %dma_wait3A_1405 = arith.constant 0 : i32
    %dma_wait3A_1406 = tpu.memref_slice %arg4[%multiple_of3A_1397, %dma_wait3A_1405] : memref<160000x256xf32, #tpu.memory_space<hbm>> -> memref<104x256xf32, #tpu.memory_space<hbm>>
    %dma_wait3A_1407 = arith.constant 0 : i32
    %dma_wait3A_1408 = arith.constant 0 : i32
    %dma_wait3A_1409 = tpu.memref_slice %arg6[%dma_wait3A_1398, %dma_wait3A_1407, %dma_wait3A_1408] : memref<4x104x256xf32, #tpu.memory_space<vmem>> -> memref<1x104x256xf32, #tpu.memory_space<vmem>>
    %dma_wait3A_1410 = tpu.memref_squeeze %dma_wait3A_1409 : memref<1x104x256xf32, #tpu.memory_space<vmem>> -> memref<104x256xf32, #tpu.memory_space<vmem>>
    tpu.wait_dma2 semaphore(%arg13 : memref<!tpu.dma_semaphore, #tpu.memory_space<semaphore_mem>>) src(%dma_wait3A_1410 : memref<104x256xf32, #tpu.memory_space<vmem>>) dst(%dma_wait3A_1406 : memref<104x256xf32, #tpu.memory_space<hbm>>)
    %add3A_1411 = arith.constant 2392 : i32
    %add3A_1412 = arith.addi %multiple_of3A, %add3A_1411 : i32
    %multiple_of3A_1413 = tpu.assume_multiple %add3A_1412, 8 : i32
    %dma_wait3A_1414 = arith.constant 3 : i32
    %dma_wait3A_1415 = arith.constant 0 : i32
    %dma_wait3A_1416 = arith.constant 0 : i32
    %dma_wait3A_1417 = tpu.memref_slice %arg6[%dma_wait3A_1414, %dma_wait3A_1415, %dma_wait3A_1416] : memref<4x104x256xf32, #tpu.memory_space<vmem>> -> memref<1x104x256xf32, #tpu.memory_space<vmem>>
    %dma_wait3A_1418 = tpu.memref_squeeze %dma_wait3A_1417 : memref<1x104x256xf32, #tpu.memory_space<vmem>> -> memref<104x256xf32, #tpu.memory_space<vmem>>
    %dma_wait3A_1419 = arith.constant 0 : i32
    %dma_wait3A_1420 = tpu.memref_slice %arg4[%multiple_of3A_1413, %dma_wait3A_1419] : memref<160000x256xf32, #tpu.memory_space<hbm>> -> memref<104x256xf32, #tpu.memory_space<hbm>>
    %dma_wait3A_1421 = arith.constant 0 : i32
    %dma_wait3A_1422 = tpu.memref_slice %arg4[%multiple_of3A_1413, %dma_wait3A_1421] : memref<160000x256xf32, #tpu.memory_space<hbm>> -> memref<104x256xf32, #tpu.memory_space<hbm>>
    %dma_wait3A_1423 = arith.constant 0 : i32
    %dma_wait3A_1424 = arith.constant 0 : i32
    %dma_wait3A_1425 = tpu.memref_slice %arg6[%dma_wait3A_1414, %dma_wait3A_1423, %dma_wait3A_1424] : memref<4x104x256xf32, #tpu.memory_space<vmem>> -> memref<1x104x256xf32, #tpu.memory_space<vmem>>
    %dma_wait3A_1426 = tpu.memref_squeeze %dma_wait3A_1425 : memref<1x104x256xf32, #tpu.memory_space<vmem>> -> memref<104x256xf32, #tpu.memory_space<vmem>>
    tpu.wait_dma2 semaphore(%arg14 : memref<!tpu.dma_semaphore, #tpu.memory_space<semaphore_mem>>) src(%dma_wait3A_1426 : memref<104x256xf32, #tpu.memory_space<vmem>>) dst(%dma_wait3A_1422 : memref<104x256xf32, #tpu.memory_space<hbm>>)
    %add3A_1427 = arith.constant 2496 : i32
    %add3A_1428 = arith.addi %multiple_of3A, %add3A_1427 : i32
    %multiple_of3A_1429 = tpu.assume_multiple %add3A_1428, 8 : i32
    %dma_wait3A_1430 = arith.constant 0 : i32
    %dma_wait3A_1431 = arith.constant 0 : i32
    %dma_wait3A_1432 = arith.constant 0 : i32
    %dma_wait3A_1433 = tpu.memref_slice %arg6[%dma_wait3A_1430, %dma_wait3A_1431, %dma_wait3A_1432] : memref<4x104x256xf32, #tpu.memory_space<vmem>> -> memref<1x104x256xf32, #tpu.memory_space<vmem>>
    %dma_wait3A_1434 = tpu.memref_squeeze %dma_wait3A_1433 : memref<1x104x256xf32, #tpu.memory_space<vmem>> -> memref<104x256xf32, #tpu.memory_space<vmem>>
    %dma_wait3A_1435 = arith.constant 0 : i32
    %dma_wait3A_1436 = tpu.memref_slice %arg4[%multiple_of3A_1429, %dma_wait3A_1435] : memref<160000x256xf32, #tpu.memory_space<hbm>> -> memref<104x256xf32, #tpu.memory_space<hbm>>
    %dma_wait3A_1437 = arith.constant 0 : i32
    %dma_wait3A_1438 = tpu.memref_slice %arg4[%multiple_of3A_1429, %dma_wait3A_1437] : memref<160000x256xf32, #tpu.memory_space<hbm>> -> memref<104x256xf32, #tpu.memory_space<hbm>>
    %dma_wait3A_1439 = arith.constant 0 : i32
    %dma_wait3A_1440 = arith.constant 0 : i32
    %dma_wait3A_1441 = tpu.memref_slice %arg6[%dma_wait3A_1430, %dma_wait3A_1439, %dma_wait3A_1440] : memref<4x104x256xf32, #tpu.memory_space<vmem>> -> memref<1x104x256xf32, #tpu.memory_space<vmem>>
    %dma_wait3A_1442 = tpu.memref_squeeze %dma_wait3A_1441 : memref<1x104x256xf32, #tpu.memory_space<vmem>> -> memref<104x256xf32, #tpu.memory_space<vmem>>
    tpu.wait_dma2 semaphore(%arg11 : memref<!tpu.dma_semaphore, #tpu.memory_space<semaphore_mem>>) src(%dma_wait3A_1442 : memref<104x256xf32, #tpu.memory_space<vmem>>) dst(%dma_wait3A_1438 : memref<104x256xf32, #tpu.memory_space<hbm>>)
    %add3A_1443 = arith.constant 2600 : i32
    %add3A_1444 = arith.addi %multiple_of3A, %add3A_1443 : i32
    %multiple_of3A_1445 = tpu.assume_multiple %add3A_1444, 8 : i32
    %dma_wait3A_1446 = arith.constant 1 : i32
    %dma_wait3A_1447 = arith.constant 0 : i32
    %dma_wait3A_1448 = arith.constant 0 : i32
    %dma_wait3A_1449 = tpu.memref_slice %arg6[%dma_wait3A_1446, %dma_wait3A_1447, %dma_wait3A_1448] : memref<4x104x256xf32, #tpu.memory_space<vmem>> -> memref<1x96x256xf32, #tpu.memory_space<vmem>>
    %dma_wait3A_1450 = tpu.memref_squeeze %dma_wait3A_1449 : memref<1x96x256xf32, #tpu.memory_space<vmem>> -> memref<96x256xf32, #tpu.memory_space<vmem>>
    %dma_wait3A_1451 = arith.constant 0 : i32
    %dma_wait3A_1452 = tpu.memref_slice %arg4[%multiple_of3A_1445, %dma_wait3A_1451] : memref<160000x256xf32, #tpu.memory_space<hbm>> -> memref<96x256xf32, #tpu.memory_space<hbm>>
    %dma_wait3A_1453 = arith.constant 0 : i32
    %dma_wait3A_1454 = tpu.memref_slice %arg4[%multiple_of3A_1445, %dma_wait3A_1453] : memref<160000x256xf32, #tpu.memory_space<hbm>> -> memref<96x256xf32, #tpu.memory_space<hbm>>
    %dma_wait3A_1455 = arith.constant 0 : i32
    %dma_wait3A_1456 = arith.constant 0 : i32
    %dma_wait3A_1457 = tpu.memref_slice %arg6[%dma_wait3A_1446, %dma_wait3A_1455, %dma_wait3A_1456] : memref<4x104x256xf32, #tpu.memory_space<vmem>> -> memref<1x96x256xf32, #tpu.memory_space<vmem>>
    %dma_wait3A_1458 = tpu.memref_squeeze %dma_wait3A_1457 : memref<1x96x256xf32, #tpu.memory_space<vmem>> -> memref<96x256xf32, #tpu.memory_space<vmem>>
    tpu.wait_dma2 semaphore(%arg12 : memref<!tpu.dma_semaphore, #tpu.memory_space<semaphore_mem>>) src(%dma_wait3A_1458 : memref<96x256xf32, #tpu.memory_space<vmem>>) dst(%dma_wait3A_1454 : memref<96x256xf32, #tpu.memory_space<hbm>>)
    return
  }
}

module attributes {stable_mosaic.version = 14 : i64} {
  func.func @_fuse_body(%arg0: memref<240x256xf32, #tpu.memory_space<vmem>>, %arg1: memref<256x256xf32, #tpu.memory_space<vmem>>, %arg2: memref<1x256xf32, #tpu.memory_space<vmem>>, %arg3: memref<240x256xf32, #tpu.memory_space<vmem>>) attributes {dimension_semantics = [], scalar_prefetch = 0 : i64, scratch_operands = 0 : i64, tpu.core_type = #tpu.core_type<tc>} {
    %get3A = arith.constant 0 : index
    %get3A_0 = arith.constant 0 : index
    %get3A_1 = vector.load %arg0[%get3A, %get3A_0] : memref<240x256xf32, #tpu.memory_space<vmem>>, vector<240x256xf32>
    %get3A_2 = arith.constant 0 : index
    %get3A_3 = arith.constant 0 : index
    %get3A_4 = vector.load %arg1[%get3A_2, %get3A_3] : memref<256x256xf32, #tpu.memory_space<vmem>>, vector<256x256xf32>
    %dot_general3A = arith.constant dense<0.000000e+00> : vector<240x256xf32>
    %dot_general3A_5 = tpu.matmul %get3A_1, %get3A_4, %dot_general3A {dimension_numbers = #tpu.dot_dimension_numbers<[1], [1], [0], [0], [0, 0, 1, 0], [], []>, precision = #tpu.contract_precision<fp32>, transpose_lhs_hint = false} : vector<240x256xf32>, vector<256x256xf32>, vector<240x256xf32> -> vector<240x256xf32>
    %get3A_6 = arith.constant 0 : index
    %get3A_7 = arith.constant 0 : index
    %get3A_8 = vector.load %arg2[%get3A_6, %get3A_7] : memref<1x256xf32, #tpu.memory_space<vmem>>, vector<1x256xf32>
    %add3A = vector.broadcast %get3A_8 : vector<1x256xf32> to vector<240x256xf32>
    %add3A_9 = arith.addf %dot_general3A_5, %add3A : vector<240x256xf32>
    %swap3A = arith.constant 0 : index
    %swap3A_10 = arith.constant 0 : index
    %swap3A_11 = vector.load %arg3[%swap3A, %swap3A_10] : memref<240x256xf32, #tpu.memory_space<vmem>>, vector<240x256xf32>
    tpu.vector_store %arg3[%swap3A, %swap3A_10], %add3A_9 {strides = array<i32>} : memref<240x256xf32, #tpu.memory_space<vmem>>, vector<240x256xf32>,
    return
  }
}

module attributes {stable_mosaic.version = 14 : i64} {
  func.func @_tc_gather_body(%arg0: i32, %arg1: memref<1024x1xi32, #tpu.memory_space<vmem>>, %arg2: memref<256x256xf32, #tpu.memory_space<vmem>>, %arg3: memref<160000x256xf32, #tpu.memory_space<any>>, %arg4: memref<1024x256xf32, #tpu.memory_space<vmem>>) attributes {dimension_semantics = [#tpu.dimension_semantics<arbitrary>], iteration_bounds = array<i64: 72>, scalar_prefetch = 0 : i64, scratch_operands = 0 : i64, tpu.core_type = #tpu.core_type<tc>, window_params = [{transform_indices = @transform_0, window_bounds = array<i64: 1024, 1>}, {pipeline_mode = #tpu.pipeline_mode<synchronous>, transform_indices = @transform_1, window_bounds = array<i64: 256, 256>}, {}, {transform_indices = @transform_3, window_bounds = array<i64: 1024, 256>}]} {
    %get3A = arith.constant 0 : index
    %get3A_0 = arith.constant 0 : index
    %get3A_1 = vector.load %arg1[%get3A, %get3A_0] : memref<1024x1xi32, #tpu.memory_space<vmem>>, vector<1024x1xi32>
    %iota3A = tpu.iota {dimensions = array<i32: 1>} : vector<1024x256xi32>
    %eq3A = vector.broadcast %get3A_1 : vector<1024x1xi32> to vector<1024x256xi32>
    %eq3A_2 = arith.cmpi eq, %eq3A, %iota3A : vector<1024x256xi32>
    %convert_element_type3A = arith.extui %eq3A_2 : vector<1024x256xi1> to vector<1024x256xi32>
    %convert_element_type3A_3 = arith.sitofp %convert_element_type3A : vector<1024x256xi32> to vector<1024x256xf32>
    %get3A_4 = arith.constant 0 : index
    %get3A_5 = arith.constant 0 : index
    %get3A_6 = vector.load %arg2[%get3A_4, %get3A_5] : memref<256x256xf32, #tpu.memory_space<vmem>>, vector<256x256xf32>
    %dot_general3A = arith.constant dense<0.000000e+00> : vector<1024x256xf32>
    %dot_general3A_7 = tpu.matmul %convert_element_type3A_3, %get3A_6, %dot_general3A {dimension_numbers = #tpu.dot_dimension_numbers<[1], [0], [0], [1], [0, 0, 1, 1], [], []>, precision = #tpu.contract_precision<fp32>, transpose_lhs_hint = false} : vector<1024x256xf32>, vector<256x256xf32>, vector<1024x256xf32> -> vector<1024x256xf32>
    %swap3A = arith.constant 0 : index
    %swap3A_8 = arith.constant 0 : index
    %swap3A_9 = vector.load %arg4[%swap3A, %swap3A_8] : memref<1024x256xf32, #tpu.memory_space<vmem>>, vector<1024x256xf32>
    tpu.vector_store %arg4[%swap3A, %swap3A_8], %dot_general3A_7 {strides = array<i32>} : memref<1024x256xf32, #tpu.memory_space<vmem>>, vector<1024x256xf32>,
    return
  }
  func.func @transform_0(%arg0: i32) -> (i32, i32) {
    %c0_i32 = arith.constant 0 : i32
    %c0_i32_0 = arith.constant 0 : i32
    return %arg0, %c0_i32 : i32, i32
  }
  func.func @transform_1(%arg0: i32) -> (i32, i32) {
    %c0_i32 = arith.constant 0 : i32
    %c0_i32_0 = arith.constant 0 : i32
    %c0_i32_1 = arith.constant 0 : i32
    return %c0_i32, %c0_i32_0 : i32, i32
  }
  func.func @transform_3(%arg0: i32) -> (i32, i32) {
    %c0_i32 = arith.constant 0 : i32
    %c0_i32_0 = arith.constant 0 : i32
    return %arg0, %c0_i32 : i32, i32
  }
}

</mosaic_0001>

<sc_bundles>
// kernel: kernel.5.cloned.1.call-start
scs
__scs_entry_jumppad:
0x0: {  	(pc) =	sbr.rel $0x88, $3  }
0x1: {  	(tag) =	ssettag $0x0;
	lr =	simm.s32 $0x1  }
0x2: {  	[smem:$0x3F9D] =	sst lr;
	_ =	strace $0xD0000000  }
0x3: {  	_ = 	snop  }
0x4: {  	_ = 	snop  }
0x5: {  	_ = 	snop  }
0x6: {  	_ = 	snop  }
0x7: {  	_ = 	snop  }
__scs_overlays_trampoline_lowered:
0x8: {  	[smem:$0x3FAC] =	sst s0  }
0x9: {  	[smem:$0x3FAD] =	sst s1  }
0xa: {  	[smem:$0x3FAE] =	sst s2  }
0xb: {  	[smem:$0x3FAF] =	sst s3  }
0xc: {  	[smem:$0x3FB0] =	sst s4  }
0xd: {  	[smem:$0x3FB1] =	sst s5  }
0xe: {  	[smem:$0x3FB2] =	sst s6  }
0xf: {  	[smem:$0x3FB3] =	sst s7  }
0x10: {  	[smem:$0x3FB4] =	sst s8  }
0x11: {  	[smem:$0x3FB5] =	sst s9;
	s0 =	simm.s32 @!p0 $0x0  }
0x12: {  	s1 =	sld [smem:$0x3F9B];
	s0 =	simm.s32 @p0 $0x1  }
0x13: {  	[smem:$0x3FB6] =	sst s0;
	s0 =	simm.s32 @!p1 $0x0  }
0x14: {  	s2 =	sld [smem:$0x3F9A];
	s0 =	simm.s32 @p1 $0x1  }
0x15: {  	[smem:$0x3FB7] =	sst s0;
	s0 =	simm.s32 @!p2 $0x0  }
0x16: {  	s3 =	sld [smem:$0x3FDB];
	s0 =	simm.s32 @p2 $0x1  }
0x17: {  	s4 =	simm.s32 $0x1BF5;
	[smem:$0x3FB9] =	sst s0  }
0x18: {  	s0 =	sld [smem:$0x3F9C];
	_ =	swait.ge [sflag:s4], $0x0  }
0x19: {  	s7 =	sld [smem:$0x3F9D]  }
0x1a: {  	s8 =	sadd.s32 $0xFFFFE003, lr  }
0x1b: {  	s9 =	sadd.s32 $0xFFFFFEF7, lr;
	s5 =	simm.s32 $0xFFFFFFFF;
	p2 =	slt.u32 s8, $0xFFFFF086  }
0x1c: {  	p1 =	slt.u32 s9, $0xF7A;
	s5 =	simm.s32 @!p2 $0x0  }
0x1d: {  	s5 =	simm.s32 @p1 $0x1;
	p0 =	seq.s32 s7, s2  }
0x1e: {  	s7 =	smul.u32 @!p0 $0xF7A, s2;
	p2 =	seq.s32 @!p0 s5, $0x0  }
0x1f: {  	s9 =	smul.u32 $0xF7A, s1;
	s8 =	simm.s32 @!p0 $0x1BF5;
	p2 =	por !p2, p0  }
0x20: {  	[sflag:s8] =	ssyncset.s32 @!p0 $0xFFFFF086;
	s6 =	sadd.s32 @!p0 s3, s7;
	s7 =	simm.s32 @!p0 $0x108  }
0x21: {  	s3 =	sadd.s32 s3, s9;
	s6 =	sadd.s32 @!p0 $0x88, s6;
	s7 =	simm.s32 @p2 $0x1082  }
0x22: {  	[simem:s7], [sflag:s8] =	dma.local @!p0 [hbm:s6], $0xF7A  }
0x23: {  	s9 =	sor.u32 $0xD0000000, s2;
	s6 =	simm.s32 $0x108;
	_ =	swait.ge @!p0 [sflag:s8], $0x0  }
0x24: {  	s3 =	sadd.s32 $0x88, s3;
	s6 =	simm.s32 @!p1 $0x1082;
	[sflag:s4] =	ssyncset.s32 $0xFFFFF086  }
0x25: {  	[simem:s6], [sflag:s4] =	dma.local [hbm:s3], $0xF7A  }
0x26: {  	[smem:$0x3F9D] =	sst s1;
	(tag) =	ssettag s2;
	_ =	strace s9  }
0x27: {  	s1 =	sld [smem:$0x3FAD]  }
0x28: {  	s2 =	sld [smem:$0x3FAE]  }
0x29: {  	s4 =	sld [smem:$0x3FB0]  }
0x2a: {  	p0 =	seq.s32 s5, $0x0;
	s5 =	sld [smem:$0x3FB1]  }
0x2b: {  	s6 =	sld [smem:$0x3FB2]  }
0x2c: {  	s7 =	sld [smem:$0x3FB3]  }
0x2d: {  	s3 =	simm.s32 $0x108;
	s8 =	sld [smem:$0x3FB4]  }
0x2e: {  	s3 =	simm.s32 @!p0 $0x1082;
	s9 =	sld [smem:$0x3FB5]  }
0x2f: {  	lr =	sadd.s32 s0, s3;
	s0 =	sld [smem:$0x3FAC]  }
0x30: {  	s3 =	sld [smem:$0x3FAF]  }
0x31: {  	[smem:$0x3FB8] =	sst s10  }
0x32: {  	s10 =	sld [smem:$0x3FB6];
	_ =	sdelay $0x3  }
0x33: {  	p0 =	seq.s32 s10, $0x1;
	s10 =	sld [smem:$0x3FB8];
	_ =	sdelay $0x3  }
0x34: {  	[smem:$0x3FB8] =	sst s10  }
0x35: {  	s10 =	sld [smem:$0x3FB7];
	_ =	sdelay $0x3  }
0x36: {  	p1 =	seq.s32 s10, $0x1;
	s10 =	sld [smem:$0x3FB8];
	_ =	sdelay $0x3  }
0x37: {  	[smem:$0x3FB8] =	sst s10  }
0x38: {  	s10 =	sld [smem:$0x3FB9]  }
0x39: {  	_ = 	snop;
	(pc) =	sbr.ind lr, $3  }
0x3a: {  	_ = 	snop  }
0x3b: {  	_ = 	snop  }
0x3c: {  	p2 =	seq.s32 s10, $0x1;
	s10 =	sld [smem:$0x3FB8]  }
0x3d: {  	_ =	shalt  }
0x3e: {  	_ =	shalt  }
0x3f: {  	_ =	shalt  }
0x40: {  	_ =	shalt  }
0x41: {  	_ =	shalt  }
0x42: {  	_ =	shalt  }
0x43: {  	_ =	shalt  }
0x44: {  	_ =	shalt  }
0x45: {  	_ =	shalt  }
0x46: {  	_ =	shalt  }
0x47: {  	_ =	shalt  }
0x48: {  	_ =	shalt  }
0x49: {  	_ =	shalt  }
0x4a: {  	_ =	shalt  }
0x4b: {  	_ =	shalt  }
0x4c: {  	_ =	shalt  }
0x4d: {  	_ =	shalt  }
0x4e: {  	_ =	shalt  }
0x4f: {  	_ =	shalt  }
0x50: {  	_ =	shalt  }
0x51: {  	_ =	shalt  }
0x52: {  	_ =	shalt  }
0x53: {  	_ =	shalt  }
0x54: {  	_ =	shalt  }
0x55: {  	_ =	shalt  }
0x56: {  	_ =	shalt  }
0x57: {  	_ =	shalt  }
0x58: {  	_ =	shalt  }
0x59: {  	_ =	shalt  }
0x5a: {  	_ =	shalt  }
0x5b: {  	_ =	shalt  }
0x5c: {  	_ =	shalt  }
0x5d: {  	_ =	shalt  }
0x5e: {  	_ =	shalt  }
0x5f: {  	_ =	shalt  }
0x60: {  	_ =	shalt  }
0x61: {  	_ =	shalt  }
0x62: {  	_ =	shalt  }
0x63: {  	_ =	shalt  }
0x64: {  	_ =	shalt  }
0x65: {  	_ =	shalt  }
0x66: {  	_ =	shalt  }
0x67: {  	_ =	shalt  }
0x68: {  	_ =	shalt  }
0x69: {  	_ =	shalt  }
0x6a: {  	_ =	shalt  }
0x6b: {  	_ =	shalt  }
0x6c: {  	_ =	shalt  }
0x6d: {  	_ =	shalt  }
0x6e: {  	_ =	shalt  }
0x6f: {  	_ =	shalt  }
0x70: {  	_ =	shalt  }
0x71: {  	_ =	shalt  }
0x72: {  	_ =	shalt  }
0x73: {  	_ =	shalt  }
0x74: {  	_ =	shalt  }
0x75: {  	_ =	shalt  }
0x76: {  	_ =	shalt  }
0x77: {  	_ =	shalt  }
0x78: {  	_ =	shalt  }
0x79: {  	_ =	shalt  }
0x7a: {  	_ =	shalt  }
0x7b: {  	_ =	shalt  }
0x7c: {  	_ =	shalt  }
0x7d: {  	_ =	shalt  }
0x7e: {  	_ =	shalt  }
0x7f: {  	_ =	shalt  }
0x80: {  	_ =	shalt  }
0x81: {  	_ =	shalt  }
0x82: {  	_ =	shalt  }
0x83: {  	_ =	shalt  }
0x84: {  	_ =	shalt  }
0x85: {  	_ =	shalt  }
0x86: {  	_ =	shalt  }
0x87: {  	_ =	shalt  }
.Lfunc_end0:
.L_simem_size_0:
called_computation_lowered:
.L_overlay_start_0:
0x88: {  	s2 =	sld [smem:$0x3FD9]  }
0x89: {  	s3 =	sld [smem:$0x3FFE];
	_ =	sdelay $0x1  }
0x8a: {  	s1 =	srdreg.scid  }
0x8b: {  	s0 =	sand.u32 $0x1, s1  }
0x8c: {  	s17 =	sshll.u32 s0, $0xA;
	s2 =	sadd.s32 s3, s2  }
0x8d: {  	s2 =	sadd.s32 s2, s17  }
0x8e: {  	[smem:$0x3FC4] =	sst s2  }
0x8f: {  	_ = 	snop  }
0x90: {  	s2 =	sld [smem:$0x3FD0];
	(tm) =	ssettm $0x1  }
0x91: {  	s18 =	sld [smem:$0x3FFB];
	_ =	sdelay $0x3  }
0x92: {  	_ =	strace s18  }
0x93: {  	s3 =	sld [smem:$0x3FFC];
	_ =	sdelay $0x3  }
0x94: {  	_ =	strace s3  }
0x95: {  	s3 =	sld [smem:$0x3FFD];
	_ =	sdelay $0x3  }
0x96: {  	_ =	strace s3  }
0x97: {  	_ =	strace $0x8FFFFFFF  }
0x98: {  	s19 =	sld [smem:$0x3FDB];
	_ =	sdelay $0x1  }
0x99: {  	s4 =	simm.s32 $_scs_section_size  }
0x9a: {  	s5 =	simm.s32 $_size__tile_overlayer_lowered;
	s6 =	simm.s32 $_tile_overlayer_lowered  }
0x9b: {  	s22 =	simm.s32 $0x1BFF;
	s21 =	sshll.u32 s6, $0x1;
	s3 =	sadd.s32 s4, s19  }
0x9c: {  	s7 =	simm.s32 $0x0;
	s20 =	sshll.u32 s5, $0x1;
	s5 =	sadd.s32 s21, s3  }
0x9d: {  	[timem:s7], [sflag:s22] =	dma.local [hbm:s5], s20  }
0x9e: {  	_ =	swait.ge [sflag:s22], s20  }
0x9f: {  	s4 =	ssub.s32 $0x0, s20;
	[sflag:s22] =	ssyncset.done $0x0  }
0xa0: {  	[sflag:s22] =	ssyncadd.s32 s4;
	_ =	sdelay $0x1  }
0xa1: {  	s23 =	simm.s32 $0x1B8B  }
0xa2: {  	_ =	swait.ge [sflag:s23], $0x1  }
0xa3: {  	[sflag:s23] =	ssyncset.done $0x0  }
0xa4: {  	s25 =	simm.s32 $0x1B8E;
	s24 =	sld [smem:$0x3FFE];
	[sflag:s23] =	ssyncadd.s32 $0xFFFFFFFF  }
0xa5: {  	s26 =	simm.s32 $execute0_lowered;
	[smem:$0x3FD2] =	sst s25  }
0xa6: {  	s5 =	sshll.u32 s26, $0x1;
	_ =	strace $0x80000046;
	[dreg:$0x1] =	wrdreg $0xFFFFFFFF  }
0xa7: {  	s28 =	simm.s32 $_size_execute0_lowered;
	s3 =	sadd.s32 s3, s5;
	[dreg:$0x0] =	wrdreg $0x0  }
0xa8: {  	s5 =	sshll.u32 s28, $0x1;
	[dreg:$0x2] =	wrdreg s3  }
0xa9: {  	[dreg:$0x3] =	wrdreg s5  }
0xaa: {  	[dreg:$0x4] =	wrdreg $0xC0  }
0xab: {  	_ =	task [dreg:s7], $0x5FFFF  }
0xac: {  	[dreg:$0x1] =	wrdreg $0xFFFFFFFF  }
0xad: {  	[dreg:$0x0] =	wrdreg $0x60  }
0xae: {  	[dreg:$0x2] =	wrdreg s24  }
0xaf: {  	[dreg:$0x3] =	wrdreg s2  }
0xb0: {  	[dreg:$0x4] =	wrdreg $0x9  }
0xb1: {  	_ =	task.clear_ibuf [dreg:s7], $0x5FFFF;
	_ =	strace $0x90000046  }
0xb2: {  	s29 =	simm.s32 $0x9;
	_ =	strace $0x80000048  }
0xb3: {  	_ =	swait.ge [sflag:s29], $0x1  }
0xb4: {  	[sflag:s29] =	ssyncadd.s32 $0xFFFFFFFF  }
0xb5: {  	_ =	strace $0x90000048  }
0xb6: {  	_ =	sfence  }
0xb7: {  	s30 =	sld [smem:$0x0];
	_ =	sdelay $0x2  }
0xb8: {  	s31 =	sshll.u32 s1, $0xD;
	s1 =	sshrl.u32 s1, $0x2  }
0xb9: {  	s3 =	sand.u32 $0x4000, s31;
	s1 =	sadd.s32 s1, s30  }
0xba: {  	s0 =	sor.u32 s3, s0;
	s1 =	sshll.u32 s1, $0x11  }
0xbb: {  	s0 =	sor.u32 s1, s0  }
0xbc: {  	s0 =	sadd.s32 $0x8F2B, s0  }
0xbd: {  	[sflag:s0] =	ssyncadd.remote.s32 $0x1  }
0xbe: {  	_ =	sfence.sel $0xFFFF  }
0xbf: {  	[dreg:$0x0] =	wrdreg $0xFFFFFFFF;
	(pc) =	sbr.abs _section_cstart, $3  }
0xc0: {  	[dreg:$0x1] =	wrdreg $0xFFFFFFFF  }
0xc1: {  	_ =	task.clear_ibuf [dreg:s7], $0x2FFFF;
	_ =	strace $0x9FFFFFFF  }
0xc2: {  	(tm) =	ssettm $0x7FFFFFFF  }
0xc3: {  	_ =	shalt  }
tec
execute0_lowered:
.L_overlay_start_1:
0x0: {  	(tag) =	ssettag $0x1  }
0x1: {  	s0 =	srdreg.scid;
	s2 =	stileid.u32  }
0x2: {  	s0 =	sand.u32 $0x1, s0;
	s2 =	sshll.u32 s2, $0x1  }
0x3: {  	s4 =	sor.u32 s0, s2  }
0x4: {  	s1 =	rddreg [dreg:$0x0];
	s2 =	simm.s32 $0x0;
	s5 =	smul.u32 $0x15100, s4  }
0x5: {  	[smem:$0x7FF] =	sst s2;
	s6 =	sshll.u32 s4, $0x9;
	s4 =	smul.u32 $0xA8800, s4  }
0x6: {  	s3 =	rddreg [dreg:$0x1];
	_ =	strace $0x80000047;
	s6 =	sadd.s32 s6, s1  }
0x7: {  	s6 =	sadd.s32 $0x1200, s6;
	s5 =	sadd.s32 s5, s3;
	s4 =	sshrl.u32 s4, $0x3  }
0x8: {  	[dreg:$0x3] =	wrdreg s6;
	s5 =	sadd.s32 $0x240000, s5;
	s4 =	sadd.s32 s3, s4  }
0x9: {  	[dreg:$0x4] =	wrdreg s5;
	s3 =	sadd.s32 $0x240D00, s4  }
0xa: {  	s6 =	sadd.s32 $0x241A00, s4;
	[dreg:$0x5] =	wrdreg s3  }
0xb: {  	s7 =	sadd.s32 $0x242700, s4;
	[dreg:$0x6] =	wrdreg s6  }
0xc: {  	s8 =	sadd.s32 $0x243400, s4;
	[dreg:$0x7] =	wrdreg s7  }
0xd: {  	s9 =	sadd.s32 $0x244100, s4;
	[dreg:$0x8] =	wrdreg s8  }
0xe: {  	s10 =	sadd.s32 $0x244E00, s4;
	[dreg:$0x9] =	wrdreg s9  }
0xf: {  	s11 =	sadd.s32 $0x245B00, s4;
	[dreg:$0xa] =	wrdreg s10  }
0x10: {  	s12 =	sadd.s32 $0x246800, s4;
	[dreg:$0xb] =	wrdreg s11  }
0x11: {  	s13 =	sadd.s32 $0x247500, s4;
	[dreg:$0xc] =	wrdreg s12  }
0x12: {  	s14 =	sadd.s32 $0x248200, s4;
	[dreg:$0xd] =	wrdreg s13  }
0x13: {  	s15 =	sadd.s32 $0x248F00, s4;
	[dreg:$0xe] =	wrdreg s14  }
0x14: {  	s16 =	sadd.s32 $0x249C00, s4;
	[dreg:$0xf] =	wrdreg s15  }
0x15: {  	s17 =	sadd.s32 $0x24A900, s4;
	[dreg:$0x10] =	wrdreg s16  }
0x16: {  	s18 =	sadd.s32 $0x24B600, s4;
	[dreg:$0x11] =	wrdreg s17  }
0x17: {  	s19 =	sadd.s32 $0x24C300, s4;
	[dreg:$0x12] =	wrdreg s18  }
0x18: {  	s20 =	sadd.s32 $0x24D000, s4;
	[dreg:$0x13] =	wrdreg s19  }
0x19: {  	s21 =	sadd.s32 $0x24DD00, s4;
	[dreg:$0x14] =	wrdreg s20  }
0x1a: {  	s22 =	sadd.s32 $0x24EA00, s4;
	[dreg:$0x15] =	wrdreg s21  }
0x1b: {  	s23 =	sadd.s32 $0x24F700, s4;
	[dreg:$0x16] =	wrdreg s22  }
0x1c: {  	s24 =	sadd.s32 $0x250400, s4;
	[dreg:$0x17] =	wrdreg s23  }
0x1d: {  	s25 =	sadd.s32 $0x251100, s4;
	[dreg:$0x18] =	wrdreg s24  }
0x1e: {  	s26 =	sadd.s32 $0x251E00, s4;
	[dreg:$0x19] =	wrdreg s25  }
0x1f: {  	s0 =	ssub.s32 $0x2, s0;
	s28 =	sadd.s32 $0x252B00, s4;
	[dreg:$0x1a] =	wrdreg s26  }
0x20: {  	s29 =	sshrl.u32 s0, $0x1;
	s30 =	sadd.s32 $0x253800, s4;
	[dreg:$0x1b] =	wrdreg s28  }
0x21: {  	s0 =	ssub.s32 s0, s29;
	s31 =	sadd.s32 $0x254500, s4;
	[dreg:$0x1c] =	wrdreg s30  }
0x22: {  	v2 =	vlaneseq.u32;
	s0 =	smax.u32 s0, $0x1;
	s3 =	sadd.s32 $0x5200, s1;
	[dreg:$0x1d] =	wrdreg s31  }
0x23: {  	vm0 =	vmmov $0xffff;
	v1 =	vshrl.u32 v2, $0x3;
	s20 =	simm.s32 $0x1;
	s8 =	simm.s32 $0x2;
	s9 =	simm.s32 $0x5  }
0x24: {  	v0 =	vand.u32 $0x7, v2;
	v2 =	vor.u32 $0x8, v2;
	v1 =	vmul.u32 $0x8, v1;
	s11 =	simm.s32 $0x6;
	s13 =	simm.s32 $0x4;
	s14 =	simm.s32 $0x7  }
.LBB2_1:
0x25: {  	[dreg:$0x1e] =	wrdreg s0  }
0x26: {  	s15 =	rddreg [dreg:$0x3];
	s12 =	simm.s32 $0x9  }
0x27: {  	[tilespmem:s2], [sflag:$0x9] =	stream.linear.gather [hbm4b:s15+s2], $0xD00, $0x38;
	[tilespmem:$0x1B000] =	vst v63  }
0x28: {  	_ =	swait.ge [sflag:s12], $0xD00  }
0x29: {  	[sflag:s12] =	ssyncset.done $0x0  }
0x2a: {  	[sflag:s12] =	ssyncadd.s32 $0xFFFFF300  }
0x2b: {  	v3 =	vld [tilespmem:$0x0];
	_ =	sdelay $0x4  }
0x2c: {  	v4 =	vshll.u32 v3, $0x1  }
0x2d: {  	v3 =	vand.u32 $0x7, v3;
	v4 =	vand.u32 $0xFFFFFFF0, v4  }
0x2e: {  	v3 =	vor.u32 v3, v4  }
0x2f: {  	v4 =	vperm.xlane v3, v0;
	_ =	sdelay $0x1  }
0x30: {  	v3 =	vperm.xlane v3, v2;
	v4 =	vadd.s32 v1, v4;
	_ =	sdelay $0x1  }
0x31: {  	v3 =	vadd.s32 v1, v3;
	_ =	sdelay $0x1  }
0x32: {  	s15 =	simm.s32 $0x1000  }
0x33: {  	[tilespmem:s15], [sflag:$0x1] =	stream.indirect_vreg.gather [hbm4b:s3+s2], $0x80, v4, vm0, $0xb8;
	[tilespmem:$0x1B000] =	vst v63  }
0x34: {  	s16 =	simm.s32 $0x1800  }
0x35: {  	[tilespmem:s16], [sflag:$0x1] =	stream.indirect_vreg.gather [hbm4b:s3+s2], $0x80, v3, vm0, $0xb8;
	[tilespmem:$0x1B000] =	vst v63  }
0x36: {  	v3 =	vld [tilespmem:$0x10];
	_ =	sdelay $0x4  }
0x37: {  	v51 =	vshll.u32 v3, $0x1  }
0x38: {  	v3 =	vand.u32 $0x7, v3;
	v4 =	vand.u32 $0xFFFFFFF0, v51  }
0x39: {  	v3 =	vor.u32 v3, v4  }
0x3a: {  	v4 =	vperm.xlane v3, v0;
	_ =	sdelay $0x1  }
0x3b: {  	v3 =	vperm.xlane v3, v2;
	v4 =	vadd.s32 v1, v4;
	_ =	sdelay $0x1  }
0x3c: {  	v3 =	vadd.s32 v1, v3;
	_ =	sdelay $0x1  }
0x3d: {  	s17 =	simm.s32 $0x2000  }
0x3e: {  	[tilespmem:s17], [sflag:$0x1] =	stream.indirect_vreg.gather [hbm4b:s3+s2], $0x80, v4, vm0, $0xb8;
	[tilespmem:$0x1B000] =	vst v63  }
0x3f: {  	s18 =	simm.s32 $0x2800  }
0x40: {  	[tilespmem:s18], [sflag:$0x1] =	stream.indirect_vreg.gather [hbm4b:s3+s2], $0x80, v3, vm0, $0xb8;
	[tilespmem:$0x1B000] =	vst v63  }
0x41: {  	v3 =	vld [tilespmem:$0x20];
	_ =	sdelay $0x4  }
0x42: {  	v52 =	vshll.u32 v3, $0x1  }
0x43: {  	v3 =	vand.u32 $0x7, v3;
	v4 =	vand.u32 $0xFFFFFFF0, v52  }
0x44: {  	v3 =	vor.u32 v3, v4  }
0x45: {  	v4 =	vperm.xlane v3, v0;
	_ =	sdelay $0x1  }
0x46: {  	v3 =	vperm.xlane v3, v2;
	v4 =	vadd.s32 v1, v4;
	_ =	sdelay $0x1  }
0x47: {  	v3 =	vadd.s32 v1, v3;
	_ =	sdelay $0x1  }
0x48: {  	s19 =	simm.s32 $0x3000  }
0x49: {  	[tilespmem:s19], [sflag:$0x1] =	stream.indirect_vreg.gather [hbm4b:s3+s2], $0x80, v4, vm0, $0xb8;
	[tilespmem:$0x1B000] =	vst v63  }
0x4a: {  	s23 =	simm.s32 $0x3800  }
0x4b: {  	[tilespmem:s23], [sflag:$0x1] =	stream.indirect_vreg.gather [hbm4b:s3+s2], $0x80, v3, vm0, $0xb8;
	[tilespmem:$0x1B000] =	vst v63  }
0x4c: {  	v3 =	vld [tilespmem:$0x30];
	_ =	sdelay $0x4  }
0x4d: {  	v53 =	vshll.u32 v3, $0x1  }
0x4e: {  	v3 =	vand.u32 $0x7, v3;
	v4 =	vand.u32 $0xFFFFFFF0, v53  }
0x4f: {  	v3 =	vor.u32 v3, v4  }
0x50: {  	v4 =	vperm.xlane v3, v0;
	_ =	sdelay $0x1  }
0x51: {  	v3 =	vperm.xlane v3, v2;
	v4 =	vadd.s32 v1, v4;
	_ =	sdelay $0x1  }
0x52: {  	v3 =	vadd.s32 v1, v3;
	_ =	sdelay $0x1  }
0x53: {  	s24 =	simm.s32 $0x4000  }
0x54: {  	[tilespmem:s24], [sflag:$0x1] =	stream.indirect_vreg.gather [hbm4b:s3+s2], $0x80, v4, vm0, $0xb8;
	[tilespmem:$0x1B000] =	vst v63  }
0x55: {  	s25 =	simm.s32 $0x4800  }
0x56: {  	[tilespmem:s25], [sflag:$0x1] =	stream.indirect_vreg.gather [hbm4b:s3+s2], $0x80, v3, vm0, $0xb8;
	[tilespmem:$0x1B000] =	vst v63  }
0x57: {  	v3 =	vld [tilespmem:$0x40];
	_ =	sdelay $0x4  }
0x58: {  	v54 =	vshll.u32 v3, $0x1  }
0x59: {  	v3 =	vand.u32 $0x7, v3;
	v4 =	vand.u32 $0xFFFFFFF0, v54  }
0x5a: {  	v3 =	vor.u32 v3, v4  }
0x5b: {  	v4 =	vperm.xlane v3, v0;
	_ =	sdelay $0x1  }
0x5c: {  	v3 =	vperm.xlane v3, v2;
	v4 =	vadd.s32 v1, v4;
	_ =	sdelay $0x1  }
0x5d: {  	v3 =	vadd.s32 v1, v3;
	_ =	sdelay $0x1  }
0x5e: {  	s26 =	simm.s32 $0x5000  }
0x5f: {  	[tilespmem:s26], [sflag:$0x1] =	stream.indirect_vreg.gather [hbm4b:s3+s2], $0x80, v4, vm0, $0xb8;
	[tilespmem:$0x1B000] =	vst v63  }
0x60: {  	s28 =	simm.s32 $0x5800  }
0x61: {  	[tilespmem:s28], [sflag:$0x1] =	stream.indirect_vreg.gather [hbm4b:s3+s2], $0x80, v3, vm0, $0xb8;
	[tilespmem:$0x1B000] =	vst v63  }
0x62: {  	v3 =	vld [tilespmem:$0x50];
	_ =	sdelay $0x4  }
0x63: {  	v55 =	vshll.u32 v3, $0x1  }
0x64: {  	v3 =	vand.u32 $0x7, v3;
	v4 =	vand.u32 $0xFFFFFFF0, v55  }
0x65: {  	v3 =	vor.u32 v3, v4  }
0x66: {  	v4 =	vperm.xlane v3, v0;
	_ =	sdelay $0x1  }
0x67: {  	v3 =	vperm.xlane v3, v2;
	v4 =	vadd.s32 v1, v4;
	_ =	sdelay $0x1  }
0x68: {  	v3 =	vadd.s32 v1, v3;
	_ =	sdelay $0x1  }
0x69: {  	s29 =	simm.s32 $0x6000  }
0x6a: {  	[tilespmem:s29], [sflag:$0x1] =	stream.indirect_vreg.gather [hbm4b:s3+s2], $0x80, v4, vm0, $0xb8;
	[tilespmem:$0x1B000] =	vst v63  }
0x6b: {  	s30 =	simm.s32 $0x6800  }
0x6c: {  	[tilespmem:s30], [sflag:$0x1] =	stream.indirect_vreg.gather [hbm4b:s3+s2], $0x80, v3, vm0, $0xb8;
	[tilespmem:$0x1B000] =	vst v63  }
0x6d: {  	v3 =	vld.msk [tilespmem:$0x60], $0xff;
	_ =	sdelay $0x4  }
0x6e: {  	v56 =	vshll.u32 v3, $0x1  }
0x6f: {  	v3 =	vand.u32 $0x7, v3;
	v4 =	vand.u32 $0xFFFFFFF0, v56  }
0x70: {  	v3 =	vor.u32 v3, v4  }
0x71: {  	v3 =	vperm.xlane v3, v0;
	_ =	sdelay $0x1  }
0x72: {  	v3 =	vadd.s32 v1, v3;
	_ =	sdelay $0x3  }
0x73: {  	s31 =	simm.s32 $0x7000  }
0x74: {  	[tilespmem:s31], [sflag:$0x1] =	stream.indirect_vreg.gather [hbm4b:s3+s2], $0x80, v3, vm0, $0xb8;
	[tilespmem:$0x1B000] =	vst v63  }
0x75: {  	v3 =	vld [tilespmem:$0x80];
	_ =	sdelay $0x4  }
0x76: {  	v57 =	vshll.u32 v3, $0x1  }
0x77: {  	v3 =	vand.u32 $0x7, v3;
	v4 =	vand.u32 $0xFFFFFFF0, v57  }
0x78: {  	v3 =	vor.u32 v3, v4  }
0x79: {  	v4 =	vperm.xlane v3, v0;
	_ =	sdelay $0x1  }
0x7a: {  	v3 =	vperm.xlane v3, v2;
	v4 =	vadd.s32 v1, v4;
	_ =	sdelay $0x1  }
0x7b: {  	v3 =	vadd.s32 v1, v3;
	_ =	sdelay $0x1  }
0x7c: {  	s1 =	simm.s32 $0x7800  }
0x7d: {  	[tilespmem:s1], [sflag:$0x2] =	stream.indirect_vreg.gather [hbm4b:s3+s2], $0x80, v4, vm0, $0xb8;
	[tilespmem:$0x1B000] =	vst v63  }
0x7e: {  	s1 =	simm.s32 $0x8000  }
0x7f: {  	[tilespmem:s1], [sflag:$0x2] =	stream.indirect_vreg.gather [hbm4b:s3+s2], $0x80, v3, vm0, $0xb8;
	[tilespmem:$0x1B000] =	vst v63  }
0x80: {  	v3 =	vld [tilespmem:$0x90];
	_ =	sdelay $0x4  }
0x81: {  	v58 =	vshll.u32 v3, $0x1  }
0x82: {  	v3 =	vand.u32 $0x7, v3;
	v4 =	vand.u32 $0xFFFFFFF0, v58  }
0x83: {  	v3 =	vor.u32 v3, v4  }
0x84: {  	v4 =	vperm.xlane v3, v0;
	_ =	sdelay $0x1  }
0x85: {  	v3 =	vperm.xlane v3, v2;
	v4 =	vadd.s32 v1, v4;
	_ =	sdelay $0x1  }
0x86: {  	v3 =	vadd.s32 v1, v3;
	_ =	sdelay $0x1  }
0x87: {  	s4 =	simm.s32 $0x8800  }
0x88: {  	[tilespmem:s4], [sflag:$0x2] =	stream.indirect_vreg.gather [hbm4b:s3+s2], $0x80, v4, vm0, $0xb8;
	[tilespmem:$0x1B000] =	vst v63  }
0x89: {  	s5 =	simm.s32 $0x9000  }
0x8a: {  	[tilespmem:s5], [sflag:$0x2] =	stream.indirect_vreg.gather [hbm4b:s3+s2], $0x80, v3, vm0, $0xb8;
	[tilespmem:$0x1B000] =	vst v63  }
0x8b: {  	v3 =	vld [tilespmem:$0xA0];
	_ =	sdelay $0x4  }
0x8c: {  	v59 =	vshll.u32 v3, $0x1  }
0x8d: {  	v3 =	vand.u32 $0x7, v3;
	v4 =	vand.u32 $0xFFFFFFF0, v59  }
0x8e: {  	v3 =	vor.u32 v3, v4  }
0x8f: {  	v4 =	vperm.xlane v3, v0;
	_ =	sdelay $0x1  }
0x90: {  	v3 =	vperm.xlane v3, v2;
	v4 =	vadd.s32 v1, v4;
	_ =	sdelay $0x1  }
0x91: {  	v3 =	vadd.s32 v1, v3;
	_ =	sdelay $0x1  }
0x92: {  	s6 =	simm.s32 $0x9800  }
0x93: {  	[tilespmem:s6], [sflag:$0x2] =	stream.indirect_vreg.gather [hbm4b:s3+s2], $0x80, v4, vm0, $0xb8;
	[tilespmem:$0x1B000] =	vst v63  }
0x94: {  	s7 =	simm.s32 $0xA000  }
0x95: {  	[tilespmem:s7], [sflag:$0x2] =	stream.indirect_vreg.gather [hbm4b:s3+s2], $0x80, v3, vm0, $0xb8;
	[tilespmem:$0x1B000] =	vst v63  }
0x96: {  	v3 =	vld [tilespmem:$0xB0];
	_ =	sdelay $0x4  }
0x97: {  	v60 =	vshll.u32 v3, $0x1  }
0x98: {  	v3 =	vand.u32 $0x7, v3;
	v4 =	vand.u32 $0xFFFFFFF0, v60  }
0x99: {  	v3 =	vor.u32 v3, v4  }
0x9a: {  	v4 =	vperm.xlane v3, v0;
	_ =	sdelay $0x1  }
0x9b: {  	v3 =	vperm.xlane v3, v2;
	v4 =	vadd.s32 v1, v4;
	_ =	sdelay $0x1  }
0x9c: {  	v3 =	vadd.s32 v1, v3;
	_ =	sdelay $0x1  }
0x9d: {  	s10 =	simm.s32 $0xA800  }
0x9e: {  	[tilespmem:s10], [sflag:$0x2] =	stream.indirect_vreg.gather [hbm4b:s3+s2], $0x80, v4, vm0, $0xb8;
	[tilespmem:$0x1B000] =	vst v63  }
0x9f: {  	s15 =	simm.s32 $0xB000  }
0xa0: {  	[tilespmem:s15], [sflag:$0x2] =	stream.indirect_vreg.gather [hbm4b:s3+s2], $0x80, v3, vm0, $0xb8;
	[tilespmem:$0x1B000] =	vst v63  }
0xa1: {  	v3 =	vld [tilespmem:$0xC0];
	_ =	sdelay $0x4  }
0xa2: {  	v61 =	vshll.u32 v3, $0x1  }
0xa3: {  	v3 =	vand.u32 $0x7, v3;
	v4 =	vand.u32 $0xFFFFFFF0, v61  }
0xa4: {  	v3 =	vor.u32 v3, v4  }
0xa5: {  	v4 =	vperm.xlane v3, v0;
	_ =	sdelay $0x1  }
0xa6: {  	v3 =	vperm.xlane v3, v2;
	v4 =	vadd.s32 v1, v4;
	_ =	sdelay $0x1  }
0xa7: {  	v3 =	vadd.s32 v1, v3;
	_ =	sdelay $0x1  }
0xa8: {  	s16 =	simm.s32 $0xB800  }
0xa9: {  	[tilespmem:s16], [sflag:$0x2] =	stream.indirect_vreg.gather [hbm4b:s3+s2], $0x80, v4, vm0, $0xb8;
	[tilespmem:$0x1B000] =	vst v63  }
0xaa: {  	s18 =	simm.s32 $0xC000  }
0xab: {  	[tilespmem:s18], [sflag:$0x2] =	stream.indirect_vreg.gather [hbm4b:s3+s2], $0x80, v3, vm0, $0xb8;
	[tilespmem:$0x1B000] =	vst v63  }
0xac: {  	v3 =	vld [tilespmem:$0xD0];
	_ =	sdelay $0x4  }
0xad: {  	v62 =	vshll.u32 v3, $0x1  }
0xae: {  	v3 =	vand.u32 $0x7, v3;
	v4 =	vand.u32 $0xFFFFFFF0, v62  }
0xaf: {  	v3 =	vor.u32 v3, v4  }
0xb0: {  	v4 =	vperm.xlane v3, v0;
	_ =	sdelay $0x1  }
0xb1: {  	v3 =	vperm.xlane v3, v2;
	v4 =	vadd.s32 v1, v4;
	_ =	sdelay $0x1  }
0xb2: {  	v3 =	vadd.s32 v1, v3;
	_ =	sdelay $0x1  }
0xb3: {  	s19 =	simm.s32 $0xC800  }
0xb4: {  	[tilespmem:s19], [sflag:$0x2] =	stream.indirect_vreg.gather [hbm4b:s3+s2], $0x80, v4, vm0, $0xb8;
	[tilespmem:$0x1B000] =	vst v63  }
0xb5: {  	s24 =	simm.s32 $0xD000  }
0xb6: {  	[tilespmem:s24], [sflag:$0x2] =	stream.indirect_vreg.gather [hbm4b:s3+s2], $0x80, v3, vm0, $0xb8;
	[tilespmem:$0x1B000] =	vst v63  }
0xb7: {  	v3 =	vld.msk [tilespmem:$0xE0], $0xff;
	_ =	sdelay $0x4  }
0xb8: {  	v63 =	vshll.u32 v3, $0x1  }
0xb9: {  	v3 =	vand.u32 $0x7, v3;
	v4 =	vand.u32 $0xFFFFFFF0, v63  }
0xba: {  	v3 =	vor.u32 v3, v4  }
0xbb: {  	v3 =	vperm.xlane v3, v0;
	_ =	sdelay $0x1  }
0xbc: {  	v3 =	vadd.s32 v1, v3;
	_ =	sdelay $0x3  }
0xbd: {  	s25 =	simm.s32 $0xD800  }
0xbe: {  	[tilespmem:s25], [sflag:$0x2] =	stream.indirect_vreg.gather [hbm4b:s3+s2], $0x80, v3, vm0, $0xb8;
	[tilespmem:$0x1B000] =	vst v63  }
0xbf: {  	v3 =	vld [tilespmem:$0x100];
	_ =	sdelay $0x4  }
0xc0: {  	v8 =	vshll.u32 v3, $0x1  }
0xc1: {  	v3 =	vand.u32 $0x7, v3;
	v4 =	vand.u32 $0xFFFFFFF0, v8  }
0xc2: {  	v3 =	vor.u32 v3, v4  }
0xc3: {  	v4 =	vperm.xlane v3, v0;
	_ =	sdelay $0x1  }
0xc4: {  	v3 =	vperm.xlane v3, v2;
	v4 =	vadd.s32 v1, v4;
	_ =	sdelay $0x1  }
0xc5: {  	v3 =	vadd.s32 v1, v3;
	_ =	sdelay $0x1  }
0xc6: {  	s26 =	simm.s32 $0xE000  }
0xc7: {  	[tilespmem:s26], [sflag:$0x3] =	stream.indirect_vreg.gather [hbm4b:s3+s2], $0x80, v4, vm0, $0xb8;
	[tilespmem:$0x1B000] =	vst v63  }
0xc8: {  	s28 =	simm.s32 $0xE800  }
0xc9: {  	[tilespmem:s28], [sflag:$0x3] =	stream.indirect_vreg.gather [hbm4b:s3+s2], $0x80, v3, vm0, $0xb8;
	[tilespmem:$0x1B000] =	vst v63  }
0xca: {  	v3 =	vld [tilespmem:$0x110];
	_ =	sdelay $0x4  }
0xcb: {  	v9 =	vshll.u32 v3, $0x1  }
0xcc: {  	v3 =	vand.u32 $0x7, v3;
	v4 =	vand.u32 $0xFFFFFFF0, v9  }
0xcd: {  	v3 =	vor.u32 v3, v4  }
0xce: {  	v4 =	vperm.xlane v3, v0;
	_ =	sdelay $0x1  }
0xcf: {  	v3 =	vperm.xlane v3, v2;
	v4 =	vadd.s32 v1, v4;
	_ =	sdelay $0x1  }
0xd0: {  	v3 =	vadd.s32 v1, v3;
	_ =	sdelay $0x1  }
0xd1: {  	s4 =	simm.s32 $0xF000  }
0xd2: {  	[tilespmem:s4], [sflag:$0x3] =	stream.indirect_vreg.gather [hbm4b:s3+s2], $0x80, v4, vm0, $0xb8;
	[tilespmem:$0x1B000] =	vst v63  }
0xd3: {  	s7 =	simm.s32 $0xF800  }
0xd4: {  	[tilespmem:s7], [sflag:$0x3] =	stream.indirect_vreg.gather [hbm4b:s3+s2], $0x80, v3, vm0, $0xb8;
	[tilespmem:$0x1B000] =	vst v63  }
0xd5: {  	v3 =	vld [tilespmem:$0x120];
	_ =	sdelay $0x4  }
0xd6: {  	v10 =	vshll.u32 v3, $0x1  }
0xd7: {  	v3 =	vand.u32 $0x7, v3;
	v4 =	vand.u32 $0xFFFFFFF0, v10  }
0xd8: {  	v3 =	vor.u32 v3, v4  }
0xd9: {  	v4 =	vperm.xlane v3, v0;
	_ =	sdelay $0x1  }
0xda: {  	v3 =	vperm.xlane v3, v2;
	v4 =	vadd.s32 v1, v4;
	_ =	sdelay $0x1  }
0xdb: {  	v3 =	vadd.s32 v1, v3;
	_ =	sdelay $0x1  }
0xdc: {  	s10 =	simm.s32 $0x10000  }
0xdd: {  	[tilespmem:s10], [sflag:$0x3] =	stream.indirect_vreg.gather [hbm4b:s3+s2], $0x80, v4, vm0, $0xb8;
	[tilespmem:$0x1B000] =	vst v63  }
0xde: {  	s15 =	simm.s32 $0x10800  }
0xdf: {  	[tilespmem:s15], [sflag:$0x3] =	stream.indirect_vreg.gather [hbm4b:s3+s2], $0x80, v3, vm0, $0xb8;
	[tilespmem:$0x1B000] =	vst v63  }
0xe0: {  	v3 =	vld [tilespmem:$0x130];
	_ =	sdelay $0x4  }
0xe1: {  	v11 =	vshll.u32 v3, $0x1  }
0xe2: {  	v3 =	vand.u32 $0x7, v3;
	v4 =	vand.u32 $0xFFFFFFF0, v11  }
0xe3: {  	v3 =	vor.u32 v3, v4  }
0xe4: {  	v4 =	vperm.xlane v3, v0;
	_ =	sdelay $0x1  }
0xe5: {  	v3 =	vperm.xlane v3, v2;
	v4 =	vadd.s32 v1, v4;
	_ =	sdelay $0x1  }
0xe6: {  	v3 =	vadd.s32 v1, v3;
	_ =	sdelay $0x1  }
0xe7: {  	s16 =	simm.s32 $0x11000  }
0xe8: {  	[tilespmem:s16], [sflag:$0x3] =	stream.indirect_vreg.gather [hbm4b:s3+s2], $0x80, v4, vm0, $0xb8;
	[tilespmem:$0x1B000] =	vst v63  }
0xe9: {  	s18 =	simm.s32 $0x11800  }
0xea: {  	[tilespmem:s18], [sflag:$0x3] =	stream.indirect_vreg.gather [hbm4b:s3+s2], $0x80, v3, vm0, $0xb8;
	[tilespmem:$0x1B000] =	vst v63  }
0xeb: {  	v3 =	vld [tilespmem:$0x140];
	_ =	sdelay $0x4  }
0xec: {  	v12 =	vshll.u32 v3, $0x1  }
0xed: {  	v3 =	vand.u32 $0x7, v3;
	v4 =	vand.u32 $0xFFFFFFF0, v12  }
0xee: {  	v3 =	vor.u32 v3, v4  }
0xef: {  	v4 =	vperm.xlane v3, v0;
	_ =	sdelay $0x1  }
0xf0: {  	v3 =	vperm.xlane v3, v2;
	v4 =	vadd.s32 v1, v4;
	_ =	sdelay $0x1  }
0xf1: {  	v3 =	vadd.s32 v1, v3;
	_ =	sdelay $0x1  }
0xf2: {  	s19 =	simm.s32 $0x12000  }
0xf3: {  	[tilespmem:s19], [sflag:$0x3] =	stream.indirect_vreg.gather [hbm4b:s3+s2], $0x80, v4, vm0, $0xb8;
	[tilespmem:$0x1B000] =	vst v63  }
0xf4: {  	s24 =	simm.s32 $0x12800  }
0xf5: {  	[tilespmem:s24], [sflag:$0x3] =	stream.indirect_vreg.gather [hbm4b:s3+s2], $0x80, v3, vm0, $0xb8;
	[tilespmem:$0x1B000] =	vst v63  }
0xf6: {  	v3 =	vld [tilespmem:$0x150];
	_ =	sdelay $0x4  }
0xf7: {  	v13 =	vshll.u32 v3, $0x1  }
0xf8: {  	v3 =	vand.u32 $0x7, v3;
	v4 =	vand.u32 $0xFFFFFFF0, v13  }
0xf9: {  	v3 =	vor.u32 v3, v4  }
0xfa: {  	v4 =	vperm.xlane v3, v0;
	_ =	sdelay $0x1  }
0xfb: {  	v3 =	vperm.xlane v3, v2;
	v4 =	vadd.s32 v1, v4;
	_ =	sdelay $0x1  }
0xfc: {  	v3 =	vadd.s32 v1, v3;
	_ =	sdelay $0x1  }
0xfd: {  	s25 =	simm.s32 $0x13000  }
0xfe: {  	[tilespmem:s25], [sflag:$0x3] =	stream.indirect_vreg.gather [hbm4b:s3+s2], $0x80, v4, vm0, $0xb8;
	[tilespmem:$0x1B000] =	vst v63  }
0xff: {  	s26 =	simm.s32 $0x13800  }
0x100: {  	[tilespmem:s26], [sflag:$0x3] =	stream.indirect_vreg.gather [hbm4b:s3+s2], $0x80, v3, vm0, $0xb8;
	[tilespmem:$0x1B000] =	vst v63  }
0x101: {  	v3 =	vld.msk [tilespmem:$0x160], $0xff;
	_ =	sdelay $0x4  }
0x102: {  	v14 =	vshll.u32 v3, $0x1  }
0x103: {  	v3 =	vand.u32 $0x7, v3;
	v4 =	vand.u32 $0xFFFFFFF0, v14  }
0x104: {  	v3 =	vor.u32 v3, v4  }
0x105: {  	v3 =	vperm.xlane v3, v0;
	_ =	sdelay $0x1  }
0x106: {  	v3 =	vadd.s32 v1, v3;
	_ =	sdelay $0x3  }
0x107: {  	s28 =	simm.s32 $0x14000  }
0x108: {  	[tilespmem:s28], [sflag:$0x3] =	stream.indirect_vreg.gather [hbm4b:s3+s2], $0x80, v3, vm0, $0xb8;
	[tilespmem:$0x1B000] =	vst v63  }
0x109: {  	_ =	swait.ge [sflag:s20], $0x6800  }
0x10a: {  	[sflag:s20] =	ssyncset.done $0x0  }
0x10b: {  	s4 =	simm.s32 $0x1000;
	s1 =	rddreg [dreg:$0x4];
	[sflag:s20] =	ssyncadd.s32 $0xFFFF9800  }
0x10c: {  	[hbm4b:s1+s2] =	stream.linear.scatter [tilespmem:s4], [sflag:$0x5], $0x6800, $0x38;
	[tilespmem:$0x1B000] =	vst v63  }
0x10d: {  	v3 =	vld [tilespmem:$0x180];
	_ =	sdelay $0x4  }
0x10e: {  	v15 =	vshll.u32 v3, $0x1  }
0x10f: {  	v3 =	vand.u32 $0x7, v3;
	v4 =	vand.u32 $0xFFFFFFF0, v15  }
0x110: {  	v3 =	vor.u32 v3, v4  }
0x111: {  	v4 =	vperm.xlane v3, v0;
	_ =	sdelay $0x1  }
0x112: {  	v3 =	vperm.xlane v3, v2;
	v4 =	vadd.s32 v1, v4;
	_ =	sdelay $0x1  }
0x113: {  	v3 =	vadd.s32 v1, v3;
	_ =	sdelay $0x1  }
0x114: {  	s16 =	simm.s32 $0x14800  }
0x115: {  	[tilespmem:s16], [sflag:$0x4] =	stream.indirect_vreg.gather [hbm4b:s3+s2], $0x80, v4, vm0, $0xb8;
	[tilespmem:$0x1B000] =	vst v63  }
0x116: {  	s19 =	simm.s32 $0x15000  }
0x117: {  	[tilespmem:s19], [sflag:$0x4] =	stream.indirect_vreg.gather [hbm4b:s3+s2], $0x80, v3, vm0, $0xb8;
	[tilespmem:$0x1B000] =	vst v63  }
0x118: {  	v3 =	vld [tilespmem:$0x190];
	_ =	sdelay $0x4  }
0x119: {  	v16 =	vshll.u32 v3, $0x1  }
0x11a: {  	v3 =	vand.u32 $0x7, v3;
	v4 =	vand.u32 $0xFFFFFFF0, v16  }
0x11b: {  	v3 =	vor.u32 v3, v4  }
0x11c: {  	v4 =	vperm.xlane v3, v0;
	_ =	sdelay $0x1  }
0x11d: {  	v3 =	vperm.xlane v3, v2;
	v4 =	vadd.s32 v1, v4;
	_ =	sdelay $0x1  }
0x11e: {  	v3 =	vadd.s32 v1, v3;
	_ =	sdelay $0x1  }
0x11f: {  	s24 =	simm.s32 $0x15800  }
0x120: {  	[tilespmem:s24], [sflag:$0x4] =	stream.indirect_vreg.gather [hbm4b:s3+s2], $0x80, v4, vm0, $0xb8;
	[tilespmem:$0x1B000] =	vst v63  }
0x121: {  	s25 =	simm.s32 $0x16000  }
0x122: {  	[tilespmem:s25], [sflag:$0x4] =	stream.indirect_vreg.gather [hbm4b:s3+s2], $0x80, v3, vm0, $0xb8;
	[tilespmem:$0x1B000] =	vst v63  }
0x123: {  	v3 =	vld [tilespmem:$0x1A0];
	_ =	sdelay $0x4  }
0x124: {  	v17 =	vshll.u32 v3, $0x1  }
0x125: {  	v3 =	vand.u32 $0x7, v3;
	v4 =	vand.u32 $0xFFFFFFF0, v17  }
0x126: {  	v3 =	vor.u32 v3, v4  }
0x127: {  	v4 =	vperm.xlane v3, v0;
	_ =	sdelay $0x1  }
0x128: {  	v3 =	vperm.xlane v3, v2;
	v4 =	vadd.s32 v1, v4;
	_ =	sdelay $0x1  }
0x129: {  	v3 =	vadd.s32 v1, v3;
	_ =	sdelay $0x1  }
0x12a: {  	s26 =	simm.s32 $0x16800  }
0x12b: {  	[tilespmem:s26], [sflag:$0x4] =	stream.indirect_vreg.gather [hbm4b:s3+s2], $0x80, v4, vm0, $0xb8;
	[tilespmem:$0x1B000] =	vst v63  }
0x12c: {  	s28 =	simm.s32 $0x17000  }
0x12d: {  	[tilespmem:s28], [sflag:$0x4] =	stream.indirect_vreg.gather [hbm4b:s3+s2], $0x80, v3, vm0, $0xb8;
	[tilespmem:$0x1B000] =	vst v63  }
0x12e: {  	v3 =	vld [tilespmem:$0x1B0];
	_ =	sdelay $0x4  }
0x12f: {  	v18 =	vshll.u32 v3, $0x1  }
0x130: {  	v3 =	vand.u32 $0x7, v3;
	v4 =	vand.u32 $0xFFFFFFF0, v18  }
0x131: {  	v3 =	vor.u32 v3, v4  }
0x132: {  	v4 =	vperm.xlane v3, v0;
	_ =	sdelay $0x1  }
0x133: {  	v3 =	vperm.xlane v3, v2;
	v4 =	vadd.s32 v1, v4;
	_ =	sdelay $0x1  }
0x134: {  	v3 =	vadd.s32 v1, v3;
	_ =	sdelay $0x1  }
0x135: {  	s15 =	simm.s32 $0x17800  }
0x136: {  	[tilespmem:s15], [sflag:$0x4] =	stream.indirect_vreg.gather [hbm4b:s3+s2], $0x80, v4, vm0, $0xb8;
	[tilespmem:$0x1B000] =	vst v63  }
0x137: {  	s16 =	simm.s32 $0x18000  }
0x138: {  	[tilespmem:s16], [sflag:$0x4] =	stream.indirect_vreg.gather [hbm4b:s3+s2], $0x80, v3, vm0, $0xb8;
	[tilespmem:$0x1B000] =	vst v63  }
0x139: {  	v3 =	vld [tilespmem:$0x1C0];
	_ =	sdelay $0x4  }
0x13a: {  	v19 =	vshll.u32 v3, $0x1  }
0x13b: {  	v3 =	vand.u32 $0x7, v3;
	v4 =	vand.u32 $0xFFFFFFF0, v19  }
0x13c: {  	v3 =	vor.u32 v3, v4  }
0x13d: {  	v4 =	vperm.xlane v3, v0;
	_ =	sdelay $0x1  }
0x13e: {  	v3 =	vperm.xlane v3, v2;
	v4 =	vadd.s32 v1, v4;
	_ =	sdelay $0x1  }
0x13f: {  	v3 =	vadd.s32 v1, v3;
	_ =	sdelay $0x1  }
0x140: {  	s19 =	simm.s32 $0x18800  }
0x141: {  	[tilespmem:s19], [sflag:$0x4] =	stream.indirect_vreg.gather [hbm4b:s3+s2], $0x80, v4, vm0, $0xb8;
	[tilespmem:$0x1B000] =	vst v63  }
0x142: {  	s24 =	simm.s32 $0x19000  }
0x143: {  	[tilespmem:s24], [sflag:$0x4] =	stream.indirect_vreg.gather [hbm4b:s3+s2], $0x80, v3, vm0, $0xb8;
	[tilespmem:$0x1B000] =	vst v63  }
0x144: {  	v3 =	vld [tilespmem:$0x1D0];
	_ =	sdelay $0x4  }
0x145: {  	v20 =	vshll.u32 v3, $0x1  }
0x146: {  	v3 =	vand.u32 $0x7, v3;
	v4 =	vand.u32 $0xFFFFFFF0, v20  }
0x147: {  	v3 =	vor.u32 v3, v4  }
0x148: {  	v4 =	vperm.xlane v3, v0;
	_ =	sdelay $0x1  }
0x149: {  	v3 =	vperm.xlane v3, v2;
	v4 =	vadd.s32 v1, v4;
	_ =	sdelay $0x1  }
0x14a: {  	v3 =	vadd.s32 v1, v3;
	_ =	sdelay $0x1  }
0x14b: {  	s25 =	simm.s32 $0x19800  }
0x14c: {  	[tilespmem:s25], [sflag:$0x4] =	stream.indirect_vreg.gather [hbm4b:s3+s2], $0x80, v4, vm0, $0xb8;
	[tilespmem:$0x1B000] =	vst v63  }
0x14d: {  	s26 =	simm.s32 $0x1A000  }
0x14e: {  	[tilespmem:s26], [sflag:$0x4] =	stream.indirect_vreg.gather [hbm4b:s3+s2], $0x80, v3, vm0, $0xb8;
	[tilespmem:$0x1B000] =	vst v63  }
0x14f: {  	v3 =	vld.msk [tilespmem:$0x1E0], $0xff;
	_ =	sdelay $0x4  }
0x150: {  	v21 =	vshll.u32 v3, $0x1  }
0x151: {  	v3 =	vand.u32 $0x7, v3;
	v4 =	vand.u32 $0xFFFFFFF0, v21  }
0x152: {  	v3 =	vor.u32 v3, v4  }
0x153: {  	v3 =	vperm.xlane v3, v0;
	_ =	sdelay $0x1  }
0x154: {  	v3 =	vadd.s32 v1, v3;
	_ =	sdelay $0x3  }
0x155: {  	s28 =	simm.s32 $0x1A800  }
0x156: {  	[tilespmem:s28], [sflag:$0x4] =	stream.indirect_vreg.gather [hbm4b:s3+s2], $0x80, v3, vm0, $0xb8;
	[tilespmem:$0x1B000] =	vst v63  }
0x157: {  	_ =	swait.ge [sflag:s8], $0x6800  }
0x158: {  	[sflag:s8] =	ssyncset.done $0x0  }
0x159: {  	s16 =	simm.s32 $0x7800;
	s1 =	rddreg [dreg:$0x5];
	[sflag:s8] =	ssyncadd.s32 $0xFFFF9800  }
0x15a: {  	[hbm4b:s1+s2] =	stream.linear.scatter [tilespmem:s16], [sflag:$0x6], $0x6800, $0x38;
	[tilespmem:$0x1B000] =	vst v63  }
0x15b: {  	_ =	swait.ge [sflag:s9], $0x6800  }
0x15c: {  	[sflag:s9] =	ssyncset.done $0x0  }
0x15d: {  	[sflag:s9] =	ssyncadd.s32 $0xFFFF9800  }
0x15e: {  	v3 =	vld [tilespmem:$0x200];
	_ =	sdelay $0x4  }
0x15f: {  	v22 =	vshll.u32 v3, $0x1  }
0x160: {  	v3 =	vand.u32 $0x7, v3;
	v4 =	vand.u32 $0xFFFFFFF0, v22  }
0x161: {  	v3 =	vor.u32 v3, v4  }
0x162: {  	v4 =	vperm.xlane v3, v0;
	_ =	sdelay $0x1  }
0x163: {  	v3 =	vperm.xlane v3, v2;
	v4 =	vadd.s32 v1, v4;
	_ =	sdelay $0x1  }
0x164: {  	v3 =	vadd.s32 v1, v3;
	_ =	sdelay $0x2  }
0x165: {  	[tilespmem:s4], [sflag:$0x1] =	stream.indirect_vreg.gather [hbm4b:s3+s2], $0x80, v4, vm0, $0xb8;
	[tilespmem:$0x1B000] =	vst v63  }
0x166: {  	s21 =	simm.s32 $0x1800  }
0x167: {  	[tilespmem:s21], [sflag:$0x1] =	stream.indirect_vreg.gather [hbm4b:s3+s2], $0x80, v3, vm0, $0xb8;
	[tilespmem:$0x1B000] =	vst v63  }
0x168: {  	v3 =	vld [tilespmem:$0x210];
	_ =	sdelay $0x4  }
0x169: {  	v23 =	vshll.u32 v3, $0x1  }
0x16a: {  	v3 =	vand.u32 $0x7, v3;
	v4 =	vand.u32 $0xFFFFFFF0, v23  }
0x16b: {  	v3 =	vor.u32 v3, v4  }
0x16c: {  	v4 =	vperm.xlane v3, v0;
	_ =	sdelay $0x1  }
0x16d: {  	v3 =	vperm.xlane v3, v2;
	v4 =	vadd.s32 v1, v4;
	_ =	sdelay $0x1  }
0x16e: {  	v3 =	vadd.s32 v1, v3;
	_ =	sdelay $0x1  }
0x16f: {  	s17 =	simm.s32 $0x2000  }
0x170: {  	[tilespmem:s17], [sflag:$0x1] =	stream.indirect_vreg.gather [hbm4b:s3+s2], $0x80, v4, vm0, $0xb8;
	[tilespmem:$0x1B000] =	vst v63  }
0x171: {  	s22 =	simm.s32 $0x2800  }
0x172: {  	[tilespmem:s22], [sflag:$0x1] =	stream.indirect_vreg.gather [hbm4b:s3+s2], $0x80, v3, vm0, $0xb8;
	[tilespmem:$0x1B000] =	vst v63  }
0x173: {  	v3 =	vld [tilespmem:$0x220];
	_ =	sdelay $0x4  }
0x174: {  	v24 =	vshll.u32 v3, $0x1  }
0x175: {  	v3 =	vand.u32 $0x7, v3;
	v4 =	vand.u32 $0xFFFFFFF0, v24  }
0x176: {  	v3 =	vor.u32 v3, v4  }
0x177: {  	v4 =	vperm.xlane v3, v0;
	_ =	sdelay $0x1  }
0x178: {  	v3 =	vperm.xlane v3, v2;
	v4 =	vadd.s32 v1, v4;
	_ =	sdelay $0x1  }
0x179: {  	v3 =	vadd.s32 v1, v3;
	_ =	sdelay $0x1  }
0x17a: {  	s12 =	simm.s32 $0x3000  }
0x17b: {  	[tilespmem:s12], [sflag:$0x1] =	stream.indirect_vreg.gather [hbm4b:s3+s2], $0x80, v4, vm0, $0xb8;
	[tilespmem:$0x1B000] =	vst v63  }
0x17c: {  	s23 =	simm.s32 $0x3800  }
0x17d: {  	[tilespmem:s23], [sflag:$0x1] =	stream.indirect_vreg.gather [hbm4b:s3+s2], $0x80, v3, vm0, $0xb8;
	[tilespmem:$0x1B000] =	vst v63  }
0x17e: {  	v3 =	vld [tilespmem:$0x230];
	_ =	sdelay $0x4  }
0x17f: {  	v25 =	vshll.u32 v3, $0x1  }
0x180: {  	v3 =	vand.u32 $0x7, v3;
	v4 =	vand.u32 $0xFFFFFFF0, v25  }
0x181: {  	v3 =	vor.u32 v3, v4  }
0x182: {  	v4 =	vperm.xlane v3, v0;
	_ =	sdelay $0x1  }
0x183: {  	v3 =	vperm.xlane v3, v2;
	v4 =	vadd.s32 v1, v4;
	_ =	sdelay $0x1  }
0x184: {  	v3 =	vadd.s32 v1, v3;
	_ =	sdelay $0x1  }
0x185: {  	s21 =	simm.s32 $0x4000  }
0x186: {  	[tilespmem:s21], [sflag:$0x1] =	stream.indirect_vreg.gather [hbm4b:s3+s2], $0x80, v4, vm0, $0xb8;
	[tilespmem:$0x1B000] =	vst v63  }
0x187: {  	s24 =	simm.s32 $0x4800  }
0x188: {  	[tilespmem:s24], [sflag:$0x1] =	stream.indirect_vreg.gather [hbm4b:s3+s2], $0x80, v3, vm0, $0xb8;
	[tilespmem:$0x1B000] =	vst v63  }
0x189: {  	v3 =	vld [tilespmem:$0x240];
	_ =	sdelay $0x4  }
0x18a: {  	v26 =	vshll.u32 v3, $0x1  }
0x18b: {  	v3 =	vand.u32 $0x7, v3;
	v4 =	vand.u32 $0xFFFFFFF0, v26  }
0x18c: {  	v3 =	vor.u32 v3, v4  }
0x18d: {  	v4 =	vperm.xlane v3, v0;
	_ =	sdelay $0x1  }
0x18e: {  	v3 =	vperm.xlane v3, v2;
	v4 =	vadd.s32 v1, v4;
	_ =	sdelay $0x1  }
0x18f: {  	v3 =	vadd.s32 v1, v3;
	_ =	sdelay $0x1  }
0x190: {  	s22 =	simm.s32 $0x5000  }
0x191: {  	[tilespmem:s22], [sflag:$0x1] =	stream.indirect_vreg.gather [hbm4b:s3+s2], $0x80, v4, vm0, $0xb8;
	[tilespmem:$0x1B000] =	vst v63  }
0x192: {  	s25 =	simm.s32 $0x5800  }
0x193: {  	[tilespmem:s25], [sflag:$0x1] =	stream.indirect_vreg.gather [hbm4b:s3+s2], $0x80, v3, vm0, $0xb8;
	[tilespmem:$0x1B000] =	vst v63  }
0x194: {  	v3 =	vld [tilespmem:$0x250];
	_ =	sdelay $0x4  }
0x195: {  	v27 =	vshll.u32 v3, $0x1  }
0x196: {  	v3 =	vand.u32 $0x7, v3;
	v4 =	vand.u32 $0xFFFFFFF0, v27  }
0x197: {  	v3 =	vor.u32 v3, v4  }
0x198: {  	v4 =	vperm.xlane v3, v0;
	_ =	sdelay $0x1  }
0x199: {  	v3 =	vperm.xlane v3, v2;
	v4 =	vadd.s32 v1, v4;
	_ =	sdelay $0x1  }
0x19a: {  	v3 =	vadd.s32 v1, v3;
	_ =	sdelay $0x1  }
0x19b: {  	s23 =	simm.s32 $0x6000  }
0x19c: {  	[tilespmem:s23], [sflag:$0x1] =	stream.indirect_vreg.gather [hbm4b:s3+s2], $0x80, v4, vm0, $0xb8;
	[tilespmem:$0x1B000] =	vst v63  }
0x19d: {  	s26 =	simm.s32 $0x6800  }
0x19e: {  	[tilespmem:s26], [sflag:$0x1] =	stream.indirect_vreg.gather [hbm4b:s3+s2], $0x80, v3, vm0, $0xb8;
	[tilespmem:$0x1B000] =	vst v63  }
0x19f: {  	v3 =	vld.msk [tilespmem:$0x260], $0xff;
	_ =	sdelay $0x4  }
0x1a0: {  	v28 =	vshll.u32 v3, $0x1  }
0x1a1: {  	v3 =	vand.u32 $0x7, v3;
	v4 =	vand.u32 $0xFFFFFFF0, v28  }
0x1a2: {  	v3 =	vor.u32 v3, v4  }
0x1a3: {  	v3 =	vperm.xlane v3, v0;
	_ =	sdelay $0x1  }
0x1a4: {  	v3 =	vadd.s32 v1, v3;
	_ =	sdelay $0x3  }
0x1a5: {  	s28 =	simm.s32 $0x7000;
	s12 =	simm.s32 $0x3  }
0x1a6: {  	[tilespmem:s28], [sflag:$0x1] =	stream.indirect_vreg.gather [hbm4b:s3+s2], $0x80, v3, vm0, $0xb8;
	[tilespmem:$0x1B000] =	vst v63  }
0x1a7: {  	_ =	swait.ge [sflag:s12], $0x6800  }
0x1a8: {  	[sflag:s12] =	ssyncset.done $0x0  }
0x1a9: {  	s4 =	simm.s32 $0xE000;
	s17 =	rddreg [dreg:$0x6];
	[sflag:s12] =	ssyncadd.s32 $0xFFFF9800  }
0x1aa: {  	[hbm4b:s17+s2] =	stream.linear.scatter [tilespmem:s4], [sflag:$0x7], $0x6800, $0x38;
	[tilespmem:$0x1B000] =	vst v63  }
0x1ab: {  	_ =	swait.ge [sflag:s11], $0x6800  }
0x1ac: {  	[sflag:s11] =	ssyncset.done $0x0  }
0x1ad: {  	[sflag:s11] =	ssyncadd.s32 $0xFFFF9800  }
0x1ae: {  	v3 =	vld [tilespmem:$0x280];
	_ =	sdelay $0x4  }
0x1af: {  	v29 =	vshll.u32 v3, $0x1  }
0x1b0: {  	v3 =	vand.u32 $0x7, v3;
	v4 =	vand.u32 $0xFFFFFFF0, v29  }
0x1b1: {  	v3 =	vor.u32 v3, v4  }
0x1b2: {  	v4 =	vperm.xlane v3, v0;
	_ =	sdelay $0x1  }
0x1b3: {  	v3 =	vperm.xlane v3, v2;
	v4 =	vadd.s32 v1, v4;
	_ =	sdelay $0x1  }
0x1b4: {  	v3 =	vadd.s32 v1, v3;
	_ =	sdelay $0x2  }
0x1b5: {  	[tilespmem:s16], [sflag:$0x2] =	stream.indirect_vreg.gather [hbm4b:s3+s2], $0x80, v4, vm0, $0xb8;
	[tilespmem:$0x1B000] =	vst v63  }
0x1b6: {  	s0 =	simm.s32 $0x8000  }
0x1b7: {  	[tilespmem:s0], [sflag:$0x2] =	stream.indirect_vreg.gather [hbm4b:s3+s2], $0x80, v3, vm0, $0xb8;
	[tilespmem:$0x1B000] =	vst v63  }
0x1b8: {  	v3 =	vld [tilespmem:$0x290];
	_ =	sdelay $0x4  }
0x1b9: {  	v30 =	vshll.u32 v3, $0x1  }
0x1ba: {  	v3 =	vand.u32 $0x7, v3;
	v4 =	vand.u32 $0xFFFFFFF0, v30  }
0x1bb: {  	v3 =	vor.u32 v3, v4  }
0x1bc: {  	v4 =	vperm.xlane v3, v0;
	_ =	sdelay $0x1  }
0x1bd: {  	v3 =	vperm.xlane v3, v2;
	v4 =	vadd.s32 v1, v4;
	_ =	sdelay $0x1  }
0x1be: {  	v3 =	vadd.s32 v1, v3;
	_ =	sdelay $0x1  }
0x1bf: {  	s0 =	simm.s32 $0x8800  }
0x1c0: {  	[tilespmem:s0], [sflag:$0x2] =	stream.indirect_vreg.gather [hbm4b:s3+s2], $0x80, v4, vm0, $0xb8;
	[tilespmem:$0x1B000] =	vst v63  }
0x1c1: {  	s5 =	simm.s32 $0x9000  }
0x1c2: {  	[tilespmem:s5], [sflag:$0x2] =	stream.indirect_vreg.gather [hbm4b:s3+s2], $0x80, v3, vm0, $0xb8;
	[tilespmem:$0x1B000] =	vst v63  }
0x1c3: {  	v3 =	vld [tilespmem:$0x2A0];
	_ =	sdelay $0x4  }
0x1c4: {  	v31 =	vshll.u32 v3, $0x1  }
0x1c5: {  	v3 =	vand.u32 $0x7, v3;
	v4 =	vand.u32 $0xFFFFFFF0, v31  }
0x1c6: {  	v3 =	vor.u32 v3, v4  }
0x1c7: {  	v4 =	vperm.xlane v3, v0;
	_ =	sdelay $0x1  }
0x1c8: {  	v3 =	vperm.xlane v3, v2;
	v4 =	vadd.s32 v1, v4;
	_ =	sdelay $0x1  }
0x1c9: {  	v3 =	vadd.s32 v1, v3;
	_ =	sdelay $0x1  }
0x1ca: {  	s19 =	simm.s32 $0x9800  }
0x1cb: {  	[tilespmem:s19], [sflag:$0x2] =	stream.indirect_vreg.gather [hbm4b:s3+s2], $0x80, v4, vm0, $0xb8;
	[tilespmem:$0x1B000] =	vst v63  }
0x1cc: {  	s29 =	simm.s32 $0xA000  }
0x1cd: {  	[tilespmem:s29], [sflag:$0x2] =	stream.indirect_vreg.gather [hbm4b:s3+s2], $0x80, v3, vm0, $0xb8;
	[tilespmem:$0x1B000] =	vst v63  }
0x1ce: {  	v3 =	vld [tilespmem:$0x2B0];
	_ =	sdelay $0x4  }
0x1cf: {  	v32 =	vshll.u32 v3, $0x1  }
0x1d0: {  	v3 =	vand.u32 $0x7, v3;
	v4 =	vand.u32 $0xFFFFFFF0, v32  }
0x1d1: {  	v3 =	vor.u32 v3, v4  }
0x1d2: {  	v4 =	vperm.xlane v3, v0;
	_ =	sdelay $0x1  }
0x1d3: {  	v3 =	vperm.xlane v3, v2;
	v4 =	vadd.s32 v1, v4;
	_ =	sdelay $0x1  }
0x1d4: {  	v3 =	vadd.s32 v1, v3;
	_ =	sdelay $0x1  }
0x1d5: {  	s29 =	simm.s32 $0xA800  }
0x1d6: {  	[tilespmem:s29], [sflag:$0x2] =	stream.indirect_vreg.gather [hbm4b:s3+s2], $0x80, v4, vm0, $0xb8;
	[tilespmem:$0x1B000] =	vst v63  }
0x1d7: {  	s31 =	simm.s32 $0xB000  }
0x1d8: {  	[tilespmem:s31], [sflag:$0x2] =	stream.indirect_vreg.gather [hbm4b:s3+s2], $0x80, v3, vm0, $0xb8;
	[tilespmem:$0x1B000] =	vst v63  }
0x1d9: {  	v3 =	vld [tilespmem:$0x2C0];
	_ =	sdelay $0x4  }
0x1da: {  	v33 =	vshll.u32 v3, $0x1  }
0x1db: {  	v3 =	vand.u32 $0x7, v3;
	v4 =	vand.u32 $0xFFFFFFF0, v33  }
0x1dc: {  	v3 =	vor.u32 v3, v4  }
0x1dd: {  	v4 =	vperm.xlane v3, v0;
	_ =	sdelay $0x1  }
0x1de: {  	v3 =	vperm.xlane v3, v2;
	v4 =	vadd.s32 v1, v4;
	_ =	sdelay $0x1  }
0x1df: {  	v3 =	vadd.s32 v1, v3;
	_ =	sdelay $0x1  }
0x1e0: {  	s31 =	simm.s32 $0xB800  }
0x1e1: {  	[tilespmem:s31], [sflag:$0x2] =	stream.indirect_vreg.gather [hbm4b:s3+s2], $0x80, v4, vm0, $0xb8;
	[tilespmem:$0x1B000] =	vst v63  }
0x1e2: {  	s17 =	simm.s32 $0xC000  }
0x1e3: {  	[tilespmem:s17], [sflag:$0x2] =	stream.indirect_vreg.gather [hbm4b:s3+s2], $0x80, v3, vm0, $0xb8;
	[tilespmem:$0x1B000] =	vst v63  }
0x1e4: {  	v3 =	vld [tilespmem:$0x2D0];
	_ =	sdelay $0x4  }
0x1e5: {  	v34 =	vshll.u32 v3, $0x1  }
0x1e6: {  	v3 =	vand.u32 $0x7, v3;
	v4 =	vand.u32 $0xFFFFFFF0, v34  }
0x1e7: {  	v3 =	vor.u32 v3, v4  }
0x1e8: {  	v4 =	vperm.xlane v3, v0;
	_ =	sdelay $0x1  }
0x1e9: {  	v3 =	vperm.xlane v3, v2;
	v4 =	vadd.s32 v1, v4;
	_ =	sdelay $0x1  }
0x1ea: {  	v3 =	vadd.s32 v1, v3;
	_ =	sdelay $0x1  }
0x1eb: {  	s5 =	simm.s32 $0xC800  }
0x1ec: {  	[tilespmem:s5], [sflag:$0x2] =	stream.indirect_vreg.gather [hbm4b:s3+s2], $0x80, v4, vm0, $0xb8;
	[tilespmem:$0x1B000] =	vst v63  }
0x1ed: {  	s16 =	simm.s32 $0xD000  }
0x1ee: {  	[tilespmem:s16], [sflag:$0x2] =	stream.indirect_vreg.gather [hbm4b:s3+s2], $0x80, v3, vm0, $0xb8;
	[tilespmem:$0x1B000] =	vst v63  }
0x1ef: {  	v3 =	vld.msk [tilespmem:$0x2E0], $0xff;
	_ =	sdelay $0x4  }
0x1f0: {  	v35 =	vshll.u32 v3, $0x1  }
0x1f1: {  	v3 =	vand.u32 $0x7, v3;
	v4 =	vand.u32 $0xFFFFFFF0, v35  }
0x1f2: {  	v3 =	vor.u32 v3, v4  }
0x1f3: {  	v3 =	vperm.xlane v3, v0;
	_ =	sdelay $0x1  }
0x1f4: {  	v3 =	vadd.s32 v1, v3;
	_ =	sdelay $0x3  }
0x1f5: {  	s30 =	simm.s32 $0xD800  }
0x1f6: {  	[tilespmem:s30], [sflag:$0x2] =	stream.indirect_vreg.gather [hbm4b:s3+s2], $0x80, v3, vm0, $0xb8;
	[tilespmem:$0x1B000] =	vst v63  }
0x1f7: {  	_ =	swait.ge [sflag:s13], $0x6800  }
0x1f8: {  	[sflag:s13] =	ssyncset.done $0x0  }
0x1f9: {  	s19 =	simm.s32 $0x14800;
	s1 =	rddreg [dreg:$0x7];
	[sflag:s13] =	ssyncadd.s32 $0xFFFF9800  }
0x1fa: {  	[hbm4b:s1+s2] =	stream.linear.scatter [tilespmem:s19], [sflag:$0x8], $0x6800, $0x38;
	[tilespmem:$0x1B000] =	vst v63  }
0x1fb: {  	_ =	swait.ge [sflag:s14], $0x6800  }
0x1fc: {  	[sflag:s14] =	ssyncset.done $0x0  }
0x1fd: {  	[sflag:s14] =	ssyncadd.s32 $0xFFFF9800  }
0x1fe: {  	v3 =	vld [tilespmem:$0x300];
	_ =	sdelay $0x4  }
0x1ff: {  	v36 =	vshll.u32 v3, $0x1  }
0x200: {  	v3 =	vand.u32 $0x7, v3;
	v4 =	vand.u32 $0xFFFFFFF0, v36  }
0x201: {  	v3 =	vor.u32 v3, v4  }
0x202: {  	v4 =	vperm.xlane v3, v0;
	_ =	sdelay $0x1  }
0x203: {  	v3 =	vperm.xlane v3, v2;
	v4 =	vadd.s32 v1, v4;
	_ =	sdelay $0x1  }
0x204: {  	v3 =	vadd.s32 v1, v3;
	_ =	sdelay $0x2  }
0x205: {  	[tilespmem:s4], [sflag:$0x3] =	stream.indirect_vreg.gather [hbm4b:s3+s2], $0x80, v4, vm0, $0xb8;
	[tilespmem:$0x1B000] =	vst v63  }
0x206: {  	s6 =	simm.s32 $0xE800  }
0x207: {  	[tilespmem:s6], [sflag:$0x3] =	stream.indirect_vreg.gather [hbm4b:s3+s2], $0x80, v3, vm0, $0xb8;
	[tilespmem:$0x1B000] =	vst v63  }
0x208: {  	v3 =	vld [tilespmem:$0x310];
	_ =	sdelay $0x4  }
0x209: {  	v37 =	vshll.u32 v3, $0x1  }
0x20a: {  	v3 =	vand.u32 $0x7, v3;
	v4 =	vand.u32 $0xFFFFFFF0, v37  }
0x20b: {  	v3 =	vor.u32 v3, v4  }
0x20c: {  	v4 =	vperm.xlane v3, v0;
	_ =	sdelay $0x1  }
0x20d: {  	v3 =	vperm.xlane v3, v2;
	v4 =	vadd.s32 v1, v4;
	_ =	sdelay $0x1  }
0x20e: {  	v3 =	vadd.s32 v1, v3;
	_ =	sdelay $0x1  }
0x20f: {  	s6 =	simm.s32 $0xF000  }
0x210: {  	[tilespmem:s6], [sflag:$0x3] =	stream.indirect_vreg.gather [hbm4b:s3+s2], $0x80, v4, vm0, $0xb8;
	[tilespmem:$0x1B000] =	vst v63  }
0x211: {  	s7 =	simm.s32 $0xF800  }
0x212: {  	[tilespmem:s7], [sflag:$0x3] =	stream.indirect_vreg.gather [hbm4b:s3+s2], $0x80, v3, vm0, $0xb8;
	[tilespmem:$0x1B000] =	vst v63  }
0x213: {  	v3 =	vld [tilespmem:$0x320];
	_ =	sdelay $0x4  }
0x214: {  	v38 =	vshll.u32 v3, $0x1  }
0x215: {  	v3 =	vand.u32 $0x7, v3;
	v4 =	vand.u32 $0xFFFFFFF0, v38  }
0x216: {  	v3 =	vor.u32 v3, v4  }
0x217: {  	v4 =	vperm.xlane v3, v0;
	_ =	sdelay $0x1  }
0x218: {  	v3 =	vperm.xlane v3, v2;
	v4 =	vadd.s32 v1, v4;
	_ =	sdelay $0x1  }
0x219: {  	v3 =	vadd.s32 v1, v3;
	_ =	sdelay $0x1  }
0x21a: {  	s7 =	simm.s32 $0x10000  }
0x21b: {  	[tilespmem:s7], [sflag:$0x3] =	stream.indirect_vreg.gather [hbm4b:s3+s2], $0x80, v4, vm0, $0xb8;
	[tilespmem:$0x1B000] =	vst v63  }
0x21c: {  	s10 =	simm.s32 $0x10800  }
0x21d: {  	[tilespmem:s10], [sflag:$0x3] =	stream.indirect_vreg.gather [hbm4b:s3+s2], $0x80, v3, vm0, $0xb8;
	[tilespmem:$0x1B000] =	vst v63  }
0x21e: {  	v3 =	vld [tilespmem:$0x330];
	_ =	sdelay $0x4  }
0x21f: {  	v39 =	vshll.u32 v3, $0x1  }
0x220: {  	v3 =	vand.u32 $0x7, v3;
	v4 =	vand.u32 $0xFFFFFFF0, v39  }
0x221: {  	v3 =	vor.u32 v3, v4  }
0x222: {  	v4 =	vperm.xlane v3, v0;
	_ =	sdelay $0x1  }
0x223: {  	v3 =	vperm.xlane v3, v2;
	v4 =	vadd.s32 v1, v4;
	_ =	sdelay $0x1  }
0x224: {  	v3 =	vadd.s32 v1, v3;
	_ =	sdelay $0x1  }
0x225: {  	s10 =	simm.s32 $0x11000  }
0x226: {  	[tilespmem:s10], [sflag:$0x3] =	stream.indirect_vreg.gather [hbm4b:s3+s2], $0x80, v4, vm0, $0xb8;
	[tilespmem:$0x1B000] =	vst v63  }
0x227: {  	s18 =	simm.s32 $0x11800  }
0x228: {  	[tilespmem:s18], [sflag:$0x3] =	stream.indirect_vreg.gather [hbm4b:s3+s2], $0x80, v3, vm0, $0xb8;
	[tilespmem:$0x1B000] =	vst v63  }
0x229: {  	v3 =	vld [tilespmem:$0x340];
	_ =	sdelay $0x4  }
0x22a: {  	v40 =	vshll.u32 v3, $0x1  }
0x22b: {  	v3 =	vand.u32 $0x7, v3;
	v4 =	vand.u32 $0xFFFFFFF0, v40  }
0x22c: {  	v3 =	vor.u32 v3, v4  }
0x22d: {  	v4 =	vperm.xlane v3, v0;
	_ =	sdelay $0x1  }
0x22e: {  	v3 =	vperm.xlane v3, v2;
	v4 =	vadd.s32 v1, v4;
	_ =	sdelay $0x1  }
0x22f: {  	v3 =	vadd.s32 v1, v3;
	_ =	sdelay $0x1  }
0x230: {  	s15 =	simm.s32 $0x12000  }
0x231: {  	[tilespmem:s15], [sflag:$0x3] =	stream.indirect_vreg.gather [hbm4b:s3+s2], $0x80, v4, vm0, $0xb8;
	[tilespmem:$0x1B000] =	vst v63  }
0x232: {  	s18 =	simm.s32 $0x12800  }
0x233: {  	[tilespmem:s18], [sflag:$0x3] =	stream.indirect_vreg.gather [hbm4b:s3+s2], $0x80, v3, vm0, $0xb8;
	[tilespmem:$0x1B000] =	vst v63  }
0x234: {  	v3 =	vld [tilespmem:$0x350];
	_ =	sdelay $0x4  }
0x235: {  	v41 =	vshll.u32 v3, $0x1  }
0x236: {  	v3 =	vand.u32 $0x7, v3;
	v4 =	vand.u32 $0xFFFFFFF0, v41  }
0x237: {  	v3 =	vor.u32 v3, v4  }
0x238: {  	v4 =	vperm.xlane v3, v0;
	_ =	sdelay $0x1  }
0x239: {  	v3 =	vperm.xlane v3, v2;
	v4 =	vadd.s32 v1, v4;
	_ =	sdelay $0x1  }
0x23a: {  	v3 =	vadd.s32 v1, v3;
	_ =	sdelay $0x1  }
0x23b: {  	s30 =	simm.s32 $0x13000  }
0x23c: {  	[tilespmem:s30], [sflag:$0x3] =	stream.indirect_vreg.gather [hbm4b:s3+s2], $0x80, v4, vm0, $0xb8;
	[tilespmem:$0x1B000] =	vst v63  }
0x23d: {  	s4 =	simm.s32 $0x13800  }
0x23e: {  	[tilespmem:s4], [sflag:$0x3] =	stream.indirect_vreg.gather [hbm4b:s3+s2], $0x80, v3, vm0, $0xb8;
	[tilespmem:$0x1B000] =	vst v63  }
0x23f: {  	v3 =	vld.msk [tilespmem:$0x360], $0xff;
	_ =	sdelay $0x4  }
0x240: {  	v42 =	vshll.u32 v3, $0x1  }
0x241: {  	v3 =	vand.u32 $0x7, v3;
	v4 =	vand.u32 $0xFFFFFFF0, v42  }
0x242: {  	v3 =	vor.u32 v3, v4  }
0x243: {  	v3 =	vperm.xlane v3, v0;
	_ =	sdelay $0x1  }
0x244: {  	v3 =	vadd.s32 v1, v3;
	_ =	sdelay $0x3  }
0x245: {  	s6 =	simm.s32 $0x14000  }
0x246: {  	[tilespmem:s6], [sflag:$0x3] =	stream.indirect_vreg.gather [hbm4b:s3+s2], $0x80, v3, vm0, $0xb8;
	[tilespmem:$0x1B000] =	vst v63  }
0x247: {  	_ =	swait.ge [sflag:s20], $0x6800  }
0x248: {  	s1 =	simm.s32 $0x8;
	[sflag:s20] =	ssyncset.done $0x0  }
0x249: {  	s10 =	simm.s32 $0x1000;
	s7 =	rddreg [dreg:$0x8];
	[sflag:s20] =	ssyncadd.s32 $0xFFFF9800  }
0x24a: {  	[hbm4b:s7+s2] =	stream.linear.scatter [tilespmem:s10], [sflag:$0x5], $0x6800, $0x38;
	[tilespmem:$0x1B000] =	vst v63  }
0x24b: {  	_ =	swait.ge [sflag:s1], $0x6800  }
0x24c: {  	[sflag:s1] =	ssyncset.done $0x0  }
0x24d: {  	[sflag:s1] =	ssyncadd.s32 $0xFFFF9800  }
0x24e: {  	v3 =	vld [tilespmem:$0x380];
	_ =	sdelay $0x4  }
0x24f: {  	v43 =	vshll.u32 v3, $0x1  }
0x250: {  	v3 =	vand.u32 $0x7, v3;
	v4 =	vand.u32 $0xFFFFFFF0, v43  }
0x251: {  	v3 =	vor.u32 v3, v4  }
0x252: {  	v4 =	vperm.xlane v3, v0;
	_ =	sdelay $0x1  }
0x253: {  	v3 =	vperm.xlane v3, v2;
	v4 =	vadd.s32 v1, v4;
	_ =	sdelay $0x1  }
0x254: {  	v3 =	vadd.s32 v1, v3;
	_ =	sdelay $0x2  }
0x255: {  	[tilespmem:s19], [sflag:$0x4] =	stream.indirect_vreg.gather [hbm4b:s3+s2], $0x80, v4, vm0, $0xb8;
	[tilespmem:$0x1B000] =	vst v63  }
0x256: {  	s15 =	simm.s32 $0x15000  }
0x257: {  	[tilespmem:s15], [sflag:$0x4] =	stream.indirect_vreg.gather [hbm4b:s3+s2], $0x80, v3, vm0, $0xb8;
	[tilespmem:$0x1B000] =	vst v63  }
0x258: {  	v3 =	vld [tilespmem:$0x390];
	_ =	sdelay $0x4  }
0x259: {  	v44 =	vshll.u32 v3, $0x1  }
0x25a: {  	v3 =	vand.u32 $0x7, v3;
	v4 =	vand.u32 $0xFFFFFFF0, v44  }
0x25b: {  	v3 =	vor.u32 v3, v4  }
0x25c: {  	v4 =	vperm.xlane v3, v0;
	_ =	sdelay $0x1  }
0x25d: {  	v3 =	vperm.xlane v3, v2;
	v4 =	vadd.s32 v1, v4;
	_ =	sdelay $0x1  }
0x25e: {  	v3 =	vadd.s32 v1, v3;
	_ =	sdelay $0x1  }
0x25f: {  	s30 =	simm.s32 $0x15800  }
0x260: {  	[tilespmem:s30], [sflag:$0x4] =	stream.indirect_vreg.gather [hbm4b:s3+s2], $0x80, v4, vm0, $0xb8;
	[tilespmem:$0x1B000] =	vst v63  }
0x261: {  	s18 =	simm.s32 $0x16000  }
0x262: {  	[tilespmem:s18], [sflag:$0x4] =	stream.indirect_vreg.gather [hbm4b:s3+s2], $0x80, v3, vm0, $0xb8;
	[tilespmem:$0x1B000] =	vst v63  }
0x263: {  	v3 =	vld [tilespmem:$0x3A0];
	_ =	sdelay $0x4  }
0x264: {  	v45 =	vshll.u32 v3, $0x1  }
0x265: {  	v3 =	vand.u32 $0x7, v3;
	v4 =	vand.u32 $0xFFFFFFF0, v45  }
0x266: {  	v3 =	vor.u32 v3, v4  }
0x267: {  	v4 =	vperm.xlane v3, v0;
	_ =	sdelay $0x1  }
0x268: {  	v3 =	vperm.xlane v3, v2;
	v4 =	vadd.s32 v1, v4;
	_ =	sdelay $0x1  }
0x269: {  	v3 =	vadd.s32 v1, v3;
	_ =	sdelay $0x1  }
0x26a: {  	s18 =	simm.s32 $0x16800  }
0x26b: {  	[tilespmem:s18], [sflag:$0x4] =	stream.indirect_vreg.gather [hbm4b:s3+s2], $0x80, v4, vm0, $0xb8;
	[tilespmem:$0x1B000] =	vst v63  }
0x26c: {  	s19 =	simm.s32 $0x17000  }
0x26d: {  	[tilespmem:s19], [sflag:$0x4] =	stream.indirect_vreg.gather [hbm4b:s3+s2], $0x80, v3, vm0, $0xb8;
	[tilespmem:$0x1B000] =	vst v63  }
0x26e: {  	v3 =	vld [tilespmem:$0x3B0];
	_ =	sdelay $0x4  }
0x26f: {  	v46 =	vshll.u32 v3, $0x1  }
0x270: {  	v3 =	vand.u32 $0x7, v3;
	v4 =	vand.u32 $0xFFFFFFF0, v46  }
0x271: {  	v3 =	vor.u32 v3, v4  }
0x272: {  	v4 =	vperm.xlane v3, v0;
	_ =	sdelay $0x1  }
0x273: {  	v3 =	vperm.xlane v3, v2;
	v4 =	vadd.s32 v1, v4;
	_ =	sdelay $0x1  }
0x274: {  	v3 =	vadd.s32 v1, v3;
	_ =	sdelay $0x1  }
0x275: {  	s19 =	simm.s32 $0x17800  }
0x276: {  	[tilespmem:s19], [sflag:$0x4] =	stream.indirect_vreg.gather [hbm4b:s3+s2], $0x80, v4, vm0, $0xb8;
	[tilespmem:$0x1B000] =	vst v63  }
0x277: {  	s6 =	simm.s32 $0x18000  }
0x278: {  	[tilespmem:s6], [sflag:$0x4] =	stream.indirect_vreg.gather [hbm4b:s3+s2], $0x80, v3, vm0, $0xb8;
	[tilespmem:$0x1B000] =	vst v63  }
0x279: {  	v3 =	vld [tilespmem:$0x3C0];
	_ =	sdelay $0x4  }
0x27a: {  	v47 =	vshll.u32 v3, $0x1  }
0x27b: {  	v3 =	vand.u32 $0x7, v3;
	v4 =	vand.u32 $0xFFFFFFF0, v47  }
0x27c: {  	v3 =	vor.u32 v3, v4  }
0x27d: {  	v4 =	vperm.xlane v3, v0;
	_ =	sdelay $0x1  }
0x27e: {  	v3 =	vperm.xlane v3, v2;
	v4 =	vadd.s32 v1, v4;
	_ =	sdelay $0x1  }
0x27f: {  	v3 =	vadd.s32 v1, v3;
	_ =	sdelay $0x1  }
0x280: {  	s7 =	simm.s32 $0x18800  }
0x281: {  	[tilespmem:s7], [sflag:$0x4] =	stream.indirect_vreg.gather [hbm4b:s3+s2], $0x80, v4, vm0, $0xb8;
	[tilespmem:$0x1B000] =	vst v63  }
0x282: {  	s15 =	simm.s32 $0x19000  }
0x283: {  	[tilespmem:s15], [sflag:$0x4] =	stream.indirect_vreg.gather [hbm4b:s3+s2], $0x80, v3, vm0, $0xb8;
	[tilespmem:$0x1B000] =	vst v63  }
0x284: {  	v3 =	vld [tilespmem:$0x3D0];
	_ =	sdelay $0x4  }
0x285: {  	v48 =	vshll.u32 v3, $0x1  }
0x286: {  	v3 =	vand.u32 $0x7, v3;
	v4 =	vand.u32 $0xFFFFFFF0, v48  }
0x287: {  	v3 =	vor.u32 v3, v4  }
0x288: {  	v4 =	vperm.xlane v3, v0;
	_ =	sdelay $0x1  }
0x289: {  	v3 =	vperm.xlane v3, v2;
	v4 =	vadd.s32 v1, v4;
	_ =	sdelay $0x1  }
0x28a: {  	v3 =	vadd.s32 v1, v3;
	_ =	sdelay $0x1  }
0x28b: {  	s6 =	simm.s32 $0x19800  }
0x28c: {  	[tilespmem:s6], [sflag:$0x4] =	stream.indirect_vreg.gather [hbm4b:s3+s2], $0x80, v4, vm0, $0xb8;
	[tilespmem:$0x1B000] =	vst v63  }
0x28d: {  	s7 =	simm.s32 $0x1A000  }
0x28e: {  	[tilespmem:s7], [sflag:$0x4] =	stream.indirect_vreg.gather [hbm4b:s3+s2], $0x80, v3, vm0, $0xb8;
	[tilespmem:$0x1B000] =	vst v63  }
0x28f: {  	v3 =	vld.msk [tilespmem:$0x3E0], $0xff;
	_ =	sdelay $0x4  }
0x290: {  	v49 =	vshll.u32 v3, $0x1  }
0x291: {  	v3 =	vand.u32 $0x7, v3;
	v4 =	vand.u32 $0xFFFFFFF0, v49  }
0x292: {  	v3 =	vor.u32 v3, v4  }
0x293: {  	v3 =	vperm.xlane v3, v0;
	_ =	sdelay $0x1  }
0x294: {  	v3 =	vadd.s32 v1, v3;
	_ =	sdelay $0x3  }
0x295: {  	s15 =	simm.s32 $0x1A800  }
0x296: {  	[tilespmem:s15], [sflag:$0x4] =	stream.indirect_vreg.gather [hbm4b:s3+s2], $0x80, v3, vm0, $0xb8;
	[tilespmem:$0x1B000] =	vst v63  }
0x297: {  	_ =	swait.ge [sflag:s8], $0x6800  }
0x298: {  	[sflag:s8] =	ssyncset.done $0x0  }
0x299: {  	s7 =	simm.s32 $0x7800;
	s6 =	rddreg [dreg:$0x9];
	[sflag:s8] =	ssyncadd.s32 $0xFFFF9800  }
0x29a: {  	[hbm4b:s6+s2] =	stream.linear.scatter [tilespmem:s7], [sflag:$0x6], $0x6800, $0x38;
	[tilespmem:$0x1B000] =	vst v63  }
0x29b: {  	_ =	swait.ge [sflag:s9], $0x6800  }
0x29c: {  	[sflag:s9] =	ssyncset.done $0x0  }
0x29d: {  	[sflag:s9] =	ssyncadd.s32 $0xFFFF9800  }
0x29e: {  	v3 =	vld [tilespmem:$0x400];
	_ =	sdelay $0x4  }
0x29f: {  	v50 =	vshll.u32 v3, $0x1  }
0x2a0: {  	v3 =	vand.u32 $0x7, v3;
	v4 =	vand.u32 $0xFFFFFFF0, v50  }
0x2a1: {  	v3 =	vor.u32 v3, v4  }
0x2a2: {  	v4 =	vperm.xlane v3, v0;
	_ =	sdelay $0x1  }
0x2a3: {  	v3 =	vperm.xlane v3, v2;
	v4 =	vadd.s32 v1, v4;
	_ =	sdelay $0x1  }
0x2a4: {  	v3 =	vadd.s32 v1, v3;
	_ =	sdelay $0x2  }
0x2a5: {  	[tilespmem:s10], [sflag:$0x1] =	stream.indirect_vreg.gather [hbm4b:s3+s2], $0x80, v4, vm0, $0xb8;
	[tilespmem:$0x1B000] =	vst v63  }
0x2a6: {  	s6 =	simm.s32 $0x1800  }
0x2a7: {  	[tilespmem:s6], [sflag:$0x1] =	stream.indirect_vreg.gather [hbm4b:s3+s2], $0x80, v3, vm0, $0xb8;
	[tilespmem:$0x1B000] =	vst v63  }
0x2a8: {  	v3 =	vld [tilespmem:$0x410];
	_ =	sdelay $0x4  }
0x2a9: {  	v51 =	vshll.u32 v3, $0x1  }
0x2aa: {  	v3 =	vand.u32 $0x7, v3;
	v4 =	vand.u32 $0xFFFFFFF0, v51  }
0x2ab: {  	v3 =	vor.u32 v3, v4  }
0x2ac: {  	v4 =	vperm.xlane v3, v0;
	_ =	sdelay $0x1  }
0x2ad: {  	v3 =	vperm.xlane v3, v2;
	v4 =	vadd.s32 v1, v4;
	_ =	sdelay $0x1  }
0x2ae: {  	v3 =	vadd.s32 v1, v3;
	_ =	sdelay $0x1  }
0x2af: {  	s10 =	simm.s32 $0x2000  }
0x2b0: {  	[tilespmem:s10], [sflag:$0x1] =	stream.indirect_vreg.gather [hbm4b:s3+s2], $0x80, v4, vm0, $0xb8;
	[tilespmem:$0x1B000] =	vst v63  }
0x2b1: {  	s15 =	simm.s32 $0x2800  }
0x2b2: {  	[tilespmem:s15], [sflag:$0x1] =	stream.indirect_vreg.gather [hbm4b:s3+s2], $0x80, v3, vm0, $0xb8;
	[tilespmem:$0x1B000] =	vst v63  }
0x2b3: {  	v3 =	vld [tilespmem:$0x420];
	_ =	sdelay $0x4  }
0x2b4: {  	v52 =	vshll.u32 v3, $0x1  }
0x2b5: {  	v3 =	vand.u32 $0x7, v3;
	v4 =	vand.u32 $0xFFFFFFF0, v52  }
0x2b6: {  	v3 =	vor.u32 v3, v4  }
0x2b7: {  	v4 =	vperm.xlane v3, v0;
	_ =	sdelay $0x1  }
0x2b8: {  	v3 =	vperm.xlane v3, v2;
	v4 =	vadd.s32 v1, v4;
	_ =	sdelay $0x1  }
0x2b9: {  	v3 =	vadd.s32 v1, v3;
	_ =	sdelay $0x1  }
0x2ba: {  	s10 =	simm.s32 $0x3000  }
0x2bb: {  	[tilespmem:s10], [sflag:$0x1] =	stream.indirect_vreg.gather [hbm4b:s3+s2], $0x80, v4, vm0, $0xb8;
	[tilespmem:$0x1B000] =	vst v63  }
0x2bc: {  	s15 =	simm.s32 $0x3800  }
0x2bd: {  	[tilespmem:s15], [sflag:$0x1] =	stream.indirect_vreg.gather [hbm4b:s3+s2], $0x80, v3, vm0, $0xb8;
	[tilespmem:$0x1B000] =	vst v63  }
0x2be: {  	v3 =	vld [tilespmem:$0x430];
	_ =	sdelay $0x4  }
0x2bf: {  	v53 =	vshll.u32 v3, $0x1  }
0x2c0: {  	v3 =	vand.u32 $0x7, v3;
	v4 =	vand.u32 $0xFFFFFFF0, v53  }
0x2c1: {  	v3 =	vor.u32 v3, v4  }
0x2c2: {  	v4 =	vperm.xlane v3, v0;
	_ =	sdelay $0x1  }
0x2c3: {  	v3 =	vperm.xlane v3, v2;
	v4 =	vadd.s32 v1, v4;
	_ =	sdelay $0x1  }
0x2c4: {  	v3 =	vadd.s32 v1, v3;
	_ =	sdelay $0x2  }
0x2c5: {  	[tilespmem:s21], [sflag:$0x1] =	stream.indirect_vreg.gather [hbm4b:s3+s2], $0x80, v4, vm0, $0xb8;
	[tilespmem:$0x1B000] =	vst v63  }
0x2c6: {  	_ = 	snop  }
0x2c7: {  	[tilespmem:s24], [sflag:$0x1] =	stream.indirect_vreg.gather [hbm4b:s3+s2], $0x80, v3, vm0, $0xb8;
	[tilespmem:$0x1B000] =	vst v63  }
0x2c8: {  	v3 =	vld [tilespmem:$0x440];
	_ =	sdelay $0x4  }
0x2c9: {  	v54 =	vshll.u32 v3, $0x1  }
0x2ca: {  	v3 =	vand.u32 $0x7, v3;
	v4 =	vand.u32 $0xFFFFFFF0, v54  }
0x2cb: {  	v3 =	vor.u32 v3, v4  }
0x2cc: {  	v4 =	vperm.xlane v3, v0;
	_ =	sdelay $0x1  }
0x2cd: {  	v3 =	vperm.xlane v3, v2;
	v4 =	vadd.s32 v1, v4;
	_ =	sdelay $0x1  }
0x2ce: {  	v3 =	vadd.s32 v1, v3;
	_ =	sdelay $0x2  }
0x2cf: {  	[tilespmem:s22], [sflag:$0x1] =	stream.indirect_vreg.gather [hbm4b:s3+s2], $0x80, v4, vm0, $0xb8;
	[tilespmem:$0x1B000] =	vst v63  }
0x2d0: {  	_ = 	snop  }
0x2d1: {  	[tilespmem:s25], [sflag:$0x1] =	stream.indirect_vreg.gather [hbm4b:s3+s2], $0x80, v3, vm0, $0xb8;
	[tilespmem:$0x1B000] =	vst v63  }
0x2d2: {  	v3 =	vld [tilespmem:$0x450];
	_ =	sdelay $0x4  }
0x2d3: {  	v55 =	vshll.u32 v3, $0x1  }
0x2d4: {  	v3 =	vand.u32 $0x7, v3;
	v4 =	vand.u32 $0xFFFFFFF0, v55  }
0x2d5: {  	v3 =	vor.u32 v3, v4  }
0x2d6: {  	v4 =	vperm.xlane v3, v0;
	_ =	sdelay $0x1  }
0x2d7: {  	v3 =	vperm.xlane v3, v2;
	v4 =	vadd.s32 v1, v4;
	_ =	sdelay $0x1  }
0x2d8: {  	v3 =	vadd.s32 v1, v3;
	_ =	sdelay $0x2  }
0x2d9: {  	[tilespmem:s23], [sflag:$0x1] =	stream.indirect_vreg.gather [hbm4b:s3+s2], $0x80, v4, vm0, $0xb8;
	[tilespmem:$0x1B000] =	vst v63  }
0x2da: {  	_ = 	snop  }
0x2db: {  	[tilespmem:s26], [sflag:$0x1] =	stream.indirect_vreg.gather [hbm4b:s3+s2], $0x80, v3, vm0, $0xb8;
	[tilespmem:$0x1B000] =	vst v63  }
0x2dc: {  	v3 =	vld.msk [tilespmem:$0x460], $0xff;
	_ =	sdelay $0x4  }
0x2dd: {  	v56 =	vshll.u32 v3, $0x1  }
0x2de: {  	v3 =	vand.u32 $0x7, v3;
	v4 =	vand.u32 $0xFFFFFFF0, v56  }
0x2df: {  	v3 =	vor.u32 v3, v4  }
0x2e0: {  	v3 =	vperm.xlane v3, v0;
	_ =	sdelay $0x1  }
0x2e1: {  	v3 =	vadd.s32 v1, v3;
	_ =	sdelay $0x4  }
0x2e2: {  	[tilespmem:s28], [sflag:$0x1] =	stream.indirect_vreg.gather [hbm4b:s3+s2], $0x80, v3, vm0, $0xb8;
	[tilespmem:$0x1B000] =	vst v63  }
0x2e3: {  	_ =	swait.ge [sflag:s12], $0x6800  }
0x2e4: {  	[sflag:s12] =	ssyncset.done $0x0  }
0x2e5: {  	s22 =	simm.s32 $0xE000;
	s21 =	rddreg [dreg:$0xa];
	[sflag:s12] =	ssyncadd.s32 $0xFFFF9800  }
0x2e6: {  	[hbm4b:s21+s2] =	stream.linear.scatter [tilespmem:s22], [sflag:$0x7], $0x6800, $0x38;
	[tilespmem:$0x1B000] =	vst v63  }
0x2e7: {  	_ =	swait.ge [sflag:s11], $0x6800  }
0x2e8: {  	[sflag:s11] =	ssyncset.done $0x0  }
0x2e9: {  	[sflag:s11] =	ssyncadd.s32 $0xFFFF9800  }
0x2ea: {  	v3 =	vld [tilespmem:$0x480];
	_ =	sdelay $0x4  }
0x2eb: {  	v57 =	vshll.u32 v3, $0x1  }
0x2ec: {  	v3 =	vand.u32 $0x7, v3;
	v4 =	vand.u32 $0xFFFFFFF0, v57  }
0x2ed: {  	v3 =	vor.u32 v3, v4  }
0x2ee: {  	v4 =	vperm.xlane v3, v0;
	_ =	sdelay $0x1  }
0x2ef: {  	v3 =	vperm.xlane v3, v2;
	v4 =	vadd.s32 v1, v4;
	_ =	sdelay $0x1  }
0x2f0: {  	v3 =	vadd.s32 v1, v3;
	_ =	sdelay $0x2  }
0x2f1: {  	[tilespmem:s7], [sflag:$0x2] =	stream.indirect_vreg.gather [hbm4b:s3+s2], $0x80, v4, vm0, $0xb8;
	[tilespmem:$0x1B000] =	vst v63  }
0x2f2: {  	s26 =	simm.s32 $0x8000  }
0x2f3: {  	[tilespmem:s26], [sflag:$0x2] =	stream.indirect_vreg.gather [hbm4b:s3+s2], $0x80, v3, vm0, $0xb8;
	[tilespmem:$0x1B000] =	vst v63  }
0x2f4: {  	v3 =	vld [tilespmem:$0x490];
	_ =	sdelay $0x4  }
0x2f5: {  	v58 =	vshll.u32 v3, $0x1  }
0x2f6: {  	v3 =	vand.u32 $0x7, v3;
	v4 =	vand.u32 $0xFFFFFFF0, v58  }
0x2f7: {  	v3 =	vor.u32 v3, v4  }
0x2f8: {  	v4 =	vperm.xlane v3, v0;
	_ =	sdelay $0x1  }
0x2f9: {  	v3 =	vperm.xlane v3, v2;
	v4 =	vadd.s32 v1, v4;
	_ =	sdelay $0x1  }
0x2fa: {  	v3 =	vadd.s32 v1, v3;
	_ =	sdelay $0x2  }
0x2fb: {  	[tilespmem:s0], [sflag:$0x2] =	stream.indirect_vreg.gather [hbm4b:s3+s2], $0x80, v4, vm0, $0xb8;
	[tilespmem:$0x1B000] =	vst v63  }
0x2fc: {  	s28 =	simm.s32 $0x9000  }
0x2fd: {  	[tilespmem:s28], [sflag:$0x2] =	stream.indirect_vreg.gather [hbm4b:s3+s2], $0x80, v3, vm0, $0xb8;
	[tilespmem:$0x1B000] =	vst v63  }
0x2fe: {  	v3 =	vld [tilespmem:$0x4A0];
	_ =	sdelay $0x4  }
0x2ff: {  	v59 =	vshll.u32 v3, $0x1  }
0x300: {  	v3 =	vand.u32 $0x7, v3;
	v4 =	vand.u32 $0xFFFFFFF0, v59  }
0x301: {  	v3 =	vor.u32 v3, v4  }
0x302: {  	v4 =	vperm.xlane v3, v0;
	_ =	sdelay $0x1  }
0x303: {  	v3 =	vperm.xlane v3, v2;
	v4 =	vadd.s32 v1, v4;
	_ =	sdelay $0x1  }
0x304: {  	v3 =	vadd.s32 v1, v3;
	_ =	sdelay $0x1  }
0x305: {  	s23 =	simm.s32 $0x9800  }
0x306: {  	[tilespmem:s23], [sflag:$0x2] =	stream.indirect_vreg.gather [hbm4b:s3+s2], $0x80, v4, vm0, $0xb8;
	[tilespmem:$0x1B000] =	vst v63  }
0x307: {  	s7 =	simm.s32 $0xA000  }
0x308: {  	[tilespmem:s7], [sflag:$0x2] =	stream.indirect_vreg.gather [hbm4b:s3+s2], $0x80, v3, vm0, $0xb8;
	[tilespmem:$0x1B000] =	vst v63  }
0x309: {  	v3 =	vld [tilespmem:$0x4B0];
	_ =	sdelay $0x4  }
0x30a: {  	v60 =	vshll.u32 v3, $0x1  }
0x30b: {  	v3 =	vand.u32 $0x7, v3;
	v4 =	vand.u32 $0xFFFFFFF0, v60  }
0x30c: {  	v3 =	vor.u32 v3, v4  }
0x30d: {  	v4 =	vperm.xlane v3, v0;
	_ =	sdelay $0x1  }
0x30e: {  	v3 =	vperm.xlane v3, v2;
	v4 =	vadd.s32 v1, v4;
	_ =	sdelay $0x1  }
0x30f: {  	v3 =	vadd.s32 v1, v3;
	_ =	sdelay $0x2  }
0x310: {  	[tilespmem:s29], [sflag:$0x2] =	stream.indirect_vreg.gather [hbm4b:s3+s2], $0x80, v4, vm0, $0xb8;
	[tilespmem:$0x1B000] =	vst v63  }
0x311: {  	s4 =	simm.s32 $0xB000  }
0x312: {  	[tilespmem:s4], [sflag:$0x2] =	stream.indirect_vreg.gather [hbm4b:s3+s2], $0x80, v3, vm0, $0xb8;
	[tilespmem:$0x1B000] =	vst v63  }
0x313: {  	v3 =	vld [tilespmem:$0x4C0];
	_ =	sdelay $0x4  }
0x314: {  	v61 =	vshll.u32 v3, $0x1  }
0x315: {  	v3 =	vand.u32 $0x7, v3;
	v4 =	vand.u32 $0xFFFFFFF0, v61  }
0x316: {  	v3 =	vor.u32 v3, v4  }
0x317: {  	v4 =	vperm.xlane v3, v0;
	_ =	sdelay $0x1  }
0x318: {  	v3 =	vperm.xlane v3, v2;
	v4 =	vadd.s32 v1, v4;
	_ =	sdelay $0x1  }
0x319: {  	v3 =	vadd.s32 v1, v3;
	_ =	sdelay $0x2  }
0x31a: {  	[tilespmem:s31], [sflag:$0x2] =	stream.indirect_vreg.gather [hbm4b:s3+s2], $0x80, v4, vm0, $0xb8;
	[tilespmem:$0x1B000] =	vst v63  }
0x31b: {  	_ = 	snop  }
0x31c: {  	[tilespmem:s17], [sflag:$0x2] =	stream.indirect_vreg.gather [hbm4b:s3+s2], $0x80, v3, vm0, $0xb8;
	[tilespmem:$0x1B000] =	vst v63  }
0x31d: {  	v3 =	vld [tilespmem:$0x4D0];
	_ =	sdelay $0x4  }
0x31e: {  	v62 =	vshll.u32 v3, $0x1  }
0x31f: {  	v3 =	vand.u32 $0x7, v3;
	v4 =	vand.u32 $0xFFFFFFF0, v62  }
0x320: {  	v3 =	vor.u32 v3, v4  }
0x321: {  	v4 =	vperm.xlane v3, v0;
	_ =	sdelay $0x1  }
0x322: {  	v3 =	vperm.xlane v3, v2;
	v4 =	vadd.s32 v1, v4;
	_ =	sdelay $0x1  }
0x323: {  	v3 =	vadd.s32 v1, v3;
	_ =	sdelay $0x2  }
0x324: {  	[tilespmem:s5], [sflag:$0x2] =	stream.indirect_vreg.gather [hbm4b:s3+s2], $0x80, v4, vm0, $0xb8;
	[tilespmem:$0x1B000] =	vst v63  }
0x325: {  	_ = 	snop  }
0x326: {  	[tilespmem:s16], [sflag:$0x2] =	stream.indirect_vreg.gather [hbm4b:s3+s2], $0x80, v3, vm0, $0xb8;
	[tilespmem:$0x1B000] =	vst v63  }
0x327: {  	v3 =	vld.msk [tilespmem:$0x4E0], $0xff;
	_ =	sdelay $0x4  }
0x328: {  	v63 =	vshll.u32 v3, $0x1  }
0x329: {  	v3 =	vand.u32 $0x7, v3;
	v4 =	vand.u32 $0xFFFFFFF0, v63  }
0x32a: {  	v3 =	vor.u32 v3, v4  }
0x32b: {  	v3 =	vperm.xlane v3, v0;
	_ =	sdelay $0x1  }
0x32c: {  	v3 =	vadd.s32 v1, v3;
	_ =	sdelay $0x3  }
0x32d: {  	s24 =	simm.s32 $0xD800  }
0x32e: {  	[tilespmem:s24], [sflag:$0x2] =	stream.indirect_vreg.gather [hbm4b:s3+s2], $0x80, v3, vm0, $0xb8;
	[tilespmem:$0x1B000] =	vst v63  }
0x32f: {  	_ =	swait.ge [sflag:s13], $0x6800  }
0x330: {  	[sflag:s13] =	ssyncset.done $0x0  }
0x331: {  	s0 =	simm.s32 $0x14800;
	s25 =	rddreg [dreg:$0xb];
	[sflag:s13] =	ssyncadd.s32 $0xFFFF9800  }
0x332: {  	[hbm4b:s25+s2] =	stream.linear.scatter [tilespmem:s0], [sflag:$0x8], $0x6800, $0x38;
	[tilespmem:$0x1B000] =	vst v63  }
0x333: {  	_ =	swait.ge [sflag:s14], $0x6800  }
0x334: {  	[sflag:s14] =	ssyncset.done $0x0  }
0x335: {  	[sflag:s14] =	ssyncadd.s32 $0xFFFF9800  }
0x336: {  	v3 =	vld [tilespmem:$0x500];
	_ =	sdelay $0x4  }
0x337: {  	v8 =	vshll.u32 v3, $0x1  }
0x338: {  	v3 =	vand.u32 $0x7, v3;
	v4 =	vand.u32 $0xFFFFFFF0, v8  }
0x339: {  	v3 =	vor.u32 v3, v4  }
0x33a: {  	v4 =	vperm.xlane v3, v0;
	_ =	sdelay $0x1  }
0x33b: {  	v3 =	vperm.xlane v3, v2;
	v4 =	vadd.s32 v1, v4;
	_ =	sdelay $0x1  }
0x33c: {  	v3 =	vadd.s32 v1, v3;
	_ =	sdelay $0x2  }
0x33d: {  	[tilespmem:s22], [sflag:$0x3] =	stream.indirect_vreg.gather [hbm4b:s3+s2], $0x80, v4, vm0, $0xb8;
	[tilespmem:$0x1B000] =	vst v63  }
0x33e: {  	s21 =	simm.s32 $0xE800  }
0x33f: {  	[tilespmem:s21], [sflag:$0x3] =	stream.indirect_vreg.gather [hbm4b:s3+s2], $0x80, v3, vm0, $0xb8;
	[tilespmem:$0x1B000] =	vst v63  }
0x340: {  	v3 =	vld [tilespmem:$0x510];
	_ =	sdelay $0x4  }
0x341: {  	v9 =	vshll.u32 v3, $0x1  }
0x342: {  	v3 =	vand.u32 $0x7, v3;
	v4 =	vand.u32 $0xFFFFFFF0, v9  }
0x343: {  	v3 =	vor.u32 v3, v4  }
0x344: {  	v4 =	vperm.xlane v3, v0;
	_ =	sdelay $0x1  }
0x345: {  	v3 =	vperm.xlane v3, v2;
	v4 =	vadd.s32 v1, v4;
	_ =	sdelay $0x1  }
0x346: {  	v3 =	vadd.s32 v1, v3;
	_ =	sdelay $0x1  }
0x347: {  	s29 =	simm.s32 $0xF000  }
0x348: {  	[tilespmem:s29], [sflag:$0x3] =	stream.indirect_vreg.gather [hbm4b:s3+s2], $0x80, v4, vm0, $0xb8;
	[tilespmem:$0x1B000] =	vst v63  }
0x349: {  	s22 =	simm.s32 $0xF800  }
0x34a: {  	[tilespmem:s22], [sflag:$0x3] =	stream.indirect_vreg.gather [hbm4b:s3+s2], $0x80, v3, vm0, $0xb8;
	[tilespmem:$0x1B000] =	vst v63  }
0x34b: {  	v3 =	vld [tilespmem:$0x520];
	_ =	sdelay $0x4  }
0x34c: {  	v10 =	vshll.u32 v3, $0x1  }
0x34d: {  	v3 =	vand.u32 $0x7, v3;
	v4 =	vand.u32 $0xFFFFFFF0, v10  }
0x34e: {  	v3 =	vor.u32 v3, v4  }
0x34f: {  	v4 =	vperm.xlane v3, v0;
	_ =	sdelay $0x1  }
0x350: {  	v3 =	vperm.xlane v3, v2;
	v4 =	vadd.s32 v1, v4;
	_ =	sdelay $0x1  }
0x351: {  	v3 =	vadd.s32 v1, v3;
	_ =	sdelay $0x1  }
0x352: {  	s31 =	simm.s32 $0x10000  }
0x353: {  	[tilespmem:s31], [sflag:$0x3] =	stream.indirect_vreg.gather [hbm4b:s3+s2], $0x80, v4, vm0, $0xb8;
	[tilespmem:$0x1B000] =	vst v63  }
0x354: {  	s23 =	simm.s32 $0x10800  }
0x355: {  	[tilespmem:s23], [sflag:$0x3] =	stream.indirect_vreg.gather [hbm4b:s3+s2], $0x80, v3, vm0, $0xb8;
	[tilespmem:$0x1B000] =	vst v63  }
0x356: {  	v3 =	vld [tilespmem:$0x530];
	_ =	sdelay $0x4  }
0x357: {  	v11 =	vshll.u32 v3, $0x1  }
0x358: {  	v3 =	vand.u32 $0x7, v3;
	v4 =	vand.u32 $0xFFFFFFF0, v11  }
0x359: {  	v3 =	vor.u32 v3, v4  }
0x35a: {  	v4 =	vperm.xlane v3, v0;
	_ =	sdelay $0x1  }
0x35b: {  	v3 =	vperm.xlane v3, v2;
	v4 =	vadd.s32 v1, v4;
	_ =	sdelay $0x1  }
0x35c: {  	v3 =	vadd.s32 v1, v3;
	_ =	sdelay $0x1  }
0x35d: {  	s10 =	simm.s32 $0x11000  }
0x35e: {  	[tilespmem:s10], [sflag:$0x3] =	stream.indirect_vreg.gather [hbm4b:s3+s2], $0x80, v4, vm0, $0xb8;
	[tilespmem:$0x1B000] =	vst v63  }
0x35f: {  	s24 =	simm.s32 $0x11800  }
0x360: {  	[tilespmem:s24], [sflag:$0x3] =	stream.indirect_vreg.gather [hbm4b:s3+s2], $0x80, v3, vm0, $0xb8;
	[tilespmem:$0x1B000] =	vst v63  }
0x361: {  	v3 =	vld [tilespmem:$0x540];
	_ =	sdelay $0x4  }
0x362: {  	v12 =	vshll.u32 v3, $0x1  }
0x363: {  	v3 =	vand.u32 $0x7, v3;
	v4 =	vand.u32 $0xFFFFFFF0, v12  }
0x364: {  	v3 =	vor.u32 v3, v4  }
0x365: {  	v4 =	vperm.xlane v3, v0;
	_ =	sdelay $0x1  }
0x366: {  	v3 =	vperm.xlane v3, v2;
	v4 =	vadd.s32 v1, v4;
	_ =	sdelay $0x1  }
0x367: {  	v3 =	vadd.s32 v1, v3;
	_ =	sdelay $0x1  }
0x368: {  	s15 =	simm.s32 $0x12000  }
0x369: {  	[tilespmem:s15], [sflag:$0x3] =	stream.indirect_vreg.gather [hbm4b:s3+s2], $0x80, v4, vm0, $0xb8;
	[tilespmem:$0x1B000] =	vst v63  }
0x36a: {  	s25 =	simm.s32 $0x12800  }
0x36b: {  	[tilespmem:s25], [sflag:$0x3] =	stream.indirect_vreg.gather [hbm4b:s3+s2], $0x80, v3, vm0, $0xb8;
	[tilespmem:$0x1B000] =	vst v63  }
0x36c: {  	v3 =	vld [tilespmem:$0x550];
	_ =	sdelay $0x4  }
0x36d: {  	v13 =	vshll.u32 v3, $0x1  }
0x36e: {  	v3 =	vand.u32 $0x7, v3;
	v4 =	vand.u32 $0xFFFFFFF0, v13  }
0x36f: {  	v3 =	vor.u32 v3, v4  }
0x370: {  	v4 =	vperm.xlane v3, v0;
	_ =	sdelay $0x1  }
0x371: {  	v3 =	vperm.xlane v3, v2;
	v4 =	vadd.s32 v1, v4;
	_ =	sdelay $0x1  }
0x372: {  	v3 =	vadd.s32 v1, v3;
	_ =	sdelay $0x1  }
0x373: {  	s16 =	simm.s32 $0x13000  }
0x374: {  	[tilespmem:s16], [sflag:$0x3] =	stream.indirect_vreg.gather [hbm4b:s3+s2], $0x80, v4, vm0, $0xb8;
	[tilespmem:$0x1B000] =	vst v63  }
0x375: {  	s29 =	simm.s32 $0x13800  }
0x376: {  	[tilespmem:s29], [sflag:$0x3] =	stream.indirect_vreg.gather [hbm4b:s3+s2], $0x80, v3, vm0, $0xb8;
	[tilespmem:$0x1B000] =	vst v63  }
0x377: {  	v3 =	vld.msk [tilespmem:$0x560], $0xff;
	_ =	sdelay $0x4  }
0x378: {  	v14 =	vshll.u32 v3, $0x1  }
0x379: {  	v3 =	vand.u32 $0x7, v3;
	v4 =	vand.u32 $0xFFFFFFF0, v14  }
0x37a: {  	v3 =	vor.u32 v3, v4  }
0x37b: {  	v3 =	vperm.xlane v3, v0;
	_ =	sdelay $0x1  }
0x37c: {  	v3 =	vadd.s32 v1, v3;
	_ =	sdelay $0x3  }
0x37d: {  	s31 =	simm.s32 $0x14000  }
0x37e: {  	[tilespmem:s31], [sflag:$0x3] =	stream.indirect_vreg.gather [hbm4b:s3+s2], $0x80, v3, vm0, $0xb8;
	[tilespmem:$0x1B000] =	vst v63  }
0x37f: {  	_ =	swait.ge [sflag:s20], $0x6800  }
0x380: {  	[sflag:s20] =	ssyncset.done $0x0  }
0x381: {  	s5 =	simm.s32 $0x1000;
	s17 =	rddreg [dreg:$0xc];
	[sflag:s20] =	ssyncadd.s32 $0xFFFF9800  }
0x382: {  	[hbm4b:s17+s2] =	stream.linear.scatter [tilespmem:s5], [sflag:$0x5], $0x6800, $0x38;
	[tilespmem:$0x1B000] =	vst v63  }
0x383: {  	_ =	swait.ge [sflag:s1], $0x6800  }
0x384: {  	[sflag:s1] =	ssyncset.done $0x0  }
0x385: {  	[sflag:s1] =	ssyncadd.s32 $0xFFFF9800  }
0x386: {  	v3 =	vld [tilespmem:$0x580];
	_ =	sdelay $0x4  }
0x387: {  	v15 =	vshll.u32 v3, $0x1  }
0x388: {  	v3 =	vand.u32 $0x7, v3;
	v4 =	vand.u32 $0xFFFFFFF0, v15  }
0x389: {  	v3 =	vor.u32 v3, v4  }
0x38a: {  	v4 =	vperm.xlane v3, v0;
	_ =	sdelay $0x1  }
0x38b: {  	v3 =	vperm.xlane v3, v2;
	v4 =	vadd.s32 v1, v4;
	_ =	sdelay $0x1  }
0x38c: {  	v3 =	vadd.s32 v1, v3;
	_ =	sdelay $0x2  }
0x38d: {  	[tilespmem:s0], [sflag:$0x4] =	stream.indirect_vreg.gather [hbm4b:s3+s2], $0x80, v4, vm0, $0xb8;
	[tilespmem:$0x1B000] =	vst v63  }
0x38e: {  	s10 =	simm.s32 $0x15000  }
0x38f: {  	[tilespmem:s10], [sflag:$0x4] =	stream.indirect_vreg.gather [hbm4b:s3+s2], $0x80, v3, vm0, $0xb8;
	[tilespmem:$0x1B000] =	vst v63  }
0x390: {  	v3 =	vld [tilespmem:$0x590];
	_ =	sdelay $0x4  }
0x391: {  	v16 =	vshll.u32 v3, $0x1  }
0x392: {  	v3 =	vand.u32 $0x7, v3;
	v4 =	vand.u32 $0xFFFFFFF0, v16  }
0x393: {  	v3 =	vor.u32 v3, v4  }
0x394: {  	v4 =	vperm.xlane v3, v0;
	_ =	sdelay $0x1  }
0x395: {  	v3 =	vperm.xlane v3, v2;
	v4 =	vadd.s32 v1, v4;
	_ =	sdelay $0x1  }
0x396: {  	v3 =	vadd.s32 v1, v3;
	_ =	sdelay $0x2  }
0x397: {  	[tilespmem:s30], [sflag:$0x4] =	stream.indirect_vreg.gather [hbm4b:s3+s2], $0x80, v4, vm0, $0xb8;
	[tilespmem:$0x1B000] =	vst v63  }
0x398: {  	s17 =	simm.s32 $0x16000  }
0x399: {  	[tilespmem:s17], [sflag:$0x4] =	stream.indirect_vreg.gather [hbm4b:s3+s2], $0x80, v3, vm0, $0xb8;
	[tilespmem:$0x1B000] =	vst v63  }
0x39a: {  	v3 =	vld [tilespmem:$0x5A0];
	_ =	sdelay $0x4  }
0x39b: {  	v17 =	vshll.u32 v3, $0x1  }
0x39c: {  	v3 =	vand.u32 $0x7, v3;
	v4 =	vand.u32 $0xFFFFFFF0, v17  }
0x39d: {  	v3 =	vor.u32 v3, v4  }
0x39e: {  	v4 =	vperm.xlane v3, v0;
	_ =	sdelay $0x1  }
0x39f: {  	v3 =	vperm.xlane v3, v2;
	v4 =	vadd.s32 v1, v4;
	_ =	sdelay $0x1  }
0x3a0: {  	v3 =	vadd.s32 v1, v3;
	_ =	sdelay $0x2  }
0x3a1: {  	[tilespmem:s18], [sflag:$0x4] =	stream.indirect_vreg.gather [hbm4b:s3+s2], $0x80, v4, vm0, $0xb8;
	[tilespmem:$0x1B000] =	vst v63  }
0x3a2: {  	s18 =	simm.s32 $0x17000  }
0x3a3: {  	[tilespmem:s18], [sflag:$0x4] =	stream.indirect_vreg.gather [hbm4b:s3+s2], $0x80, v3, vm0, $0xb8;
	[tilespmem:$0x1B000] =	vst v63  }
0x3a4: {  	v3 =	vld [tilespmem:$0x5B0];
	_ =	sdelay $0x4  }
0x3a5: {  	v18 =	vshll.u32 v3, $0x1  }
0x3a6: {  	v3 =	vand.u32 $0x7, v3;
	v4 =	vand.u32 $0xFFFFFFF0, v18  }
0x3a7: {  	v3 =	vor.u32 v3, v4  }
0x3a8: {  	v4 =	vperm.xlane v3, v0;
	_ =	sdelay $0x1  }
0x3a9: {  	v3 =	vperm.xlane v3, v2;
	v4 =	vadd.s32 v1, v4;
	_ =	sdelay $0x1  }
0x3aa: {  	v3 =	vadd.s32 v1, v3;
	_ =	sdelay $0x2  }
0x3ab: {  	[tilespmem:s19], [sflag:$0x4] =	stream.indirect_vreg.gather [hbm4b:s3+s2], $0x80, v4, vm0, $0xb8;
	[tilespmem:$0x1B000] =	vst v63  }
0x3ac: {  	s19 =	simm.s32 $0x18000  }
0x3ad: {  	[tilespmem:s19], [sflag:$0x4] =	stream.indirect_vreg.gather [hbm4b:s3+s2], $0x80, v3, vm0, $0xb8;
	[tilespmem:$0x1B000] =	vst v63  }
0x3ae: {  	v3 =	vld [tilespmem:$0x5C0];
	_ =	sdelay $0x4  }
0x3af: {  	v19 =	vshll.u32 v3, $0x1  }
0x3b0: {  	v3 =	vand.u32 $0x7, v3;
	v4 =	vand.u32 $0xFFFFFFF0, v19  }
0x3b1: {  	v3 =	vor.u32 v3, v4  }
0x3b2: {  	v4 =	vperm.xlane v3, v0;
	_ =	sdelay $0x1  }
0x3b3: {  	v3 =	vperm.xlane v3, v2;
	v4 =	vadd.s32 v1, v4;
	_ =	sdelay $0x1  }
0x3b4: {  	v3 =	vadd.s32 v1, v3;
	_ =	sdelay $0x1  }
0x3b5: {  	s30 =	simm.s32 $0x18800  }
0x3b6: {  	[tilespmem:s30], [sflag:$0x4] =	stream.indirect_vreg.gather [hbm4b:s3+s2], $0x80, v4, vm0, $0xb8;
	[tilespmem:$0x1B000] =	vst v63  }
0x3b7: {  	s15 =	simm.s32 $0x19000  }
0x3b8: {  	[tilespmem:s15], [sflag:$0x4] =	stream.indirect_vreg.gather [hbm4b:s3+s2], $0x80, v3, vm0, $0xb8;
	[tilespmem:$0x1B000] =	vst v63  }
0x3b9: {  	v3 =	vld [tilespmem:$0x5D0];
	_ =	sdelay $0x4  }
0x3ba: {  	v20 =	vshll.u32 v3, $0x1  }
0x3bb: {  	v3 =	vand.u32 $0x7, v3;
	v4 =	vand.u32 $0xFFFFFFF0, v20  }
0x3bc: {  	v3 =	vor.u32 v3, v4  }
0x3bd: {  	v4 =	vperm.xlane v3, v0;
	_ =	sdelay $0x1  }
0x3be: {  	v3 =	vperm.xlane v3, v2;
	v4 =	vadd.s32 v1, v4;
	_ =	sdelay $0x1  }
0x3bf: {  	v3 =	vadd.s32 v1, v3;
	_ =	sdelay $0x1  }
0x3c0: {  	s16 =	simm.s32 $0x19800  }
0x3c1: {  	[tilespmem:s16], [sflag:$0x4] =	stream.indirect_vreg.gather [hbm4b:s3+s2], $0x80, v4, vm0, $0xb8;
	[tilespmem:$0x1B000] =	vst v63  }
0x3c2: {  	s18 =	simm.s32 $0x1A000  }
0x3c3: {  	[tilespmem:s18], [sflag:$0x4] =	stream.indirect_vreg.gather [hbm4b:s3+s2], $0x80, v3, vm0, $0xb8;
	[tilespmem:$0x1B000] =	vst v63  }
0x3c4: {  	v3 =	vld.msk [tilespmem:$0x5E0], $0xff;
	_ =	sdelay $0x4  }
0x3c5: {  	v21 =	vshll.u32 v3, $0x1  }
0x3c6: {  	v3 =	vand.u32 $0x7, v3;
	v4 =	vand.u32 $0xFFFFFFF0, v21  }
0x3c7: {  	v3 =	vor.u32 v3, v4  }
0x3c8: {  	v3 =	vperm.xlane v3, v0;
	_ =	sdelay $0x1  }
0x3c9: {  	v3 =	vadd.s32 v1, v3;
	_ =	sdelay $0x3  }
0x3ca: {  	s19 =	simm.s32 $0x1A800  }
0x3cb: {  	[tilespmem:s19], [sflag:$0x4] =	stream.indirect_vreg.gather [hbm4b:s3+s2], $0x80, v3, vm0, $0xb8;
	[tilespmem:$0x1B000] =	vst v63  }
0x3cc: {  	_ =	swait.ge [sflag:s8], $0x6800  }
0x3cd: {  	[sflag:s8] =	ssyncset.done $0x0  }
0x3ce: {  	s0 =	simm.s32 $0x7800;
	s30 =	rddreg [dreg:$0xd];
	[sflag:s8] =	ssyncadd.s32 $0xFFFF9800  }
0x3cf: {  	[hbm4b:s30+s2] =	stream.linear.scatter [tilespmem:s0], [sflag:$0x6], $0x6800, $0x38;
	[tilespmem:$0x1B000] =	vst v63  }
0x3d0: {  	_ =	swait.ge [sflag:s9], $0x6800  }
0x3d1: {  	[sflag:s9] =	ssyncset.done $0x0  }
0x3d2: {  	[sflag:s9] =	ssyncadd.s32 $0xFFFF9800  }
0x3d3: {  	v3 =	vld [tilespmem:$0x600];
	_ =	sdelay $0x4  }
0x3d4: {  	v22 =	vshll.u32 v3, $0x1  }
0x3d5: {  	v3 =	vand.u32 $0x7, v3;
	v4 =	vand.u32 $0xFFFFFFF0, v22  }
0x3d6: {  	v3 =	vor.u32 v3, v4  }
0x3d7: {  	v4 =	vperm.xlane v3, v0;
	_ =	sdelay $0x1  }
0x3d8: {  	v3 =	vperm.xlane v3, v2;
	v4 =	vadd.s32 v1, v4;
	_ =	sdelay $0x1  }
0x3d9: {  	v3 =	vadd.s32 v1, v3;
	_ =	sdelay $0x2  }
0x3da: {  	[tilespmem:s5], [sflag:$0x1] =	stream.indirect_vreg.gather [hbm4b:s3+s2], $0x80, v4, vm0, $0xb8;
	[tilespmem:$0x1B000] =	vst v63  }
0x3db: {  	_ = 	snop  }
0x3dc: {  	[tilespmem:s6], [sflag:$0x1] =	stream.indirect_vreg.gather [hbm4b:s3+s2], $0x80, v3, vm0, $0xb8;
	[tilespmem:$0x1B000] =	vst v63  }
0x3dd: {  	v3 =	vld [tilespmem:$0x610];
	_ =	sdelay $0x4  }
0x3de: {  	v23 =	vshll.u32 v3, $0x1  }
0x3df: {  	v3 =	vand.u32 $0x7, v3;
	v4 =	vand.u32 $0xFFFFFFF0, v23  }
0x3e0: {  	v3 =	vor.u32 v3, v4  }
0x3e1: {  	v4 =	vperm.xlane v3, v0;
	_ =	sdelay $0x1  }
0x3e2: {  	v3 =	vperm.xlane v3, v2;
	v4 =	vadd.s32 v1, v4;
	_ =	sdelay $0x1  }
0x3e3: {  	v3 =	vadd.s32 v1, v3;
	_ =	sdelay $0x1  }
0x3e4: {  	s15 =	simm.s32 $0x2000  }
0x3e5: {  	[tilespmem:s15], [sflag:$0x1] =	stream.indirect_vreg.gather [hbm4b:s3+s2], $0x80, v4, vm0, $0xb8;
	[tilespmem:$0x1B000] =	vst v63  }
0x3e6: {  	s16 =	simm.s32 $0x2800  }
0x3e7: {  	[tilespmem:s16], [sflag:$0x1] =	stream.indirect_vreg.gather [hbm4b:s3+s2], $0x80, v3, vm0, $0xb8;
	[tilespmem:$0x1B000] =	vst v63  }
0x3e8: {  	v3 =	vld [tilespmem:$0x620];
	_ =	sdelay $0x4  }
0x3e9: {  	v24 =	vshll.u32 v3, $0x1  }
0x3ea: {  	v3 =	vand.u32 $0x7, v3;
	v4 =	vand.u32 $0xFFFFFFF0, v24  }
0x3eb: {  	v3 =	vor.u32 v3, v4  }
0x3ec: {  	v4 =	vperm.xlane v3, v0;
	_ =	sdelay $0x1  }
0x3ed: {  	v3 =	vperm.xlane v3, v2;
	v4 =	vadd.s32 v1, v4;
	_ =	sdelay $0x1  }
0x3ee: {  	v3 =	vadd.s32 v1, v3;
	_ =	sdelay $0x1  }
0x3ef: {  	s18 =	simm.s32 $0x3000  }
0x3f0: {  	[tilespmem:s18], [sflag:$0x1] =	stream.indirect_vreg.gather [hbm4b:s3+s2], $0x80, v4, vm0, $0xb8;
	[tilespmem:$0x1B000] =	vst v63  }
0x3f1: {  	s19 =	simm.s32 $0x3800  }
0x3f2: {  	[tilespmem:s19], [sflag:$0x1] =	stream.indirect_vreg.gather [hbm4b:s3+s2], $0x80, v3, vm0, $0xb8;
	[tilespmem:$0x1B000] =	vst v63  }
0x3f3: {  	v3 =	vld [tilespmem:$0x630];
	_ =	sdelay $0x4  }
0x3f4: {  	v25 =	vshll.u32 v3, $0x1  }
0x3f5: {  	v3 =	vand.u32 $0x7, v3;
	v4 =	vand.u32 $0xFFFFFFF0, v25  }
0x3f6: {  	v3 =	vor.u32 v3, v4  }
0x3f7: {  	v4 =	vperm.xlane v3, v0;
	_ =	sdelay $0x1  }
0x3f8: {  	v3 =	vperm.xlane v3, v2;
	v4 =	vadd.s32 v1, v4;
	_ =	sdelay $0x1  }
0x3f9: {  	v3 =	vadd.s32 v1, v3;
	_ =	sdelay $0x1  }
0x3fa: {  	s18 =	simm.s32 $0x4000  }
0x3fb: {  	[tilespmem:s18], [sflag:$0x1] =	stream.indirect_vreg.gather [hbm4b:s3+s2], $0x80, v4, vm0, $0xb8;
	[tilespmem:$0x1B000] =	vst v63  }
0x3fc: {  	s30 =	simm.s32 $0x4800  }
0x3fd: {  	[tilespmem:s30], [sflag:$0x1] =	stream.indirect_vreg.gather [hbm4b:s3+s2], $0x80, v3, vm0, $0xb8;
	[tilespmem:$0x1B000] =	vst v63  }
0x3fe: {  	v3 =	vld [tilespmem:$0x640];
	_ =	sdelay $0x4  }
0x3ff: {  	v26 =	vshll.u32 v3, $0x1  }
0x400: {  	v3 =	vand.u32 $0x7, v3;
	v4 =	vand.u32 $0xFFFFFFF0, v26  }
0x401: {  	v3 =	vor.u32 v3, v4  }
0x402: {  	v4 =	vperm.xlane v3, v0;
	_ =	sdelay $0x1  }
0x403: {  	v3 =	vperm.xlane v3, v2;
	v4 =	vadd.s32 v1, v4;
	_ =	sdelay $0x1  }
0x404: {  	v3 =	vadd.s32 v1, v3;
	_ =	sdelay $0x1  }
0x405: {  	s30 =	simm.s32 $0x5000  }
0x406: {  	[tilespmem:s30], [sflag:$0x1] =	stream.indirect_vreg.gather [hbm4b:s3+s2], $0x80, v4, vm0, $0xb8;
	[tilespmem:$0x1B000] =	vst v63  }
0x407: {  	s6 =	simm.s32 $0x5800  }
0x408: {  	[tilespmem:s6], [sflag:$0x1] =	stream.indirect_vreg.gather [hbm4b:s3+s2], $0x80, v3, vm0, $0xb8;
	[tilespmem:$0x1B000] =	vst v63  }
0x409: {  	v3 =	vld [tilespmem:$0x650];
	_ =	sdelay $0x4  }
0x40a: {  	v27 =	vshll.u32 v3, $0x1  }
0x40b: {  	v3 =	vand.u32 $0x7, v3;
	v4 =	vand.u32 $0xFFFFFFF0, v27  }
0x40c: {  	v3 =	vor.u32 v3, v4  }
0x40d: {  	v4 =	vperm.xlane v3, v0;
	_ =	sdelay $0x1  }
0x40e: {  	v3 =	vperm.xlane v3, v2;
	v4 =	vadd.s32 v1, v4;
	_ =	sdelay $0x1  }
0x40f: {  	v3 =	vadd.s32 v1, v3;
	_ =	sdelay $0x1  }
0x410: {  	s15 =	simm.s32 $0x6000  }
0x411: {  	[tilespmem:s15], [sflag:$0x1] =	stream.indirect_vreg.gather [hbm4b:s3+s2], $0x80, v4, vm0, $0xb8;
	[tilespmem:$0x1B000] =	vst v63  }
0x412: {  	s16 =	simm.s32 $0x6800  }
0x413: {  	[tilespmem:s16], [sflag:$0x1] =	stream.indirect_vreg.gather [hbm4b:s3+s2], $0x80, v3, vm0, $0xb8;
	[tilespmem:$0x1B000] =	vst v63  }
0x414: {  	v3 =	vld.msk [tilespmem:$0x660], $0xff;
	_ =	sdelay $0x4  }
0x415: {  	v28 =	vshll.u32 v3, $0x1  }
0x416: {  	v3 =	vand.u32 $0x7, v3;
	v4 =	vand.u32 $0xFFFFFFF0, v28  }
0x417: {  	v3 =	vor.u32 v3, v4  }
0x418: {  	v3 =	vperm.xlane v3, v0;
	_ =	sdelay $0x1  }
0x419: {  	v3 =	vadd.s32 v1, v3;
	_ =	sdelay $0x3  }
0x41a: {  	s19 =	simm.s32 $0x7000  }
0x41b: {  	[tilespmem:s19], [sflag:$0x1] =	stream.indirect_vreg.gather [hbm4b:s3+s2], $0x80, v3, vm0, $0xb8;
	[tilespmem:$0x1B000] =	vst v63  }
0x41c: {  	_ =	swait.ge [sflag:s12], $0x6800  }
0x41d: {  	[sflag:s12] =	ssyncset.done $0x0  }
0x41e: {  	s16 =	simm.s32 $0xE000;
	s6 =	rddreg [dreg:$0xe];
	[sflag:s12] =	ssyncadd.s32 $0xFFFF9800  }
0x41f: {  	[hbm4b:s6+s2] =	stream.linear.scatter [tilespmem:s16], [sflag:$0x7], $0x6800, $0x38;
	[tilespmem:$0x1B000] =	vst v63  }
0x420: {  	_ =	swait.ge [sflag:s11], $0x6800  }
0x421: {  	[sflag:s11] =	ssyncset.done $0x0  }
0x422: {  	[sflag:s11] =	ssyncadd.s32 $0xFFFF9800  }
0x423: {  	v3 =	vld [tilespmem:$0x680];
	_ =	sdelay $0x4  }
0x424: {  	v29 =	vshll.u32 v3, $0x1  }
0x425: {  	v3 =	vand.u32 $0x7, v3;
	v4 =	vand.u32 $0xFFFFFFF0, v29  }
0x426: {  	v3 =	vor.u32 v3, v4  }
0x427: {  	v4 =	vperm.xlane v3, v0;
	_ =	sdelay $0x1  }
0x428: {  	v3 =	vperm.xlane v3, v2;
	v4 =	vadd.s32 v1, v4;
	_ =	sdelay $0x1  }
0x429: {  	v3 =	vadd.s32 v1, v3;
	_ =	sdelay $0x2  }
0x42a: {  	[tilespmem:s0], [sflag:$0x2] =	stream.indirect_vreg.gather [hbm4b:s3+s2], $0x80, v4, vm0, $0xb8;
	[tilespmem:$0x1B000] =	vst v63  }
0x42b: {  	_ = 	snop  }
0x42c: {  	[tilespmem:s26], [sflag:$0x2] =	stream.indirect_vreg.gather [hbm4b:s3+s2], $0x80, v3, vm0, $0xb8;
	[tilespmem:$0x1B000] =	vst v63  }
0x42d: {  	v3 =	vld [tilespmem:$0x690];
	_ =	sdelay $0x4  }
0x42e: {  	v30 =	vshll.u32 v3, $0x1  }
0x42f: {  	v3 =	vand.u32 $0x7, v3;
	v4 =	vand.u32 $0xFFFFFFF0, v30  }
0x430: {  	v3 =	vor.u32 v3, v4  }
0x431: {  	v4 =	vperm.xlane v3, v0;
	_ =	sdelay $0x1  }
0x432: {  	v3 =	vperm.xlane v3, v2;
	v4 =	vadd.s32 v1, v4;
	_ =	sdelay $0x1  }
0x433: {  	v3 =	vadd.s32 v1, v3;
	_ =	sdelay $0x1  }
0x434: {  	s15 =	simm.s32 $0x8800  }
0x435: {  	[tilespmem:s15], [sflag:$0x2] =	stream.indirect_vreg.gather [hbm4b:s3+s2], $0x80, v4, vm0, $0xb8;
	[tilespmem:$0x1B000] =	vst v63  }
0x436: {  	_ = 	snop  }
0x437: {  	[tilespmem:s28], [sflag:$0x2] =	stream.indirect_vreg.gather [hbm4b:s3+s2], $0x80, v3, vm0, $0xb8;
	[tilespmem:$0x1B000] =	vst v63  }
0x438: {  	v3 =	vld [tilespmem:$0x6A0];
	_ =	sdelay $0x4  }
0x439: {  	v31 =	vshll.u32 v3, $0x1  }
0x43a: {  	v3 =	vand.u32 $0x7, v3;
	v4 =	vand.u32 $0xFFFFFFF0, v31  }
0x43b: {  	v3 =	vor.u32 v3, v4  }
0x43c: {  	v4 =	vperm.xlane v3, v0;
	_ =	sdelay $0x1  }
0x43d: {  	v3 =	vperm.xlane v3, v2;
	v4 =	vadd.s32 v1, v4;
	_ =	sdelay $0x1  }
0x43e: {  	v3 =	vadd.s32 v1, v3;
	_ =	sdelay $0x1  }
0x43f: {  	s5 =	simm.s32 $0x9800  }
0x440: {  	[tilespmem:s5], [sflag:$0x2] =	stream.indirect_vreg.gather [hbm4b:s3+s2], $0x80, v4, vm0, $0xb8;
	[tilespmem:$0x1B000] =	vst v63  }
0x441: {  	_ = 	snop  }
0x442: {  	[tilespmem:s7], [sflag:$0x2] =	stream.indirect_vreg.gather [hbm4b:s3+s2], $0x80, v3, vm0, $0xb8;
	[tilespmem:$0x1B000] =	vst v63  }
0x443: {  	v3 =	vld [tilespmem:$0x6B0];
	_ =	sdelay $0x4  }
0x444: {  	v32 =	vshll.u32 v3, $0x1  }
0x445: {  	v3 =	vand.u32 $0x7, v3;
	v4 =	vand.u32 $0xFFFFFFF0, v32  }
0x446: {  	v3 =	vor.u32 v3, v4  }
0x447: {  	v4 =	vperm.xlane v3, v0;
	_ =	sdelay $0x1  }
0x448: {  	v3 =	vperm.xlane v3, v2;
	v4 =	vadd.s32 v1, v4;
	_ =	sdelay $0x1  }
0x449: {  	v3 =	vadd.s32 v1, v3;
	_ =	sdelay $0x1  }
0x44a: {  	s6 =	simm.s32 $0xA800  }
0x44b: {  	[tilespmem:s6], [sflag:$0x2] =	stream.indirect_vreg.gather [hbm4b:s3+s2], $0x80, v4, vm0, $0xb8;
	[tilespmem:$0x1B000] =	vst v63  }
0x44c: {  	_ = 	snop  }
0x44d: {  	[tilespmem:s4], [sflag:$0x2] =	stream.indirect_vreg.gather [hbm4b:s3+s2], $0x80, v3, vm0, $0xb8;
	[tilespmem:$0x1B000] =	vst v63  }
0x44e: {  	v3 =	vld [tilespmem:$0x6C0];
	_ =	sdelay $0x4  }
0x44f: {  	v33 =	vshll.u32 v3, $0x1  }
0x450: {  	v3 =	vand.u32 $0x7, v3;
	v4 =	vand.u32 $0xFFFFFFF0, v33  }
0x451: {  	v3 =	vor.u32 v3, v4  }
0x452: {  	v4 =	vperm.xlane v3, v0;
	_ =	sdelay $0x1  }
0x453: {  	v3 =	vperm.xlane v3, v2;
	v4 =	vadd.s32 v1, v4;
	_ =	sdelay $0x1  }
0x454: {  	v3 =	vadd.s32 v1, v3;
	_ =	sdelay $0x1  }
0x455: {  	s28 =	simm.s32 $0xB800  }
0x456: {  	[tilespmem:s28], [sflag:$0x2] =	stream.indirect_vreg.gather [hbm4b:s3+s2], $0x80, v4, vm0, $0xb8;
	[tilespmem:$0x1B000] =	vst v63  }
0x457: {  	s26 =	simm.s32 $0xC000  }
0x458: {  	[tilespmem:s26], [sflag:$0x2] =	stream.indirect_vreg.gather [hbm4b:s3+s2], $0x80, v3, vm0, $0xb8;
	[tilespmem:$0x1B000] =	vst v63  }
0x459: {  	v3 =	vld [tilespmem:$0x6D0];
	_ =	sdelay $0x4  }
0x45a: {  	v34 =	vshll.u32 v3, $0x1  }
0x45b: {  	v3 =	vand.u32 $0x7, v3;
	v4 =	vand.u32 $0xFFFFFFF0, v34  }
0x45c: {  	v3 =	vor.u32 v3, v4  }
0x45d: {  	v4 =	vperm.xlane v3, v0;
	_ =	sdelay $0x1  }
0x45e: {  	v3 =	vperm.xlane v3, v2;
	v4 =	vadd.s32 v1, v4;
	_ =	sdelay $0x1  }
0x45f: {  	v3 =	vadd.s32 v1, v3;
	_ =	sdelay $0x1  }
0x460: {  	s19 =	simm.s32 $0xC800  }
0x461: {  	[tilespmem:s19], [sflag:$0x2] =	stream.indirect_vreg.gather [hbm4b:s3+s2], $0x80, v4, vm0, $0xb8;
	[tilespmem:$0x1B000] =	vst v63  }
0x462: {  	s19 =	simm.s32 $0xD000  }
0x463: {  	[tilespmem:s19], [sflag:$0x2] =	stream.indirect_vreg.gather [hbm4b:s3+s2], $0x80, v3, vm0, $0xb8;
	[tilespmem:$0x1B000] =	vst v63  }
0x464: {  	v3 =	vld.msk [tilespmem:$0x6E0], $0xff;
	_ =	sdelay $0x4  }
0x465: {  	v35 =	vshll.u32 v3, $0x1  }
0x466: {  	v3 =	vand.u32 $0x7, v3;
	v4 =	vand.u32 $0xFFFFFFF0, v35  }
0x467: {  	v3 =	vor.u32 v3, v4  }
0x468: {  	v3 =	vperm.xlane v3, v0;
	_ =	sdelay $0x1  }
0x469: {  	v3 =	vadd.s32 v1, v3;
	_ =	sdelay $0x3  }
0x46a: {  	s4 =	simm.s32 $0xD800  }
0x46b: {  	[tilespmem:s4], [sflag:$0x2] =	stream.indirect_vreg.gather [hbm4b:s3+s2], $0x80, v3, vm0, $0xb8;
	[tilespmem:$0x1B000] =	vst v63  }
0x46c: {  	_ =	swait.ge [sflag:s13], $0x6800  }
0x46d: {  	[sflag:s13] =	ssyncset.done $0x0  }
0x46e: {  	s0 =	simm.s32 $0x14800;
	s7 =	rddreg [dreg:$0xf];
	[sflag:s13] =	ssyncadd.s32 $0xFFFF9800  }
0x46f: {  	[hbm4b:s7+s2] =	stream.linear.scatter [tilespmem:s0], [sflag:$0x8], $0x6800, $0x38;
	[tilespmem:$0x1B000] =	vst v63  }
0x470: {  	_ =	swait.ge [sflag:s14], $0x6800  }
0x471: {  	[sflag:s14] =	ssyncset.done $0x0  }
0x472: {  	[sflag:s14] =	ssyncadd.s32 $0xFFFF9800  }
0x473: {  	v3 =	vld [tilespmem:$0x700];
	_ =	sdelay $0x4  }
0x474: {  	v36 =	vshll.u32 v3, $0x1  }
0x475: {  	v3 =	vand.u32 $0x7, v3;
	v4 =	vand.u32 $0xFFFFFFF0, v36  }
0x476: {  	v3 =	vor.u32 v3, v4  }
0x477: {  	v4 =	vperm.xlane v3, v0;
	_ =	sdelay $0x1  }
0x478: {  	v3 =	vperm.xlane v3, v2;
	v4 =	vadd.s32 v1, v4;
	_ =	sdelay $0x1  }
0x479: {  	v3 =	vadd.s32 v1, v3;
	_ =	sdelay $0x2  }
0x47a: {  	[tilespmem:s16], [sflag:$0x3] =	stream.indirect_vreg.gather [hbm4b:s3+s2], $0x80, v4, vm0, $0xb8;
	[tilespmem:$0x1B000] =	vst v63  }
0x47b: {  	_ = 	snop  }
0x47c: {  	[tilespmem:s21], [sflag:$0x3] =	stream.indirect_vreg.gather [hbm4b:s3+s2], $0x80, v3, vm0, $0xb8;
	[tilespmem:$0x1B000] =	vst v63  }
0x47d: {  	v3 =	vld [tilespmem:$0x710];
	_ =	sdelay $0x4  }
0x47e: {  	v37 =	vshll.u32 v3, $0x1  }
0x47f: {  	v3 =	vand.u32 $0x7, v3;
	v4 =	vand.u32 $0xFFFFFFF0, v37  }
0x480: {  	v3 =	vor.u32 v3, v4  }
0x481: {  	v4 =	vperm.xlane v3, v0;
	_ =	sdelay $0x1  }
0x482: {  	v3 =	vperm.xlane v3, v2;
	v4 =	vadd.s32 v1, v4;
	_ =	sdelay $0x1  }
0x483: {  	v3 =	vadd.s32 v1, v3;
	_ =	sdelay $0x1  }
0x484: {  	s21 =	simm.s32 $0xF000  }
0x485: {  	[tilespmem:s21], [sflag:$0x3] =	stream.indirect_vreg.gather [hbm4b:s3+s2], $0x80, v4, vm0, $0xb8;
	[tilespmem:$0x1B000] =	vst v63  }
0x486: {  	_ = 	snop  }
0x487: {  	[tilespmem:s22], [sflag:$0x3] =	stream.indirect_vreg.gather [hbm4b:s3+s2], $0x80, v3, vm0, $0xb8;
	[tilespmem:$0x1B000] =	vst v63  }
0x488: {  	v3 =	vld [tilespmem:$0x720];
	_ =	sdelay $0x4  }
0x489: {  	v38 =	vshll.u32 v3, $0x1  }
0x48a: {  	v3 =	vand.u32 $0x7, v3;
	v4 =	vand.u32 $0xFFFFFFF0, v38  }
0x48b: {  	v3 =	vor.u32 v3, v4  }
0x48c: {  	v4 =	vperm.xlane v3, v0;
	_ =	sdelay $0x1  }
0x48d: {  	v3 =	vperm.xlane v3, v2;
	v4 =	vadd.s32 v1, v4;
	_ =	sdelay $0x1  }
0x48e: {  	v3 =	vadd.s32 v1, v3;
	_ =	sdelay $0x1  }
0x48f: {  	s22 =	simm.s32 $0x10000  }
0x490: {  	[tilespmem:s22], [sflag:$0x3] =	stream.indirect_vreg.gather [hbm4b:s3+s2], $0x80, v4, vm0, $0xb8;
	[tilespmem:$0x1B000] =	vst v63  }
0x491: {  	_ = 	snop  }
0x492: {  	[tilespmem:s23], [sflag:$0x3] =	stream.indirect_vreg.gather [hbm4b:s3+s2], $0x80, v3, vm0, $0xb8;
	[tilespmem:$0x1B000] =	vst v63  }
0x493: {  	v3 =	vld [tilespmem:$0x730];
	_ =	sdelay $0x4  }
0x494: {  	v39 =	vshll.u32 v3, $0x1  }
0x495: {  	v3 =	vand.u32 $0x7, v3;
	v4 =	vand.u32 $0xFFFFFFF0, v39  }
0x496: {  	v3 =	vor.u32 v3, v4  }
0x497: {  	v4 =	vperm.xlane v3, v0;
	_ =	sdelay $0x1  }
0x498: {  	v3 =	vperm.xlane v3, v2;
	v4 =	vadd.s32 v1, v4;
	_ =	sdelay $0x1  }
0x499: {  	v3 =	vadd.s32 v1, v3;
	_ =	sdelay $0x1  }
0x49a: {  	s7 =	simm.s32 $0x11000  }
0x49b: {  	[tilespmem:s7], [sflag:$0x3] =	stream.indirect_vreg.gather [hbm4b:s3+s2], $0x80, v4, vm0, $0xb8;
	[tilespmem:$0x1B000] =	vst v63  }
0x49c: {  	_ = 	snop  }
0x49d: {  	[tilespmem:s24], [sflag:$0x3] =	stream.indirect_vreg.gather [hbm4b:s3+s2], $0x80, v3, vm0, $0xb8;
	[tilespmem:$0x1B000] =	vst v63  }
0x49e: {  	v3 =	vld [tilespmem:$0x740];
	_ =	sdelay $0x4  }
0x49f: {  	v40 =	vshll.u32 v3, $0x1  }
0x4a0: {  	v3 =	vand.u32 $0x7, v3;
	v4 =	vand.u32 $0xFFFFFFF0, v40  }
0x4a1: {  	v3 =	vor.u32 v3, v4  }
0x4a2: {  	v4 =	vperm.xlane v3, v0;
	_ =	sdelay $0x1  }
0x4a3: {  	v3 =	vperm.xlane v3, v2;
	v4 =	vadd.s32 v1, v4;
	_ =	sdelay $0x1  }
0x4a4: {  	v3 =	vadd.s32 v1, v3;
	_ =	sdelay $0x1  }
0x4a5: {  	s15 =	simm.s32 $0x12000  }
0x4a6: {  	[tilespmem:s15], [sflag:$0x3] =	stream.indirect_vreg.gather [hbm4b:s3+s2], $0x80, v4, vm0, $0xb8;
	[tilespmem:$0x1B000] =	vst v63  }
0x4a7: {  	_ = 	snop  }
0x4a8: {  	[tilespmem:s25], [sflag:$0x3] =	stream.indirect_vreg.gather [hbm4b:s3+s2], $0x80, v3, vm0, $0xb8;
	[tilespmem:$0x1B000] =	vst v63  }
0x4a9: {  	v3 =	vld [tilespmem:$0x750];
	_ =	sdelay $0x4  }
0x4aa: {  	v41 =	vshll.u32 v3, $0x1  }
0x4ab: {  	v3 =	vand.u32 $0x7, v3;
	v4 =	vand.u32 $0xFFFFFFF0, v41  }
0x4ac: {  	v3 =	vor.u32 v3, v4  }
0x4ad: {  	v4 =	vperm.xlane v3, v0;
	_ =	sdelay $0x1  }
0x4ae: {  	v3 =	vperm.xlane v3, v2;
	v4 =	vadd.s32 v1, v4;
	_ =	sdelay $0x1  }
0x4af: {  	v3 =	vadd.s32 v1, v3;
	_ =	sdelay $0x1  }
0x4b0: {  	s16 =	simm.s32 $0x13000  }
0x4b1: {  	[tilespmem:s16], [sflag:$0x3] =	stream.indirect_vreg.gather [hbm4b:s3+s2], $0x80, v4, vm0, $0xb8;
	[tilespmem:$0x1B000] =	vst v63  }
0x4b2: {  	_ = 	snop  }
0x4b3: {  	[tilespmem:s29], [sflag:$0x3] =	stream.indirect_vreg.gather [hbm4b:s3+s2], $0x80, v3, vm0, $0xb8;
	[tilespmem:$0x1B000] =	vst v63  }
0x4b4: {  	v3 =	vld.msk [tilespmem:$0x760], $0xff;
	_ =	sdelay $0x4  }
0x4b5: {  	v42 =	vshll.u32 v3, $0x1  }
0x4b6: {  	v3 =	vand.u32 $0x7, v3;
	v4 =	vand.u32 $0xFFFFFFF0, v42  }
0x4b7: {  	v3 =	vor.u32 v3, v4  }
0x4b8: {  	v3 =	vperm.xlane v3, v0;
	_ =	sdelay $0x1  }
0x4b9: {  	v3 =	vadd.s32 v1, v3;
	_ =	sdelay $0x4  }
0x4ba: {  	[tilespmem:s31], [sflag:$0x3] =	stream.indirect_vreg.gather [hbm4b:s3+s2], $0x80, v3, vm0, $0xb8;
	[tilespmem:$0x1B000] =	vst v63  }
0x4bb: {  	_ =	swait.ge [sflag:s20], $0x6800  }
0x4bc: {  	[sflag:s20] =	ssyncset.done $0x0  }
0x4bd: {  	s29 =	simm.s32 $0x1000;
	s21 =	rddreg [dreg:$0x10];
	[sflag:s20] =	ssyncadd.s32 $0xFFFF9800  }
0x4be: {  	[hbm4b:s21+s2] =	stream.linear.scatter [tilespmem:s29], [sflag:$0x5], $0x6800, $0x38;
	[tilespmem:$0x1B000] =	vst v63  }
0x4bf: {  	_ =	swait.ge [sflag:s1], $0x6800  }
0x4c0: {  	[sflag:s1] =	ssyncset.done $0x0  }
0x4c1: {  	[sflag:s1] =	ssyncadd.s32 $0xFFFF9800  }
0x4c2: {  	v3 =	vld [tilespmem:$0x780];
	_ =	sdelay $0x4  }
0x4c3: {  	v43 =	vshll.u32 v3, $0x1  }
0x4c4: {  	v3 =	vand.u32 $0x7, v3;
	v4 =	vand.u32 $0xFFFFFFF0, v43  }
0x4c5: {  	v3 =	vor.u32 v3, v4  }
0x4c6: {  	v4 =	vperm.xlane v3, v0;
	_ =	sdelay $0x1  }
0x4c7: {  	v3 =	vperm.xlane v3, v2;
	v4 =	vadd.s32 v1, v4;
	_ =	sdelay $0x1  }
0x4c8: {  	v3 =	vadd.s32 v1, v3;
	_ =	sdelay $0x2  }
0x4c9: {  	[tilespmem:s0], [sflag:$0x4] =	stream.indirect_vreg.gather [hbm4b:s3+s2], $0x80, v4, vm0, $0xb8;
	[tilespmem:$0x1B000] =	vst v63  }
0x4ca: {  	_ = 	snop  }
0x4cb: {  	[tilespmem:s10], [sflag:$0x4] =	stream.indirect_vreg.gather [hbm4b:s3+s2], $0x80, v3, vm0, $0xb8;
	[tilespmem:$0x1B000] =	vst v63  }
0x4cc: {  	v3 =	vld [tilespmem:$0x790];
	_ =	sdelay $0x4  }
0x4cd: {  	v44 =	vshll.u32 v3, $0x1  }
0x4ce: {  	v3 =	vand.u32 $0x7, v3;
	v4 =	vand.u32 $0xFFFFFFF0, v44  }
0x4cf: {  	v3 =	vor.u32 v3, v4  }
0x4d0: {  	v4 =	vperm.xlane v3, v0;
	_ =	sdelay $0x1  }
0x4d1: {  	v3 =	vperm.xlane v3, v2;
	v4 =	vadd.s32 v1, v4;
	_ =	sdelay $0x1  }
0x4d2: {  	v3 =	vadd.s32 v1, v3;
	_ =	sdelay $0x1  }
0x4d3: {  	s31 =	simm.s32 $0x15800  }
0x4d4: {  	[tilespmem:s31], [sflag:$0x4] =	stream.indirect_vreg.gather [hbm4b:s3+s2], $0x80, v4, vm0, $0xb8;
	[tilespmem:$0x1B000] =	vst v63  }
0x4d5: {  	_ = 	snop  }
0x4d6: {  	[tilespmem:s17], [sflag:$0x4] =	stream.indirect_vreg.gather [hbm4b:s3+s2], $0x80, v3, vm0, $0xb8;
	[tilespmem:$0x1B000] =	vst v63  }
0x4d7: {  	v3 =	vld [tilespmem:$0x7A0];
	_ =	sdelay $0x4  }
0x4d8: {  	v45 =	vshll.u32 v3, $0x1  }
0x4d9: {  	v3 =	vand.u32 $0x7, v3;
	v4 =	vand.u32 $0xFFFFFFF0, v45  }
0x4da: {  	v3 =	vor.u32 v3, v4  }
0x4db: {  	v4 =	vperm.xlane v3, v0;
	_ =	sdelay $0x1  }
0x4dc: {  	v3 =	vperm.xlane v3, v2;
	v4 =	vadd.s32 v1, v4;
	_ =	sdelay $0x1  }
0x4dd: {  	v3 =	vadd.s32 v1, v3;
	_ =	sdelay $0x1  }
0x4de: {  	s22 =	simm.s32 $0x16800  }
0x4df: {  	[tilespmem:s22], [sflag:$0x4] =	stream.indirect_vreg.gather [hbm4b:s3+s2], $0x80, v4, vm0, $0xb8;
	[tilespmem:$0x1B000] =	vst v63  }
0x4e0: {  	s23 =	simm.s32 $0x17000  }
0x4e1: {  	[tilespmem:s23], [sflag:$0x4] =	stream.indirect_vreg.gather [hbm4b:s3+s2], $0x80, v3, vm0, $0xb8;
	[tilespmem:$0x1B000] =	vst v63  }
0x4e2: {  	v3 =	vld [tilespmem:$0x7B0];
	_ =	sdelay $0x4  }
0x4e3: {  	v46 =	vshll.u32 v3, $0x1  }
0x4e4: {  	v3 =	vand.u32 $0x7, v3;
	v4 =	vand.u32 $0xFFFFFFF0, v46  }
0x4e5: {  	v3 =	vor.u32 v3, v4  }
0x4e6: {  	v4 =	vperm.xlane v3, v0;
	_ =	sdelay $0x1  }
0x4e7: {  	v3 =	vperm.xlane v3, v2;
	v4 =	vadd.s32 v1, v4;
	_ =	sdelay $0x1  }
0x4e8: {  	v3 =	vadd.s32 v1, v3;
	_ =	sdelay $0x1  }
0x4e9: {  	s16 =	simm.s32 $0x17800  }
0x4ea: {  	[tilespmem:s16], [sflag:$0x4] =	stream.indirect_vreg.gather [hbm4b:s3+s2], $0x80, v4, vm0, $0xb8;
	[tilespmem:$0x1B000] =	vst v63  }
0x4eb: {  	s24 =	simm.s32 $0x18000  }
0x4ec: {  	[tilespmem:s24], [sflag:$0x4] =	stream.indirect_vreg.gather [hbm4b:s3+s2], $0x80, v3, vm0, $0xb8;
	[tilespmem:$0x1B000] =	vst v63  }
0x4ed: {  	v3 =	vld [tilespmem:$0x7C0];
	_ =	sdelay $0x4  }
0x4ee: {  	v47 =	vshll.u32 v3, $0x1  }
0x4ef: {  	v3 =	vand.u32 $0x7, v3;
	v4 =	vand.u32 $0xFFFFFFF0, v47  }
0x4f0: {  	v3 =	vor.u32 v3, v4  }
0x4f1: {  	v4 =	vperm.xlane v3, v0;
	_ =	sdelay $0x1  }
0x4f2: {  	v3 =	vperm.xlane v3, v2;
	v4 =	vadd.s32 v1, v4;
	_ =	sdelay $0x1  }
0x4f3: {  	v3 =	vadd.s32 v1, v3;
	_ =	sdelay $0x1  }
0x4f4: {  	s17 =	simm.s32 $0x18800  }
0x4f5: {  	[tilespmem:s17], [sflag:$0x4] =	stream.indirect_vreg.gather [hbm4b:s3+s2], $0x80, v4, vm0, $0xb8;
	[tilespmem:$0x1B000] =	vst v63  }
0x4f6: {  	s25 =	simm.s32 $0x19000  }
0x4f7: {  	[tilespmem:s25], [sflag:$0x4] =	stream.indirect_vreg.gather [hbm4b:s3+s2], $0x80, v3, vm0, $0xb8;
	[tilespmem:$0x1B000] =	vst v63  }
0x4f8: {  	v3 =	vld [tilespmem:$0x7D0];
	_ =	sdelay $0x4  }
0x4f9: {  	v48 =	vshll.u32 v3, $0x1  }
0x4fa: {  	v3 =	vand.u32 $0x7, v3;
	v4 =	vand.u32 $0xFFFFFFF0, v48  }
0x4fb: {  	v3 =	vor.u32 v3, v4  }
0x4fc: {  	v4 =	vperm.xlane v3, v0;
	_ =	sdelay $0x1  }
0x4fd: {  	v3 =	vperm.xlane v3, v2;
	v4 =	vadd.s32 v1, v4;
	_ =	sdelay $0x1  }
0x4fe: {  	v3 =	vadd.s32 v1, v3;
	_ =	sdelay $0x1  }
0x4ff: {  	s21 =	simm.s32 $0x19800  }
0x500: {  	[tilespmem:s21], [sflag:$0x4] =	stream.indirect_vreg.gather [hbm4b:s3+s2], $0x80, v4, vm0, $0xb8;
	[tilespmem:$0x1B000] =	vst v63  }
0x501: {  	s4 =	simm.s32 $0x1A000  }
0x502: {  	[tilespmem:s4], [sflag:$0x4] =	stream.indirect_vreg.gather [hbm4b:s3+s2], $0x80, v3, vm0, $0xb8;
	[tilespmem:$0x1B000] =	vst v63  }
0x503: {  	v3 =	vld.msk [tilespmem:$0x7E0], $0xff;
	_ =	sdelay $0x4  }
0x504: {  	v49 =	vshll.u32 v3, $0x1  }
0x505: {  	v3 =	vand.u32 $0x7, v3;
	v4 =	vand.u32 $0xFFFFFFF0, v49  }
0x506: {  	v3 =	vor.u32 v3, v4  }
0x507: {  	v3 =	vperm.xlane v3, v0;
	_ =	sdelay $0x1  }
0x508: {  	v3 =	vadd.s32 v1, v3;
	_ =	sdelay $0x3  }
0x509: {  	s7 =	simm.s32 $0x1A800  }
0x50a: {  	[tilespmem:s7], [sflag:$0x4] =	stream.indirect_vreg.gather [hbm4b:s3+s2], $0x80, v3, vm0, $0xb8;
	[tilespmem:$0x1B000] =	vst v63  }
0x50b: {  	_ =	swait.ge [sflag:s8], $0x6800  }
0x50c: {  	[sflag:s8] =	ssyncset.done $0x0  }
0x50d: {  	s0 =	simm.s32 $0x7800;
	s10 =	rddreg [dreg:$0x11];
	[sflag:s8] =	ssyncadd.s32 $0xFFFF9800  }
0x50e: {  	[hbm4b:s10+s2] =	stream.linear.scatter [tilespmem:s0], [sflag:$0x6], $0x6800, $0x38;
	[tilespmem:$0x1B000] =	vst v63  }
0x50f: {  	_ =	swait.ge [sflag:s9], $0x6800  }
0x510: {  	[sflag:s9] =	ssyncset.done $0x0  }
0x511: {  	[sflag:s9] =	ssyncadd.s32 $0xFFFF9800  }
0x512: {  	v3 =	vld [tilespmem:$0x800];
	_ =	sdelay $0x4  }
0x513: {  	v50 =	vshll.u32 v3, $0x1  }
0x514: {  	v3 =	vand.u32 $0x7, v3;
	v4 =	vand.u32 $0xFFFFFFF0, v50  }
0x515: {  	v3 =	vor.u32 v3, v4  }
0x516: {  	v4 =	vperm.xlane v3, v0;
	_ =	sdelay $0x1  }
0x517: {  	v3 =	vperm.xlane v3, v2;
	v4 =	vadd.s32 v1, v4;
	_ =	sdelay $0x1  }
0x518: {  	v3 =	vadd.s32 v1, v3;
	_ =	sdelay $0x2  }
0x519: {  	[tilespmem:s29], [sflag:$0x1] =	stream.indirect_vreg.gather [hbm4b:s3+s2], $0x80, v4, vm0, $0xb8;
	[tilespmem:$0x1B000] =	vst v63  }
0x51a: {  	s7 =	simm.s32 $0x1800  }
0x51b: {  	[tilespmem:s7], [sflag:$0x1] =	stream.indirect_vreg.gather [hbm4b:s3+s2], $0x80, v3, vm0, $0xb8;
	[tilespmem:$0x1B000] =	vst v63  }
0x51c: {  	v3 =	vld [tilespmem:$0x810];
	_ =	sdelay $0x4  }
0x51d: {  	v51 =	vshll.u32 v3, $0x1  }
0x51e: {  	v3 =	vand.u32 $0x7, v3;
	v4 =	vand.u32 $0xFFFFFFF0, v51  }
0x51f: {  	v3 =	vor.u32 v3, v4  }
0x520: {  	v4 =	vperm.xlane v3, v0;
	_ =	sdelay $0x1  }
0x521: {  	v3 =	vperm.xlane v3, v2;
	v4 =	vadd.s32 v1, v4;
	_ =	sdelay $0x1  }
0x522: {  	v3 =	vadd.s32 v1, v3;
	_ =	sdelay $0x1  }
0x523: {  	s22 =	simm.s32 $0x2000  }
0x524: {  	[tilespmem:s22], [sflag:$0x1] =	stream.indirect_vreg.gather [hbm4b:s3+s2], $0x80, v4, vm0, $0xb8;
	[tilespmem:$0x1B000] =	vst v63  }
0x525: {  	s24 =	simm.s32 $0x2800  }
0x526: {  	[tilespmem:s24], [sflag:$0x1] =	stream.indirect_vreg.gather [hbm4b:s3+s2], $0x80, v3, vm0, $0xb8;
	[tilespmem:$0x1B000] =	vst v63  }
0x527: {  	v3 =	vld [tilespmem:$0x820];
	_ =	sdelay $0x4  }
0x528: {  	v52 =	vshll.u32 v3, $0x1  }
0x529: {  	v3 =	vand.u32 $0x7, v3;
	v4 =	vand.u32 $0xFFFFFFF0, v52  }
0x52a: {  	v3 =	vor.u32 v3, v4  }
0x52b: {  	v4 =	vperm.xlane v3, v0;
	_ =	sdelay $0x1  }
0x52c: {  	v3 =	vperm.xlane v3, v2;
	v4 =	vadd.s32 v1, v4;
	_ =	sdelay $0x1  }
0x52d: {  	v3 =	vadd.s32 v1, v3;
	_ =	sdelay $0x1  }
0x52e: {  	s23 =	simm.s32 $0x3000  }
0x52f: {  	[tilespmem:s23], [sflag:$0x1] =	stream.indirect_vreg.gather [hbm4b:s3+s2], $0x80, v4, vm0, $0xb8;
	[tilespmem:$0x1B000] =	vst v63  }
0x530: {  	s25 =	simm.s32 $0x3800  }
0x531: {  	[tilespmem:s25], [sflag:$0x1] =	stream.indirect_vreg.gather [hbm4b:s3+s2], $0x80, v3, vm0, $0xb8;
	[tilespmem:$0x1B000] =	vst v63  }
0x532: {  	v3 =	vld [tilespmem:$0x830];
	_ =	sdelay $0x4  }
0x533: {  	v53 =	vshll.u32 v3, $0x1  }
0x534: {  	v3 =	vand.u32 $0x7, v3;
	v4 =	vand.u32 $0xFFFFFFF0, v53  }
0x535: {  	v3 =	vor.u32 v3, v4  }
0x536: {  	v4 =	vperm.xlane v3, v0;
	_ =	sdelay $0x1  }
0x537: {  	v3 =	vperm.xlane v3, v2;
	v4 =	vadd.s32 v1, v4;
	_ =	sdelay $0x1  }
0x538: {  	v3 =	vadd.s32 v1, v3;
	_ =	sdelay $0x2  }
0x539: {  	[tilespmem:s18], [sflag:$0x1] =	stream.indirect_vreg.gather [hbm4b:s3+s2], $0x80, v4, vm0, $0xb8;
	[tilespmem:$0x1B000] =	vst v63  }
0x53a: {  	s18 =	simm.s32 $0x4800  }
0x53b: {  	[tilespmem:s18], [sflag:$0x1] =	stream.indirect_vreg.gather [hbm4b:s3+s2], $0x80, v3, vm0, $0xb8;
	[tilespmem:$0x1B000] =	vst v63  }
0x53c: {  	v3 =	vld [tilespmem:$0x840];
	_ =	sdelay $0x4  }
0x53d: {  	v54 =	vshll.u32 v3, $0x1  }
0x53e: {  	v3 =	vand.u32 $0x7, v3;
	v4 =	vand.u32 $0xFFFFFFF0, v54  }
0x53f: {  	v3 =	vor.u32 v3, v4  }
0x540: {  	v4 =	vperm.xlane v3, v0;
	_ =	sdelay $0x1  }
0x541: {  	v3 =	vperm.xlane v3, v2;
	v4 =	vadd.s32 v1, v4;
	_ =	sdelay $0x1  }
0x542: {  	v3 =	vadd.s32 v1, v3;
	_ =	sdelay $0x2  }
0x543: {  	[tilespmem:s30], [sflag:$0x1] =	stream.indirect_vreg.gather [hbm4b:s3+s2], $0x80, v4, vm0, $0xb8;
	[tilespmem:$0x1B000] =	vst v63  }
0x544: {  	s29 =	simm.s32 $0x5800  }
0x545: {  	[tilespmem:s29], [sflag:$0x1] =	stream.indirect_vreg.gather [hbm4b:s3+s2], $0x80, v3, vm0, $0xb8;
	[tilespmem:$0x1B000] =	vst v63  }
0x546: {  	v3 =	vld [tilespmem:$0x850];
	_ =	sdelay $0x4  }
0x547: {  	v55 =	vshll.u32 v3, $0x1  }
0x548: {  	v3 =	vand.u32 $0x7, v3;
	v4 =	vand.u32 $0xFFFFFFF0, v55  }
0x549: {  	v3 =	vor.u32 v3, v4  }
0x54a: {  	v4 =	vperm.xlane v3, v0;
	_ =	sdelay $0x1  }
0x54b: {  	v3 =	vperm.xlane v3, v2;
	v4 =	vadd.s32 v1, v4;
	_ =	sdelay $0x1  }
0x54c: {  	v3 =	vadd.s32 v1, v3;
	_ =	sdelay $0x1  }
0x54d: {  	s30 =	simm.s32 $0x6000  }
0x54e: {  	[tilespmem:s30], [sflag:$0x1] =	stream.indirect_vreg.gather [hbm4b:s3+s2], $0x80, v4, vm0, $0xb8;
	[tilespmem:$0x1B000] =	vst v63  }
0x54f: {  	s10 =	simm.s32 $0x6800  }
0x550: {  	[tilespmem:s10], [sflag:$0x1] =	stream.indirect_vreg.gather [hbm4b:s3+s2], $0x80, v3, vm0, $0xb8;
	[tilespmem:$0x1B000] =	vst v63  }
0x551: {  	v3 =	vld.msk [tilespmem:$0x860], $0xff;
	_ =	sdelay $0x4  }
0x552: {  	v56 =	vshll.u32 v3, $0x1  }
0x553: {  	v3 =	vand.u32 $0x7, v3;
	v4 =	vand.u32 $0xFFFFFFF0, v56  }
0x554: {  	v3 =	vor.u32 v3, v4  }
0x555: {  	v3 =	vperm.xlane v3, v0;
	_ =	sdelay $0x1  }
0x556: {  	v3 =	vadd.s32 v1, v3;
	_ =	sdelay $0x3  }
0x557: {  	s15 =	simm.s32 $0x7000  }
0x558: {  	[tilespmem:s15], [sflag:$0x1] =	stream.indirect_vreg.gather [hbm4b:s3+s2], $0x80, v3, vm0, $0xb8;
	[tilespmem:$0x1B000] =	vst v63  }
0x559: {  	_ =	swait.ge [sflag:s12], $0x6800  }
0x55a: {  	[sflag:s12] =	ssyncset.done $0x0  }
0x55b: {  	s29 =	simm.s32 $0xE000;
	s18 =	rddreg [dreg:$0x12];
	[sflag:s12] =	ssyncadd.s32 $0xFFFF9800  }
0x55c: {  	[hbm4b:s18+s2] =	stream.linear.scatter [tilespmem:s29], [sflag:$0x7], $0x6800, $0x38;
	[tilespmem:$0x1B000] =	vst v63  }
0x55d: {  	_ =	swait.ge [sflag:s11], $0x6800  }
0x55e: {  	[sflag:s11] =	ssyncset.done $0x0  }
0x55f: {  	[sflag:s11] =	ssyncadd.s32 $0xFFFF9800  }
0x560: {  	v3 =	vld [tilespmem:$0x880];
	_ =	sdelay $0x4  }
0x561: {  	v57 =	vshll.u32 v3, $0x1  }
0x562: {  	v3 =	vand.u32 $0x7, v3;
	v4 =	vand.u32 $0xFFFFFFF0, v57  }
0x563: {  	v3 =	vor.u32 v3, v4  }
0x564: {  	v4 =	vperm.xlane v3, v0;
	_ =	sdelay $0x1  }
0x565: {  	v3 =	vperm.xlane v3, v2;
	v4 =	vadd.s32 v1, v4;
	_ =	sdelay $0x1  }
0x566: {  	v3 =	vadd.s32 v1, v3;
	_ =	sdelay $0x2  }
0x567: {  	[tilespmem:s0], [sflag:$0x2] =	stream.indirect_vreg.gather [hbm4b:s3+s2], $0x80, v4, vm0, $0xb8;
	[tilespmem:$0x1B000] =	vst v63  }
0x568: {  	s10 =	simm.s32 $0x8000  }
0x569: {  	[tilespmem:s10], [sflag:$0x2] =	stream.indirect_vreg.gather [hbm4b:s3+s2], $0x80, v3, vm0, $0xb8;
	[tilespmem:$0x1B000] =	vst v63  }
0x56a: {  	v3 =	vld [tilespmem:$0x890];
	_ =	sdelay $0x4  }
0x56b: {  	v58 =	vshll.u32 v3, $0x1  }
0x56c: {  	v3 =	vand.u32 $0x7, v3;
	v4 =	vand.u32 $0xFFFFFFF0, v58  }
0x56d: {  	v3 =	vor.u32 v3, v4  }
0x56e: {  	v4 =	vperm.xlane v3, v0;
	_ =	sdelay $0x1  }
0x56f: {  	v3 =	vperm.xlane v3, v2;
	v4 =	vadd.s32 v1, v4;
	_ =	sdelay $0x1  }
0x570: {  	v3 =	vadd.s32 v1, v3;
	_ =	sdelay $0x1  }
0x571: {  	s15 =	simm.s32 $0x8800  }
0x572: {  	[tilespmem:s15], [sflag:$0x2] =	stream.indirect_vreg.gather [hbm4b:s3+s2], $0x80, v4, vm0, $0xb8;
	[tilespmem:$0x1B000] =	vst v63  }
0x573: {  	s4 =	simm.s32 $0x9000  }
0x574: {  	[tilespmem:s4], [sflag:$0x2] =	stream.indirect_vreg.gather [hbm4b:s3+s2], $0x80, v3, vm0, $0xb8;
	[tilespmem:$0x1B000] =	vst v63  }
0x575: {  	v3 =	vld [tilespmem:$0x8A0];
	_ =	sdelay $0x4  }
0x576: {  	v59 =	vshll.u32 v3, $0x1  }
0x577: {  	v3 =	vand.u32 $0x7, v3;
	v4 =	vand.u32 $0xFFFFFFF0, v59  }
0x578: {  	v3 =	vor.u32 v3, v4  }
0x579: {  	v4 =	vperm.xlane v3, v0;
	_ =	sdelay $0x1  }
0x57a: {  	v3 =	vperm.xlane v3, v2;
	v4 =	vadd.s32 v1, v4;
	_ =	sdelay $0x1  }
0x57b: {  	v3 =	vadd.s32 v1, v3;
	_ =	sdelay $0x2  }
0x57c: {  	[tilespmem:s5], [sflag:$0x2] =	stream.indirect_vreg.gather [hbm4b:s3+s2], $0x80, v4, vm0, $0xb8;
	[tilespmem:$0x1B000] =	vst v63  }
0x57d: {  	s5 =	simm.s32 $0xA000  }
0x57e: {  	[tilespmem:s5], [sflag:$0x2] =	stream.indirect_vreg.gather [hbm4b:s3+s2], $0x80, v3, vm0, $0xb8;
	[tilespmem:$0x1B000] =	vst v63  }
0x57f: {  	v3 =	vld [tilespmem:$0x8B0];
	_ =	sdelay $0x4  }
0x580: {  	v60 =	vshll.u32 v3, $0x1  }
0x581: {  	v3 =	vand.u32 $0x7, v3;
	v4 =	vand.u32 $0xFFFFFFF0, v60  }
0x582: {  	v3 =	vor.u32 v3, v4  }
0x583: {  	v4 =	vperm.xlane v3, v0;
	_ =	sdelay $0x1  }
0x584: {  	v3 =	vperm.xlane v3, v2;
	v4 =	vadd.s32 v1, v4;
	_ =	sdelay $0x1  }
0x585: {  	v3 =	vadd.s32 v1, v3;
	_ =	sdelay $0x2  }
0x586: {  	[tilespmem:s6], [sflag:$0x2] =	stream.indirect_vreg.gather [hbm4b:s3+s2], $0x80, v4, vm0, $0xb8;
	[tilespmem:$0x1B000] =	vst v63  }
0x587: {  	s6 =	simm.s32 $0xB000  }
0x588: {  	[tilespmem:s6], [sflag:$0x2] =	stream.indirect_vreg.gather [hbm4b:s3+s2], $0x80, v3, vm0, $0xb8;
	[tilespmem:$0x1B000] =	vst v63  }
0x589: {  	v3 =	vld [tilespmem:$0x8C0];
	_ =	sdelay $0x4  }
0x58a: {  	v61 =	vshll.u32 v3, $0x1  }
0x58b: {  	v3 =	vand.u32 $0x7, v3;
	v4 =	vand.u32 $0xFFFFFFF0, v61  }
0x58c: {  	v3 =	vor.u32 v3, v4  }
0x58d: {  	v4 =	vperm.xlane v3, v0;
	_ =	sdelay $0x1  }
0x58e: {  	v3 =	vperm.xlane v3, v2;
	v4 =	vadd.s32 v1, v4;
	_ =	sdelay $0x1  }
0x58f: {  	v3 =	vadd.s32 v1, v3;
	_ =	sdelay $0x2  }
0x590: {  	[tilespmem:s28], [sflag:$0x2] =	stream.indirect_vreg.gather [hbm4b:s3+s2], $0x80, v4, vm0, $0xb8;
	[tilespmem:$0x1B000] =	vst v63  }
0x591: {  	_ = 	snop  }
0x592: {  	[tilespmem:s26], [sflag:$0x2] =	stream.indirect_vreg.gather [hbm4b:s3+s2], $0x80, v3, vm0, $0xb8;
	[tilespmem:$0x1B000] =	vst v63  }
0x593: {  	v3 =	vld [tilespmem:$0x8D0];
	_ =	sdelay $0x4  }
0x594: {  	v62 =	vshll.u32 v3, $0x1  }
0x595: {  	v3 =	vand.u32 $0x7, v3;
	v4 =	vand.u32 $0xFFFFFFF0, v62  }
0x596: {  	v3 =	vor.u32 v3, v4  }
0x597: {  	v4 =	vperm.xlane v3, v0;
	_ =	sdelay $0x1  }
0x598: {  	v3 =	vperm.xlane v3, v2;
	v4 =	vadd.s32 v1, v4;
	_ =	sdelay $0x1  }
0x599: {  	v3 =	vadd.s32 v1, v3;
	_ =	sdelay $0x1  }
0x59a: {  	s18 =	simm.s32 $0xC800  }
0x59b: {  	[tilespmem:s18], [sflag:$0x2] =	stream.indirect_vreg.gather [hbm4b:s3+s2], $0x80, v4, vm0, $0xb8;
	[tilespmem:$0x1B000] =	vst v63  }
0x59c: {  	_ = 	snop  }
0x59d: {  	[tilespmem:s19], [sflag:$0x2] =	stream.indirect_vreg.gather [hbm4b:s3+s2], $0x80, v3, vm0, $0xb8;
	[tilespmem:$0x1B000] =	vst v63  }
0x59e: {  	v3 =	vld.msk [tilespmem:$0x8E0], $0xff;
	_ =	sdelay $0x4  }
0x59f: {  	v63 =	vshll.u32 v3, $0x1  }
0x5a0: {  	v3 =	vand.u32 $0x7, v3;
	v4 =	vand.u32 $0xFFFFFFF0, v63  }
0x5a1: {  	v3 =	vor.u32 v3, v4  }
0x5a2: {  	v3 =	vperm.xlane v3, v0;
	_ =	sdelay $0x1  }
0x5a3: {  	v3 =	vadd.s32 v1, v3;
	_ =	sdelay $0x3  }
0x5a4: {  	s19 =	simm.s32 $0xD800  }
0x5a5: {  	[tilespmem:s19], [sflag:$0x2] =	stream.indirect_vreg.gather [hbm4b:s3+s2], $0x80, v3, vm0, $0xb8;
	[tilespmem:$0x1B000] =	vst v63  }
0x5a6: {  	_ =	swait.ge [sflag:s13], $0x6800  }
0x5a7: {  	[sflag:s13] =	ssyncset.done $0x0  }
0x5a8: {  	s28 =	simm.s32 $0x14800;
	s26 =	rddreg [dreg:$0x13];
	[sflag:s13] =	ssyncadd.s32 $0xFFFF9800  }
0x5a9: {  	[hbm4b:s26+s2] =	stream.linear.scatter [tilespmem:s28], [sflag:$0x8], $0x6800, $0x38;
	[tilespmem:$0x1B000] =	vst v63  }
0x5aa: {  	_ =	swait.ge [sflag:s14], $0x6800  }
0x5ab: {  	[sflag:s14] =	ssyncset.done $0x0  }
0x5ac: {  	[sflag:s14] =	ssyncadd.s32 $0xFFFF9800  }
0x5ad: {  	v3 =	vld [tilespmem:$0x900];
	_ =	sdelay $0x4  }
0x5ae: {  	v8 =	vshll.u32 v3, $0x1  }
0x5af: {  	v3 =	vand.u32 $0x7, v3;
	v4 =	vand.u32 $0xFFFFFFF0, v8  }
0x5b0: {  	v3 =	vor.u32 v3, v4  }
0x5b1: {  	v4 =	vperm.xlane v3, v0;
	_ =	sdelay $0x1  }
0x5b2: {  	v3 =	vperm.xlane v3, v2;
	v4 =	vadd.s32 v1, v4;
	_ =	sdelay $0x1  }
0x5b3: {  	v3 =	vadd.s32 v1, v3;
	_ =	sdelay $0x2  }
0x5b4: {  	[tilespmem:s29], [sflag:$0x3] =	stream.indirect_vreg.gather [hbm4b:s3+s2], $0x80, v4, vm0, $0xb8;
	[tilespmem:$0x1B000] =	vst v63  }
0x5b5: {  	s29 =	simm.s32 $0xE800  }
0x5b6: {  	[tilespmem:s29], [sflag:$0x3] =	stream.indirect_vreg.gather [hbm4b:s3+s2], $0x80, v3, vm0, $0xb8;
	[tilespmem:$0x1B000] =	vst v63  }
0x5b7: {  	v3 =	vld [tilespmem:$0x910];
	_ =	sdelay $0x4  }
0x5b8: {  	v9 =	vshll.u32 v3, $0x1  }
0x5b9: {  	v3 =	vand.u32 $0x7, v3;
	v4 =	vand.u32 $0xFFFFFFF0, v9  }
0x5ba: {  	v3 =	vor.u32 v3, v4  }
0x5bb: {  	v4 =	vperm.xlane v3, v0;
	_ =	sdelay $0x1  }
0x5bc: {  	v3 =	vperm.xlane v3, v2;
	v4 =	vadd.s32 v1, v4;
	_ =	sdelay $0x1  }
0x5bd: {  	v3 =	vadd.s32 v1, v3;
	_ =	sdelay $0x1  }
0x5be: {  	s30 =	simm.s32 $0xF000  }
0x5bf: {  	[tilespmem:s30], [sflag:$0x3] =	stream.indirect_vreg.gather [hbm4b:s3+s2], $0x80, v4, vm0, $0xb8;
	[tilespmem:$0x1B000] =	vst v63  }
0x5c0: {  	s15 =	simm.s32 $0xF800  }
0x5c1: {  	[tilespmem:s15], [sflag:$0x3] =	stream.indirect_vreg.gather [hbm4b:s3+s2], $0x80, v3, vm0, $0xb8;
	[tilespmem:$0x1B000] =	vst v63  }
0x5c2: {  	v3 =	vld [tilespmem:$0x920];
	_ =	sdelay $0x4  }
0x5c3: {  	v10 =	vshll.u32 v3, $0x1  }
0x5c4: {  	v3 =	vand.u32 $0x7, v3;
	v4 =	vand.u32 $0xFFFFFFF0, v10  }
0x5c5: {  	v3 =	vor.u32 v3, v4  }
0x5c6: {  	v4 =	vperm.xlane v3, v0;
	_ =	sdelay $0x1  }
0x5c7: {  	v3 =	vperm.xlane v3, v2;
	v4 =	vadd.s32 v1, v4;
	_ =	sdelay $0x1  }
0x5c8: {  	v3 =	vadd.s32 v1, v3;
	_ =	sdelay $0x1  }
0x5c9: {  	s18 =	simm.s32 $0x10000  }
0x5ca: {  	[tilespmem:s18], [sflag:$0x3] =	stream.indirect_vreg.gather [hbm4b:s3+s2], $0x80, v4, vm0, $0xb8;
	[tilespmem:$0x1B000] =	vst v63  }
0x5cb: {  	s26 =	simm.s32 $0x10800  }
0x5cc: {  	[tilespmem:s26], [sflag:$0x3] =	stream.indirect_vreg.gather [hbm4b:s3+s2], $0x80, v3, vm0, $0xb8;
	[tilespmem:$0x1B000] =	vst v63  }
0x5cd: {  	v3 =	vld [tilespmem:$0x930];
	_ =	sdelay $0x4  }
0x5ce: {  	v11 =	vshll.u32 v3, $0x1  }
0x5cf: {  	v3 =	vand.u32 $0x7, v3;
	v4 =	vand.u32 $0xFFFFFFF0, v11  }
0x5d0: {  	v3 =	vor.u32 v3, v4  }
0x5d1: {  	v4 =	vperm.xlane v3, v0;
	_ =	sdelay $0x1  }
0x5d2: {  	v3 =	vperm.xlane v3, v2;
	v4 =	vadd.s32 v1, v4;
	_ =	sdelay $0x1  }
0x5d3: {  	v3 =	vadd.s32 v1, v3;
	_ =	sdelay $0x1  }
0x5d4: {  	s30 =	simm.s32 $0x11000  }
0x5d5: {  	[tilespmem:s30], [sflag:$0x3] =	stream.indirect_vreg.gather [hbm4b:s3+s2], $0x80, v4, vm0, $0xb8;
	[tilespmem:$0x1B000] =	vst v63  }
0x5d6: {  	s29 =	simm.s32 $0x11800  }
0x5d7: {  	[tilespmem:s29], [sflag:$0x3] =	stream.indirect_vreg.gather [hbm4b:s3+s2], $0x80, v3, vm0, $0xb8;
	[tilespmem:$0x1B000] =	vst v63  }
0x5d8: {  	v3 =	vld [tilespmem:$0x940];
	_ =	sdelay $0x4  }
0x5d9: {  	v12 =	vshll.u32 v3, $0x1  }
0x5da: {  	v3 =	vand.u32 $0x7, v3;
	v4 =	vand.u32 $0xFFFFFFF0, v12  }
0x5db: {  	v3 =	vor.u32 v3, v4  }
0x5dc: {  	v4 =	vperm.xlane v3, v0;
	_ =	sdelay $0x1  }
0x5dd: {  	v3 =	vperm.xlane v3, v2;
	v4 =	vadd.s32 v1, v4;
	_ =	sdelay $0x1  }
0x5de: {  	v3 =	vadd.s32 v1, v3;
	_ =	sdelay $0x1  }
0x5df: {  	s26 =	simm.s32 $0x12000  }
0x5e0: {  	[tilespmem:s26], [sflag:$0x3] =	stream.indirect_vreg.gather [hbm4b:s3+s2], $0x80, v4, vm0, $0xb8;
	[tilespmem:$0x1B000] =	vst v63  }
0x5e1: {  	s15 =	simm.s32 $0x12800  }
0x5e2: {  	[tilespmem:s15], [sflag:$0x3] =	stream.indirect_vreg.gather [hbm4b:s3+s2], $0x80, v3, vm0, $0xb8;
	[tilespmem:$0x1B000] =	vst v63  }
0x5e3: {  	v3 =	vld [tilespmem:$0x950];
	_ =	sdelay $0x4  }
0x5e4: {  	v13 =	vshll.u32 v3, $0x1  }
0x5e5: {  	v3 =	vand.u32 $0x7, v3;
	v4 =	vand.u32 $0xFFFFFFF0, v13  }
0x5e6: {  	v3 =	vor.u32 v3, v4  }
0x5e7: {  	v4 =	vperm.xlane v3, v0;
	_ =	sdelay $0x1  }
0x5e8: {  	v3 =	vperm.xlane v3, v2;
	v4 =	vadd.s32 v1, v4;
	_ =	sdelay $0x1  }
0x5e9: {  	v3 =	vadd.s32 v1, v3;
	_ =	sdelay $0x1  }
0x5ea: {  	s29 =	simm.s32 $0x13000  }
0x5eb: {  	[tilespmem:s29], [sflag:$0x3] =	stream.indirect_vreg.gather [hbm4b:s3+s2], $0x80, v4, vm0, $0xb8;
	[tilespmem:$0x1B000] =	vst v63  }
0x5ec: {  	s18 =	simm.s32 $0x13800  }
0x5ed: {  	[tilespmem:s18], [sflag:$0x3] =	stream.indirect_vreg.gather [hbm4b:s3+s2], $0x80, v3, vm0, $0xb8;
	[tilespmem:$0x1B000] =	vst v63  }
0x5ee: {  	v3 =	vld.msk [tilespmem:$0x960], $0xff;
	_ =	sdelay $0x4  }
0x5ef: {  	v14 =	vshll.u32 v3, $0x1  }
0x5f0: {  	v3 =	vand.u32 $0x7, v3;
	v4 =	vand.u32 $0xFFFFFFF0, v14  }
0x5f1: {  	v3 =	vor.u32 v3, v4  }
0x5f2: {  	v3 =	vperm.xlane v3, v0;
	_ =	sdelay $0x1  }
0x5f3: {  	v3 =	vadd.s32 v1, v3;
	_ =	sdelay $0x3  }
0x5f4: {  	s15 =	simm.s32 $0x14000  }
0x5f5: {  	[tilespmem:s15], [sflag:$0x3] =	stream.indirect_vreg.gather [hbm4b:s3+s2], $0x80, v3, vm0, $0xb8;
	[tilespmem:$0x1B000] =	vst v63  }
0x5f6: {  	_ =	swait.ge [sflag:s20], $0x6800  }
0x5f7: {  	[sflag:s20] =	ssyncset.done $0x0  }
0x5f8: {  	s0 =	simm.s32 $0x1000;
	s18 =	rddreg [dreg:$0x14];
	[sflag:s20] =	ssyncadd.s32 $0xFFFF9800  }
0x5f9: {  	[hbm4b:s18+s2] =	stream.linear.scatter [tilespmem:s0], [sflag:$0x5], $0x6800, $0x38;
	[tilespmem:$0x1B000] =	vst v63  }
0x5fa: {  	_ =	swait.ge [sflag:s1], $0x6800  }
0x5fb: {  	[sflag:s1] =	ssyncset.done $0x0  }
0x5fc: {  	[sflag:s1] =	ssyncadd.s32 $0xFFFF9800  }
0x5fd: {  	v3 =	vld [tilespmem:$0x980];
	_ =	sdelay $0x4  }
0x5fe: {  	v15 =	vshll.u32 v3, $0x1  }
0x5ff: {  	v3 =	vand.u32 $0x7, v3;
	v4 =	vand.u32 $0xFFFFFFF0, v15  }
0x600: {  	v3 =	vor.u32 v3, v4  }
0x601: {  	v4 =	vperm.xlane v3, v0;
	_ =	sdelay $0x1  }
0x602: {  	v3 =	vperm.xlane v3, v2;
	v4 =	vadd.s32 v1, v4;
	_ =	sdelay $0x1  }
0x603: {  	v3 =	vadd.s32 v1, v3;
	_ =	sdelay $0x2  }
0x604: {  	[tilespmem:s28], [sflag:$0x4] =	stream.indirect_vreg.gather [hbm4b:s3+s2], $0x80, v4, vm0, $0xb8;
	[tilespmem:$0x1B000] =	vst v63  }
0x605: {  	s28 =	simm.s32 $0x15000  }
0x606: {  	[tilespmem:s28], [sflag:$0x4] =	stream.indirect_vreg.gather [hbm4b:s3+s2], $0x80, v3, vm0, $0xb8;
	[tilespmem:$0x1B000] =	vst v63  }
0x607: {  	v3 =	vld [tilespmem:$0x990];
	_ =	sdelay $0x4  }
0x608: {  	v16 =	vshll.u32 v3, $0x1  }
0x609: {  	v3 =	vand.u32 $0x7, v3;
	v4 =	vand.u32 $0xFFFFFFF0, v16  }
0x60a: {  	v3 =	vor.u32 v3, v4  }
0x60b: {  	v4 =	vperm.xlane v3, v0;
	_ =	sdelay $0x1  }
0x60c: {  	v3 =	vperm.xlane v3, v2;
	v4 =	vadd.s32 v1, v4;
	_ =	sdelay $0x1  }
0x60d: {  	v3 =	vadd.s32 v1, v3;
	_ =	sdelay $0x2  }
0x60e: {  	[tilespmem:s31], [sflag:$0x4] =	stream.indirect_vreg.gather [hbm4b:s3+s2], $0x80, v4, vm0, $0xb8;
	[tilespmem:$0x1B000] =	vst v63  }
0x60f: {  	s18 =	simm.s32 $0x16000  }
0x610: {  	[tilespmem:s18], [sflag:$0x4] =	stream.indirect_vreg.gather [hbm4b:s3+s2], $0x80, v3, vm0, $0xb8;
	[tilespmem:$0x1B000] =	vst v63  }
0x611: {  	v3 =	vld [tilespmem:$0x9A0];
	_ =	sdelay $0x4  }
0x612: {  	v17 =	vshll.u32 v3, $0x1  }
0x613: {  	v3 =	vand.u32 $0x7, v3;
	v4 =	vand.u32 $0xFFFFFFF0, v17  }
0x614: {  	v3 =	vor.u32 v3, v4  }
0x615: {  	v4 =	vperm.xlane v3, v0;
	_ =	sdelay $0x1  }
0x616: {  	v3 =	vperm.xlane v3, v2;
	v4 =	vadd.s32 v1, v4;
	_ =	sdelay $0x1  }
0x617: {  	v3 =	vadd.s32 v1, v3;
	_ =	sdelay $0x1  }
0x618: {  	s28 =	simm.s32 $0x16800  }
0x619: {  	[tilespmem:s28], [sflag:$0x4] =	stream.indirect_vreg.gather [hbm4b:s3+s2], $0x80, v4, vm0, $0xb8;
	[tilespmem:$0x1B000] =	vst v63  }
0x61a: {  	s31 =	simm.s32 $0x17000  }
0x61b: {  	[tilespmem:s31], [sflag:$0x4] =	stream.indirect_vreg.gather [hbm4b:s3+s2], $0x80, v3, vm0, $0xb8;
	[tilespmem:$0x1B000] =	vst v63  }
0x61c: {  	v3 =	vld [tilespmem:$0x9B0];
	_ =	sdelay $0x4  }
0x61d: {  	v18 =	vshll.u32 v3, $0x1  }
0x61e: {  	v3 =	vand.u32 $0x7, v3;
	v4 =	vand.u32 $0xFFFFFFF0, v18  }
0x61f: {  	v3 =	vor.u32 v3, v4  }
0x620: {  	v4 =	vperm.xlane v3, v0;
	_ =	sdelay $0x1  }
0x621: {  	v3 =	vperm.xlane v3, v2;
	v4 =	vadd.s32 v1, v4;
	_ =	sdelay $0x1  }
0x622: {  	v3 =	vadd.s32 v1, v3;
	_ =	sdelay $0x2  }
0x623: {  	[tilespmem:s16], [sflag:$0x4] =	stream.indirect_vreg.gather [hbm4b:s3+s2], $0x80, v4, vm0, $0xb8;
	[tilespmem:$0x1B000] =	vst v63  }
0x624: {  	s16 =	simm.s32 $0x18000  }
0x625: {  	[tilespmem:s16], [sflag:$0x4] =	stream.indirect_vreg.gather [hbm4b:s3+s2], $0x80, v3, vm0, $0xb8;
	[tilespmem:$0x1B000] =	vst v63  }
0x626: {  	v3 =	vld [tilespmem:$0x9C0];
	_ =	sdelay $0x4  }
0x627: {  	v19 =	vshll.u32 v3, $0x1  }
0x628: {  	v3 =	vand.u32 $0x7, v3;
	v4 =	vand.u32 $0xFFFFFFF0, v19  }
0x629: {  	v3 =	vor.u32 v3, v4  }
0x62a: {  	v4 =	vperm.xlane v3, v0;
	_ =	sdelay $0x1  }
0x62b: {  	v3 =	vperm.xlane v3, v2;
	v4 =	vadd.s32 v1, v4;
	_ =	sdelay $0x1  }
0x62c: {  	v3 =	vadd.s32 v1, v3;
	_ =	sdelay $0x2  }
0x62d: {  	[tilespmem:s17], [sflag:$0x4] =	stream.indirect_vreg.gather [hbm4b:s3+s2], $0x80, v4, vm0, $0xb8;
	[tilespmem:$0x1B000] =	vst v63  }
0x62e: {  	s17 =	simm.s32 $0x19000  }
0x62f: {  	[tilespmem:s17], [sflag:$0x4] =	stream.indirect_vreg.gather [hbm4b:s3+s2], $0x80, v3, vm0, $0xb8;
	[tilespmem:$0x1B000] =	vst v63  }
0x630: {  	v3 =	vld [tilespmem:$0x9D0];
	_ =	sdelay $0x4  }
0x631: {  	v20 =	vshll.u32 v3, $0x1  }
0x632: {  	v3 =	vand.u32 $0x7, v3;
	v4 =	vand.u32 $0xFFFFFFF0, v20  }
0x633: {  	v3 =	vor.u32 v3, v4  }
0x634: {  	v4 =	vperm.xlane v3, v0;
	_ =	sdelay $0x1  }
0x635: {  	v3 =	vperm.xlane v3, v2;
	v4 =	vadd.s32 v1, v4;
	_ =	sdelay $0x1  }
0x636: {  	v3 =	vadd.s32 v1, v3;
	_ =	sdelay $0x2  }
0x637: {  	[tilespmem:s21], [sflag:$0x4] =	stream.indirect_vreg.gather [hbm4b:s3+s2], $0x80, v4, vm0, $0xb8;
	[tilespmem:$0x1B000] =	vst v63  }
0x638: {  	s18 =	simm.s32 $0x1A000  }
0x639: {  	[tilespmem:s18], [sflag:$0x4] =	stream.indirect_vreg.gather [hbm4b:s3+s2], $0x80, v3, vm0, $0xb8;
	[tilespmem:$0x1B000] =	vst v63  }
0x63a: {  	v3 =	vld.msk [tilespmem:$0x9E0], $0xff;
	_ =	sdelay $0x4  }
0x63b: {  	v21 =	vshll.u32 v3, $0x1  }
0x63c: {  	v3 =	vand.u32 $0x7, v3;
	v4 =	vand.u32 $0xFFFFFFF0, v21  }
0x63d: {  	v3 =	vor.u32 v3, v4  }
0x63e: {  	v3 =	vperm.xlane v3, v0;
	_ =	sdelay $0x1  }
0x63f: {  	v3 =	vadd.s32 v1, v3;
	_ =	sdelay $0x3  }
0x640: {  	s21 =	simm.s32 $0x1A800  }
0x641: {  	[tilespmem:s21], [sflag:$0x4] =	stream.indirect_vreg.gather [hbm4b:s3+s2], $0x80, v3, vm0, $0xb8;
	[tilespmem:$0x1B000] =	vst v63  }
0x642: {  	_ =	swait.ge [sflag:s8], $0x6800  }
0x643: {  	[sflag:s8] =	ssyncset.done $0x0  }
0x644: {  	s31 =	simm.s32 $0x7800;
	s28 =	rddreg [dreg:$0x15];
	[sflag:s8] =	ssyncadd.s32 $0xFFFF9800  }
0x645: {  	[hbm4b:s28+s2] =	stream.linear.scatter [tilespmem:s31], [sflag:$0x6], $0x6800, $0x38;
	[tilespmem:$0x1B000] =	vst v63  }
0x646: {  	_ =	swait.ge [sflag:s9], $0x6800  }
0x647: {  	[sflag:s9] =	ssyncset.done $0x0  }
0x648: {  	[sflag:s9] =	ssyncadd.s32 $0xFFFF9800  }
0x649: {  	v3 =	vld [tilespmem:$0xA00];
	_ =	sdelay $0x4  }
0x64a: {  	v22 =	vshll.u32 v3, $0x1  }
0x64b: {  	v3 =	vand.u32 $0x7, v3;
	v4 =	vand.u32 $0xFFFFFFF0, v22  }
0x64c: {  	v3 =	vor.u32 v3, v4  }
0x64d: {  	v4 =	vperm.xlane v3, v0;
	_ =	sdelay $0x1  }
0x64e: {  	v3 =	vperm.xlane v3, v2;
	v4 =	vadd.s32 v1, v4;
	_ =	sdelay $0x1  }
0x64f: {  	v3 =	vadd.s32 v1, v3;
	_ =	sdelay $0x2  }
0x650: {  	[tilespmem:s0], [sflag:$0x1] =	stream.indirect_vreg.gather [hbm4b:s3+s2], $0x80, v4, vm0, $0xb8;
	[tilespmem:$0x1B000] =	vst v63  }
0x651: {  	_ = 	snop  }
0x652: {  	[tilespmem:s7], [sflag:$0x1] =	stream.indirect_vreg.gather [hbm4b:s3+s2], $0x80, v3, vm0, $0xb8;
	[tilespmem:$0x1B000] =	vst v63  }
0x653: {  	v3 =	vld [tilespmem:$0xA10];
	_ =	sdelay $0x4  }
0x654: {  	v23 =	vshll.u32 v3, $0x1  }
0x655: {  	v3 =	vand.u32 $0x7, v3;
	v4 =	vand.u32 $0xFFFFFFF0, v23  }
0x656: {  	v3 =	vor.u32 v3, v4  }
0x657: {  	v4 =	vperm.xlane v3, v0;
	_ =	sdelay $0x1  }
0x658: {  	v3 =	vperm.xlane v3, v2;
	v4 =	vadd.s32 v1, v4;
	_ =	sdelay $0x1  }
0x659: {  	v3 =	vadd.s32 v1, v3;
	_ =	sdelay $0x2  }
0x65a: {  	[tilespmem:s22], [sflag:$0x1] =	stream.indirect_vreg.gather [hbm4b:s3+s2], $0x80, v4, vm0, $0xb8;
	[tilespmem:$0x1B000] =	vst v63  }
0x65b: {  	_ = 	snop  }
0x65c: {  	[tilespmem:s24], [sflag:$0x1] =	stream.indirect_vreg.gather [hbm4b:s3+s2], $0x80, v3, vm0, $0xb8;
	[tilespmem:$0x1B000] =	vst v63  }
0x65d: {  	v3 =	vld [tilespmem:$0xA20];
	_ =	sdelay $0x4  }
0x65e: {  	v24 =	vshll.u32 v3, $0x1  }
0x65f: {  	v3 =	vand.u32 $0x7, v3;
	v4 =	vand.u32 $0xFFFFFFF0, v24  }
0x660: {  	v3 =	vor.u32 v3, v4  }
0x661: {  	v4 =	vperm.xlane v3, v0;
	_ =	sdelay $0x1  }
0x662: {  	v3 =	vperm.xlane v3, v2;
	v4 =	vadd.s32 v1, v4;
	_ =	sdelay $0x1  }
0x663: {  	v3 =	vadd.s32 v1, v3;
	_ =	sdelay $0x2  }
0x664: {  	[tilespmem:s23], [sflag:$0x1] =	stream.indirect_vreg.gather [hbm4b:s3+s2], $0x80, v4, vm0, $0xb8;
	[tilespmem:$0x1B000] =	vst v63  }
0x665: {  	_ = 	snop  }
0x666: {  	[tilespmem:s25], [sflag:$0x1] =	stream.indirect_vreg.gather [hbm4b:s3+s2], $0x80, v3, vm0, $0xb8;
	[tilespmem:$0x1B000] =	vst v63  }
0x667: {  	v3 =	vld [tilespmem:$0xA30];
	_ =	sdelay $0x4  }
0x668: {  	v25 =	vshll.u32 v3, $0x1  }
0x669: {  	v3 =	vand.u32 $0x7, v3;
	v4 =	vand.u32 $0xFFFFFFF0, v25  }
0x66a: {  	v3 =	vor.u32 v3, v4  }
0x66b: {  	v4 =	vperm.xlane v3, v0;
	_ =	sdelay $0x1  }
0x66c: {  	v3 =	vperm.xlane v3, v2;
	v4 =	vadd.s32 v1, v4;
	_ =	sdelay $0x1  }
0x66d: {  	v3 =	vadd.s32 v1, v3;
	_ =	sdelay $0x1  }
0x66e: {  	s17 =	simm.s32 $0x4000  }
0x66f: {  	[tilespmem:s17], [sflag:$0x1] =	stream.indirect_vreg.gather [hbm4b:s3+s2], $0x80, v4, vm0, $0xb8;
	[tilespmem:$0x1B000] =	vst v63  }
0x670: {  	s23 =	simm.s32 $0x4800  }
0x671: {  	[tilespmem:s23], [sflag:$0x1] =	stream.indirect_vreg.gather [hbm4b:s3+s2], $0x80, v3, vm0, $0xb8;
	[tilespmem:$0x1B000] =	vst v63  }
0x672: {  	v3 =	vld [tilespmem:$0xA40];
	_ =	sdelay $0x4  }
0x673: {  	v26 =	vshll.u32 v3, $0x1  }
0x674: {  	v3 =	vand.u32 $0x7, v3;
	v4 =	vand.u32 $0xFFFFFFF0, v26  }
0x675: {  	v3 =	vor.u32 v3, v4  }
0x676: {  	v4 =	vperm.xlane v3, v0;
	_ =	sdelay $0x1  }
0x677: {  	v3 =	vperm.xlane v3, v2;
	v4 =	vadd.s32 v1, v4;
	_ =	sdelay $0x1  }
0x678: {  	v3 =	vadd.s32 v1, v3;
	_ =	sdelay $0x1  }
0x679: {  	s21 =	simm.s32 $0x5000  }
0x67a: {  	[tilespmem:s21], [sflag:$0x1] =	stream.indirect_vreg.gather [hbm4b:s3+s2], $0x80, v4, vm0, $0xb8;
	[tilespmem:$0x1B000] =	vst v63  }
0x67b: {  	s24 =	simm.s32 $0x5800  }
0x67c: {  	[tilespmem:s24], [sflag:$0x1] =	stream.indirect_vreg.gather [hbm4b:s3+s2], $0x80, v3, vm0, $0xb8;
	[tilespmem:$0x1B000] =	vst v63  }
0x67d: {  	v3 =	vld [tilespmem:$0xA50];
	_ =	sdelay $0x4  }
0x67e: {  	v27 =	vshll.u32 v3, $0x1  }
0x67f: {  	v3 =	vand.u32 $0x7, v3;
	v4 =	vand.u32 $0xFFFFFFF0, v27  }
0x680: {  	v3 =	vor.u32 v3, v4  }
0x681: {  	v4 =	vperm.xlane v3, v0;
	_ =	sdelay $0x1  }
0x682: {  	v3 =	vperm.xlane v3, v2;
	v4 =	vadd.s32 v1, v4;
	_ =	sdelay $0x1  }
0x683: {  	v3 =	vadd.s32 v1, v3;
	_ =	sdelay $0x1  }
0x684: {  	s22 =	simm.s32 $0x6000  }
0x685: {  	[tilespmem:s22], [sflag:$0x1] =	stream.indirect_vreg.gather [hbm4b:s3+s2], $0x80, v4, vm0, $0xb8;
	[tilespmem:$0x1B000] =	vst v63  }
0x686: {  	s25 =	simm.s32 $0x6800  }
0x687: {  	[tilespmem:s25], [sflag:$0x1] =	stream.indirect_vreg.gather [hbm4b:s3+s2], $0x80, v3, vm0, $0xb8;
	[tilespmem:$0x1B000] =	vst v63  }
0x688: {  	v3 =	vld.msk [tilespmem:$0xA60], $0xff;
	_ =	sdelay $0x4  }
0x689: {  	v28 =	vshll.u32 v3, $0x1  }
0x68a: {  	v3 =	vand.u32 $0x7, v3;
	v4 =	vand.u32 $0xFFFFFFF0, v28  }
0x68b: {  	v3 =	vor.u32 v3, v4  }
0x68c: {  	v3 =	vperm.xlane v3, v0;
	_ =	sdelay $0x1  }
0x68d: {  	v3 =	vadd.s32 v1, v3;
	_ =	sdelay $0x3  }
0x68e: {  	s28 =	simm.s32 $0x7000  }
0x68f: {  	[tilespmem:s28], [sflag:$0x1] =	stream.indirect_vreg.gather [hbm4b:s3+s2], $0x80, v3, vm0, $0xb8;
	[tilespmem:$0x1B000] =	vst v63  }
0x690: {  	_ =	swait.ge [sflag:s12], $0x6800  }
0x691: {  	[sflag:s12] =	ssyncset.done $0x0  }
0x692: {  	s0 =	simm.s32 $0xE000;
	s16 =	rddreg [dreg:$0x16];
	[sflag:s12] =	ssyncadd.s32 $0xFFFF9800  }
0x693: {  	[hbm4b:s16+s2] =	stream.linear.scatter [tilespmem:s0], [sflag:$0x7], $0x6800, $0x38;
	[tilespmem:$0x1B000] =	vst v63  }
0x694: {  	_ =	swait.ge [sflag:s11], $0x6800  }
0x695: {  	[sflag:s11] =	ssyncset.done $0x0  }
0x696: {  	[sflag:s11] =	ssyncadd.s32 $0xFFFF9800  }
0x697: {  	v3 =	vld [tilespmem:$0xA80];
	_ =	sdelay $0x4  }
0x698: {  	v29 =	vshll.u32 v3, $0x1  }
0x699: {  	v3 =	vand.u32 $0x7, v3;
	v4 =	vand.u32 $0xFFFFFFF0, v29  }
0x69a: {  	v3 =	vor.u32 v3, v4  }
0x69b: {  	v4 =	vperm.xlane v3, v0;
	_ =	sdelay $0x1  }
0x69c: {  	v3 =	vperm.xlane v3, v2;
	v4 =	vadd.s32 v1, v4;
	_ =	sdelay $0x1  }
0x69d: {  	v3 =	vadd.s32 v1, v3;
	_ =	sdelay $0x2  }
0x69e: {  	[tilespmem:s31], [sflag:$0x2] =	stream.indirect_vreg.gather [hbm4b:s3+s2], $0x80, v4, vm0, $0xb8;
	[tilespmem:$0x1B000] =	vst v63  }
0x69f: {  	_ = 	snop  }
0x6a0: {  	[tilespmem:s10], [sflag:$0x2] =	stream.indirect_vreg.gather [hbm4b:s3+s2], $0x80, v3, vm0, $0xb8;
	[tilespmem:$0x1B000] =	vst v63  }
0x6a1: {  	v3 =	vld [tilespmem:$0xA90];
	_ =	sdelay $0x4  }
0x6a2: {  	v30 =	vshll.u32 v3, $0x1  }
0x6a3: {  	v3 =	vand.u32 $0x7, v3;
	v4 =	vand.u32 $0xFFFFFFF0, v30  }
0x6a4: {  	v3 =	vor.u32 v3, v4  }
0x6a5: {  	v4 =	vperm.xlane v3, v0;
	_ =	sdelay $0x1  }
0x6a6: {  	v3 =	vperm.xlane v3, v2;
	v4 =	vadd.s32 v1, v4;
	_ =	sdelay $0x1  }
0x6a7: {  	v3 =	vadd.s32 v1, v3;
	_ =	sdelay $0x1  }
0x6a8: {  	s18 =	simm.s32 $0x8800  }
0x6a9: {  	[tilespmem:s18], [sflag:$0x2] =	stream.indirect_vreg.gather [hbm4b:s3+s2], $0x80, v4, vm0, $0xb8;
	[tilespmem:$0x1B000] =	vst v63  }
0x6aa: {  	_ = 	snop  }
0x6ab: {  	[tilespmem:s4], [sflag:$0x2] =	stream.indirect_vreg.gather [hbm4b:s3+s2], $0x80, v3, vm0, $0xb8;
	[tilespmem:$0x1B000] =	vst v63  }
0x6ac: {  	v3 =	vld [tilespmem:$0xAA0];
	_ =	sdelay $0x4  }
0x6ad: {  	v31 =	vshll.u32 v3, $0x1  }
0x6ae: {  	v3 =	vand.u32 $0x7, v3;
	v4 =	vand.u32 $0xFFFFFFF0, v31  }
0x6af: {  	v3 =	vor.u32 v3, v4  }
0x6b0: {  	v4 =	vperm.xlane v3, v0;
	_ =	sdelay $0x1  }
0x6b1: {  	v3 =	vperm.xlane v3, v2;
	v4 =	vadd.s32 v1, v4;
	_ =	sdelay $0x1  }
0x6b2: {  	v3 =	vadd.s32 v1, v3;
	_ =	sdelay $0x1  }
0x6b3: {  	s31 =	simm.s32 $0x9800  }
0x6b4: {  	[tilespmem:s31], [sflag:$0x2] =	stream.indirect_vreg.gather [hbm4b:s3+s2], $0x80, v4, vm0, $0xb8;
	[tilespmem:$0x1B000] =	vst v63  }
0x6b5: {  	_ = 	snop  }
0x6b6: {  	[tilespmem:s5], [sflag:$0x2] =	stream.indirect_vreg.gather [hbm4b:s3+s2], $0x80, v3, vm0, $0xb8;
	[tilespmem:$0x1B000] =	vst v63  }
0x6b7: {  	v3 =	vld [tilespmem:$0xAB0];
	_ =	sdelay $0x4  }
0x6b8: {  	v32 =	vshll.u32 v3, $0x1  }
0x6b9: {  	v3 =	vand.u32 $0x7, v3;
	v4 =	vand.u32 $0xFFFFFFF0, v32  }
0x6ba: {  	v3 =	vor.u32 v3, v4  }
0x6bb: {  	v4 =	vperm.xlane v3, v0;
	_ =	sdelay $0x1  }
0x6bc: {  	v3 =	vperm.xlane v3, v2;
	v4 =	vadd.s32 v1, v4;
	_ =	sdelay $0x1  }
0x6bd: {  	v3 =	vadd.s32 v1, v3;
	_ =	sdelay $0x1  }
0x6be: {  	s4 =	simm.s32 $0xA800  }
0x6bf: {  	[tilespmem:s4], [sflag:$0x2] =	stream.indirect_vreg.gather [hbm4b:s3+s2], $0x80, v4, vm0, $0xb8;
	[tilespmem:$0x1B000] =	vst v63  }
0x6c0: {  	_ = 	snop  }
0x6c1: {  	[tilespmem:s6], [sflag:$0x2] =	stream.indirect_vreg.gather [hbm4b:s3+s2], $0x80, v3, vm0, $0xb8;
	[tilespmem:$0x1B000] =	vst v63  }
0x6c2: {  	v3 =	vld [tilespmem:$0xAC0];
	_ =	sdelay $0x4  }
0x6c3: {  	v33 =	vshll.u32 v3, $0x1  }
0x6c4: {  	v3 =	vand.u32 $0x7, v3;
	v4 =	vand.u32 $0xFFFFFFF0, v33  }
0x6c5: {  	v3 =	vor.u32 v3, v4  }
0x6c6: {  	v4 =	vperm.xlane v3, v0;
	_ =	sdelay $0x1  }
0x6c7: {  	v3 =	vperm.xlane v3, v2;
	v4 =	vadd.s32 v1, v4;
	_ =	sdelay $0x1  }
0x6c8: {  	v3 =	vadd.s32 v1, v3;
	_ =	sdelay $0x1  }
0x6c9: {  	s5 =	simm.s32 $0xB800  }
0x6ca: {  	[tilespmem:s5], [sflag:$0x2] =	stream.indirect_vreg.gather [hbm4b:s3+s2], $0x80, v4, vm0, $0xb8;
	[tilespmem:$0x1B000] =	vst v63  }
0x6cb: {  	s10 =	simm.s32 $0xC000  }
0x6cc: {  	[tilespmem:s10], [sflag:$0x2] =	stream.indirect_vreg.gather [hbm4b:s3+s2], $0x80, v3, vm0, $0xb8;
	[tilespmem:$0x1B000] =	vst v63  }
0x6cd: {  	v3 =	vld [tilespmem:$0xAD0];
	_ =	sdelay $0x4  }
0x6ce: {  	v34 =	vshll.u32 v3, $0x1  }
0x6cf: {  	v3 =	vand.u32 $0x7, v3;
	v4 =	vand.u32 $0xFFFFFFF0, v34  }
0x6d0: {  	v3 =	vor.u32 v3, v4  }
0x6d1: {  	v4 =	vperm.xlane v3, v0;
	_ =	sdelay $0x1  }
0x6d2: {  	v3 =	vperm.xlane v3, v2;
	v4 =	vadd.s32 v1, v4;
	_ =	sdelay $0x1  }
0x6d3: {  	v3 =	vadd.s32 v1, v3;
	_ =	sdelay $0x1  }
0x6d4: {  	s6 =	simm.s32 $0xC800  }
0x6d5: {  	[tilespmem:s6], [sflag:$0x2] =	stream.indirect_vreg.gather [hbm4b:s3+s2], $0x80, v4, vm0, $0xb8;
	[tilespmem:$0x1B000] =	vst v63  }
0x6d6: {  	s16 =	simm.s32 $0xD000  }
0x6d7: {  	[tilespmem:s16], [sflag:$0x2] =	stream.indirect_vreg.gather [hbm4b:s3+s2], $0x80, v3, vm0, $0xb8;
	[tilespmem:$0x1B000] =	vst v63  }
0x6d8: {  	v3 =	vld.msk [tilespmem:$0xAE0], $0xff;
	_ =	sdelay $0x4  }
0x6d9: {  	v35 =	vshll.u32 v3, $0x1  }
0x6da: {  	v3 =	vand.u32 $0x7, v3;
	v4 =	vand.u32 $0xFFFFFFF0, v35  }
0x6db: {  	v3 =	vor.u32 v3, v4  }
0x6dc: {  	v3 =	vperm.xlane v3, v0;
	_ =	sdelay $0x1  }
0x6dd: {  	v3 =	vadd.s32 v1, v3;
	_ =	sdelay $0x4  }
0x6de: {  	[tilespmem:s19], [sflag:$0x2] =	stream.indirect_vreg.gather [hbm4b:s3+s2], $0x80, v3, vm0, $0xb8;
	[tilespmem:$0x1B000] =	vst v63  }
0x6df: {  	_ =	swait.ge [sflag:s13], $0x6800  }
0x6e0: {  	[sflag:s13] =	ssyncset.done $0x0  }
0x6e1: {  	s19 =	simm.s32 $0x14800;
	s15 =	rddreg [dreg:$0x17];
	[sflag:s13] =	ssyncadd.s32 $0xFFFF9800  }
0x6e2: {  	[hbm4b:s15+s2] =	stream.linear.scatter [tilespmem:s19], [sflag:$0x8], $0x6800, $0x38;
	[tilespmem:$0x1B000] =	vst v63  }
0x6e3: {  	_ =	swait.ge [sflag:s14], $0x6800  }
0x6e4: {  	[sflag:s14] =	ssyncset.done $0x0  }
0x6e5: {  	[sflag:s14] =	ssyncadd.s32 $0xFFFF9800  }
0x6e6: {  	v3 =	vld [tilespmem:$0xB00];
	_ =	sdelay $0x4  }
0x6e7: {  	v36 =	vshll.u32 v3, $0x1  }
0x6e8: {  	v3 =	vand.u32 $0x7, v3;
	v4 =	vand.u32 $0xFFFFFFF0, v36  }
0x6e9: {  	v3 =	vor.u32 v3, v4  }
0x6ea: {  	v4 =	vperm.xlane v3, v0;
	_ =	sdelay $0x1  }
0x6eb: {  	v3 =	vperm.xlane v3, v2;
	v4 =	vadd.s32 v1, v4;
	_ =	sdelay $0x1  }
0x6ec: {  	v3 =	vadd.s32 v1, v3;
	_ =	sdelay $0x2  }
0x6ed: {  	[tilespmem:s0], [sflag:$0x3] =	stream.indirect_vreg.gather [hbm4b:s3+s2], $0x80, v4, vm0, $0xb8;
	[tilespmem:$0x1B000] =	vst v63  }
0x6ee: {  	s15 =	simm.s32 $0xE800  }
0x6ef: {  	[tilespmem:s15], [sflag:$0x3] =	stream.indirect_vreg.gather [hbm4b:s3+s2], $0x80, v3, vm0, $0xb8;
	[tilespmem:$0x1B000] =	vst v63  }
0x6f0: {  	v3 =	vld [tilespmem:$0xB10];
	_ =	sdelay $0x4  }
0x6f1: {  	v37 =	vshll.u32 v3, $0x1  }
0x6f2: {  	v3 =	vand.u32 $0x7, v3;
	v4 =	vand.u32 $0xFFFFFFF0, v37  }
0x6f3: {  	v3 =	vor.u32 v3, v4  }
0x6f4: {  	v4 =	vperm.xlane v3, v0;
	_ =	sdelay $0x1  }
0x6f5: {  	v3 =	vperm.xlane v3, v2;
	v4 =	vadd.s32 v1, v4;
	_ =	sdelay $0x1  }
0x6f6: {  	v3 =	vadd.s32 v1, v3;
	_ =	sdelay $0x1  }
0x6f7: {  	s15 =	simm.s32 $0xF000  }
0x6f8: {  	[tilespmem:s15], [sflag:$0x3] =	stream.indirect_vreg.gather [hbm4b:s3+s2], $0x80, v4, vm0, $0xb8;
	[tilespmem:$0x1B000] =	vst v63  }
0x6f9: {  	s15 =	simm.s32 $0xF800  }
0x6fa: {  	[tilespmem:s15], [sflag:$0x3] =	stream.indirect_vreg.gather [hbm4b:s3+s2], $0x80, v3, vm0, $0xb8;
	[tilespmem:$0x1B000] =	vst v63  }
0x6fb: {  	v3 =	vld [tilespmem:$0xB20];
	_ =	sdelay $0x4  }
0x6fc: {  	v38 =	vshll.u32 v3, $0x1  }
0x6fd: {  	v3 =	vand.u32 $0x7, v3;
	v4 =	vand.u32 $0xFFFFFFF0, v38  }
0x6fe: {  	v3 =	vor.u32 v3, v4  }
0x6ff: {  	v4 =	vperm.xlane v3, v0;
	_ =	sdelay $0x1  }
0x700: {  	v3 =	vperm.xlane v3, v2;
	v4 =	vadd.s32 v1, v4;
	_ =	sdelay $0x1  }
0x701: {  	v3 =	vadd.s32 v1, v3;
	_ =	sdelay $0x1  }
0x702: {  	s15 =	simm.s32 $0x10000  }
0x703: {  	[tilespmem:s15], [sflag:$0x3] =	stream.indirect_vreg.gather [hbm4b:s3+s2], $0x80, v4, vm0, $0xb8;
	[tilespmem:$0x1B000] =	vst v63  }
0x704: {  	s15 =	simm.s32 $0x10800  }
0x705: {  	[tilespmem:s15], [sflag:$0x3] =	stream.indirect_vreg.gather [hbm4b:s3+s2], $0x80, v3, vm0, $0xb8;
	[tilespmem:$0x1B000] =	vst v63  }
0x706: {  	v3 =	vld [tilespmem:$0xB30];
	_ =	sdelay $0x4  }
0x707: {  	v39 =	vshll.u32 v3, $0x1  }
0x708: {  	v3 =	vand.u32 $0x7, v3;
	v4 =	vand.u32 $0xFFFFFFF0, v39  }
0x709: {  	v3 =	vor.u32 v3, v4  }
0x70a: {  	v4 =	vperm.xlane v3, v0;
	_ =	sdelay $0x1  }
0x70b: {  	v3 =	vperm.xlane v3, v2;
	v4 =	vadd.s32 v1, v4;
	_ =	sdelay $0x1  }
0x70c: {  	v3 =	vadd.s32 v1, v3;
	_ =	sdelay $0x2  }
0x70d: {  	[tilespmem:s30], [sflag:$0x3] =	stream.indirect_vreg.gather [hbm4b:s3+s2], $0x80, v4, vm0, $0xb8;
	[tilespmem:$0x1B000] =	vst v63  }
0x70e: {  	s30 =	simm.s32 $0x11800  }
0x70f: {  	[tilespmem:s30], [sflag:$0x3] =	stream.indirect_vreg.gather [hbm4b:s3+s2], $0x80, v3, vm0, $0xb8;
	[tilespmem:$0x1B000] =	vst v63  }
0x710: {  	v3 =	vld [tilespmem:$0xB40];
	_ =	sdelay $0x4  }
0x711: {  	v40 =	vshll.u32 v3, $0x1  }
0x712: {  	v3 =	vand.u32 $0x7, v3;
	v4 =	vand.u32 $0xFFFFFFF0, v40  }
0x713: {  	v3 =	vor.u32 v3, v4  }
0x714: {  	v4 =	vperm.xlane v3, v0;
	_ =	sdelay $0x1  }
0x715: {  	v3 =	vperm.xlane v3, v2;
	v4 =	vadd.s32 v1, v4;
	_ =	sdelay $0x1  }
0x716: {  	v3 =	vadd.s32 v1, v3;
	_ =	sdelay $0x2  }
0x717: {  	[tilespmem:s26], [sflag:$0x3] =	stream.indirect_vreg.gather [hbm4b:s3+s2], $0x80, v4, vm0, $0xb8;
	[tilespmem:$0x1B000] =	vst v63  }
0x718: {  	s30 =	simm.s32 $0x12800  }
0x719: {  	[tilespmem:s30], [sflag:$0x3] =	stream.indirect_vreg.gather [hbm4b:s3+s2], $0x80, v3, vm0, $0xb8;
	[tilespmem:$0x1B000] =	vst v63  }
0x71a: {  	v3 =	vld [tilespmem:$0xB50];
	_ =	sdelay $0x4  }
0x71b: {  	v41 =	vshll.u32 v3, $0x1  }
0x71c: {  	v3 =	vand.u32 $0x7, v3;
	v4 =	vand.u32 $0xFFFFFFF0, v41  }
0x71d: {  	v3 =	vor.u32 v3, v4  }
0x71e: {  	v4 =	vperm.xlane v3, v0;
	_ =	sdelay $0x1  }
0x71f: {  	v3 =	vperm.xlane v3, v2;
	v4 =	vadd.s32 v1, v4;
	_ =	sdelay $0x1  }
0x720: {  	v3 =	vadd.s32 v1, v3;
	_ =	sdelay $0x2  }
0x721: {  	[tilespmem:s29], [sflag:$0x3] =	stream.indirect_vreg.gather [hbm4b:s3+s2], $0x80, v4, vm0, $0xb8;
	[tilespmem:$0x1B000] =	vst v63  }
0x722: {  	s26 =	simm.s32 $0x13800  }
0x723: {  	[tilespmem:s26], [sflag:$0x3] =	stream.indirect_vreg.gather [hbm4b:s3+s2], $0x80, v3, vm0, $0xb8;
	[tilespmem:$0x1B000] =	vst v63  }
0x724: {  	v3 =	vld.msk [tilespmem:$0xB60], $0xff;
	_ =	sdelay $0x4  }
0x725: {  	v42 =	vshll.u32 v3, $0x1  }
0x726: {  	v3 =	vand.u32 $0x7, v3;
	v4 =	vand.u32 $0xFFFFFFF0, v42  }
0x727: {  	v3 =	vor.u32 v3, v4  }
0x728: {  	v3 =	vperm.xlane v3, v0;
	_ =	sdelay $0x1  }
0x729: {  	v3 =	vadd.s32 v1, v3;
	_ =	sdelay $0x3  }
0x72a: {  	s29 =	simm.s32 $0x14000  }
0x72b: {  	[tilespmem:s29], [sflag:$0x3] =	stream.indirect_vreg.gather [hbm4b:s3+s2], $0x80, v3, vm0, $0xb8;
	[tilespmem:$0x1B000] =	vst v63  }
0x72c: {  	_ =	swait.ge [sflag:s20], $0x6800  }
0x72d: {  	[sflag:s20] =	ssyncset.done $0x0  }
0x72e: {  	s29 =	simm.s32 $0x1000;
	s30 =	rddreg [dreg:$0x18];
	[sflag:s20] =	ssyncadd.s32 $0xFFFF9800  }
0x72f: {  	[hbm4b:s30+s2] =	stream.linear.scatter [tilespmem:s29], [sflag:$0x5], $0x6800, $0x38;
	[tilespmem:$0x1B000] =	vst v63  }
0x730: {  	_ =	swait.ge [sflag:s1], $0x6800  }
0x731: {  	[sflag:s1] =	ssyncset.done $0x0  }
0x732: {  	[sflag:s1] =	ssyncadd.s32 $0xFFFF9800  }
0x733: {  	v3 =	vld [tilespmem:$0xB80];
	_ =	sdelay $0x4  }
0x734: {  	v43 =	vshll.u32 v3, $0x1  }
0x735: {  	v3 =	vand.u32 $0x7, v3;
	v4 =	vand.u32 $0xFFFFFFF0, v43  }
0x736: {  	v3 =	vor.u32 v3, v4  }
0x737: {  	v4 =	vperm.xlane v3, v0;
	_ =	sdelay $0x1  }
0x738: {  	v3 =	vperm.xlane v3, v2;
	v4 =	vadd.s32 v1, v4;
	_ =	sdelay $0x1  }
0x739: {  	v3 =	vadd.s32 v1, v3;
	_ =	sdelay $0x2  }
0x73a: {  	[tilespmem:s19], [sflag:$0x4] =	stream.indirect_vreg.gather [hbm4b:s3+s2], $0x80, v4, vm0, $0xb8;
	[tilespmem:$0x1B000] =	vst v63  }
0x73b: {  	s19 =	simm.s32 $0x15000  }
0x73c: {  	[tilespmem:s19], [sflag:$0x4] =	stream.indirect_vreg.gather [hbm4b:s3+s2], $0x80, v3, vm0, $0xb8;
	[tilespmem:$0x1B000] =	vst v63  }
0x73d: {  	v3 =	vld [tilespmem:$0xB90];
	_ =	sdelay $0x4  }
0x73e: {  	v44 =	vshll.u32 v3, $0x1  }
0x73f: {  	v3 =	vand.u32 $0x7, v3;
	v4 =	vand.u32 $0xFFFFFFF0, v44  }
0x740: {  	v3 =	vor.u32 v3, v4  }
0x741: {  	v4 =	vperm.xlane v3, v0;
	_ =	sdelay $0x1  }
0x742: {  	v3 =	vperm.xlane v3, v2;
	v4 =	vadd.s32 v1, v4;
	_ =	sdelay $0x1  }
0x743: {  	v3 =	vadd.s32 v1, v3;
	_ =	sdelay $0x1  }
0x744: {  	s30 =	simm.s32 $0x15800  }
0x745: {  	[tilespmem:s30], [sflag:$0x4] =	stream.indirect_vreg.gather [hbm4b:s3+s2], $0x80, v4, vm0, $0xb8;
	[tilespmem:$0x1B000] =	vst v63  }
0x746: {  	s19 =	simm.s32 $0x16000  }
0x747: {  	[tilespmem:s19], [sflag:$0x4] =	stream.indirect_vreg.gather [hbm4b:s3+s2], $0x80, v3, vm0, $0xb8;
	[tilespmem:$0x1B000] =	vst v63  }
0x748: {  	v3 =	vld [tilespmem:$0xBA0];
	_ =	sdelay $0x4  }
0x749: {  	v45 =	vshll.u32 v3, $0x1  }
0x74a: {  	v3 =	vand.u32 $0x7, v3;
	v4 =	vand.u32 $0xFFFFFFF0, v45  }
0x74b: {  	v3 =	vor.u32 v3, v4  }
0x74c: {  	v4 =	vperm.xlane v3, v0;
	_ =	sdelay $0x1  }
0x74d: {  	v3 =	vperm.xlane v3, v2;
	v4 =	vadd.s32 v1, v4;
	_ =	sdelay $0x1  }
0x74e: {  	v3 =	vadd.s32 v1, v3;
	_ =	sdelay $0x1  }
0x74f: {  	s30 =	simm.s32 $0x16800  }
0x750: {  	[tilespmem:s30], [sflag:$0x4] =	stream.indirect_vreg.gather [hbm4b:s3+s2], $0x80, v4, vm0, $0xb8;
	[tilespmem:$0x1B000] =	vst v63  }
0x751: {  	s19 =	simm.s32 $0x17000  }
0x752: {  	[tilespmem:s19], [sflag:$0x4] =	stream.indirect_vreg.gather [hbm4b:s3+s2], $0x80, v3, vm0, $0xb8;
	[tilespmem:$0x1B000] =	vst v63  }
0x753: {  	v3 =	vld [tilespmem:$0xBB0];
	_ =	sdelay $0x4  }
0x754: {  	v46 =	vshll.u32 v3, $0x1  }
0x755: {  	v3 =	vand.u32 $0x7, v3;
	v4 =	vand.u32 $0xFFFFFFF0, v46  }
0x756: {  	v3 =	vor.u32 v3, v4  }
0x757: {  	v4 =	vperm.xlane v3, v0;
	_ =	sdelay $0x1  }
0x758: {  	v3 =	vperm.xlane v3, v2;
	v4 =	vadd.s32 v1, v4;
	_ =	sdelay $0x1  }
0x759: {  	v3 =	vadd.s32 v1, v3;
	_ =	sdelay $0x1  }
0x75a: {  	s30 =	simm.s32 $0x17800  }
0x75b: {  	[tilespmem:s30], [sflag:$0x4] =	stream.indirect_vreg.gather [hbm4b:s3+s2], $0x80, v4, vm0, $0xb8;
	[tilespmem:$0x1B000] =	vst v63  }
0x75c: {  	s19 =	simm.s32 $0x18000  }
0x75d: {  	[tilespmem:s19], [sflag:$0x4] =	stream.indirect_vreg.gather [hbm4b:s3+s2], $0x80, v3, vm0, $0xb8;
	[tilespmem:$0x1B000] =	vst v63  }
0x75e: {  	v3 =	vld [tilespmem:$0xBC0];
	_ =	sdelay $0x4  }
0x75f: {  	v47 =	vshll.u32 v3, $0x1  }
0x760: {  	v3 =	vand.u32 $0x7, v3;
	v4 =	vand.u32 $0xFFFFFFF0, v47  }
0x761: {  	v3 =	vor.u32 v3, v4  }
0x762: {  	v4 =	vperm.xlane v3, v0;
	_ =	sdelay $0x1  }
0x763: {  	v3 =	vperm.xlane v3, v2;
	v4 =	vadd.s32 v1, v4;
	_ =	sdelay $0x1  }
0x764: {  	v3 =	vadd.s32 v1, v3;
	_ =	sdelay $0x1  }
0x765: {  	s30 =	simm.s32 $0x18800  }
0x766: {  	[tilespmem:s30], [sflag:$0x4] =	stream.indirect_vreg.gather [hbm4b:s3+s2], $0x80, v4, vm0, $0xb8;
	[tilespmem:$0x1B000] =	vst v63  }
0x767: {  	s19 =	simm.s32 $0x19000  }
0x768: {  	[tilespmem:s19], [sflag:$0x4] =	stream.indirect_vreg.gather [hbm4b:s3+s2], $0x80, v3, vm0, $0xb8;
	[tilespmem:$0x1B000] =	vst v63  }
0x769: {  	v3 =	vld [tilespmem:$0xBD0];
	_ =	sdelay $0x4  }
0x76a: {  	v48 =	vshll.u32 v3, $0x1  }
0x76b: {  	v3 =	vand.u32 $0x7, v3;
	v4 =	vand.u32 $0xFFFFFFF0, v48  }
0x76c: {  	v3 =	vor.u32 v3, v4  }
0x76d: {  	v4 =	vperm.xlane v3, v0;
	_ =	sdelay $0x1  }
0x76e: {  	v3 =	vperm.xlane v3, v2;
	v4 =	vadd.s32 v1, v4;
	_ =	sdelay $0x1  }
0x76f: {  	v3 =	vadd.s32 v1, v3;
	_ =	sdelay $0x1  }
0x770: {  	s30 =	simm.s32 $0x19800  }
0x771: {  	[tilespmem:s30], [sflag:$0x4] =	stream.indirect_vreg.gather [hbm4b:s3+s2], $0x80, v4, vm0, $0xb8;
	[tilespmem:$0x1B000] =	vst v63  }
0x772: {  	s19 =	simm.s32 $0x1A000  }
0x773: {  	[tilespmem:s19], [sflag:$0x4] =	stream.indirect_vreg.gather [hbm4b:s3+s2], $0x80, v3, vm0, $0xb8;
	[tilespmem:$0x1B000] =	vst v63  }
0x774: {  	v3 =	vld.msk [tilespmem:$0xBE0], $0xff;
	_ =	sdelay $0x4  }
0x775: {  	v49 =	vshll.u32 v3, $0x1  }
0x776: {  	v3 =	vand.u32 $0x7, v3;
	v4 =	vand.u32 $0xFFFFFFF0, v49  }
0x777: {  	v3 =	vor.u32 v3, v4  }
0x778: {  	v3 =	vperm.xlane v3, v0;
	_ =	sdelay $0x1  }
0x779: {  	v3 =	vadd.s32 v1, v3;
	_ =	sdelay $0x3  }
0x77a: {  	s30 =	simm.s32 $0x1A800  }
0x77b: {  	[tilespmem:s30], [sflag:$0x4] =	stream.indirect_vreg.gather [hbm4b:s3+s2], $0x80, v3, vm0, $0xb8;
	[tilespmem:$0x1B000] =	vst v63  }
0x77c: {  	_ =	swait.ge [sflag:s8], $0x6800  }
0x77d: {  	[sflag:s8] =	ssyncset.done $0x0  }
0x77e: {  	s7 =	simm.s32 $0x7800;
	s19 =	rddreg [dreg:$0x19];
	[sflag:s8] =	ssyncadd.s32 $0xFFFF9800  }
0x77f: {  	[hbm4b:s19+s2] =	stream.linear.scatter [tilespmem:s7], [sflag:$0x6], $0x6800, $0x38;
	[tilespmem:$0x1B000] =	vst v63  }
0x780: {  	_ =	swait.ge [sflag:s9], $0x6800  }
0x781: {  	[sflag:s9] =	ssyncset.done $0x0  }
0x782: {  	[sflag:s9] =	ssyncadd.s32 $0xFFFF9800  }
0x783: {  	v3 =	vld [tilespmem:$0xC00];
	_ =	sdelay $0x4  }
0x784: {  	v50 =	vshll.u32 v3, $0x1  }
0x785: {  	v3 =	vand.u32 $0x7, v3;
	v4 =	vand.u32 $0xFFFFFFF0, v50  }
0x786: {  	v3 =	vor.u32 v3, v4  }
0x787: {  	v4 =	vperm.xlane v3, v0;
	_ =	sdelay $0x1  }
0x788: {  	v3 =	vperm.xlane v3, v2;
	v4 =	vadd.s32 v1, v4;
	_ =	sdelay $0x1  }
0x789: {  	v3 =	vadd.s32 v1, v3;
	_ =	sdelay $0x2  }
0x78a: {  	[tilespmem:s29], [sflag:$0x1] =	stream.indirect_vreg.gather [hbm4b:s3+s2], $0x80, v4, vm0, $0xb8;
	[tilespmem:$0x1B000] =	vst v63  }
0x78b: {  	s30 =	simm.s32 $0x1800  }
0x78c: {  	[tilespmem:s30], [sflag:$0x1] =	stream.indirect_vreg.gather [hbm4b:s3+s2], $0x80, v3, vm0, $0xb8;
	[tilespmem:$0x1B000] =	vst v63  }
0x78d: {  	v3 =	vld [tilespmem:$0xC10];
	_ =	sdelay $0x4  }
0x78e: {  	v51 =	vshll.u32 v3, $0x1  }
0x78f: {  	v3 =	vand.u32 $0x7, v3;
	v4 =	vand.u32 $0xFFFFFFF0, v51  }
0x790: {  	v3 =	vor.u32 v3, v4  }
0x791: {  	v4 =	vperm.xlane v3, v0;
	_ =	sdelay $0x1  }
0x792: {  	v3 =	vperm.xlane v3, v2;
	v4 =	vadd.s32 v1, v4;
	_ =	sdelay $0x1  }
0x793: {  	v3 =	vadd.s32 v1, v3;
	_ =	sdelay $0x1  }
0x794: {  	s29 =	simm.s32 $0x2000  }
0x795: {  	[tilespmem:s29], [sflag:$0x1] =	stream.indirect_vreg.gather [hbm4b:s3+s2], $0x80, v4, vm0, $0xb8;
	[tilespmem:$0x1B000] =	vst v63  }
0x796: {  	s30 =	simm.s32 $0x2800  }
0x797: {  	[tilespmem:s30], [sflag:$0x1] =	stream.indirect_vreg.gather [hbm4b:s3+s2], $0x80, v3, vm0, $0xb8;
	[tilespmem:$0x1B000] =	vst v63  }
0x798: {  	v3 =	vld [tilespmem:$0xC20];
	_ =	sdelay $0x4  }
0x799: {  	v52 =	vshll.u32 v3, $0x1  }
0x79a: {  	v3 =	vand.u32 $0x7, v3;
	v4 =	vand.u32 $0xFFFFFFF0, v52  }
0x79b: {  	v3 =	vor.u32 v3, v4  }
0x79c: {  	v4 =	vperm.xlane v3, v0;
	_ =	sdelay $0x1  }
0x79d: {  	v3 =	vperm.xlane v3, v2;
	v4 =	vadd.s32 v1, v4;
	_ =	sdelay $0x1  }
0x79e: {  	v3 =	vadd.s32 v1, v3;
	_ =	sdelay $0x1  }
0x79f: {  	s29 =	simm.s32 $0x3000  }
0x7a0: {  	[tilespmem:s29], [sflag:$0x1] =	stream.indirect_vreg.gather [hbm4b:s3+s2], $0x80, v4, vm0, $0xb8;
	[tilespmem:$0x1B000] =	vst v63  }
0x7a1: {  	s30 =	simm.s32 $0x3800  }
0x7a2: {  	[tilespmem:s30], [sflag:$0x1] =	stream.indirect_vreg.gather [hbm4b:s3+s2], $0x80, v3, vm0, $0xb8;
	[tilespmem:$0x1B000] =	vst v63  }
0x7a3: {  	v3 =	vld [tilespmem:$0xC30];
	_ =	sdelay $0x4  }
0x7a4: {  	v53 =	vshll.u32 v3, $0x1  }
0x7a5: {  	v3 =	vand.u32 $0x7, v3;
	v4 =	vand.u32 $0xFFFFFFF0, v53  }
0x7a6: {  	v3 =	vor.u32 v3, v4  }
0x7a7: {  	v4 =	vperm.xlane v3, v0;
	_ =	sdelay $0x1  }
0x7a8: {  	v3 =	vperm.xlane v3, v2;
	v4 =	vadd.s32 v1, v4;
	_ =	sdelay $0x1  }
0x7a9: {  	v3 =	vadd.s32 v1, v3;
	_ =	sdelay $0x2  }
0x7aa: {  	[tilespmem:s17], [sflag:$0x1] =	stream.indirect_vreg.gather [hbm4b:s3+s2], $0x80, v4, vm0, $0xb8;
	[tilespmem:$0x1B000] =	vst v63  }
0x7ab: {  	_ = 	snop  }
0x7ac: {  	[tilespmem:s23], [sflag:$0x1] =	stream.indirect_vreg.gather [hbm4b:s3+s2], $0x80, v3, vm0, $0xb8;
	[tilespmem:$0x1B000] =	vst v63  }
0x7ad: {  	v3 =	vld [tilespmem:$0xC40];
	_ =	sdelay $0x4  }
0x7ae: {  	v54 =	vshll.u32 v3, $0x1  }
0x7af: {  	v3 =	vand.u32 $0x7, v3;
	v4 =	vand.u32 $0xFFFFFFF0, v54  }
0x7b0: {  	v3 =	vor.u32 v3, v4  }
0x7b1: {  	v4 =	vperm.xlane v3, v0;
	_ =	sdelay $0x1  }
0x7b2: {  	v3 =	vperm.xlane v3, v2;
	v4 =	vadd.s32 v1, v4;
	_ =	sdelay $0x1  }
0x7b3: {  	v3 =	vadd.s32 v1, v3;
	_ =	sdelay $0x2  }
0x7b4: {  	[tilespmem:s21], [sflag:$0x1] =	stream.indirect_vreg.gather [hbm4b:s3+s2], $0x80, v4, vm0, $0xb8;
	[tilespmem:$0x1B000] =	vst v63  }
0x7b5: {  	_ = 	snop  }
0x7b6: {  	[tilespmem:s24], [sflag:$0x1] =	stream.indirect_vreg.gather [hbm4b:s3+s2], $0x80, v3, vm0, $0xb8;
	[tilespmem:$0x1B000] =	vst v63  }
0x7b7: {  	v3 =	vld [tilespmem:$0xC50];
	_ =	sdelay $0x4  }
0x7b8: {  	v55 =	vshll.u32 v3, $0x1  }
0x7b9: {  	v3 =	vand.u32 $0x7, v3;
	v4 =	vand.u32 $0xFFFFFFF0, v55  }
0x7ba: {  	v3 =	vor.u32 v3, v4  }
0x7bb: {  	v4 =	vperm.xlane v3, v0;
	_ =	sdelay $0x1  }
0x7bc: {  	v3 =	vperm.xlane v3, v2;
	v4 =	vadd.s32 v1, v4;
	_ =	sdelay $0x1  }
0x7bd: {  	v3 =	vadd.s32 v1, v3;
	_ =	sdelay $0x2  }
0x7be: {  	[tilespmem:s22], [sflag:$0x1] =	stream.indirect_vreg.gather [hbm4b:s3+s2], $0x80, v4, vm0, $0xb8;
	[tilespmem:$0x1B000] =	vst v63  }
0x7bf: {  	_ = 	snop  }
0x7c0: {  	[tilespmem:s25], [sflag:$0x1] =	stream.indirect_vreg.gather [hbm4b:s3+s2], $0x80, v3, vm0, $0xb8;
	[tilespmem:$0x1B000] =	vst v63  }
0x7c1: {  	v3 =	vld.msk [tilespmem:$0xC60], $0xff;
	_ =	sdelay $0x4  }
0x7c2: {  	v56 =	vshll.u32 v3, $0x1  }
0x7c3: {  	v3 =	vand.u32 $0x7, v3;
	v4 =	vand.u32 $0xFFFFFFF0, v56  }
0x7c4: {  	v3 =	vor.u32 v3, v4  }
0x7c5: {  	v3 =	vperm.xlane v3, v0;
	_ =	sdelay $0x1  }
0x7c6: {  	v3 =	vadd.s32 v1, v3;
	_ =	sdelay $0x4  }
0x7c7: {  	[tilespmem:s28], [sflag:$0x1] =	stream.indirect_vreg.gather [hbm4b:s3+s2], $0x80, v3, vm0, $0xb8;
	[tilespmem:$0x1B000] =	vst v63  }
0x7c8: {  	_ =	swait.ge [sflag:s12], $0x6800  }
0x7c9: {  	[sflag:s12] =	ssyncset.done $0x0  }
0x7ca: {  	s0 =	simm.s32 $0xE000;
	s17 =	rddreg [dreg:$0x1a];
	[sflag:s12] =	ssyncadd.s32 $0xFFFF9800  }
0x7cb: {  	[hbm4b:s17+s2] =	stream.linear.scatter [tilespmem:s0], [sflag:$0x7], $0x6800, $0x38;
	[tilespmem:$0x1B000] =	vst v63  }
0x7cc: {  	_ =	swait.ge [sflag:s11], $0x6800  }
0x7cd: {  	[sflag:s11] =	ssyncset.done $0x0  }
0x7ce: {  	[sflag:s11] =	ssyncadd.s32 $0xFFFF9800  }
0x7cf: {  	v3 =	vld [tilespmem:$0xC80];
	_ =	sdelay $0x4  }
0x7d0: {  	v57 =	vshll.u32 v3, $0x1  }
0x7d1: {  	v3 =	vand.u32 $0x7, v3;
	v4 =	vand.u32 $0xFFFFFFF0, v57  }
0x7d2: {  	v3 =	vor.u32 v3, v4  }
0x7d3: {  	v4 =	vperm.xlane v3, v0;
	_ =	sdelay $0x1  }
0x7d4: {  	v3 =	vperm.xlane v3, v2;
	v4 =	vadd.s32 v1, v4;
	_ =	sdelay $0x1  }
0x7d5: {  	v3 =	vadd.s32 v1, v3;
	_ =	sdelay $0x2  }
0x7d6: {  	[tilespmem:s7], [sflag:$0x2] =	stream.indirect_vreg.gather [hbm4b:s3+s2], $0x80, v4, vm0, $0xb8;
	[tilespmem:$0x1B000] =	vst v63  }
0x7d7: {  	s21 =	simm.s32 $0x8000  }
0x7d8: {  	[tilespmem:s21], [sflag:$0x2] =	stream.indirect_vreg.gather [hbm4b:s3+s2], $0x80, v3, vm0, $0xb8;
	[tilespmem:$0x1B000] =	vst v63  }
0x7d9: {  	v3 =	vld [tilespmem:$0xC90];
	_ =	sdelay $0x4  }
0x7da: {  	v58 =	vshll.u32 v3, $0x1  }
0x7db: {  	v3 =	vand.u32 $0x7, v3;
	v4 =	vand.u32 $0xFFFFFFF0, v58  }
0x7dc: {  	v3 =	vor.u32 v3, v4  }
0x7dd: {  	v4 =	vperm.xlane v3, v0;
	_ =	sdelay $0x1  }
0x7de: {  	v3 =	vperm.xlane v3, v2;
	v4 =	vadd.s32 v1, v4;
	_ =	sdelay $0x1  }
0x7df: {  	v3 =	vadd.s32 v1, v3;
	_ =	sdelay $0x2  }
0x7e0: {  	[tilespmem:s18], [sflag:$0x2] =	stream.indirect_vreg.gather [hbm4b:s3+s2], $0x80, v4, vm0, $0xb8;
	[tilespmem:$0x1B000] =	vst v63  }
0x7e1: {  	s22 =	simm.s32 $0x9000  }
0x7e2: {  	[tilespmem:s22], [sflag:$0x2] =	stream.indirect_vreg.gather [hbm4b:s3+s2], $0x80, v3, vm0, $0xb8;
	[tilespmem:$0x1B000] =	vst v63  }
0x7e3: {  	v3 =	vld [tilespmem:$0xCA0];
	_ =	sdelay $0x4  }
0x7e4: {  	v59 =	vshll.u32 v3, $0x1  }
0x7e5: {  	v3 =	vand.u32 $0x7, v3;
	v4 =	vand.u32 $0xFFFFFFF0, v59  }
0x7e6: {  	v3 =	vor.u32 v3, v4  }
0x7e7: {  	v4 =	vperm.xlane v3, v0;
	_ =	sdelay $0x1  }
0x7e8: {  	v3 =	vperm.xlane v3, v2;
	v4 =	vadd.s32 v1, v4;
	_ =	sdelay $0x1  }
0x7e9: {  	v3 =	vadd.s32 v1, v3;
	_ =	sdelay $0x2  }
0x7ea: {  	[tilespmem:s31], [sflag:$0x2] =	stream.indirect_vreg.gather [hbm4b:s3+s2], $0x80, v4, vm0, $0xb8;
	[tilespmem:$0x1B000] =	vst v63  }
0x7eb: {  	s24 =	simm.s32 $0xA000  }
0x7ec: {  	[tilespmem:s24], [sflag:$0x2] =	stream.indirect_vreg.gather [hbm4b:s3+s2], $0x80, v3, vm0, $0xb8;
	[tilespmem:$0x1B000] =	vst v63  }
0x7ed: {  	v3 =	vld [tilespmem:$0xCB0];
	_ =	sdelay $0x4  }
0x7ee: {  	v60 =	vshll.u32 v3, $0x1  }
0x7ef: {  	v3 =	vand.u32 $0x7, v3;
	v4 =	vand.u32 $0xFFFFFFF0, v60  }
0x7f0: {  	v3 =	vor.u32 v3, v4  }
0x7f1: {  	v4 =	vperm.xlane v3, v0;
	_ =	sdelay $0x1  }
0x7f2: {  	v3 =	vperm.xlane v3, v2;
	v4 =	vadd.s32 v1, v4;
	_ =	sdelay $0x1  }
0x7f3: {  	v3 =	vadd.s32 v1, v3;
	_ =	sdelay $0x2  }
0x7f4: {  	[tilespmem:s4], [sflag:$0x2] =	stream.indirect_vreg.gather [hbm4b:s3+s2], $0x80, v4, vm0, $0xb8;
	[tilespmem:$0x1B000] =	vst v63  }
0x7f5: {  	s25 =	simm.s32 $0xB000  }
0x7f6: {  	[tilespmem:s25], [sflag:$0x2] =	stream.indirect_vreg.gather [hbm4b:s3+s2], $0x80, v3, vm0, $0xb8;
	[tilespmem:$0x1B000] =	vst v63  }
0x7f7: {  	v3 =	vld [tilespmem:$0xCC0];
	_ =	sdelay $0x4  }
0x7f8: {  	v61 =	vshll.u32 v3, $0x1  }
0x7f9: {  	v3 =	vand.u32 $0x7, v3;
	v4 =	vand.u32 $0xFFFFFFF0, v61  }
0x7fa: {  	v3 =	vor.u32 v3, v4  }
0x7fb: {  	v4 =	vperm.xlane v3, v0;
	_ =	sdelay $0x1  }
0x7fc: {  	v3 =	vperm.xlane v3, v2;
	v4 =	vadd.s32 v1, v4;
	_ =	sdelay $0x1  }
0x7fd: {  	v3 =	vadd.s32 v1, v3;
	_ =	sdelay $0x2  }
0x7fe: {  	[tilespmem:s5], [sflag:$0x2] =	stream.indirect_vreg.gather [hbm4b:s3+s2], $0x80, v4, vm0, $0xb8;
	[tilespmem:$0x1B000] =	vst v63  }
0x7ff: {  	_ = 	snop  }
0x800: {  	[tilespmem:s10], [sflag:$0x2] =	stream.indirect_vreg.gather [hbm4b:s3+s2], $0x80, v3, vm0, $0xb8;
	[tilespmem:$0x1B000] =	vst v63  }
0x801: {  	v3 =	vld [tilespmem:$0xCD0];
	_ =	sdelay $0x4  }
0x802: {  	v62 =	vshll.u32 v3, $0x1  }
0x803: {  	v3 =	vand.u32 $0x7, v3;
	v4 =	vand.u32 $0xFFFFFFF0, v62  }
0x804: {  	v3 =	vor.u32 v3, v4  }
0x805: {  	v4 =	vperm.xlane v3, v0;
	_ =	sdelay $0x1  }
0x806: {  	v3 =	vperm.xlane v3, v2;
	v4 =	vadd.s32 v1, v4;
	_ =	sdelay $0x1  }
0x807: {  	v3 =	vadd.s32 v1, v3;
	_ =	sdelay $0x2  }
0x808: {  	[tilespmem:s6], [sflag:$0x2] =	stream.indirect_vreg.gather [hbm4b:s3+s2], $0x80, v4, vm0, $0xb8;
	[tilespmem:$0x1B000] =	vst v63  }
0x809: {  	_ = 	snop  }
0x80a: {  	[tilespmem:s16], [sflag:$0x2] =	stream.indirect_vreg.gather [hbm4b:s3+s2], $0x80, v3, vm0, $0xb8;
	[tilespmem:$0x1B000] =	vst v63  }
0x80b: {  	v3 =	vld.msk [tilespmem:$0xCE0], $0xff;
	_ =	sdelay $0x4  }
0x80c: {  	v63 =	vshll.u32 v3, $0x1  }
0x80d: {  	v3 =	vand.u32 $0x7, v3;
	v4 =	vand.u32 $0xFFFFFFF0, v63  }
0x80e: {  	v3 =	vor.u32 v3, v4  }
0x80f: {  	v3 =	vperm.xlane v3, v0;
	_ =	sdelay $0x1  }
0x810: {  	v3 =	vadd.s32 v1, v3;
	_ =	sdelay $0x3  }
0x811: {  	s28 =	simm.s32 $0xD800  }
0x812: {  	[tilespmem:s28], [sflag:$0x2] =	stream.indirect_vreg.gather [hbm4b:s3+s2], $0x80, v3, vm0, $0xb8;
	[tilespmem:$0x1B000] =	vst v63  }
0x813: {  	s23 =	rddreg [dreg:$0x1e];
	_ =	swait.ge [sflag:s13], $0x6800  }
0x814: {  	[sflag:s13] =	ssyncset.done $0x0  }
0x815: {  	s26 =	simm.s32 $0x14800;
	s29 =	rddreg [dreg:$0x1b];
	[sflag:s13] =	ssyncadd.s32 $0xFFFF9800  }
0x816: {  	[hbm4b:s29+s2] =	stream.linear.scatter [tilespmem:s26], [sflag:$0x8], $0x6800, $0x38;
	[tilespmem:$0x1B000] =	vst v63  }
0x817: {  	_ =	swait.ge [sflag:s20], $0x6800  }
0x818: {  	[sflag:s20] =	ssyncset.done $0x0  }
0x819: {  	s19 =	simm.s32 $0x1000;
	s30 =	rddreg [dreg:$0x1c];
	[sflag:s20] =	ssyncadd.s32 $0xFFFF9800  }
0x81a: {  	[hbm4b:s30+s2] =	stream.linear.scatter [tilespmem:s19], [sflag:$0x5], $0x6800, $0x38;
	[tilespmem:$0x1B000] =	vst v63  }
0x81b: {  	_ =	swait.ge [sflag:s8], $0x6800  }
0x81c: {  	[sflag:s8] =	ssyncset.done $0x0  }
0x81d: {  	s31 =	rddreg [dreg:$0x1d];
	[sflag:s8] =	ssyncadd.s32 $0xFFFF9800  }
0x81e: {  	[hbm4b:s31+s2] =	stream.linear.scatter [tilespmem:s7], [sflag:$0x6], $0x6000, $0x38;
	[tilespmem:$0x1B000] =	vst v63  }
0x81f: {  	_ =	swait.ge [sflag:s14], $0x6800  }
0x820: {  	[sflag:s14] =	ssyncset.done $0x0  }
0x821: {  	[sflag:s14] =	ssyncadd.s32 $0xFFFF9800  }
0x822: {  	_ =	swait.ge [sflag:s1], $0x6800  }
0x823: {  	[sflag:s1] =	ssyncset.done $0x0  }
0x824: {  	[sflag:s1] =	ssyncadd.s32 $0xFFFF9800  }
0x825: {  	p0 =	sne.s32 s23, $0x1;
	_ =	swait.ge [sflag:s9], $0x6800  }
.Ltmp0:
0x826: {  	[sflag:s9] =	ssyncset.done $0x0;
	(pc) =	sbr.rel @p0 .LBB2_1-.Ltmp0, $4  }
0x827: {  	[sflag:s9] =	ssyncadd.s32 $0xFFFF9800  }
0x828: {  	_ =	swait.ge [sflag:s11], $0x6000  }
0x829: {  	[sflag:s11] =	ssyncset.done $0x0  }
0x82a: {  	s0 =	sadd.s32 $0xFFFFFFFF, s23;
	[sflag:s11] =	ssyncadd.s32 $0xFFFFA000  }
0x82b: {  	_ =	sfence.sel $0x180000  }
0x82c: {  	[bflag:$0x0] =	sbarrier.arrive $0xFFFF  }
0x82d: {  	_ =	strace $0x90000047  }
0x82e: {  	s0 =	stileid.u32;
	[bflag:$0x2] =	sbarrier.arrive $0xFFFF  }
0x82f: {  	p0 =	sne.s32 s0, $0x0;
	s0 =	rddreg [dreg:$0x2]  }
0x830: {  	s0 =	sadd.s32 @!p0 $0x100000, s0  }
0x831: {  	[sflag:s0] =	ssyncadd.tile.s32 @!p0 $0x1;
	_ =	shalt  }
.Lfunc_end2:
_tile_overlayer_lowered:
.L_overlay_start_2:
0x832: {  	(tag) =	ssettag $0x2  }
0x833: {  	s0 =	rddreg [dreg:$0x0];
	s2 =	stileid.u32  }
0x834: {  	s1 =	rddreg [dreg:$0x1];
	p0 =	sne.s32 s2, $0x0  }
0x835: {  	s3 =	rddreg [dreg:$0x2];
	[bflag:$0x3] =	sbarrier.arrive $0xFFFF;
	s2 =	simm.s32 @!p0 $0x1C09  }
0x836: {  	[timem:s3], [sflag:s2] =	dma.local @!p0 [hbm:s0], s1  }
0x837: {  	s0 =	simm.s32 @!p0 $0x9  }
0x838: {  	_ =	swait.ge @!p0 [sflag:s0], s1  }
0x839: {  	s1 =	ssub.s32 @!p0 $0x0, s1;
	[sflag:s0] =	ssyncset.done @!p0 $0x0  }
0x83a: {  	[sflag:s0] =	ssyncadd.s32 @!p0 s1  }
0x83b: {  	[bflag:$0x3] =	sbarrier.arrive $0xFFFF  }
0x83c: {  	_ =	shalt  }

</sc_bundles>
